<compile_context>
chip_gen: v7x
topology: tpu7x:2x2x1
jax: 0.10.2.dev20260603
libtpu: 0.0.44.dev20260713+nightly
codegen_flags: <defaults>
</compile_context>

<pallas_src>
import functools

import jax
import jax.numpy as jnp
from jax import lax
from jax.experimental import pallas as pl
from jax.experimental.pallas import tpu as pltpu
from jax.experimental.pallas import tpu_sc as plsc

B, C, H, W = 4, 192, 224, 224
PLANES = B * C
NC, NS = 2, 16
NW = NC * NS
NG = PLANES // NW

_MESH = plsc.VectorSubcoreMesh(core_axis_name="c", subcore_axis_name="s")


@functools.partial(
    pl.kernel,
    out_type=jax.ShapeDtypeStruct((PLANES, H, W), jnp.float32),
    mesh=_MESH,
    scratch_types=[
        pltpu.VMEM((32,), jnp.int32),
        pltpu.VMEM_SHARED((NS, 2, 1, H, W), jnp.float32),
        pltpu.SemaphoreType.DMA,
        pltpu.SemaphoreType.DMA,
        pltpu.SemaphoreType.DMA,
        pltpu.SemaphoreType.DMA,
    ],
)
def _permute_planes(in_hbm, idx_hbm, out_hbm, idx_v, shared, g0, g1, s0, s1):
    wid = lax.axis_index("s") * NC + lax.axis_index("c")
    sid = lax.axis_index("s")
    base = wid * NG
    pltpu.sync_copy(idx_hbm.at[wid], idx_v)
    bufs = (shared.at[sid, 0], shared.at[sid, 1])
    gsem = (g0, g1)
    ssem = (s0, s1)

    lo, hi = idx_v[pl.ds(0, 16)], idx_v[pl.ds(16, 16)]

    def src(g):
        return lo[g] if g < 16 else hi[g - 16]

    COLS = ((0, 128), (128, 96))

    def gather(g, b):
        for o, n in COLS:
            pltpu.async_copy(
                in_hbm.at[pl.ds(src(g), 1), slice(None), pl.ds(o, n)],
                bufs[b].at[:, :, pl.ds(o, n)], gsem[b])

    def gather_wait(b):
        for o, n in COLS:
            pltpu.make_async_copy(
                in_hbm.at[pl.ds(0, 1), slice(None), pl.ds(o, n)],
                bufs[b].at[:, :, pl.ds(o, n)], gsem[b]).wait()

    def scatter(g, b):
        for o, n in COLS:
            pltpu.async_copy(
                bufs[b].at[:, :, pl.ds(o, n)],
                out_hbm.at[pl.ds(base + g, 1), slice(None), pl.ds(o, n)],
                ssem[b])

    def scatter_wait(g, b):
        for o, n in COLS:
            pltpu.make_async_copy(
                bufs[b].at[:, :, pl.ds(o, n)],
                out_hbm.at[pl.ds(base + g, 1), slice(None), pl.ds(o, n)],
                ssem[b]).wait()

    for b in range(2):
        gather(b, b)

    for g in range(NG):
        b = g & 1
        gather_wait(b)
        scatter(g, b)
        if g + 2 < NG:
            scatter_wait(g, b)
            gather(g + 2, b)

    for g in (NG - 2, NG - 1):
        scatter_wait(g, g & 1)


def kernel(input, indices):
    src_plane = (jnp.arange(B, dtype=jnp.int32)[:, None] * C
                 + indices[None, :].astype(jnp.int32))
    idx = jnp.pad(src_plane.reshape(NW, NG), ((0, 0), (0, 32 - NG)))
    out = _permute_planes(input.reshape(PLANES, H, W), idx)
    return out.reshape(input.shape), 0.0

# --- scband reference (transcript-rebuilt; emitter-appended) ---
"""Pipeline reference for scband-permute2d-59631325938415 (READ-ONLY COPY).

The authoritative reference and input builder live on the scoring server;
editing this copy changes nothing except your own understanding.
"""

import jax, jax.numpy as jnp
import numpy as np

NUM_CHANNELS = 192

def setup_inputs(seed: int = 0) -> dict:
    key = jax.random.key(seed)
    x = jax.random.normal(key, (4, NUM_CHANNELS, 224, 224), dtype=jnp.float32)
    # shuffle=False -> indices are simple channel reversal (deterministic)
    indices = jnp.arange(NUM_CHANNELS - 1, -1, -1, dtype=jnp.int32)
    return {"input": x, "indices": indices}

def reference(input, indices):
    assert input.ndim == 4
    det = 0.0
    out = jnp.take(input, indices, axis=1)
    return (out, det)

if __name__ == "__main__":
    import jax
    _d = setup_inputs()
    print(jax.jit(kernel)(*tuple(_d.values())))

</pallas_src>

<mosaic_0001>
#map = affine_map<(d0, d1) -> (0, 0, 0)>
#map1 = affine_map<(d0, d1) -> (0, 0)>
module attributes {stable_mosaic.version = 14 : i64} {
  func.func @_permute_planes(%arg0: i32, %arg1: i32, %arg2: memref<768x224x224xf32, #tpu.memory_space<hbm>>, %arg3: memref<32x32xi32, #tpu.memory_space<hbm>>, %arg4: memref<768x224x224xf32, #tpu.memory_space<hbm>>, %arg5: memref<32xi32, #tpu.memory_space<vmem>>, %arg6: memref<16x2x1x224x224xf32, #tpu.memory_space<vmem_shared>>, %arg7: memref<!tpu.dma_semaphore, #tpu.memory_space<semaphore_mem>>, %arg8: memref<!tpu.dma_semaphore, #tpu.memory_space<semaphore_mem>>, %arg9: memref<!tpu.dma_semaphore, #tpu.memory_space<semaphore_mem>>, %arg10: memref<!tpu.dma_semaphore, #tpu.memory_space<semaphore_mem>>) attributes {dimension_semantics = [#tpu.dimension_semantics<core_parallel>, #tpu.dimension_semantics<subcore_parallel>], iteration_bounds = array<i64: 2, 16>, scalar_prefetch = 0 : i64, scratch_operands = 6 : i64, tpu.core_type = #tpu.core_type<sc_vector_subcore>, window_params = [{transform_indices = #map}, {transform_indices = #map1}, {transform_indices = #map}]} {
    %mul3A = arith.constant 2 : i32
    %mul3A_0 = arith.muli %arg1, %mul3A : i32
    %add3A = arith.addi %mul3A_0, %arg0 : i32
    %mul3A_1 = arith.constant 24 : i32
    %mul3A_2 = arith.muli %add3A, %mul3A_1 : i32
    "tpu.region"() ({
      %run_scoped3A = tpu.sem_alloc : memref<!tpu.dma_semaphore, #tpu.memory_space<semaphore_mem>>
      %dma_start3A_2836 = arith.constant 0 : i32
      %dma_start3A_2837 = tpu.memref_slice %arg3[%add3A, %dma_start3A_2836] : memref<32x32xi32, #tpu.memory_space<hbm>> -> memref<1x32xi32, #tpu.memory_space<hbm>>
      %dma_start3A_2838 = tpu.memref_squeeze %dma_start3A_2837 : memref<1x32xi32, #tpu.memory_space<hbm>> -> memref<32xi32, #tpu.memory_space<hbm>>
      %dma_start3A_2839 = arith.constant 0 : i32
      %dma_start3A_2840 = tpu.memref_slice %arg3[%add3A, %dma_start3A_2839] : memref<32x32xi32, #tpu.memory_space<hbm>> -> memref<1x32xi32, #tpu.memory_space<hbm>>
      %dma_start3A_2841 = tpu.memref_squeeze %dma_start3A_2840 : memref<1x32xi32, #tpu.memory_space<hbm>> -> memref<32xi32, #tpu.memory_space<hbm>>
      tpu.enqueue_dma source(%dma_start3A_2841 : memref<32xi32, #tpu.memory_space<hbm>>) target(%arg5 : memref<32xi32, #tpu.memory_space<vmem>>) target_semaphore(%run_scoped3A : memref<!tpu.dma_semaphore, #tpu.memory_space<semaphore_mem>>)
      %dma_wait3A_2842 = arith.constant 0 : i32
      %dma_wait3A_2843 = tpu.memref_slice %arg3[%add3A, %dma_wait3A_2842] : memref<32x32xi32, #tpu.memory_space<hbm>> -> memref<1x32xi32, #tpu.memory_space<hbm>>
      %dma_wait3A_2844 = tpu.memref_squeeze %dma_wait3A_2843 : memref<1x32xi32, #tpu.memory_space<hbm>> -> memref<32xi32, #tpu.memory_space<hbm>>
      %dma_wait3A_2845 = arith.constant 0 : i32
      %dma_wait3A_2846 = tpu.memref_slice %arg3[%add3A, %dma_wait3A_2845] : memref<32x32xi32, #tpu.memory_space<hbm>> -> memref<1x32xi32, #tpu.memory_space<hbm>>
      %dma_wait3A_2847 = tpu.memref_squeeze %dma_wait3A_2846 : memref<1x32xi32, #tpu.memory_space<hbm>> -> memref<32xi32, #tpu.memory_space<hbm>>
      tpu.wait_dma2 semaphore(%run_scoped3A : memref<!tpu.dma_semaphore, #tpu.memory_space<semaphore_mem>>) src(%dma_wait3A_2847 : memref<32xi32, #tpu.memory_space<hbm>>) dst(%arg5 : memref<32xi32, #tpu.memory_space<vmem>>)
      tpu.yield
    }) : () -> ()
    %get3A = arith.constant 0 : index
    %get3A_3 = tpu.vector_load %arg5[%get3A] {strides = array<i32>} : memref<32xi32, #tpu.memory_space<vmem>>, vector<16xi32>,
    %get3A_4 = vector.shape_cast %get3A_3 : vector<16xi32> to vector<16xi32>
    %get3A_5 = arith.constant 16 : index
    %get3A_6 = tpu.vector_load %arg5[%get3A_5] {strides = array<i32>} : memref<32xi32, #tpu.memory_space<vmem>>, vector<16xi32>,
    %get3A_7 = vector.shape_cast %get3A_6 : vector<16xi32> to vector<16xi32>
    %slice3A = vector.extract_strided_slice %get3A_4 {offsets = [0], sizes = [1], strides = [1]} : vector<16xi32> to vector<1xi32>
    %squeeze3A = vector.extract %slice3A[0] : i32 from vector<1xi32>
    %dma_start3A = arith.constant 0 : i32
    %dma_start3A_8 = arith.constant 0 : i32
    %dma_start3A_9 = arith.constant 0 : i32
    %dma_start3A_10 = arith.constant 0 : i32
    %dma_start3A_11 = tpu.memref_slice %arg6[%arg1, %dma_start3A, %dma_start3A_8, %dma_start3A_9, %dma_start3A_10] : memref<16x2x1x224x224xf32, #tpu.memory_space<vmem_shared>> -> memref<1x1x1x224x224xf32, #tpu.memory_space<vmem_shared>>
    %dma_start3A_12 = tpu.memref_squeeze %dma_start3A_11 : memref<1x1x1x224x224xf32, #tpu.memory_space<vmem_shared>> -> memref<1x224x224xf32, #tpu.memory_space<vmem_shared>>
    %dma_start3A_13 = arith.constant 0 : i32
    %dma_start3A_14 = arith.constant 0 : i32
    %dma_start3A_15 = arith.constant 0 : i32
    %dma_start3A_16 = tpu.memref_slice %dma_start3A_12[%dma_start3A_13, %dma_start3A_14, %dma_start3A_15] : memref<1x224x224xf32, #tpu.memory_space<vmem_shared>> -> memref<1x224x128xf32, #tpu.memory_space<vmem_shared>>
    %dma_start3A_17 = arith.constant 0 : i32
    %dma_start3A_18 = arith.constant 0 : i32
    %dma_start3A_19 = tpu.memref_slice %arg2[%squeeze3A, %dma_start3A_17, %dma_start3A_18] : memref<768x224x224xf32, #tpu.memory_space<hbm>> -> memref<1x224x128xf32, #tpu.memory_space<hbm>>
    tpu.enqueue_dma source(%dma_start3A_19 : memref<1x224x128xf32, #tpu.memory_space<hbm>>) target(%dma_start3A_16 : memref<1x224x128xf32, #tpu.memory_space<vmem_shared>>) target_semaphore(%arg7 : memref<!tpu.dma_semaphore, #tpu.memory_space<semaphore_mem>>)
    %slice3A_20 = vector.extract_strided_slice %get3A_4 {offsets = [0], sizes = [1], strides = [1]} : vector<16xi32> to vector<1xi32>
    %squeeze3A_21 = vector.extract %slice3A_20[0] : i32 from vector<1xi32>
    %dma_start3A_22 = arith.constant 0 : i32
    %dma_start3A_23 = arith.constant 0 : i32
    %dma_start3A_24 = arith.constant 0 : i32
    %dma_start3A_25 = arith.constant 0 : i32
    %dma_start3A_26 = tpu.memref_slice %arg6[%arg1, %dma_start3A_22, %dma_start3A_23, %dma_start3A_24, %dma_start3A_25] : memref<16x2x1x224x224xf32, #tpu.memory_space<vmem_shared>> -> memref<1x1x1x224x224xf32, #tpu.memory_space<vmem_shared>>
    %dma_start3A_27 = tpu.memref_squeeze %dma_start3A_26 : memref<1x1x1x224x224xf32, #tpu.memory_space<vmem_shared>> -> memref<1x224x224xf32, #tpu.memory_space<vmem_shared>>
    %dma_start3A_28 = arith.constant 0 : i32
    %dma_start3A_29 = arith.constant 0 : i32
    %dma_start3A_30 = arith.constant 128 : i32
    %dma_start3A_31 = tpu.memref_slice %dma_start3A_27[%dma_start3A_28, %dma_start3A_29, %dma_start3A_30] : memref<1x224x224xf32, #tpu.memory_space<vmem_shared>> -> memref<1x224x96xf32, #tpu.memory_space<vmem_shared>>
    %dma_start3A_32 = arith.constant 0 : i32
    %dma_start3A_33 = arith.constant 128 : i32
    %dma_start3A_34 = tpu.memref_slice %arg2[%squeeze3A_21, %dma_start3A_32, %dma_start3A_33] : memref<768x224x224xf32, #tpu.memory_space<hbm>> -> memref<1x224x96xf32, #tpu.memory_space<hbm>>
    tpu.enqueue_dma source(%dma_start3A_34 : memref<1x224x96xf32, #tpu.memory_space<hbm>>) target(%dma_start3A_31 : memref<1x224x96xf32, #tpu.memory_space<vmem_shared>>) target_semaphore(%arg7 : memref<!tpu.dma_semaphore, #tpu.memory_space<semaphore_mem>>)
    %slice3A_35 = vector.extract_strided_slice %get3A_4 {offsets = [1], sizes = [1], strides = [1]} : vector<16xi32> to vector<1xi32>
    %squeeze3A_36 = vector.extract %slice3A_35[0] : i32 from vector<1xi32>
    %dma_start3A_37 = arith.constant 1 : i32
    %dma_start3A_38 = arith.constant 0 : i32
    %dma_start3A_39 = arith.constant 0 : i32
    %dma_start3A_40 = arith.constant 0 : i32
    %dma_start3A_41 = tpu.memref_slice %arg6[%arg1, %dma_start3A_37, %dma_start3A_38, %dma_start3A_39, %dma_start3A_40] : memref<16x2x1x224x224xf32, #tpu.memory_space<vmem_shared>> -> memref<1x1x1x224x224xf32, #tpu.memory_space<vmem_shared>>
    %dma_start3A_42 = tpu.memref_squeeze %dma_start3A_41 : memref<1x1x1x224x224xf32, #tpu.memory_space<vmem_shared>> -> memref<1x224x224xf32, #tpu.memory_space<vmem_shared>>
    %dma_start3A_43 = arith.constant 0 : i32
    %dma_start3A_44 = arith.constant 0 : i32
    %dma_start3A_45 = arith.constant 0 : i32
    %dma_start3A_46 = tpu.memref_slice %dma_start3A_42[%dma_start3A_43, %dma_start3A_44, %dma_start3A_45] : memref<1x224x224xf32, #tpu.memory_space<vmem_shared>> -> memref<1x224x128xf32, #tpu.memory_space<vmem_shared>>
    %dma_start3A_47 = arith.constant 0 : i32
    %dma_start3A_48 = arith.constant 0 : i32
    %dma_start3A_49 = tpu.memref_slice %arg2[%squeeze3A_36, %dma_start3A_47, %dma_start3A_48] : memref<768x224x224xf32, #tpu.memory_space<hbm>> -> memref<1x224x128xf32, #tpu.memory_space<hbm>>
    tpu.enqueue_dma source(%dma_start3A_49 : memref<1x224x128xf32, #tpu.memory_space<hbm>>) target(%dma_start3A_46 : memref<1x224x128xf32, #tpu.memory_space<vmem_shared>>) target_semaphore(%arg8 : memref<!tpu.dma_semaphore, #tpu.memory_space<semaphore_mem>>)
    %slice3A_50 = vector.extract_strided_slice %get3A_4 {offsets = [1], sizes = [1], strides = [1]} : vector<16xi32> to vector<1xi32>
    %squeeze3A_51 = vector.extract %slice3A_50[0] : i32 from vector<1xi32>
    %dma_start3A_52 = arith.constant 1 : i32
    %dma_start3A_53 = arith.constant 0 : i32
    %dma_start3A_54 = arith.constant 0 : i32
    %dma_start3A_55 = arith.constant 0 : i32
    %dma_start3A_56 = tpu.memref_slice %arg6[%arg1, %dma_start3A_52, %dma_start3A_53, %dma_start3A_54, %dma_start3A_55] : memref<16x2x1x224x224xf32, #tpu.memory_space<vmem_shared>> -> memref<1x1x1x224x224xf32, #tpu.memory_space<vmem_shared>>
    %dma_start3A_57 = tpu.memref_squeeze %dma_start3A_56 : memref<1x1x1x224x224xf32, #tpu.memory_space<vmem_shared>> -> memref<1x224x224xf32, #tpu.memory_space<vmem_shared>>
    %dma_start3A_58 = arith.constant 0 : i32
    %dma_start3A_59 = arith.constant 0 : i32
    %dma_start3A_60 = arith.constant 128 : i32
    %dma_start3A_61 = tpu.memref_slice %dma_start3A_57[%dma_start3A_58, %dma_start3A_59, %dma_start3A_60] : memref<1x224x224xf32, #tpu.memory_space<vmem_shared>> -> memref<1x224x96xf32, #tpu.memory_space<vmem_shared>>
    %dma_start3A_62 = arith.constant 0 : i32
    %dma_start3A_63 = arith.constant 128 : i32
    %dma_start3A_64 = tpu.memref_slice %arg2[%squeeze3A_51, %dma_start3A_62, %dma_start3A_63] : memref<768x224x224xf32, #tpu.memory_space<hbm>> -> memref<1x224x96xf32, #tpu.memory_space<hbm>>
    tpu.enqueue_dma source(%dma_start3A_64 : memref<1x224x96xf32, #tpu.memory_space<hbm>>) target(%dma_start3A_61 : memref<1x224x96xf32, #tpu.memory_space<vmem_shared>>) target_semaphore(%arg8 : memref<!tpu.dma_semaphore, #tpu.memory_space<semaphore_mem>>)
    %dma_wait3A = arith.constant 0 : i32
    %dma_wait3A_65 = arith.constant 0 : i32
    %dma_wait3A_66 = arith.constant 0 : i32
    %dma_wait3A_67 = arith.constant 0 : i32
    %dma_wait3A_68 = tpu.memref_slice %arg6[%arg1, %dma_wait3A, %dma_wait3A_65, %dma_wait3A_66, %dma_wait3A_67] : memref<16x2x1x224x224xf32, #tpu.memory_space<vmem_shared>> -> memref<1x1x1x224x224xf32, #tpu.memory_space<vmem_shared>>
    %dma_wait3A_69 = tpu.memref_squeeze %dma_wait3A_68 : memref<1x1x1x224x224xf32, #tpu.memory_space<vmem_shared>> -> memref<1x224x224xf32, #tpu.memory_space<vmem_shared>>
    %dma_wait3A_70 = arith.constant 0 : i32
    %dma_wait3A_71 = arith.constant 0 : i32
    %dma_wait3A_72 = arith.constant 0 : i32
    %dma_wait3A_73 = tpu.memref_slice %dma_wait3A_69[%dma_wait3A_70, %dma_wait3A_71, %dma_wait3A_72] : memref<1x224x224xf32, #tpu.memory_space<vmem_shared>> -> memref<1x224x128xf32, #tpu.memory_space<vmem_shared>>
    %dma_wait3A_74 = arith.constant 0 : i32
    %dma_wait3A_75 = arith.constant 0 : i32
    %dma_wait3A_76 = arith.constant 0 : i32
    %dma_wait3A_77 = tpu.memref_slice %arg2[%dma_wait3A_74, %dma_wait3A_75, %dma_wait3A_76] : memref<768x224x224xf32, #tpu.memory_space<hbm>> -> memref<1x224x128xf32, #tpu.memory_space<hbm>>
    tpu.wait_dma2 semaphore(%arg7 : memref<!tpu.dma_semaphore, #tpu.memory_space<semaphore_mem>>) src(%dma_wait3A_77 : memref<1x224x128xf32, #tpu.memory_space<hbm>>) dst(%dma_wait3A_73 : memref<1x224x128xf32, #tpu.memory_space<vmem_shared>>)
    %dma_wait3A_78 = arith.constant 0 : i32
    %dma_wait3A_79 = arith.constant 0 : i32
    %dma_wait3A_80 = arith.constant 0 : i32
    %dma_wait3A_81 = arith.constant 0 : i32
    %dma_wait3A_82 = tpu.memref_slice %arg6[%arg1, %dma_wait3A_78, %dma_wait3A_79, %dma_wait3A_80, %dma_wait3A_81] : memref<16x2x1x224x224xf32, #tpu.memory_space<vmem_shared>> -> memref<1x1x1x224x224xf32, #tpu.memory_space<vmem_shared>>
    %dma_wait3A_83 = tpu.memref_squeeze %dma_wait3A_82 : memref<1x1x1x224x224xf32, #tpu.memory_space<vmem_shared>> -> memref<1x224x224xf32, #tpu.memory_space<vmem_shared>>
    %dma_wait3A_84 = arith.constant 0 : i32
    %dma_wait3A_85 = arith.constant 0 : i32
    %dma_wait3A_86 = arith.constant 128 : i32
    %dma_wait3A_87 = tpu.memref_slice %dma_wait3A_83[%dma_wait3A_84, %dma_wait3A_85, %dma_wait3A_86] : memref<1x224x224xf32, #tpu.memory_space<vmem_shared>> -> memref<1x224x96xf32, #tpu.memory_space<vmem_shared>>
    %dma_wait3A_88 = arith.constant 0 : i32
    %dma_wait3A_89 = arith.constant 0 : i32
    %dma_wait3A_90 = arith.constant 128 : i32
    %dma_wait3A_91 = tpu.memref_slice %arg2[%dma_wait3A_88, %dma_wait3A_89, %dma_wait3A_90] : memref<768x224x224xf32, #tpu.memory_space<hbm>> -> memref<1x224x96xf32, #tpu.memory_space<hbm>>
    tpu.wait_dma2 semaphore(%arg7 : memref<!tpu.dma_semaphore, #tpu.memory_space<semaphore_mem>>) src(%dma_wait3A_91 : memref<1x224x96xf32, #tpu.memory_space<hbm>>) dst(%dma_wait3A_87 : memref<1x224x96xf32, #tpu.memory_space<vmem_shared>>)
    %add3A_92 = arith.constant 0 : i32
    %add3A_93 = arith.addi %mul3A_2, %add3A_92 : i32
    %dma_start3A_94 = arith.constant 0 : i32
    %dma_start3A_95 = arith.constant 0 : i32
    %dma_start3A_96 = arith.constant 0 : i32
    %dma_start3A_97 = tpu.memref_slice %arg4[%add3A_93, %dma_start3A_95, %dma_start3A_96] : memref<768x224x224xf32, #tpu.memory_space<hbm>> -> memref<1x224x128xf32, #tpu.memory_space<hbm>>
    %dma_start3A_98 = arith.constant 0 : i32
    %dma_start3A_99 = arith.constant 0 : i32
    %dma_start3A_100 = arith.constant 0 : i32
    %dma_start3A_101 = tpu.memref_slice %arg6[%arg1, %dma_start3A_94, %dma_start3A_98, %dma_start3A_99, %dma_start3A_100] : memref<16x2x1x224x224xf32, #tpu.memory_space<vmem_shared>> -> memref<1x1x1x224x224xf32, #tpu.memory_space<vmem_shared>>
    %dma_start3A_102 = tpu.memref_squeeze %dma_start3A_101 : memref<1x1x1x224x224xf32, #tpu.memory_space<vmem_shared>> -> memref<1x224x224xf32, #tpu.memory_space<vmem_shared>>
    %dma_start3A_103 = arith.constant 0 : i32
    %dma_start3A_104 = arith.constant 0 : i32
    %dma_start3A_105 = arith.constant 0 : i32
    %dma_start3A_106 = tpu.memref_slice %dma_start3A_102[%dma_start3A_103, %dma_start3A_104, %dma_start3A_105] : memref<1x224x224xf32, #tpu.memory_space<vmem_shared>> -> memref<1x224x128xf32, #tpu.memory_space<vmem_shared>>
    tpu.enqueue_dma source(%dma_start3A_106 : memref<1x224x128xf32, #tpu.memory_space<vmem_shared>>) target(%dma_start3A_97 : memref<1x224x128xf32, #tpu.memory_space<hbm>>) target_semaphore(%arg9 : memref<!tpu.dma_semaphore, #tpu.memory_space<semaphore_mem>>)
    %add3A_107 = arith.constant 0 : i32
    %add3A_108 = arith.addi %mul3A_2, %add3A_107 : i32
    %dma_start3A_109 = arith.constant 0 : i32
    %dma_start3A_110 = arith.constant 0 : i32
    %dma_start3A_111 = arith.constant 128 : i32
    %dma_start3A_112 = tpu.memref_slice %arg4[%add3A_108, %dma_start3A_110, %dma_start3A_111] : memref<768x224x224xf32, #tpu.memory_space<hbm>> -> memref<1x224x96xf32, #tpu.memory_space<hbm>>
    %dma_start3A_113 = arith.constant 0 : i32
    %dma_start3A_114 = arith.constant 0 : i32
    %dma_start3A_115 = arith.constant 0 : i32
    %dma_start3A_116 = tpu.memref_slice %arg6[%arg1, %dma_start3A_109, %dma_start3A_113, %dma_start3A_114, %dma_start3A_115] : memref<16x2x1x224x224xf32, #tpu.memory_space<vmem_shared>> -> memref<1x1x1x224x224xf32, #tpu.memory_space<vmem_shared>>
    %dma_start3A_117 = tpu.memref_squeeze %dma_start3A_116 : memref<1x1x1x224x224xf32, #tpu.memory_space<vmem_shared>> -> memref<1x224x224xf32, #tpu.memory_space<vmem_shared>>
    %dma_start3A_118 = arith.constant 0 : i32
    %dma_start3A_119 = arith.constant 0 : i32
    %dma_start3A_120 = arith.constant 128 : i32
    %dma_start3A_121 = tpu.memref_slice %dma_start3A_117[%dma_start3A_118, %dma_start3A_119, %dma_start3A_120] : memref<1x224x224xf32, #tpu.memory_space<vmem_shared>> -> memref<1x224x96xf32, #tpu.memory_space<vmem_shared>>
    tpu.enqueue_dma source(%dma_start3A_121 : memref<1x224x96xf32, #tpu.memory_space<vmem_shared>>) target(%dma_start3A_112 : memref<1x224x96xf32, #tpu.memory_space<hbm>>) target_semaphore(%arg9 : memref<!tpu.dma_semaphore, #tpu.memory_space<semaphore_mem>>)
    %add3A_122 = arith.constant 0 : i32
    %add3A_123 = arith.addi %mul3A_2, %add3A_122 : i32
    %dma_wait3A_124 = arith.constant 0 : i32
    %dma_wait3A_125 = arith.constant 0 : i32
    %dma_wait3A_126 = arith.constant 0 : i32
    %dma_wait3A_127 = tpu.memref_slice %arg4[%add3A_123, %dma_wait3A_125, %dma_wait3A_126] : memref<768x224x224xf32, #tpu.memory_space<hbm>> -> memref<1x224x128xf32, #tpu.memory_space<hbm>>
    %dma_wait3A_128 = arith.constant 0 : i32
    %dma_wait3A_129 = arith.constant 0 : i32
    %dma_wait3A_130 = arith.constant 0 : i32
    %dma_wait3A_131 = tpu.memref_slice %arg6[%arg1, %dma_wait3A_124, %dma_wait3A_128, %dma_wait3A_129, %dma_wait3A_130] : memref<16x2x1x224x224xf32, #tpu.memory_space<vmem_shared>> -> memref<1x1x1x224x224xf32, #tpu.memory_space<vmem_shared>>
    %dma_wait3A_132 = tpu.memref_squeeze %dma_wait3A_131 : memref<1x1x1x224x224xf32, #tpu.memory_space<vmem_shared>> -> memref<1x224x224xf32, #tpu.memory_space<vmem_shared>>
    %dma_wait3A_133 = arith.constant 0 : i32
    %dma_wait3A_134 = arith.constant 0 : i32
    %dma_wait3A_135 = arith.constant 0 : i32
    %dma_wait3A_136 = tpu.memref_slice %dma_wait3A_132[%dma_wait3A_133, %dma_wait3A_134, %dma_wait3A_135] : memref<1x224x224xf32, #tpu.memory_space<vmem_shared>> -> memref<1x224x128xf32, #tpu.memory_space<vmem_shared>>
    tpu.wait_dma2 semaphore(%arg9 : memref<!tpu.dma_semaphore, #tpu.memory_space<semaphore_mem>>) src(%dma_wait3A_136 : memref<1x224x128xf32, #tpu.memory_space<vmem_shared>>) dst(%dma_wait3A_127 : memref<1x224x128xf32, #tpu.memory_space<hbm>>)
    %add3A_137 = arith.constant 0 : i32
    %add3A_138 = arith.addi %mul3A_2, %add3A_137 : i32
    %dma_wait3A_139 = arith.constant 0 : i32
    %dma_wait3A_140 = arith.constant 0 : i32
    %dma_wait3A_141 = arith.constant 128 : i32
    %dma_wait3A_142 = tpu.memref_slice %arg4[%add3A_138, %dma_wait3A_140, %dma_wait3A_141] : memref<768x224x224xf32, #tpu.memory_space<hbm>> -> memref<1x224x96xf32, #tpu.memory_space<hbm>>
    %dma_wait3A_143 = arith.constant 0 : i32
    %dma_wait3A_144 = arith.constant 0 : i32
    %dma_wait3A_145 = arith.constant 0 : i32
    %dma_wait3A_146 = tpu.memref_slice %arg6[%arg1, %dma_wait3A_139, %dma_wait3A_143, %dma_wait3A_144, %dma_wait3A_145] : memref<16x2x1x224x224xf32, #tpu.memory_space<vmem_shared>> -> memref<1x1x1x224x224xf32, #tpu.memory_space<vmem_shared>>
    %dma_wait3A_147 = tpu.memref_squeeze %dma_wait3A_146 : memref<1x1x1x224x224xf32, #tpu.memory_space<vmem_shared>> -> memref<1x224x224xf32, #tpu.memory_space<vmem_shared>>
    %dma_wait3A_148 = arith.constant 0 : i32
    %dma_wait3A_149 = arith.constant 0 : i32
    %dma_wait3A_150 = arith.constant 128 : i32
    %dma_wait3A_151 = tpu.memref_slice %dma_wait3A_147[%dma_wait3A_148, %dma_wait3A_149, %dma_wait3A_150] : memref<1x224x224xf32, #tpu.memory_space<vmem_shared>> -> memref<1x224x96xf32, #tpu.memory_space<vmem_shared>>
    tpu.wait_dma2 semaphore(%arg9 : memref<!tpu.dma_semaphore, #tpu.memory_space<semaphore_mem>>) src(%dma_wait3A_151 : memref<1x224x96xf32, #tpu.memory_space<vmem_shared>>) dst(%dma_wait3A_142 : memref<1x224x96xf32, #tpu.memory_space<hbm>>)
    %slice3A_152 = vector.extract_strided_slice %get3A_4 {offsets = [2], sizes = [1], strides = [1]} : vector<16xi32> to vector<1xi32>
    %squeeze3A_153 = vector.extract %slice3A_152[0] : i32 from vector<1xi32>
    %dma_start3A_154 = arith.constant 0 : i32
    %dma_start3A_155 = arith.constant 0 : i32
    %dma_start3A_156 = arith.constant 0 : i32
    %dma_start3A_157 = arith.constant 0 : i32
    %dma_start3A_158 = tpu.memref_slice %arg6[%arg1, %dma_start3A_154, %dma_start3A_155, %dma_start3A_156, %dma_start3A_157] : memref<16x2x1x224x224xf32, #tpu.memory_space<vmem_shared>> -> memref<1x1x1x224x224xf32, #tpu.memory_space<vmem_shared>>
    %dma_start3A_159 = tpu.memref_squeeze %dma_start3A_158 : memref<1x1x1x224x224xf32, #tpu.memory_space<vmem_shared>> -> memref<1x224x224xf32, #tpu.memory_space<vmem_shared>>
    %dma_start3A_160 = arith.constant 0 : i32
    %dma_start3A_161 = arith.constant 0 : i32
    %dma_start3A_162 = arith.constant 0 : i32
    %dma_start3A_163 = tpu.memref_slice %dma_start3A_159[%dma_start3A_160, %dma_start3A_161, %dma_start3A_162] : memref<1x224x224xf32, #tpu.memory_space<vmem_shared>> -> memref<1x224x128xf32, #tpu.memory_space<vmem_shared>>
    %dma_start3A_164 = arith.constant 0 : i32
    %dma_start3A_165 = arith.constant 0 : i32
    %dma_start3A_166 = tpu.memref_slice %arg2[%squeeze3A_153, %dma_start3A_164, %dma_start3A_165] : memref<768x224x224xf32, #tpu.memory_space<hbm>> -> memref<1x224x128xf32, #tpu.memory_space<hbm>>
    tpu.enqueue_dma source(%dma_start3A_166 : memref<1x224x128xf32, #tpu.memory_space<hbm>>) target(%dma_start3A_163 : memref<1x224x128xf32, #tpu.memory_space<vmem_shared>>) target_semaphore(%arg7 : memref<!tpu.dma_semaphore, #tpu.memory_space<semaphore_mem>>)
    %slice3A_167 = vector.extract_strided_slice %get3A_4 {offsets = [2], sizes = [1], strides = [1]} : vector<16xi32> to vector<1xi32>
    %squeeze3A_168 = vector.extract %slice3A_167[0] : i32 from vector<1xi32>
    %dma_start3A_169 = arith.constant 0 : i32
    %dma_start3A_170 = arith.constant 0 : i32
    %dma_start3A_171 = arith.constant 0 : i32
    %dma_start3A_172 = arith.constant 0 : i32
    %dma_start3A_173 = tpu.memref_slice %arg6[%arg1, %dma_start3A_169, %dma_start3A_170, %dma_start3A_171, %dma_start3A_172] : memref<16x2x1x224x224xf32, #tpu.memory_space<vmem_shared>> -> memref<1x1x1x224x224xf32, #tpu.memory_space<vmem_shared>>
    %dma_start3A_174 = tpu.memref_squeeze %dma_start3A_173 : memref<1x1x1x224x224xf32, #tpu.memory_space<vmem_shared>> -> memref<1x224x224xf32, #tpu.memory_space<vmem_shared>>
    %dma_start3A_175 = arith.constant 0 : i32
    %dma_start3A_176 = arith.constant 0 : i32
    %dma_start3A_177 = arith.constant 128 : i32
    %dma_start3A_178 = tpu.memref_slice %dma_start3A_174[%dma_start3A_175, %dma_start3A_176, %dma_start3A_177] : memref<1x224x224xf32, #tpu.memory_space<vmem_shared>> -> memref<1x224x96xf32, #tpu.memory_space<vmem_shared>>
    %dma_start3A_179 = arith.constant 0 : i32
    %dma_start3A_180 = arith.constant 128 : i32
    %dma_start3A_181 = tpu.memref_slice %arg2[%squeeze3A_168, %dma_start3A_179, %dma_start3A_180] : memref<768x224x224xf32, #tpu.memory_space<hbm>> -> memref<1x224x96xf32, #tpu.memory_space<hbm>>
    tpu.enqueue_dma source(%dma_start3A_181 : memref<1x224x96xf32, #tpu.memory_space<hbm>>) target(%dma_start3A_178 : memref<1x224x96xf32, #tpu.memory_space<vmem_shared>>) target_semaphore(%arg7 : memref<!tpu.dma_semaphore, #tpu.memory_space<semaphore_mem>>)
    %dma_wait3A_182 = arith.constant 1 : i32
    %dma_wait3A_183 = arith.constant 0 : i32
    %dma_wait3A_184 = arith.constant 0 : i32
    %dma_wait3A_185 = arith.constant 0 : i32
    %dma_wait3A_186 = tpu.memref_slice %arg6[%arg1, %dma_wait3A_182, %dma_wait3A_183, %dma_wait3A_184, %dma_wait3A_185] : memref<16x2x1x224x224xf32, #tpu.memory_space<vmem_shared>> -> memref<1x1x1x224x224xf32, #tpu.memory_space<vmem_shared>>
    %dma_wait3A_187 = tpu.memref_squeeze %dma_wait3A_186 : memref<1x1x1x224x224xf32, #tpu.memory_space<vmem_shared>> -> memref<1x224x224xf32, #tpu.memory_space<vmem_shared>>
    %dma_wait3A_188 = arith.constant 0 : i32
    %dma_wait3A_189 = arith.constant 0 : i32
    %dma_wait3A_190 = arith.constant 0 : i32
    %dma_wait3A_191 = tpu.memref_slice %dma_wait3A_187[%dma_wait3A_188, %dma_wait3A_189, %dma_wait3A_190] : memref<1x224x224xf32, #tpu.memory_space<vmem_shared>> -> memref<1x224x128xf32, #tpu.memory_space<vmem_shared>>
    %dma_wait3A_192 = arith.constant 0 : i32
    %dma_wait3A_193 = arith.constant 0 : i32
    %dma_wait3A_194 = arith.constant 0 : i32
    %dma_wait3A_195 = tpu.memref_slice %arg2[%dma_wait3A_192, %dma_wait3A_193, %dma_wait3A_194] : memref<768x224x224xf32, #tpu.memory_space<hbm>> -> memref<1x224x128xf32, #tpu.memory_space<hbm>>
    tpu.wait_dma2 semaphore(%arg8 : memref<!tpu.dma_semaphore, #tpu.memory_space<semaphore_mem>>) src(%dma_wait3A_195 : memref<1x224x128xf32, #tpu.memory_space<hbm>>) dst(%dma_wait3A_191 : memref<1x224x128xf32, #tpu.memory_space<vmem_shared>>)
    %dma_wait3A_196 = arith.constant 1 : i32
    %dma_wait3A_197 = arith.constant 0 : i32
    %dma_wait3A_198 = arith.constant 0 : i32
    %dma_wait3A_199 = arith.constant 0 : i32
    %dma_wait3A_200 = tpu.memref_slice %arg6[%arg1, %dma_wait3A_196, %dma_wait3A_197, %dma_wait3A_198, %dma_wait3A_199] : memref<16x2x1x224x224xf32, #tpu.memory_space<vmem_shared>> -> memref<1x1x1x224x224xf32, #tpu.memory_space<vmem_shared>>
    %dma_wait3A_201 = tpu.memref_squeeze %dma_wait3A_200 : memref<1x1x1x224x224xf32, #tpu.memory_space<vmem_shared>> -> memref<1x224x224xf32, #tpu.memory_space<vmem_shared>>
    %dma_wait3A_202 = arith.constant 0 : i32
    %dma_wait3A_203 = arith.constant 0 : i32
    %dma_wait3A_204 = arith.constant 128 : i32
    %dma_wait3A_205 = tpu.memref_slice %dma_wait3A_201[%dma_wait3A_202, %dma_wait3A_203, %dma_wait3A_204] : memref<1x224x224xf32, #tpu.memory_space<vmem_shared>> -> memref<1x224x96xf32, #tpu.memory_space<vmem_shared>>
    %dma_wait3A_206 = arith.constant 0 : i32
    %dma_wait3A_207 = arith.constant 0 : i32
    %dma_wait3A_208 = arith.constant 128 : i32
    %dma_wait3A_209 = tpu.memref_slice %arg2[%dma_wait3A_206, %dma_wait3A_207, %dma_wait3A_208] : memref<768x224x224xf32, #tpu.memory_space<hbm>> -> memref<1x224x96xf32, #tpu.memory_space<hbm>>
    tpu.wait_dma2 semaphore(%arg8 : memref<!tpu.dma_semaphore, #tpu.memory_space<semaphore_mem>>) src(%dma_wait3A_209 : memref<1x224x96xf32, #tpu.memory_space<hbm>>) dst(%dma_wait3A_205 : memref<1x224x96xf32, #tpu.memory_space<vmem_shared>>)
    %add3A_210 = arith.constant 1 : i32
    %add3A_211 = arith.addi %mul3A_2, %add3A_210 : i32
    %dma_start3A_212 = arith.constant 1 : i32
    %dma_start3A_213 = arith.constant 0 : i32
    %dma_start3A_214 = arith.constant 0 : i32
    %dma_start3A_215 = tpu.memref_slice %arg4[%add3A_211, %dma_start3A_213, %dma_start3A_214] : memref<768x224x224xf32, #tpu.memory_space<hbm>> -> memref<1x224x128xf32, #tpu.memory_space<hbm>>
    %dma_start3A_216 = arith.constant 0 : i32
    %dma_start3A_217 = arith.constant 0 : i32
    %dma_start3A_218 = arith.constant 0 : i32
    %dma_start3A_219 = tpu.memref_slice %arg6[%arg1, %dma_start3A_212, %dma_start3A_216, %dma_start3A_217, %dma_start3A_218] : memref<16x2x1x224x224xf32, #tpu.memory_space<vmem_shared>> -> memref<1x1x1x224x224xf32, #tpu.memory_space<vmem_shared>>
    %dma_start3A_220 = tpu.memref_squeeze %dma_start3A_219 : memref<1x1x1x224x224xf32, #tpu.memory_space<vmem_shared>> -> memref<1x224x224xf32, #tpu.memory_space<vmem_shared>>
    %dma_start3A_221 = arith.constant 0 : i32
    %dma_start3A_222 = arith.constant 0 : i32
    %dma_start3A_223 = arith.constant 0 : i32
    %dma_start3A_224 = tpu.memref_slice %dma_start3A_220[%dma_start3A_221, %dma_start3A_222, %dma_start3A_223] : memref<1x224x224xf32, #tpu.memory_space<vmem_shared>> -> memref<1x224x128xf32, #tpu.memory_space<vmem_shared>>
    tpu.enqueue_dma source(%dma_start3A_224 : memref<1x224x128xf32, #tpu.memory_space<vmem_shared>>) target(%dma_start3A_215 : memref<1x224x128xf32, #tpu.memory_space<hbm>>) target_semaphore(%arg10 : memref<!tpu.dma_semaphore, #tpu.memory_space<semaphore_mem>>)
    %add3A_225 = arith.constant 1 : i32
    %add3A_226 = arith.addi %mul3A_2, %add3A_225 : i32
    %dma_start3A_227 = arith.constant 1 : i32
    %dma_start3A_228 = arith.constant 0 : i32
    %dma_start3A_229 = arith.constant 128 : i32
    %dma_start3A_230 = tpu.memref_slice %arg4[%add3A_226, %dma_start3A_228, %dma_start3A_229] : memref<768x224x224xf32, #tpu.memory_space<hbm>> -> memref<1x224x96xf32, #tpu.memory_space<hbm>>
    %dma_start3A_231 = arith.constant 0 : i32
    %dma_start3A_232 = arith.constant 0 : i32
    %dma_start3A_233 = arith.constant 0 : i32
    %dma_start3A_234 = tpu.memref_slice %arg6[%arg1, %dma_start3A_227, %dma_start3A_231, %dma_start3A_232, %dma_start3A_233] : memref<16x2x1x224x224xf32, #tpu.memory_space<vmem_shared>> -> memref<1x1x1x224x224xf32, #tpu.memory_space<vmem_shared>>
    %dma_start3A_235 = tpu.memref_squeeze %dma_start3A_234 : memref<1x1x1x224x224xf32, #tpu.memory_space<vmem_shared>> -> memref<1x224x224xf32, #tpu.memory_space<vmem_shared>>
    %dma_start3A_236 = arith.constant 0 : i32
    %dma_start3A_237 = arith.constant 0 : i32
    %dma_start3A_238 = arith.constant 128 : i32
    %dma_start3A_239 = tpu.memref_slice %dma_start3A_235[%dma_start3A_236, %dma_start3A_237, %dma_start3A_238] : memref<1x224x224xf32, #tpu.memory_space<vmem_shared>> -> memref<1x224x96xf32, #tpu.memory_space<vmem_shared>>
    tpu.enqueue_dma source(%dma_start3A_239 : memref<1x224x96xf32, #tpu.memory_space<vmem_shared>>) target(%dma_start3A_230 : memref<1x224x96xf32, #tpu.memory_space<hbm>>) target_semaphore(%arg10 : memref<!tpu.dma_semaphore, #tpu.memory_space<semaphore_mem>>)
    %add3A_240 = arith.constant 1 : i32
    %add3A_241 = arith.addi %mul3A_2, %add3A_240 : i32
    %dma_wait3A_242 = arith.constant 1 : i32
    %dma_wait3A_243 = arith.constant 0 : i32
    %dma_wait3A_244 = arith.constant 0 : i32
    %dma_wait3A_245 = tpu.memref_slice %arg4[%add3A_241, %dma_wait3A_243, %dma_wait3A_244] : memref<768x224x224xf32, #tpu.memory_space<hbm>> -> memref<1x224x128xf32, #tpu.memory_space<hbm>>
    %dma_wait3A_246 = arith.constant 0 : i32
    %dma_wait3A_247 = arith.constant 0 : i32
    %dma_wait3A_248 = arith.constant 0 : i32
    %dma_wait3A_249 = tpu.memref_slice %arg6[%arg1, %dma_wait3A_242, %dma_wait3A_246, %dma_wait3A_247, %dma_wait3A_248] : memref<16x2x1x224x224xf32, #tpu.memory_space<vmem_shared>> -> memref<1x1x1x224x224xf32, #tpu.memory_space<vmem_shared>>
    %dma_wait3A_250 = tpu.memref_squeeze %dma_wait3A_249 : memref<1x1x1x224x224xf32, #tpu.memory_space<vmem_shared>> -> memref<1x224x224xf32, #tpu.memory_space<vmem_shared>>
    %dma_wait3A_251 = arith.constant 0 : i32
    %dma_wait3A_252 = arith.constant 0 : i32
    %dma_wait3A_253 = arith.constant 0 : i32
    %dma_wait3A_254 = tpu.memref_slice %dma_wait3A_250[%dma_wait3A_251, %dma_wait3A_252, %dma_wait3A_253] : memref<1x224x224xf32, #tpu.memory_space<vmem_shared>> -> memref<1x224x128xf32, #tpu.memory_space<vmem_shared>>
    tpu.wait_dma2 semaphore(%arg10 : memref<!tpu.dma_semaphore, #tpu.memory_space<semaphore_mem>>) src(%dma_wait3A_254 : memref<1x224x128xf32, #tpu.memory_space<vmem_shared>>) dst(%dma_wait3A_245 : memref<1x224x128xf32, #tpu.memory_space<hbm>>)
    %add3A_255 = arith.constant 1 : i32
    %add3A_256 = arith.addi %mul3A_2, %add3A_255 : i32
    %dma_wait3A_257 = arith.constant 1 : i32
    %dma_wait3A_258 = arith.constant 0 : i32
    %dma_wait3A_259 = arith.constant 128 : i32
    %dma_wait3A_260 = tpu.memref_slice %arg4[%add3A_256, %dma_wait3A_258, %dma_wait3A_259] : memref<768x224x224xf32, #tpu.memory_space<hbm>> -> memref<1x224x96xf32, #tpu.memory_space<hbm>>
    %dma_wait3A_261 = arith.constant 0 : i32
    %dma_wait3A_262 = arith.constant 0 : i32
    %dma_wait3A_263 = arith.constant 0 : i32
    %dma_wait3A_264 = tpu.memref_slice %arg6[%arg1, %dma_wait3A_257, %dma_wait3A_261, %dma_wait3A_262, %dma_wait3A_263] : memref<16x2x1x224x224xf32, #tpu.memory_space<vmem_shared>> -> memref<1x1x1x224x224xf32, #tpu.memory_space<vmem_shared>>
    %dma_wait3A_265 = tpu.memref_squeeze %dma_wait3A_264 : memref<1x1x1x224x224xf32, #tpu.memory_space<vmem_shared>> -> memref<1x224x224xf32, #tpu.memory_space<vmem_shared>>
    %dma_wait3A_266 = arith.constant 0 : i32
    %dma_wait3A_267 = arith.constant 0 : i32
    %dma_wait3A_268 = arith.constant 128 : i32
    %dma_wait3A_269 = tpu.memref_slice %dma_wait3A_265[%dma_wait3A_266, %dma_wait3A_267, %dma_wait3A_268] : memref<1x224x224xf32, #tpu.memory_space<vmem_shared>> -> memref<1x224x96xf32, #tpu.memory_space<vmem_shared>>
    tpu.wait_dma2 semaphore(%arg10 : memref<!tpu.dma_semaphore, #tpu.memory_space<semaphore_mem>>) src(%dma_wait3A_269 : memref<1x224x96xf32, #tpu.memory_space<vmem_shared>>) dst(%dma_wait3A_260 : memref<1x224x96xf32, #tpu.memory_space<hbm>>)
    %slice3A_270 = vector.extract_strided_slice %get3A_4 {offsets = [3], sizes = [1], strides = [1]} : vector<16xi32> to vector<1xi32>
    %squeeze3A_271 = vector.extract %slice3A_270[0] : i32 from vector<1xi32>
    %dma_start3A_272 = arith.constant 1 : i32
    %dma_start3A_273 = arith.constant 0 : i32
    %dma_start3A_274 = arith.constant 0 : i32
    %dma_start3A_275 = arith.constant 0 : i32
    %dma_start3A_276 = tpu.memref_slice %arg6[%arg1, %dma_start3A_272, %dma_start3A_273, %dma_start3A_274, %dma_start3A_275] : memref<16x2x1x224x224xf32, #tpu.memory_space<vmem_shared>> -> memref<1x1x1x224x224xf32, #tpu.memory_space<vmem_shared>>
    %dma_start3A_277 = tpu.memref_squeeze %dma_start3A_276 : memref<1x1x1x224x224xf32, #tpu.memory_space<vmem_shared>> -> memref<1x224x224xf32, #tpu.memory_space<vmem_shared>>
    %dma_start3A_278 = arith.constant 0 : i32
    %dma_start3A_279 = arith.constant 0 : i32
    %dma_start3A_280 = arith.constant 0 : i32
    %dma_start3A_281 = tpu.memref_slice %dma_start3A_277[%dma_start3A_278, %dma_start3A_279, %dma_start3A_280] : memref<1x224x224xf32, #tpu.memory_space<vmem_shared>> -> memref<1x224x128xf32, #tpu.memory_space<vmem_shared>>
    %dma_start3A_282 = arith.constant 0 : i32
    %dma_start3A_283 = arith.constant 0 : i32
    %dma_start3A_284 = tpu.memref_slice %arg2[%squeeze3A_271, %dma_start3A_282, %dma_start3A_283] : memref<768x224x224xf32, #tpu.memory_space<hbm>> -> memref<1x224x128xf32, #tpu.memory_space<hbm>>
    tpu.enqueue_dma source(%dma_start3A_284 : memref<1x224x128xf32, #tpu.memory_space<hbm>>) target(%dma_start3A_281 : memref<1x224x128xf32, #tpu.memory_space<vmem_shared>>) target_semaphore(%arg8 : memref<!tpu.dma_semaphore, #tpu.memory_space<semaphore_mem>>)
    %slice3A_285 = vector.extract_strided_slice %get3A_4 {offsets = [3], sizes = [1], strides = [1]} : vector<16xi32> to vector<1xi32>
    %squeeze3A_286 = vector.extract %slice3A_285[0] : i32 from vector<1xi32>
    %dma_start3A_287 = arith.constant 1 : i32
    %dma_start3A_288 = arith.constant 0 : i32
    %dma_start3A_289 = arith.constant 0 : i32
    %dma_start3A_290 = arith.constant 0 : i32
    %dma_start3A_291 = tpu.memref_slice %arg6[%arg1, %dma_start3A_287, %dma_start3A_288, %dma_start3A_289, %dma_start3A_290] : memref<16x2x1x224x224xf32, #tpu.memory_space<vmem_shared>> -> memref<1x1x1x224x224xf32, #tpu.memory_space<vmem_shared>>
    %dma_start3A_292 = tpu.memref_squeeze %dma_start3A_291 : memref<1x1x1x224x224xf32, #tpu.memory_space<vmem_shared>> -> memref<1x224x224xf32, #tpu.memory_space<vmem_shared>>
    %dma_start3A_293 = arith.constant 0 : i32
    %dma_start3A_294 = arith.constant 0 : i32
    %dma_start3A_295 = arith.constant 128 : i32
    %dma_start3A_296 = tpu.memref_slice %dma_start3A_292[%dma_start3A_293, %dma_start3A_294, %dma_start3A_295] : memref<1x224x224xf32, #tpu.memory_space<vmem_shared>> -> memref<1x224x96xf32, #tpu.memory_space<vmem_shared>>
    %dma_start3A_297 = arith.constant 0 : i32
    %dma_start3A_298 = arith.constant 128 : i32
    %dma_start3A_299 = tpu.memref_slice %arg2[%squeeze3A_286, %dma_start3A_297, %dma_start3A_298] : memref<768x224x224xf32, #tpu.memory_space<hbm>> -> memref<1x224x96xf32, #tpu.memory_space<hbm>>
    tpu.enqueue_dma source(%dma_start3A_299 : memref<1x224x96xf32, #tpu.memory_space<hbm>>) target(%dma_start3A_296 : memref<1x224x96xf32, #tpu.memory_space<vmem_shared>>) target_semaphore(%arg8 : memref<!tpu.dma_semaphore, #tpu.memory_space<semaphore_mem>>)
    %dma_wait3A_300 = arith.constant 0 : i32
    %dma_wait3A_301 = arith.constant 0 : i32
    %dma_wait3A_302 = arith.constant 0 : i32
    %dma_wait3A_303 = arith.constant 0 : i32
    %dma_wait3A_304 = tpu.memref_slice %arg6[%arg1, %dma_wait3A_300, %dma_wait3A_301, %dma_wait3A_302, %dma_wait3A_303] : memref<16x2x1x224x224xf32, #tpu.memory_space<vmem_shared>> -> memref<1x1x1x224x224xf32, #tpu.memory_space<vmem_shared>>
    %dma_wait3A_305 = tpu.memref_squeeze %dma_wait3A_304 : memref<1x1x1x224x224xf32, #tpu.memory_space<vmem_shared>> -> memref<1x224x224xf32, #tpu.memory_space<vmem_shared>>
    %dma_wait3A_306 = arith.constant 0 : i32
    %dma_wait3A_307 = arith.constant 0 : i32
    %dma_wait3A_308 = arith.constant 0 : i32
    %dma_wait3A_309 = tpu.memref_slice %dma_wait3A_305[%dma_wait3A_306, %dma_wait3A_307, %dma_wait3A_308] : memref<1x224x224xf32, #tpu.memory_space<vmem_shared>> -> memref<1x224x128xf32, #tpu.memory_space<vmem_shared>>
    %dma_wait3A_310 = arith.constant 0 : i32
    %dma_wait3A_311 = arith.constant 0 : i32
    %dma_wait3A_312 = arith.constant 0 : i32
    %dma_wait3A_313 = tpu.memref_slice %arg2[%dma_wait3A_310, %dma_wait3A_311, %dma_wait3A_312] : memref<768x224x224xf32, #tpu.memory_space<hbm>> -> memref<1x224x128xf32, #tpu.memory_space<hbm>>
    tpu.wait_dma2 semaphore(%arg7 : memref<!tpu.dma_semaphore, #tpu.memory_space<semaphore_mem>>) src(%dma_wait3A_313 : memref<1x224x128xf32, #tpu.memory_space<hbm>>) dst(%dma_wait3A_309 : memref<1x224x128xf32, #tpu.memory_space<vmem_shared>>)
    %dma_wait3A_314 = arith.constant 0 : i32
    %dma_wait3A_315 = arith.constant 0 : i32
    %dma_wait3A_316 = arith.constant 0 : i32
    %dma_wait3A_317 = arith.constant 0 : i32
    %dma_wait3A_318 = tpu.memref_slice %arg6[%arg1, %dma_wait3A_314, %dma_wait3A_315, %dma_wait3A_316, %dma_wait3A_317] : memref<16x2x1x224x224xf32, #tpu.memory_space<vmem_shared>> -> memref<1x1x1x224x224xf32, #tpu.memory_space<vmem_shared>>
    %dma_wait3A_319 = tpu.memref_squeeze %dma_wait3A_318 : memref<1x1x1x224x224xf32, #tpu.memory_space<vmem_shared>> -> memref<1x224x224xf32, #tpu.memory_space<vmem_shared>>
    %dma_wait3A_320 = arith.constant 0 : i32
    %dma_wait3A_321 = arith.constant 0 : i32
    %dma_wait3A_322 = arith.constant 128 : i32
    %dma_wait3A_323 = tpu.memref_slice %dma_wait3A_319[%dma_wait3A_320, %dma_wait3A_321, %dma_wait3A_322] : memref<1x224x224xf32, #tpu.memory_space<vmem_shared>> -> memref<1x224x96xf32, #tpu.memory_space<vmem_shared>>
    %dma_wait3A_324 = arith.constant 0 : i32
    %dma_wait3A_325 = arith.constant 0 : i32
    %dma_wait3A_326 = arith.constant 128 : i32
    %dma_wait3A_327 = tpu.memref_slice %arg2[%dma_wait3A_324, %dma_wait3A_325, %dma_wait3A_326] : memref<768x224x224xf32, #tpu.memory_space<hbm>> -> memref<1x224x96xf32, #tpu.memory_space<hbm>>
    tpu.wait_dma2 semaphore(%arg7 : memref<!tpu.dma_semaphore, #tpu.memory_space<semaphore_mem>>) src(%dma_wait3A_327 : memref<1x224x96xf32, #tpu.memory_space<hbm>>) dst(%dma_wait3A_323 : memref<1x224x96xf32, #tpu.memory_space<vmem_shared>>)
    %add3A_328 = arith.constant 2 : i32
    %add3A_329 = arith.addi %mul3A_2, %add3A_328 : i32
    %dma_start3A_330 = arith.constant 0 : i32
    %dma_start3A_331 = arith.constant 0 : i32
    %dma_start3A_332 = arith.constant 0 : i32
    %dma_start3A_333 = tpu.memref_slice %arg4[%add3A_329, %dma_start3A_331, %dma_start3A_332] : memref<768x224x224xf32, #tpu.memory_space<hbm>> -> memref<1x224x128xf32, #tpu.memory_space<hbm>>
    %dma_start3A_334 = arith.constant 0 : i32
    %dma_start3A_335 = arith.constant 0 : i32
    %dma_start3A_336 = arith.constant 0 : i32
    %dma_start3A_337 = tpu.memref_slice %arg6[%arg1, %dma_start3A_330, %dma_start3A_334, %dma_start3A_335, %dma_start3A_336] : memref<16x2x1x224x224xf32, #tpu.memory_space<vmem_shared>> -> memref<1x1x1x224x224xf32, #tpu.memory_space<vmem_shared>>
    %dma_start3A_338 = tpu.memref_squeeze %dma_start3A_337 : memref<1x1x1x224x224xf32, #tpu.memory_space<vmem_shared>> -> memref<1x224x224xf32, #tpu.memory_space<vmem_shared>>
    %dma_start3A_339 = arith.constant 0 : i32
    %dma_start3A_340 = arith.constant 0 : i32
    %dma_start3A_341 = arith.constant 0 : i32
    %dma_start3A_342 = tpu.memref_slice %dma_start3A_338[%dma_start3A_339, %dma_start3A_340, %dma_start3A_341] : memref<1x224x224xf32, #tpu.memory_space<vmem_shared>> -> memref<1x224x128xf32, #tpu.memory_space<vmem_shared>>
    tpu.enqueue_dma source(%dma_start3A_342 : memref<1x224x128xf32, #tpu.memory_space<vmem_shared>>) target(%dma_start3A_333 : memref<1x224x128xf32, #tpu.memory_space<hbm>>) target_semaphore(%arg9 : memref<!tpu.dma_semaphore, #tpu.memory_space<semaphore_mem>>)
    %add3A_343 = arith.constant 2 : i32
    %add3A_344 = arith.addi %mul3A_2, %add3A_343 : i32
    %dma_start3A_345 = arith.constant 0 : i32
    %dma_start3A_346 = arith.constant 0 : i32
    %dma_start3A_347 = arith.constant 128 : i32
    %dma_start3A_348 = tpu.memref_slice %arg4[%add3A_344, %dma_start3A_346, %dma_start3A_347] : memref<768x224x224xf32, #tpu.memory_space<hbm>> -> memref<1x224x96xf32, #tpu.memory_space<hbm>>
    %dma_start3A_349 = arith.constant 0 : i32
    %dma_start3A_350 = arith.constant 0 : i32
    %dma_start3A_351 = arith.constant 0 : i32
    %dma_start3A_352 = tpu.memref_slice %arg6[%arg1, %dma_start3A_345, %dma_start3A_349, %dma_start3A_350, %dma_start3A_351] : memref<16x2x1x224x224xf32, #tpu.memory_space<vmem_shared>> -> memref<1x1x1x224x224xf32, #tpu.memory_space<vmem_shared>>
    %dma_start3A_353 = tpu.memref_squeeze %dma_start3A_352 : memref<1x1x1x224x224xf32, #tpu.memory_space<vmem_shared>> -> memref<1x224x224xf32, #tpu.memory_space<vmem_shared>>
    %dma_start3A_354 = arith.constant 0 : i32
    %dma_start3A_355 = arith.constant 0 : i32
    %dma_start3A_356 = arith.constant 128 : i32
    %dma_start3A_357 = tpu.memref_slice %dma_start3A_353[%dma_start3A_354, %dma_start3A_355, %dma_start3A_356] : memref<1x224x224xf32, #tpu.memory_space<vmem_shared>> -> memref<1x224x96xf32, #tpu.memory_space<vmem_shared>>
    tpu.enqueue_dma source(%dma_start3A_357 : memref<1x224x96xf32, #tpu.memory_space<vmem_shared>>) target(%dma_start3A_348 : memref<1x224x96xf32, #tpu.memory_space<hbm>>) target_semaphore(%arg9 : memref<!tpu.dma_semaphore, #tpu.memory_space<semaphore_mem>>)
    %add3A_358 = arith.constant 2 : i32
    %add3A_359 = arith.addi %mul3A_2, %add3A_358 : i32
    %dma_wait3A_360 = arith.constant 0 : i32
    %dma_wait3A_361 = arith.constant 0 : i32
    %dma_wait3A_362 = arith.constant 0 : i32
    %dma_wait3A_363 = tpu.memref_slice %arg4[%add3A_359, %dma_wait3A_361, %dma_wait3A_362] : memref<768x224x224xf32, #tpu.memory_space<hbm>> -> memref<1x224x128xf32, #tpu.memory_space<hbm>>
    %dma_wait3A_364 = arith.constant 0 : i32
    %dma_wait3A_365 = arith.constant 0 : i32
    %dma_wait3A_366 = arith.constant 0 : i32
    %dma_wait3A_367 = tpu.memref_slice %arg6[%arg1, %dma_wait3A_360, %dma_wait3A_364, %dma_wait3A_365, %dma_wait3A_366] : memref<16x2x1x224x224xf32, #tpu.memory_space<vmem_shared>> -> memref<1x1x1x224x224xf32, #tpu.memory_space<vmem_shared>>
    %dma_wait3A_368 = tpu.memref_squeeze %dma_wait3A_367 : memref<1x1x1x224x224xf32, #tpu.memory_space<vmem_shared>> -> memref<1x224x224xf32, #tpu.memory_space<vmem_shared>>
    %dma_wait3A_369 = arith.constant 0 : i32
    %dma_wait3A_370 = arith.constant 0 : i32
    %dma_wait3A_371 = arith.constant 0 : i32
    %dma_wait3A_372 = tpu.memref_slice %dma_wait3A_368[%dma_wait3A_369, %dma_wait3A_370, %dma_wait3A_371] : memref<1x224x224xf32, #tpu.memory_space<vmem_shared>> -> memref<1x224x128xf32, #tpu.memory_space<vmem_shared>>
    tpu.wait_dma2 semaphore(%arg9 : memref<!tpu.dma_semaphore, #tpu.memory_space<semaphore_mem>>) src(%dma_wait3A_372 : memref<1x224x128xf32, #tpu.memory_space<vmem_shared>>) dst(%dma_wait3A_363 : memref<1x224x128xf32, #tpu.memory_space<hbm>>)
    %add3A_373 = arith.constant 2 : i32
    %add3A_374 = arith.addi %mul3A_2, %add3A_373 : i32
    %dma_wait3A_375 = arith.constant 0 : i32
    %dma_wait3A_376 = arith.constant 0 : i32
    %dma_wait3A_377 = arith.constant 128 : i32
    %dma_wait3A_378 = tpu.memref_slice %arg4[%add3A_374, %dma_wait3A_376, %dma_wait3A_377] : memref<768x224x224xf32, #tpu.memory_space<hbm>> -> memref<1x224x96xf32, #tpu.memory_space<hbm>>
    %dma_wait3A_379 = arith.constant 0 : i32
    %dma_wait3A_380 = arith.constant 0 : i32
    %dma_wait3A_381 = arith.constant 0 : i32
    %dma_wait3A_382 = tpu.memref_slice %arg6[%arg1, %dma_wait3A_375, %dma_wait3A_379, %dma_wait3A_380, %dma_wait3A_381] : memref<16x2x1x224x224xf32, #tpu.memory_space<vmem_shared>> -> memref<1x1x1x224x224xf32, #tpu.memory_space<vmem_shared>>
    %dma_wait3A_383 = tpu.memref_squeeze %dma_wait3A_382 : memref<1x1x1x224x224xf32, #tpu.memory_space<vmem_shared>> -> memref<1x224x224xf32, #tpu.memory_space<vmem_shared>>
    %dma_wait3A_384 = arith.constant 0 : i32
    %dma_wait3A_385 = arith.constant 0 : i32
    %dma_wait3A_386 = arith.constant 128 : i32
    %dma_wait3A_387 = tpu.memref_slice %dma_wait3A_383[%dma_wait3A_384, %dma_wait3A_385, %dma_wait3A_386] : memref<1x224x224xf32, #tpu.memory_space<vmem_shared>> -> memref<1x224x96xf32, #tpu.memory_space<vmem_shared>>
    tpu.wait_dma2 semaphore(%arg9 : memref<!tpu.dma_semaphore, #tpu.memory_space<semaphore_mem>>) src(%dma_wait3A_387 : memref<1x224x96xf32, #tpu.memory_space<vmem_shared>>) dst(%dma_wait3A_378 : memref<1x224x96xf32, #tpu.memory_space<hbm>>)
    %slice3A_388 = vector.extract_strided_slice %get3A_4 {offsets = [4], sizes = [1], strides = [1]} : vector<16xi32> to vector<1xi32>
    %squeeze3A_389 = vector.extract %slice3A_388[0] : i32 from vector<1xi32>
    %dma_start3A_390 = arith.constant 0 : i32
    %dma_start3A_391 = arith.constant 0 : i32
    %dma_start3A_392 = arith.constant 0 : i32
    %dma_start3A_393 = arith.constant 0 : i32
    %dma_start3A_394 = tpu.memref_slice %arg6[%arg1, %dma_start3A_390, %dma_start3A_391, %dma_start3A_392, %dma_start3A_393] : memref<16x2x1x224x224xf32, #tpu.memory_space<vmem_shared>> -> memref<1x1x1x224x224xf32, #tpu.memory_space<vmem_shared>>
    %dma_start3A_395 = tpu.memref_squeeze %dma_start3A_394 : memref<1x1x1x224x224xf32, #tpu.memory_space<vmem_shared>> -> memref<1x224x224xf32, #tpu.memory_space<vmem_shared>>
    %dma_start3A_396 = arith.constant 0 : i32
    %dma_start3A_397 = arith.constant 0 : i32
    %dma_start3A_398 = arith.constant 0 : i32
    %dma_start3A_399 = tpu.memref_slice %dma_start3A_395[%dma_start3A_396, %dma_start3A_397, %dma_start3A_398] : memref<1x224x224xf32, #tpu.memory_space<vmem_shared>> -> memref<1x224x128xf32, #tpu.memory_space<vmem_shared>>
    %dma_start3A_400 = arith.constant 0 : i32
    %dma_start3A_401 = arith.constant 0 : i32
    %dma_start3A_402 = tpu.memref_slice %arg2[%squeeze3A_389, %dma_start3A_400, %dma_start3A_401] : memref<768x224x224xf32, #tpu.memory_space<hbm>> -> memref<1x224x128xf32, #tpu.memory_space<hbm>>
    tpu.enqueue_dma source(%dma_start3A_402 : memref<1x224x128xf32, #tpu.memory_space<hbm>>) target(%dma_start3A_399 : memref<1x224x128xf32, #tpu.memory_space<vmem_shared>>) target_semaphore(%arg7 : memref<!tpu.dma_semaphore, #tpu.memory_space<semaphore_mem>>)
    %slice3A_403 = vector.extract_strided_slice %get3A_4 {offsets = [4], sizes = [1], strides = [1]} : vector<16xi32> to vector<1xi32>
    %squeeze3A_404 = vector.extract %slice3A_403[0] : i32 from vector<1xi32>
    %dma_start3A_405 = arith.constant 0 : i32
    %dma_start3A_406 = arith.constant 0 : i32
    %dma_start3A_407 = arith.constant 0 : i32
    %dma_start3A_408 = arith.constant 0 : i32
    %dma_start3A_409 = tpu.memref_slice %arg6[%arg1, %dma_start3A_405, %dma_start3A_406, %dma_start3A_407, %dma_start3A_408] : memref<16x2x1x224x224xf32, #tpu.memory_space<vmem_shared>> -> memref<1x1x1x224x224xf32, #tpu.memory_space<vmem_shared>>
    %dma_start3A_410 = tpu.memref_squeeze %dma_start3A_409 : memref<1x1x1x224x224xf32, #tpu.memory_space<vmem_shared>> -> memref<1x224x224xf32, #tpu.memory_space<vmem_shared>>
    %dma_start3A_411 = arith.constant 0 : i32
    %dma_start3A_412 = arith.constant 0 : i32
    %dma_start3A_413 = arith.constant 128 : i32
    %dma_start3A_414 = tpu.memref_slice %dma_start3A_410[%dma_start3A_411, %dma_start3A_412, %dma_start3A_413] : memref<1x224x224xf32, #tpu.memory_space<vmem_shared>> -> memref<1x224x96xf32, #tpu.memory_space<vmem_shared>>
    %dma_start3A_415 = arith.constant 0 : i32
    %dma_start3A_416 = arith.constant 128 : i32
    %dma_start3A_417 = tpu.memref_slice %arg2[%squeeze3A_404, %dma_start3A_415, %dma_start3A_416] : memref<768x224x224xf32, #tpu.memory_space<hbm>> -> memref<1x224x96xf32, #tpu.memory_space<hbm>>
    tpu.enqueue_dma source(%dma_start3A_417 : memref<1x224x96xf32, #tpu.memory_space<hbm>>) target(%dma_start3A_414 : memref<1x224x96xf32, #tpu.memory_space<vmem_shared>>) target_semaphore(%arg7 : memref<!tpu.dma_semaphore, #tpu.memory_space<semaphore_mem>>)
    %dma_wait3A_418 = arith.constant 1 : i32
    %dma_wait3A_419 = arith.constant 0 : i32
    %dma_wait3A_420 = arith.constant 0 : i32
    %dma_wait3A_421 = arith.constant 0 : i32
    %dma_wait3A_422 = tpu.memref_slice %arg6[%arg1, %dma_wait3A_418, %dma_wait3A_419, %dma_wait3A_420, %dma_wait3A_421] : memref<16x2x1x224x224xf32, #tpu.memory_space<vmem_shared>> -> memref<1x1x1x224x224xf32, #tpu.memory_space<vmem_shared>>
    %dma_wait3A_423 = tpu.memref_squeeze %dma_wait3A_422 : memref<1x1x1x224x224xf32, #tpu.memory_space<vmem_shared>> -> memref<1x224x224xf32, #tpu.memory_space<vmem_shared>>
    %dma_wait3A_424 = arith.constant 0 : i32
    %dma_wait3A_425 = arith.constant 0 : i32
    %dma_wait3A_426 = arith.constant 0 : i32
    %dma_wait3A_427 = tpu.memref_slice %dma_wait3A_423[%dma_wait3A_424, %dma_wait3A_425, %dma_wait3A_426] : memref<1x224x224xf32, #tpu.memory_space<vmem_shared>> -> memref<1x224x128xf32, #tpu.memory_space<vmem_shared>>
    %dma_wait3A_428 = arith.constant 0 : i32
    %dma_wait3A_429 = arith.constant 0 : i32
    %dma_wait3A_430 = arith.constant 0 : i32
    %dma_wait3A_431 = tpu.memref_slice %arg2[%dma_wait3A_428, %dma_wait3A_429, %dma_wait3A_430] : memref<768x224x224xf32, #tpu.memory_space<hbm>> -> memref<1x224x128xf32, #tpu.memory_space<hbm>>
    tpu.wait_dma2 semaphore(%arg8 : memref<!tpu.dma_semaphore, #tpu.memory_space<semaphore_mem>>) src(%dma_wait3A_431 : memref<1x224x128xf32, #tpu.memory_space<hbm>>) dst(%dma_wait3A_427 : memref<1x224x128xf32, #tpu.memory_space<vmem_shared>>)
    %dma_wait3A_432 = arith.constant 1 : i32
    %dma_wait3A_433 = arith.constant 0 : i32
    %dma_wait3A_434 = arith.constant 0 : i32
    %dma_wait3A_435 = arith.constant 0 : i32
    %dma_wait3A_436 = tpu.memref_slice %arg6[%arg1, %dma_wait3A_432, %dma_wait3A_433, %dma_wait3A_434, %dma_wait3A_435] : memref<16x2x1x224x224xf32, #tpu.memory_space<vmem_shared>> -> memref<1x1x1x224x224xf32, #tpu.memory_space<vmem_shared>>
    %dma_wait3A_437 = tpu.memref_squeeze %dma_wait3A_436 : memref<1x1x1x224x224xf32, #tpu.memory_space<vmem_shared>> -> memref<1x224x224xf32, #tpu.memory_space<vmem_shared>>
    %dma_wait3A_438 = arith.constant 0 : i32
    %dma_wait3A_439 = arith.constant 0 : i32
    %dma_wait3A_440 = arith.constant 128 : i32
    %dma_wait3A_441 = tpu.memref_slice %dma_wait3A_437[%dma_wait3A_438, %dma_wait3A_439, %dma_wait3A_440] : memref<1x224x224xf32, #tpu.memory_space<vmem_shared>> -> memref<1x224x96xf32, #tpu.memory_space<vmem_shared>>
    %dma_wait3A_442 = arith.constant 0 : i32
    %dma_wait3A_443 = arith.constant 0 : i32
    %dma_wait3A_444 = arith.constant 128 : i32
    %dma_wait3A_445 = tpu.memref_slice %arg2[%dma_wait3A_442, %dma_wait3A_443, %dma_wait3A_444] : memref<768x224x224xf32, #tpu.memory_space<hbm>> -> memref<1x224x96xf32, #tpu.memory_space<hbm>>
    tpu.wait_dma2 semaphore(%arg8 : memref<!tpu.dma_semaphore, #tpu.memory_space<semaphore_mem>>) src(%dma_wait3A_445 : memref<1x224x96xf32, #tpu.memory_space<hbm>>) dst(%dma_wait3A_441 : memref<1x224x96xf32, #tpu.memory_space<vmem_shared>>)
    %add3A_446 = arith.constant 3 : i32
    %add3A_447 = arith.addi %mul3A_2, %add3A_446 : i32
    %dma_start3A_448 = arith.constant 1 : i32
    %dma_start3A_449 = arith.constant 0 : i32
    %dma_start3A_450 = arith.constant 0 : i32
    %dma_start3A_451 = tpu.memref_slice %arg4[%add3A_447, %dma_start3A_449, %dma_start3A_450] : memref<768x224x224xf32, #tpu.memory_space<hbm>> -> memref<1x224x128xf32, #tpu.memory_space<hbm>>
    %dma_start3A_452 = arith.constant 0 : i32
    %dma_start3A_453 = arith.constant 0 : i32
    %dma_start3A_454 = arith.constant 0 : i32
    %dma_start3A_455 = tpu.memref_slice %arg6[%arg1, %dma_start3A_448, %dma_start3A_452, %dma_start3A_453, %dma_start3A_454] : memref<16x2x1x224x224xf32, #tpu.memory_space<vmem_shared>> -> memref<1x1x1x224x224xf32, #tpu.memory_space<vmem_shared>>
    %dma_start3A_456 = tpu.memref_squeeze %dma_start3A_455 : memref<1x1x1x224x224xf32, #tpu.memory_space<vmem_shared>> -> memref<1x224x224xf32, #tpu.memory_space<vmem_shared>>
    %dma_start3A_457 = arith.constant 0 : i32
    %dma_start3A_458 = arith.constant 0 : i32
    %dma_start3A_459 = arith.constant 0 : i32
    %dma_start3A_460 = tpu.memref_slice %dma_start3A_456[%dma_start3A_457, %dma_start3A_458, %dma_start3A_459] : memref<1x224x224xf32, #tpu.memory_space<vmem_shared>> -> memref<1x224x128xf32, #tpu.memory_space<vmem_shared>>
    tpu.enqueue_dma source(%dma_start3A_460 : memref<1x224x128xf32, #tpu.memory_space<vmem_shared>>) target(%dma_start3A_451 : memref<1x224x128xf32, #tpu.memory_space<hbm>>) target_semaphore(%arg10 : memref<!tpu.dma_semaphore, #tpu.memory_space<semaphore_mem>>)
    %add3A_461 = arith.constant 3 : i32
    %add3A_462 = arith.addi %mul3A_2, %add3A_461 : i32
    %dma_start3A_463 = arith.constant 1 : i32
    %dma_start3A_464 = arith.constant 0 : i32
    %dma_start3A_465 = arith.constant 128 : i32
    %dma_start3A_466 = tpu.memref_slice %arg4[%add3A_462, %dma_start3A_464, %dma_start3A_465] : memref<768x224x224xf32, #tpu.memory_space<hbm>> -> memref<1x224x96xf32, #tpu.memory_space<hbm>>
    %dma_start3A_467 = arith.constant 0 : i32
    %dma_start3A_468 = arith.constant 0 : i32
    %dma_start3A_469 = arith.constant 0 : i32
    %dma_start3A_470 = tpu.memref_slice %arg6[%arg1, %dma_start3A_463, %dma_start3A_467, %dma_start3A_468, %dma_start3A_469] : memref<16x2x1x224x224xf32, #tpu.memory_space<vmem_shared>> -> memref<1x1x1x224x224xf32, #tpu.memory_space<vmem_shared>>
    %dma_start3A_471 = tpu.memref_squeeze %dma_start3A_470 : memref<1x1x1x224x224xf32, #tpu.memory_space<vmem_shared>> -> memref<1x224x224xf32, #tpu.memory_space<vmem_shared>>
    %dma_start3A_472 = arith.constant 0 : i32
    %dma_start3A_473 = arith.constant 0 : i32
    %dma_start3A_474 = arith.constant 128 : i32
    %dma_start3A_475 = tpu.memref_slice %dma_start3A_471[%dma_start3A_472, %dma_start3A_473, %dma_start3A_474] : memref<1x224x224xf32, #tpu.memory_space<vmem_shared>> -> memref<1x224x96xf32, #tpu.memory_space<vmem_shared>>
    tpu.enqueue_dma source(%dma_start3A_475 : memref<1x224x96xf32, #tpu.memory_space<vmem_shared>>) target(%dma_start3A_466 : memref<1x224x96xf32, #tpu.memory_space<hbm>>) target_semaphore(%arg10 : memref<!tpu.dma_semaphore, #tpu.memory_space<semaphore_mem>>)
    %add3A_476 = arith.constant 3 : i32
    %add3A_477 = arith.addi %mul3A_2, %add3A_476 : i32
    %dma_wait3A_478 = arith.constant 1 : i32
    %dma_wait3A_479 = arith.constant 0 : i32
    %dma_wait3A_480 = arith.constant 0 : i32
    %dma_wait3A_481 = tpu.memref_slice %arg4[%add3A_477, %dma_wait3A_479, %dma_wait3A_480] : memref<768x224x224xf32, #tpu.memory_space<hbm>> -> memref<1x224x128xf32, #tpu.memory_space<hbm>>
    %dma_wait3A_482 = arith.constant 0 : i32
    %dma_wait3A_483 = arith.constant 0 : i32
    %dma_wait3A_484 = arith.constant 0 : i32
    %dma_wait3A_485 = tpu.memref_slice %arg6[%arg1, %dma_wait3A_478, %dma_wait3A_482, %dma_wait3A_483, %dma_wait3A_484] : memref<16x2x1x224x224xf32, #tpu.memory_space<vmem_shared>> -> memref<1x1x1x224x224xf32, #tpu.memory_space<vmem_shared>>
    %dma_wait3A_486 = tpu.memref_squeeze %dma_wait3A_485 : memref<1x1x1x224x224xf32, #tpu.memory_space<vmem_shared>> -> memref<1x224x224xf32, #tpu.memory_space<vmem_shared>>
    %dma_wait3A_487 = arith.constant 0 : i32
    %dma_wait3A_488 = arith.constant 0 : i32
    %dma_wait3A_489 = arith.constant 0 : i32
    %dma_wait3A_490 = tpu.memref_slice %dma_wait3A_486[%dma_wait3A_487, %dma_wait3A_488, %dma_wait3A_489] : memref<1x224x224xf32, #tpu.memory_space<vmem_shared>> -> memref<1x224x128xf32, #tpu.memory_space<vmem_shared>>
    tpu.wait_dma2 semaphore(%arg10 : memref<!tpu.dma_semaphore, #tpu.memory_space<semaphore_mem>>) src(%dma_wait3A_490 : memref<1x224x128xf32, #tpu.memory_space<vmem_shared>>) dst(%dma_wait3A_481 : memref<1x224x128xf32, #tpu.memory_space<hbm>>)
    %add3A_491 = arith.constant 3 : i32
    %add3A_492 = arith.addi %mul3A_2, %add3A_491 : i32
    %dma_wait3A_493 = arith.constant 1 : i32
    %dma_wait3A_494 = arith.constant 0 : i32
    %dma_wait3A_495 = arith.constant 128 : i32
    %dma_wait3A_496 = tpu.memref_slice %arg4[%add3A_492, %dma_wait3A_494, %dma_wait3A_495] : memref<768x224x224xf32, #tpu.memory_space<hbm>> -> memref<1x224x96xf32, #tpu.memory_space<hbm>>
    %dma_wait3A_497 = arith.constant 0 : i32
    %dma_wait3A_498 = arith.constant 0 : i32
    %dma_wait3A_499 = arith.constant 0 : i32
    %dma_wait3A_500 = tpu.memref_slice %arg6[%arg1, %dma_wait3A_493, %dma_wait3A_497, %dma_wait3A_498, %dma_wait3A_499] : memref<16x2x1x224x224xf32, #tpu.memory_space<vmem_shared>> -> memref<1x1x1x224x224xf32, #tpu.memory_space<vmem_shared>>
    %dma_wait3A_501 = tpu.memref_squeeze %dma_wait3A_500 : memref<1x1x1x224x224xf32, #tpu.memory_space<vmem_shared>> -> memref<1x224x224xf32, #tpu.memory_space<vmem_shared>>
    %dma_wait3A_502 = arith.constant 0 : i32
    %dma_wait3A_503 = arith.constant 0 : i32
    %dma_wait3A_504 = arith.constant 128 : i32
    %dma_wait3A_505 = tpu.memref_slice %dma_wait3A_501[%dma_wait3A_502, %dma_wait3A_503, %dma_wait3A_504] : memref<1x224x224xf32, #tpu.memory_space<vmem_shared>> -> memref<1x224x96xf32, #tpu.memory_space<vmem_shared>>
    tpu.wait_dma2 semaphore(%arg10 : memref<!tpu.dma_semaphore, #tpu.memory_space<semaphore_mem>>) src(%dma_wait3A_505 : memref<1x224x96xf32, #tpu.memory_space<vmem_shared>>) dst(%dma_wait3A_496 : memref<1x224x96xf32, #tpu.memory_space<hbm>>)
    %slice3A_506 = vector.extract_strided_slice %get3A_4 {offsets = [5], sizes = [1], strides = [1]} : vector<16xi32> to vector<1xi32>
    %squeeze3A_507 = vector.extract %slice3A_506[0] : i32 from vector<1xi32>
    %dma_start3A_508 = arith.constant 1 : i32
    %dma_start3A_509 = arith.constant 0 : i32
    %dma_start3A_510 = arith.constant 0 : i32
    %dma_start3A_511 = arith.constant 0 : i32
    %dma_start3A_512 = tpu.memref_slice %arg6[%arg1, %dma_start3A_508, %dma_start3A_509, %dma_start3A_510, %dma_start3A_511] : memref<16x2x1x224x224xf32, #tpu.memory_space<vmem_shared>> -> memref<1x1x1x224x224xf32, #tpu.memory_space<vmem_shared>>
    %dma_start3A_513 = tpu.memref_squeeze %dma_start3A_512 : memref<1x1x1x224x224xf32, #tpu.memory_space<vmem_shared>> -> memref<1x224x224xf32, #tpu.memory_space<vmem_shared>>
    %dma_start3A_514 = arith.constant 0 : i32
    %dma_start3A_515 = arith.constant 0 : i32
    %dma_start3A_516 = arith.constant 0 : i32
    %dma_start3A_517 = tpu.memref_slice %dma_start3A_513[%dma_start3A_514, %dma_start3A_515, %dma_start3A_516] : memref<1x224x224xf32, #tpu.memory_space<vmem_shared>> -> memref<1x224x128xf32, #tpu.memory_space<vmem_shared>>
    %dma_start3A_518 = arith.constant 0 : i32
    %dma_start3A_519 = arith.constant 0 : i32
    %dma_start3A_520 = tpu.memref_slice %arg2[%squeeze3A_507, %dma_start3A_518, %dma_start3A_519] : memref<768x224x224xf32, #tpu.memory_space<hbm>> -> memref<1x224x128xf32, #tpu.memory_space<hbm>>
    tpu.enqueue_dma source(%dma_start3A_520 : memref<1x224x128xf32, #tpu.memory_space<hbm>>) target(%dma_start3A_517 : memref<1x224x128xf32, #tpu.memory_space<vmem_shared>>) target_semaphore(%arg8 : memref<!tpu.dma_semaphore, #tpu.memory_space<semaphore_mem>>)
    %slice3A_521 = vector.extract_strided_slice %get3A_4 {offsets = [5], sizes = [1], strides = [1]} : vector<16xi32> to vector<1xi32>
    %squeeze3A_522 = vector.extract %slice3A_521[0] : i32 from vector<1xi32>
    %dma_start3A_523 = arith.constant 1 : i32
    %dma_start3A_524 = arith.constant 0 : i32
    %dma_start3A_525 = arith.constant 0 : i32
    %dma_start3A_526 = arith.constant 0 : i32
    %dma_start3A_527 = tpu.memref_slice %arg6[%arg1, %dma_start3A_523, %dma_start3A_524, %dma_start3A_525, %dma_start3A_526] : memref<16x2x1x224x224xf32, #tpu.memory_space<vmem_shared>> -> memref<1x1x1x224x224xf32, #tpu.memory_space<vmem_shared>>
    %dma_start3A_528 = tpu.memref_squeeze %dma_start3A_527 : memref<1x1x1x224x224xf32, #tpu.memory_space<vmem_shared>> -> memref<1x224x224xf32, #tpu.memory_space<vmem_shared>>
    %dma_start3A_529 = arith.constant 0 : i32
    %dma_start3A_530 = arith.constant 0 : i32
    %dma_start3A_531 = arith.constant 128 : i32
    %dma_start3A_532 = tpu.memref_slice %dma_start3A_528[%dma_start3A_529, %dma_start3A_530, %dma_start3A_531] : memref<1x224x224xf32, #tpu.memory_space<vmem_shared>> -> memref<1x224x96xf32, #tpu.memory_space<vmem_shared>>
    %dma_start3A_533 = arith.constant 0 : i32
    %dma_start3A_534 = arith.constant 128 : i32
    %dma_start3A_535 = tpu.memref_slice %arg2[%squeeze3A_522, %dma_start3A_533, %dma_start3A_534] : memref<768x224x224xf32, #tpu.memory_space<hbm>> -> memref<1x224x96xf32, #tpu.memory_space<hbm>>
    tpu.enqueue_dma source(%dma_start3A_535 : memref<1x224x96xf32, #tpu.memory_space<hbm>>) target(%dma_start3A_532 : memref<1x224x96xf32, #tpu.memory_space<vmem_shared>>) target_semaphore(%arg8 : memref<!tpu.dma_semaphore, #tpu.memory_space<semaphore_mem>>)
    %dma_wait3A_536 = arith.constant 0 : i32
    %dma_wait3A_537 = arith.constant 0 : i32
    %dma_wait3A_538 = arith.constant 0 : i32
    %dma_wait3A_539 = arith.constant 0 : i32
    %dma_wait3A_540 = tpu.memref_slice %arg6[%arg1, %dma_wait3A_536, %dma_wait3A_537, %dma_wait3A_538, %dma_wait3A_539] : memref<16x2x1x224x224xf32, #tpu.memory_space<vmem_shared>> -> memref<1x1x1x224x224xf32, #tpu.memory_space<vmem_shared>>
    %dma_wait3A_541 = tpu.memref_squeeze %dma_wait3A_540 : memref<1x1x1x224x224xf32, #tpu.memory_space<vmem_shared>> -> memref<1x224x224xf32, #tpu.memory_space<vmem_shared>>
    %dma_wait3A_542 = arith.constant 0 : i32
    %dma_wait3A_543 = arith.constant 0 : i32
    %dma_wait3A_544 = arith.constant 0 : i32
    %dma_wait3A_545 = tpu.memref_slice %dma_wait3A_541[%dma_wait3A_542, %dma_wait3A_543, %dma_wait3A_544] : memref<1x224x224xf32, #tpu.memory_space<vmem_shared>> -> memref<1x224x128xf32, #tpu.memory_space<vmem_shared>>
    %dma_wait3A_546 = arith.constant 0 : i32
    %dma_wait3A_547 = arith.constant 0 : i32
    %dma_wait3A_548 = arith.constant 0 : i32
    %dma_wait3A_549 = tpu.memref_slice %arg2[%dma_wait3A_546, %dma_wait3A_547, %dma_wait3A_548] : memref<768x224x224xf32, #tpu.memory_space<hbm>> -> memref<1x224x128xf32, #tpu.memory_space<hbm>>
    tpu.wait_dma2 semaphore(%arg7 : memref<!tpu.dma_semaphore, #tpu.memory_space<semaphore_mem>>) src(%dma_wait3A_549 : memref<1x224x128xf32, #tpu.memory_space<hbm>>) dst(%dma_wait3A_545 : memref<1x224x128xf32, #tpu.memory_space<vmem_shared>>)
    %dma_wait3A_550 = arith.constant 0 : i32
    %dma_wait3A_551 = arith.constant 0 : i32
    %dma_wait3A_552 = arith.constant 0 : i32
    %dma_wait3A_553 = arith.constant 0 : i32
    %dma_wait3A_554 = tpu.memref_slice %arg6[%arg1, %dma_wait3A_550, %dma_wait3A_551, %dma_wait3A_552, %dma_wait3A_553] : memref<16x2x1x224x224xf32, #tpu.memory_space<vmem_shared>> -> memref<1x1x1x224x224xf32, #tpu.memory_space<vmem_shared>>
    %dma_wait3A_555 = tpu.memref_squeeze %dma_wait3A_554 : memref<1x1x1x224x224xf32, #tpu.memory_space<vmem_shared>> -> memref<1x224x224xf32, #tpu.memory_space<vmem_shared>>
    %dma_wait3A_556 = arith.constant 0 : i32
    %dma_wait3A_557 = arith.constant 0 : i32
    %dma_wait3A_558 = arith.constant 128 : i32
    %dma_wait3A_559 = tpu.memref_slice %dma_wait3A_555[%dma_wait3A_556, %dma_wait3A_557, %dma_wait3A_558] : memref<1x224x224xf32, #tpu.memory_space<vmem_shared>> -> memref<1x224x96xf32, #tpu.memory_space<vmem_shared>>
    %dma_wait3A_560 = arith.constant 0 : i32
    %dma_wait3A_561 = arith.constant 0 : i32
    %dma_wait3A_562 = arith.constant 128 : i32
    %dma_wait3A_563 = tpu.memref_slice %arg2[%dma_wait3A_560, %dma_wait3A_561, %dma_wait3A_562] : memref<768x224x224xf32, #tpu.memory_space<hbm>> -> memref<1x224x96xf32, #tpu.memory_space<hbm>>
    tpu.wait_dma2 semaphore(%arg7 : memref<!tpu.dma_semaphore, #tpu.memory_space<semaphore_mem>>) src(%dma_wait3A_563 : memref<1x224x96xf32, #tpu.memory_space<hbm>>) dst(%dma_wait3A_559 : memref<1x224x96xf32, #tpu.memory_space<vmem_shared>>)
    %add3A_564 = arith.constant 4 : i32
    %add3A_565 = arith.addi %mul3A_2, %add3A_564 : i32
    %dma_start3A_566 = arith.constant 0 : i32
    %dma_start3A_567 = arith.constant 0 : i32
    %dma_start3A_568 = arith.constant 0 : i32
    %dma_start3A_569 = tpu.memref_slice %arg4[%add3A_565, %dma_start3A_567, %dma_start3A_568] : memref<768x224x224xf32, #tpu.memory_space<hbm>> -> memref<1x224x128xf32, #tpu.memory_space<hbm>>
    %dma_start3A_570 = arith.constant 0 : i32
    %dma_start3A_571 = arith.constant 0 : i32
    %dma_start3A_572 = arith.constant 0 : i32
    %dma_start3A_573 = tpu.memref_slice %arg6[%arg1, %dma_start3A_566, %dma_start3A_570, %dma_start3A_571, %dma_start3A_572] : memref<16x2x1x224x224xf32, #tpu.memory_space<vmem_shared>> -> memref<1x1x1x224x224xf32, #tpu.memory_space<vmem_shared>>
    %dma_start3A_574 = tpu.memref_squeeze %dma_start3A_573 : memref<1x1x1x224x224xf32, #tpu.memory_space<vmem_shared>> -> memref<1x224x224xf32, #tpu.memory_space<vmem_shared>>
    %dma_start3A_575 = arith.constant 0 : i32
    %dma_start3A_576 = arith.constant 0 : i32
    %dma_start3A_577 = arith.constant 0 : i32
    %dma_start3A_578 = tpu.memref_slice %dma_start3A_574[%dma_start3A_575, %dma_start3A_576, %dma_start3A_577] : memref<1x224x224xf32, #tpu.memory_space<vmem_shared>> -> memref<1x224x128xf32, #tpu.memory_space<vmem_shared>>
    tpu.enqueue_dma source(%dma_start3A_578 : memref<1x224x128xf32, #tpu.memory_space<vmem_shared>>) target(%dma_start3A_569 : memref<1x224x128xf32, #tpu.memory_space<hbm>>) target_semaphore(%arg9 : memref<!tpu.dma_semaphore, #tpu.memory_space<semaphore_mem>>)
    %add3A_579 = arith.constant 4 : i32
    %add3A_580 = arith.addi %mul3A_2, %add3A_579 : i32
    %dma_start3A_581 = arith.constant 0 : i32
    %dma_start3A_582 = arith.constant 0 : i32
    %dma_start3A_583 = arith.constant 128 : i32
    %dma_start3A_584 = tpu.memref_slice %arg4[%add3A_580, %dma_start3A_582, %dma_start3A_583] : memref<768x224x224xf32, #tpu.memory_space<hbm>> -> memref<1x224x96xf32, #tpu.memory_space<hbm>>
    %dma_start3A_585 = arith.constant 0 : i32
    %dma_start3A_586 = arith.constant 0 : i32
    %dma_start3A_587 = arith.constant 0 : i32
    %dma_start3A_588 = tpu.memref_slice %arg6[%arg1, %dma_start3A_581, %dma_start3A_585, %dma_start3A_586, %dma_start3A_587] : memref<16x2x1x224x224xf32, #tpu.memory_space<vmem_shared>> -> memref<1x1x1x224x224xf32, #tpu.memory_space<vmem_shared>>
    %dma_start3A_589 = tpu.memref_squeeze %dma_start3A_588 : memref<1x1x1x224x224xf32, #tpu.memory_space<vmem_shared>> -> memref<1x224x224xf32, #tpu.memory_space<vmem_shared>>
    %dma_start3A_590 = arith.constant 0 : i32
    %dma_start3A_591 = arith.constant 0 : i32
    %dma_start3A_592 = arith.constant 128 : i32
    %dma_start3A_593 = tpu.memref_slice %dma_start3A_589[%dma_start3A_590, %dma_start3A_591, %dma_start3A_592] : memref<1x224x224xf32, #tpu.memory_space<vmem_shared>> -> memref<1x224x96xf32, #tpu.memory_space<vmem_shared>>
    tpu.enqueue_dma source(%dma_start3A_593 : memref<1x224x96xf32, #tpu.memory_space<vmem_shared>>) target(%dma_start3A_584 : memref<1x224x96xf32, #tpu.memory_space<hbm>>) target_semaphore(%arg9 : memref<!tpu.dma_semaphore, #tpu.memory_space<semaphore_mem>>)
    %add3A_594 = arith.constant 4 : i32
    %add3A_595 = arith.addi %mul3A_2, %add3A_594 : i32
    %dma_wait3A_596 = arith.constant 0 : i32
    %dma_wait3A_597 = arith.constant 0 : i32
    %dma_wait3A_598 = arith.constant 0 : i32
    %dma_wait3A_599 = tpu.memref_slice %arg4[%add3A_595, %dma_wait3A_597, %dma_wait3A_598] : memref<768x224x224xf32, #tpu.memory_space<hbm>> -> memref<1x224x128xf32, #tpu.memory_space<hbm>>
    %dma_wait3A_600 = arith.constant 0 : i32
    %dma_wait3A_601 = arith.constant 0 : i32
    %dma_wait3A_602 = arith.constant 0 : i32
    %dma_wait3A_603 = tpu.memref_slice %arg6[%arg1, %dma_wait3A_596, %dma_wait3A_600, %dma_wait3A_601, %dma_wait3A_602] : memref<16x2x1x224x224xf32, #tpu.memory_space<vmem_shared>> -> memref<1x1x1x224x224xf32, #tpu.memory_space<vmem_shared>>
    %dma_wait3A_604 = tpu.memref_squeeze %dma_wait3A_603 : memref<1x1x1x224x224xf32, #tpu.memory_space<vmem_shared>> -> memref<1x224x224xf32, #tpu.memory_space<vmem_shared>>
    %dma_wait3A_605 = arith.constant 0 : i32
    %dma_wait3A_606 = arith.constant 0 : i32
    %dma_wait3A_607 = arith.constant 0 : i32
    %dma_wait3A_608 = tpu.memref_slice %dma_wait3A_604[%dma_wait3A_605, %dma_wait3A_606, %dma_wait3A_607] : memref<1x224x224xf32, #tpu.memory_space<vmem_shared>> -> memref<1x224x128xf32, #tpu.memory_space<vmem_shared>>
    tpu.wait_dma2 semaphore(%arg9 : memref<!tpu.dma_semaphore, #tpu.memory_space<semaphore_mem>>) src(%dma_wait3A_608 : memref<1x224x128xf32, #tpu.memory_space<vmem_shared>>) dst(%dma_wait3A_599 : memref<1x224x128xf32, #tpu.memory_space<hbm>>)
    %add3A_609 = arith.constant 4 : i32
    %add3A_610 = arith.addi %mul3A_2, %add3A_609 : i32
    %dma_wait3A_611 = arith.constant 0 : i32
    %dma_wait3A_612 = arith.constant 0 : i32
    %dma_wait3A_613 = arith.constant 128 : i32
    %dma_wait3A_614 = tpu.memref_slice %arg4[%add3A_610, %dma_wait3A_612, %dma_wait3A_613] : memref<768x224x224xf32, #tpu.memory_space<hbm>> -> memref<1x224x96xf32, #tpu.memory_space<hbm>>
    %dma_wait3A_615 = arith.constant 0 : i32
    %dma_wait3A_616 = arith.constant 0 : i32
    %dma_wait3A_617 = arith.constant 0 : i32
    %dma_wait3A_618 = tpu.memref_slice %arg6[%arg1, %dma_wait3A_611, %dma_wait3A_615, %dma_wait3A_616, %dma_wait3A_617] : memref<16x2x1x224x224xf32, #tpu.memory_space<vmem_shared>> -> memref<1x1x1x224x224xf32, #tpu.memory_space<vmem_shared>>
    %dma_wait3A_619 = tpu.memref_squeeze %dma_wait3A_618 : memref<1x1x1x224x224xf32, #tpu.memory_space<vmem_shared>> -> memref<1x224x224xf32, #tpu.memory_space<vmem_shared>>
    %dma_wait3A_620 = arith.constant 0 : i32
    %dma_wait3A_621 = arith.constant 0 : i32
    %dma_wait3A_622 = arith.constant 128 : i32
    %dma_wait3A_623 = tpu.memref_slice %dma_wait3A_619[%dma_wait3A_620, %dma_wait3A_621, %dma_wait3A_622] : memref<1x224x224xf32, #tpu.memory_space<vmem_shared>> -> memref<1x224x96xf32, #tpu.memory_space<vmem_shared>>
    tpu.wait_dma2 semaphore(%arg9 : memref<!tpu.dma_semaphore, #tpu.memory_space<semaphore_mem>>) src(%dma_wait3A_623 : memref<1x224x96xf32, #tpu.memory_space<vmem_shared>>) dst(%dma_wait3A_614 : memref<1x224x96xf32, #tpu.memory_space<hbm>>)
    %slice3A_624 = vector.extract_strided_slice %get3A_4 {offsets = [6], sizes = [1], strides = [1]} : vector<16xi32> to vector<1xi32>
    %squeeze3A_625 = vector.extract %slice3A_624[0] : i32 from vector<1xi32>
    %dma_start3A_626 = arith.constant 0 : i32
    %dma_start3A_627 = arith.constant 0 : i32
    %dma_start3A_628 = arith.constant 0 : i32
    %dma_start3A_629 = arith.constant 0 : i32
    %dma_start3A_630 = tpu.memref_slice %arg6[%arg1, %dma_start3A_626, %dma_start3A_627, %dma_start3A_628, %dma_start3A_629] : memref<16x2x1x224x224xf32, #tpu.memory_space<vmem_shared>> -> memref<1x1x1x224x224xf32, #tpu.memory_space<vmem_shared>>
    %dma_start3A_631 = tpu.memref_squeeze %dma_start3A_630 : memref<1x1x1x224x224xf32, #tpu.memory_space<vmem_shared>> -> memref<1x224x224xf32, #tpu.memory_space<vmem_shared>>
    %dma_start3A_632 = arith.constant 0 : i32
    %dma_start3A_633 = arith.constant 0 : i32
    %dma_start3A_634 = arith.constant 0 : i32
    %dma_start3A_635 = tpu.memref_slice %dma_start3A_631[%dma_start3A_632, %dma_start3A_633, %dma_start3A_634] : memref<1x224x224xf32, #tpu.memory_space<vmem_shared>> -> memref<1x224x128xf32, #tpu.memory_space<vmem_shared>>
    %dma_start3A_636 = arith.constant 0 : i32
    %dma_start3A_637 = arith.constant 0 : i32
    %dma_start3A_638 = tpu.memref_slice %arg2[%squeeze3A_625, %dma_start3A_636, %dma_start3A_637] : memref<768x224x224xf32, #tpu.memory_space<hbm>> -> memref<1x224x128xf32, #tpu.memory_space<hbm>>
    tpu.enqueue_dma source(%dma_start3A_638 : memref<1x224x128xf32, #tpu.memory_space<hbm>>) target(%dma_start3A_635 : memref<1x224x128xf32, #tpu.memory_space<vmem_shared>>) target_semaphore(%arg7 : memref<!tpu.dma_semaphore, #tpu.memory_space<semaphore_mem>>)
    %slice3A_639 = vector.extract_strided_slice %get3A_4 {offsets = [6], sizes = [1], strides = [1]} : vector<16xi32> to vector<1xi32>
    %squeeze3A_640 = vector.extract %slice3A_639[0] : i32 from vector<1xi32>
    %dma_start3A_641 = arith.constant 0 : i32
    %dma_start3A_642 = arith.constant 0 : i32
    %dma_start3A_643 = arith.constant 0 : i32
    %dma_start3A_644 = arith.constant 0 : i32
    %dma_start3A_645 = tpu.memref_slice %arg6[%arg1, %dma_start3A_641, %dma_start3A_642, %dma_start3A_643, %dma_start3A_644] : memref<16x2x1x224x224xf32, #tpu.memory_space<vmem_shared>> -> memref<1x1x1x224x224xf32, #tpu.memory_space<vmem_shared>>
    %dma_start3A_646 = tpu.memref_squeeze %dma_start3A_645 : memref<1x1x1x224x224xf32, #tpu.memory_space<vmem_shared>> -> memref<1x224x224xf32, #tpu.memory_space<vmem_shared>>
    %dma_start3A_647 = arith.constant 0 : i32
    %dma_start3A_648 = arith.constant 0 : i32
    %dma_start3A_649 = arith.constant 128 : i32
    %dma_start3A_650 = tpu.memref_slice %dma_start3A_646[%dma_start3A_647, %dma_start3A_648, %dma_start3A_649] : memref<1x224x224xf32, #tpu.memory_space<vmem_shared>> -> memref<1x224x96xf32, #tpu.memory_space<vmem_shared>>
    %dma_start3A_651 = arith.constant 0 : i32
    %dma_start3A_652 = arith.constant 128 : i32
    %dma_start3A_653 = tpu.memref_slice %arg2[%squeeze3A_640, %dma_start3A_651, %dma_start3A_652] : memref<768x224x224xf32, #tpu.memory_space<hbm>> -> memref<1x224x96xf32, #tpu.memory_space<hbm>>
    tpu.enqueue_dma source(%dma_start3A_653 : memref<1x224x96xf32, #tpu.memory_space<hbm>>) target(%dma_start3A_650 : memref<1x224x96xf32, #tpu.memory_space<vmem_shared>>) target_semaphore(%arg7 : memref<!tpu.dma_semaphore, #tpu.memory_space<semaphore_mem>>)
    %dma_wait3A_654 = arith.constant 1 : i32
    %dma_wait3A_655 = arith.constant 0 : i32
    %dma_wait3A_656 = arith.constant 0 : i32
    %dma_wait3A_657 = arith.constant 0 : i32
    %dma_wait3A_658 = tpu.memref_slice %arg6[%arg1, %dma_wait3A_654, %dma_wait3A_655, %dma_wait3A_656, %dma_wait3A_657] : memref<16x2x1x224x224xf32, #tpu.memory_space<vmem_shared>> -> memref<1x1x1x224x224xf32, #tpu.memory_space<vmem_shared>>
    %dma_wait3A_659 = tpu.memref_squeeze %dma_wait3A_658 : memref<1x1x1x224x224xf32, #tpu.memory_space<vmem_shared>> -> memref<1x224x224xf32, #tpu.memory_space<vmem_shared>>
    %dma_wait3A_660 = arith.constant 0 : i32
    %dma_wait3A_661 = arith.constant 0 : i32
    %dma_wait3A_662 = arith.constant 0 : i32
    %dma_wait3A_663 = tpu.memref_slice %dma_wait3A_659[%dma_wait3A_660, %dma_wait3A_661, %dma_wait3A_662] : memref<1x224x224xf32, #tpu.memory_space<vmem_shared>> -> memref<1x224x128xf32, #tpu.memory_space<vmem_shared>>
    %dma_wait3A_664 = arith.constant 0 : i32
    %dma_wait3A_665 = arith.constant 0 : i32
    %dma_wait3A_666 = arith.constant 0 : i32
    %dma_wait3A_667 = tpu.memref_slice %arg2[%dma_wait3A_664, %dma_wait3A_665, %dma_wait3A_666] : memref<768x224x224xf32, #tpu.memory_space<hbm>> -> memref<1x224x128xf32, #tpu.memory_space<hbm>>
    tpu.wait_dma2 semaphore(%arg8 : memref<!tpu.dma_semaphore, #tpu.memory_space<semaphore_mem>>) src(%dma_wait3A_667 : memref<1x224x128xf32, #tpu.memory_space<hbm>>) dst(%dma_wait3A_663 : memref<1x224x128xf32, #tpu.memory_space<vmem_shared>>)
    %dma_wait3A_668 = arith.constant 1 : i32
    %dma_wait3A_669 = arith.constant 0 : i32
    %dma_wait3A_670 = arith.constant 0 : i32
    %dma_wait3A_671 = arith.constant 0 : i32
    %dma_wait3A_672 = tpu.memref_slice %arg6[%arg1, %dma_wait3A_668, %dma_wait3A_669, %dma_wait3A_670, %dma_wait3A_671] : memref<16x2x1x224x224xf32, #tpu.memory_space<vmem_shared>> -> memref<1x1x1x224x224xf32, #tpu.memory_space<vmem_shared>>
    %dma_wait3A_673 = tpu.memref_squeeze %dma_wait3A_672 : memref<1x1x1x224x224xf32, #tpu.memory_space<vmem_shared>> -> memref<1x224x224xf32, #tpu.memory_space<vmem_shared>>
    %dma_wait3A_674 = arith.constant 0 : i32
    %dma_wait3A_675 = arith.constant 0 : i32
    %dma_wait3A_676 = arith.constant 128 : i32
    %dma_wait3A_677 = tpu.memref_slice %dma_wait3A_673[%dma_wait3A_674, %dma_wait3A_675, %dma_wait3A_676] : memref<1x224x224xf32, #tpu.memory_space<vmem_shared>> -> memref<1x224x96xf32, #tpu.memory_space<vmem_shared>>
    %dma_wait3A_678 = arith.constant 0 : i32
    %dma_wait3A_679 = arith.constant 0 : i32
    %dma_wait3A_680 = arith.constant 128 : i32
    %dma_wait3A_681 = tpu.memref_slice %arg2[%dma_wait3A_678, %dma_wait3A_679, %dma_wait3A_680] : memref<768x224x224xf32, #tpu.memory_space<hbm>> -> memref<1x224x96xf32, #tpu.memory_space<hbm>>
    tpu.wait_dma2 semaphore(%arg8 : memref<!tpu.dma_semaphore, #tpu.memory_space<semaphore_mem>>) src(%dma_wait3A_681 : memref<1x224x96xf32, #tpu.memory_space<hbm>>) dst(%dma_wait3A_677 : memref<1x224x96xf32, #tpu.memory_space<vmem_shared>>)
    %add3A_682 = arith.constant 5 : i32
    %add3A_683 = arith.addi %mul3A_2, %add3A_682 : i32
    %dma_start3A_684 = arith.constant 1 : i32
    %dma_start3A_685 = arith.constant 0 : i32
    %dma_start3A_686 = arith.constant 0 : i32
    %dma_start3A_687 = tpu.memref_slice %arg4[%add3A_683, %dma_start3A_685, %dma_start3A_686] : memref<768x224x224xf32, #tpu.memory_space<hbm>> -> memref<1x224x128xf32, #tpu.memory_space<hbm>>
    %dma_start3A_688 = arith.constant 0 : i32
    %dma_start3A_689 = arith.constant 0 : i32
    %dma_start3A_690 = arith.constant 0 : i32
    %dma_start3A_691 = tpu.memref_slice %arg6[%arg1, %dma_start3A_684, %dma_start3A_688, %dma_start3A_689, %dma_start3A_690] : memref<16x2x1x224x224xf32, #tpu.memory_space<vmem_shared>> -> memref<1x1x1x224x224xf32, #tpu.memory_space<vmem_shared>>
    %dma_start3A_692 = tpu.memref_squeeze %dma_start3A_691 : memref<1x1x1x224x224xf32, #tpu.memory_space<vmem_shared>> -> memref<1x224x224xf32, #tpu.memory_space<vmem_shared>>
    %dma_start3A_693 = arith.constant 0 : i32
    %dma_start3A_694 = arith.constant 0 : i32
    %dma_start3A_695 = arith.constant 0 : i32
    %dma_start3A_696 = tpu.memref_slice %dma_start3A_692[%dma_start3A_693, %dma_start3A_694, %dma_start3A_695] : memref<1x224x224xf32, #tpu.memory_space<vmem_shared>> -> memref<1x224x128xf32, #tpu.memory_space<vmem_shared>>
    tpu.enqueue_dma source(%dma_start3A_696 : memref<1x224x128xf32, #tpu.memory_space<vmem_shared>>) target(%dma_start3A_687 : memref<1x224x128xf32, #tpu.memory_space<hbm>>) target_semaphore(%arg10 : memref<!tpu.dma_semaphore, #tpu.memory_space<semaphore_mem>>)
    %add3A_697 = arith.constant 5 : i32
    %add3A_698 = arith.addi %mul3A_2, %add3A_697 : i32
    %dma_start3A_699 = arith.constant 1 : i32
    %dma_start3A_700 = arith.constant 0 : i32
    %dma_start3A_701 = arith.constant 128 : i32
    %dma_start3A_702 = tpu.memref_slice %arg4[%add3A_698, %dma_start3A_700, %dma_start3A_701] : memref<768x224x224xf32, #tpu.memory_space<hbm>> -> memref<1x224x96xf32, #tpu.memory_space<hbm>>
    %dma_start3A_703 = arith.constant 0 : i32
    %dma_start3A_704 = arith.constant 0 : i32
    %dma_start3A_705 = arith.constant 0 : i32
    %dma_start3A_706 = tpu.memref_slice %arg6[%arg1, %dma_start3A_699, %dma_start3A_703, %dma_start3A_704, %dma_start3A_705] : memref<16x2x1x224x224xf32, #tpu.memory_space<vmem_shared>> -> memref<1x1x1x224x224xf32, #tpu.memory_space<vmem_shared>>
    %dma_start3A_707 = tpu.memref_squeeze %dma_start3A_706 : memref<1x1x1x224x224xf32, #tpu.memory_space<vmem_shared>> -> memref<1x224x224xf32, #tpu.memory_space<vmem_shared>>
    %dma_start3A_708 = arith.constant 0 : i32
    %dma_start3A_709 = arith.constant 0 : i32
    %dma_start3A_710 = arith.constant 128 : i32
    %dma_start3A_711 = tpu.memref_slice %dma_start3A_707[%dma_start3A_708, %dma_start3A_709, %dma_start3A_710] : memref<1x224x224xf32, #tpu.memory_space<vmem_shared>> -> memref<1x224x96xf32, #tpu.memory_space<vmem_shared>>
    tpu.enqueue_dma source(%dma_start3A_711 : memref<1x224x96xf32, #tpu.memory_space<vmem_shared>>) target(%dma_start3A_702 : memref<1x224x96xf32, #tpu.memory_space<hbm>>) target_semaphore(%arg10 : memref<!tpu.dma_semaphore, #tpu.memory_space<semaphore_mem>>)
    %add3A_712 = arith.constant 5 : i32
    %add3A_713 = arith.addi %mul3A_2, %add3A_712 : i32
    %dma_wait3A_714 = arith.constant 1 : i32
    %dma_wait3A_715 = arith.constant 0 : i32
    %dma_wait3A_716 = arith.constant 0 : i32
    %dma_wait3A_717 = tpu.memref_slice %arg4[%add3A_713, %dma_wait3A_715, %dma_wait3A_716] : memref<768x224x224xf32, #tpu.memory_space<hbm>> -> memref<1x224x128xf32, #tpu.memory_space<hbm>>
    %dma_wait3A_718 = arith.constant 0 : i32
    %dma_wait3A_719 = arith.constant 0 : i32
    %dma_wait3A_720 = arith.constant 0 : i32
    %dma_wait3A_721 = tpu.memref_slice %arg6[%arg1, %dma_wait3A_714, %dma_wait3A_718, %dma_wait3A_719, %dma_wait3A_720] : memref<16x2x1x224x224xf32, #tpu.memory_space<vmem_shared>> -> memref<1x1x1x224x224xf32, #tpu.memory_space<vmem_shared>>
    %dma_wait3A_722 = tpu.memref_squeeze %dma_wait3A_721 : memref<1x1x1x224x224xf32, #tpu.memory_space<vmem_shared>> -> memref<1x224x224xf32, #tpu.memory_space<vmem_shared>>
    %dma_wait3A_723 = arith.constant 0 : i32
    %dma_wait3A_724 = arith.constant 0 : i32
    %dma_wait3A_725 = arith.constant 0 : i32
    %dma_wait3A_726 = tpu.memref_slice %dma_wait3A_722[%dma_wait3A_723, %dma_wait3A_724, %dma_wait3A_725] : memref<1x224x224xf32, #tpu.memory_space<vmem_shared>> -> memref<1x224x128xf32, #tpu.memory_space<vmem_shared>>
    tpu.wait_dma2 semaphore(%arg10 : memref<!tpu.dma_semaphore, #tpu.memory_space<semaphore_mem>>) src(%dma_wait3A_726 : memref<1x224x128xf32, #tpu.memory_space<vmem_shared>>) dst(%dma_wait3A_717 : memref<1x224x128xf32, #tpu.memory_space<hbm>>)
    %add3A_727 = arith.constant 5 : i32
    %add3A_728 = arith.addi %mul3A_2, %add3A_727 : i32
    %dma_wait3A_729 = arith.constant 1 : i32
    %dma_wait3A_730 = arith.constant 0 : i32
    %dma_wait3A_731 = arith.constant 128 : i32
    %dma_wait3A_732 = tpu.memref_slice %arg4[%add3A_728, %dma_wait3A_730, %dma_wait3A_731] : memref<768x224x224xf32, #tpu.memory_space<hbm>> -> memref<1x224x96xf32, #tpu.memory_space<hbm>>
    %dma_wait3A_733 = arith.constant 0 : i32
    %dma_wait3A_734 = arith.constant 0 : i32
    %dma_wait3A_735 = arith.constant 0 : i32
    %dma_wait3A_736 = tpu.memref_slice %arg6[%arg1, %dma_wait3A_729, %dma_wait3A_733, %dma_wait3A_734, %dma_wait3A_735] : memref<16x2x1x224x224xf32, #tpu.memory_space<vmem_shared>> -> memref<1x1x1x224x224xf32, #tpu.memory_space<vmem_shared>>
    %dma_wait3A_737 = tpu.memref_squeeze %dma_wait3A_736 : memref<1x1x1x224x224xf32, #tpu.memory_space<vmem_shared>> -> memref<1x224x224xf32, #tpu.memory_space<vmem_shared>>
    %dma_wait3A_738 = arith.constant 0 : i32
    %dma_wait3A_739 = arith.constant 0 : i32
    %dma_wait3A_740 = arith.constant 128 : i32
    %dma_wait3A_741 = tpu.memref_slice %dma_wait3A_737[%dma_wait3A_738, %dma_wait3A_739, %dma_wait3A_740] : memref<1x224x224xf32, #tpu.memory_space<vmem_shared>> -> memref<1x224x96xf32, #tpu.memory_space<vmem_shared>>
    tpu.wait_dma2 semaphore(%arg10 : memref<!tpu.dma_semaphore, #tpu.memory_space<semaphore_mem>>) src(%dma_wait3A_741 : memref<1x224x96xf32, #tpu.memory_space<vmem_shared>>) dst(%dma_wait3A_732 : memref<1x224x96xf32, #tpu.memory_space<hbm>>)
    %slice3A_742 = vector.extract_strided_slice %get3A_4 {offsets = [7], sizes = [1], strides = [1]} : vector<16xi32> to vector<1xi32>
    %squeeze3A_743 = vector.extract %slice3A_742[0] : i32 from vector<1xi32>
    %dma_start3A_744 = arith.constant 1 : i32
    %dma_start3A_745 = arith.constant 0 : i32
    %dma_start3A_746 = arith.constant 0 : i32
    %dma_start3A_747 = arith.constant 0 : i32
    %dma_start3A_748 = tpu.memref_slice %arg6[%arg1, %dma_start3A_744, %dma_start3A_745, %dma_start3A_746, %dma_start3A_747] : memref<16x2x1x224x224xf32, #tpu.memory_space<vmem_shared>> -> memref<1x1x1x224x224xf32, #tpu.memory_space<vmem_shared>>
    %dma_start3A_749 = tpu.memref_squeeze %dma_start3A_748 : memref<1x1x1x224x224xf32, #tpu.memory_space<vmem_shared>> -> memref<1x224x224xf32, #tpu.memory_space<vmem_shared>>
    %dma_start3A_750 = arith.constant 0 : i32
    %dma_start3A_751 = arith.constant 0 : i32
    %dma_start3A_752 = arith.constant 0 : i32
    %dma_start3A_753 = tpu.memref_slice %dma_start3A_749[%dma_start3A_750, %dma_start3A_751, %dma_start3A_752] : memref<1x224x224xf32, #tpu.memory_space<vmem_shared>> -> memref<1x224x128xf32, #tpu.memory_space<vmem_shared>>
    %dma_start3A_754 = arith.constant 0 : i32
    %dma_start3A_755 = arith.constant 0 : i32
    %dma_start3A_756 = tpu.memref_slice %arg2[%squeeze3A_743, %dma_start3A_754, %dma_start3A_755] : memref<768x224x224xf32, #tpu.memory_space<hbm>> -> memref<1x224x128xf32, #tpu.memory_space<hbm>>
    tpu.enqueue_dma source(%dma_start3A_756 : memref<1x224x128xf32, #tpu.memory_space<hbm>>) target(%dma_start3A_753 : memref<1x224x128xf32, #tpu.memory_space<vmem_shared>>) target_semaphore(%arg8 : memref<!tpu.dma_semaphore, #tpu.memory_space<semaphore_mem>>)
    %slice3A_757 = vector.extract_strided_slice %get3A_4 {offsets = [7], sizes = [1], strides = [1]} : vector<16xi32> to vector<1xi32>
    %squeeze3A_758 = vector.extract %slice3A_757[0] : i32 from vector<1xi32>
    %dma_start3A_759 = arith.constant 1 : i32
    %dma_start3A_760 = arith.constant 0 : i32
    %dma_start3A_761 = arith.constant 0 : i32
    %dma_start3A_762 = arith.constant 0 : i32
    %dma_start3A_763 = tpu.memref_slice %arg6[%arg1, %dma_start3A_759, %dma_start3A_760, %dma_start3A_761, %dma_start3A_762] : memref<16x2x1x224x224xf32, #tpu.memory_space<vmem_shared>> -> memref<1x1x1x224x224xf32, #tpu.memory_space<vmem_shared>>
    %dma_start3A_764 = tpu.memref_squeeze %dma_start3A_763 : memref<1x1x1x224x224xf32, #tpu.memory_space<vmem_shared>> -> memref<1x224x224xf32, #tpu.memory_space<vmem_shared>>
    %dma_start3A_765 = arith.constant 0 : i32
    %dma_start3A_766 = arith.constant 0 : i32
    %dma_start3A_767 = arith.constant 128 : i32
    %dma_start3A_768 = tpu.memref_slice %dma_start3A_764[%dma_start3A_765, %dma_start3A_766, %dma_start3A_767] : memref<1x224x224xf32, #tpu.memory_space<vmem_shared>> -> memref<1x224x96xf32, #tpu.memory_space<vmem_shared>>
    %dma_start3A_769 = arith.constant 0 : i32
    %dma_start3A_770 = arith.constant 128 : i32
    %dma_start3A_771 = tpu.memref_slice %arg2[%squeeze3A_758, %dma_start3A_769, %dma_start3A_770] : memref<768x224x224xf32, #tpu.memory_space<hbm>> -> memref<1x224x96xf32, #tpu.memory_space<hbm>>
    tpu.enqueue_dma source(%dma_start3A_771 : memref<1x224x96xf32, #tpu.memory_space<hbm>>) target(%dma_start3A_768 : memref<1x224x96xf32, #tpu.memory_space<vmem_shared>>) target_semaphore(%arg8 : memref<!tpu.dma_semaphore, #tpu.memory_space<semaphore_mem>>)
    %dma_wait3A_772 = arith.constant 0 : i32
    %dma_wait3A_773 = arith.constant 0 : i32
    %dma_wait3A_774 = arith.constant 0 : i32
    %dma_wait3A_775 = arith.constant 0 : i32
    %dma_wait3A_776 = tpu.memref_slice %arg6[%arg1, %dma_wait3A_772, %dma_wait3A_773, %dma_wait3A_774, %dma_wait3A_775] : memref<16x2x1x224x224xf32, #tpu.memory_space<vmem_shared>> -> memref<1x1x1x224x224xf32, #tpu.memory_space<vmem_shared>>
    %dma_wait3A_777 = tpu.memref_squeeze %dma_wait3A_776 : memref<1x1x1x224x224xf32, #tpu.memory_space<vmem_shared>> -> memref<1x224x224xf32, #tpu.memory_space<vmem_shared>>
    %dma_wait3A_778 = arith.constant 0 : i32
    %dma_wait3A_779 = arith.constant 0 : i32
    %dma_wait3A_780 = arith.constant 0 : i32
    %dma_wait3A_781 = tpu.memref_slice %dma_wait3A_777[%dma_wait3A_778, %dma_wait3A_779, %dma_wait3A_780] : memref<1x224x224xf32, #tpu.memory_space<vmem_shared>> -> memref<1x224x128xf32, #tpu.memory_space<vmem_shared>>
    %dma_wait3A_782 = arith.constant 0 : i32
    %dma_wait3A_783 = arith.constant 0 : i32
    %dma_wait3A_784 = arith.constant 0 : i32
    %dma_wait3A_785 = tpu.memref_slice %arg2[%dma_wait3A_782, %dma_wait3A_783, %dma_wait3A_784] : memref<768x224x224xf32, #tpu.memory_space<hbm>> -> memref<1x224x128xf32, #tpu.memory_space<hbm>>
    tpu.wait_dma2 semaphore(%arg7 : memref<!tpu.dma_semaphore, #tpu.memory_space<semaphore_mem>>) src(%dma_wait3A_785 : memref<1x224x128xf32, #tpu.memory_space<hbm>>) dst(%dma_wait3A_781 : memref<1x224x128xf32, #tpu.memory_space<vmem_shared>>)
    %dma_wait3A_786 = arith.constant 0 : i32
    %dma_wait3A_787 = arith.constant 0 : i32
    %dma_wait3A_788 = arith.constant 0 : i32
    %dma_wait3A_789 = arith.constant 0 : i32
    %dma_wait3A_790 = tpu.memref_slice %arg6[%arg1, %dma_wait3A_786, %dma_wait3A_787, %dma_wait3A_788, %dma_wait3A_789] : memref<16x2x1x224x224xf32, #tpu.memory_space<vmem_shared>> -> memref<1x1x1x224x224xf32, #tpu.memory_space<vmem_shared>>
    %dma_wait3A_791 = tpu.memref_squeeze %dma_wait3A_790 : memref<1x1x1x224x224xf32, #tpu.memory_space<vmem_shared>> -> memref<1x224x224xf32, #tpu.memory_space<vmem_shared>>
    %dma_wait3A_792 = arith.constant 0 : i32
    %dma_wait3A_793 = arith.constant 0 : i32
    %dma_wait3A_794 = arith.constant 128 : i32
    %dma_wait3A_795 = tpu.memref_slice %dma_wait3A_791[%dma_wait3A_792, %dma_wait3A_793, %dma_wait3A_794] : memref<1x224x224xf32, #tpu.memory_space<vmem_shared>> -> memref<1x224x96xf32, #tpu.memory_space<vmem_shared>>
    %dma_wait3A_796 = arith.constant 0 : i32
    %dma_wait3A_797 = arith.constant 0 : i32
    %dma_wait3A_798 = arith.constant 128 : i32
    %dma_wait3A_799 = tpu.memref_slice %arg2[%dma_wait3A_796, %dma_wait3A_797, %dma_wait3A_798] : memref<768x224x224xf32, #tpu.memory_space<hbm>> -> memref<1x224x96xf32, #tpu.memory_space<hbm>>
    tpu.wait_dma2 semaphore(%arg7 : memref<!tpu.dma_semaphore, #tpu.memory_space<semaphore_mem>>) src(%dma_wait3A_799 : memref<1x224x96xf32, #tpu.memory_space<hbm>>) dst(%dma_wait3A_795 : memref<1x224x96xf32, #tpu.memory_space<vmem_shared>>)
    %add3A_800 = arith.constant 6 : i32
    %add3A_801 = arith.addi %mul3A_2, %add3A_800 : i32
    %dma_start3A_802 = arith.constant 0 : i32
    %dma_start3A_803 = arith.constant 0 : i32
    %dma_start3A_804 = arith.constant 0 : i32
    %dma_start3A_805 = tpu.memref_slice %arg4[%add3A_801, %dma_start3A_803, %dma_start3A_804] : memref<768x224x224xf32, #tpu.memory_space<hbm>> -> memref<1x224x128xf32, #tpu.memory_space<hbm>>
    %dma_start3A_806 = arith.constant 0 : i32
    %dma_start3A_807 = arith.constant 0 : i32
    %dma_start3A_808 = arith.constant 0 : i32
    %dma_start3A_809 = tpu.memref_slice %arg6[%arg1, %dma_start3A_802, %dma_start3A_806, %dma_start3A_807, %dma_start3A_808] : memref<16x2x1x224x224xf32, #tpu.memory_space<vmem_shared>> -> memref<1x1x1x224x224xf32, #tpu.memory_space<vmem_shared>>
    %dma_start3A_810 = tpu.memref_squeeze %dma_start3A_809 : memref<1x1x1x224x224xf32, #tpu.memory_space<vmem_shared>> -> memref<1x224x224xf32, #tpu.memory_space<vmem_shared>>
    %dma_start3A_811 = arith.constant 0 : i32
    %dma_start3A_812 = arith.constant 0 : i32
    %dma_start3A_813 = arith.constant 0 : i32
    %dma_start3A_814 = tpu.memref_slice %dma_start3A_810[%dma_start3A_811, %dma_start3A_812, %dma_start3A_813] : memref<1x224x224xf32, #tpu.memory_space<vmem_shared>> -> memref<1x224x128xf32, #tpu.memory_space<vmem_shared>>
    tpu.enqueue_dma source(%dma_start3A_814 : memref<1x224x128xf32, #tpu.memory_space<vmem_shared>>) target(%dma_start3A_805 : memref<1x224x128xf32, #tpu.memory_space<hbm>>) target_semaphore(%arg9 : memref<!tpu.dma_semaphore, #tpu.memory_space<semaphore_mem>>)
    %add3A_815 = arith.constant 6 : i32
    %add3A_816 = arith.addi %mul3A_2, %add3A_815 : i32
    %dma_start3A_817 = arith.constant 0 : i32
    %dma_start3A_818 = arith.constant 0 : i32
    %dma_start3A_819 = arith.constant 128 : i32
    %dma_start3A_820 = tpu.memref_slice %arg4[%add3A_816, %dma_start3A_818, %dma_start3A_819] : memref<768x224x224xf32, #tpu.memory_space<hbm>> -> memref<1x224x96xf32, #tpu.memory_space<hbm>>
    %dma_start3A_821 = arith.constant 0 : i32
    %dma_start3A_822 = arith.constant 0 : i32
    %dma_start3A_823 = arith.constant 0 : i32
    %dma_start3A_824 = tpu.memref_slice %arg6[%arg1, %dma_start3A_817, %dma_start3A_821, %dma_start3A_822, %dma_start3A_823] : memref<16x2x1x224x224xf32, #tpu.memory_space<vmem_shared>> -> memref<1x1x1x224x224xf32, #tpu.memory_space<vmem_shared>>
    %dma_start3A_825 = tpu.memref_squeeze %dma_start3A_824 : memref<1x1x1x224x224xf32, #tpu.memory_space<vmem_shared>> -> memref<1x224x224xf32, #tpu.memory_space<vmem_shared>>
    %dma_start3A_826 = arith.constant 0 : i32
    %dma_start3A_827 = arith.constant 0 : i32
    %dma_start3A_828 = arith.constant 128 : i32
    %dma_start3A_829 = tpu.memref_slice %dma_start3A_825[%dma_start3A_826, %dma_start3A_827, %dma_start3A_828] : memref<1x224x224xf32, #tpu.memory_space<vmem_shared>> -> memref<1x224x96xf32, #tpu.memory_space<vmem_shared>>
    tpu.enqueue_dma source(%dma_start3A_829 : memref<1x224x96xf32, #tpu.memory_space<vmem_shared>>) target(%dma_start3A_820 : memref<1x224x96xf32, #tpu.memory_space<hbm>>) target_semaphore(%arg9 : memref<!tpu.dma_semaphore, #tpu.memory_space<semaphore_mem>>)
    %add3A_830 = arith.constant 6 : i32
    %add3A_831 = arith.addi %mul3A_2, %add3A_830 : i32
    %dma_wait3A_832 = arith.constant 0 : i32
    %dma_wait3A_833 = arith.constant 0 : i32
    %dma_wait3A_834 = arith.constant 0 : i32
    %dma_wait3A_835 = tpu.memref_slice %arg4[%add3A_831, %dma_wait3A_833, %dma_wait3A_834] : memref<768x224x224xf32, #tpu.memory_space<hbm>> -> memref<1x224x128xf32, #tpu.memory_space<hbm>>
    %dma_wait3A_836 = arith.constant 0 : i32
    %dma_wait3A_837 = arith.constant 0 : i32
    %dma_wait3A_838 = arith.constant 0 : i32
    %dma_wait3A_839 = tpu.memref_slice %arg6[%arg1, %dma_wait3A_832, %dma_wait3A_836, %dma_wait3A_837, %dma_wait3A_838] : memref<16x2x1x224x224xf32, #tpu.memory_space<vmem_shared>> -> memref<1x1x1x224x224xf32, #tpu.memory_space<vmem_shared>>
    %dma_wait3A_840 = tpu.memref_squeeze %dma_wait3A_839 : memref<1x1x1x224x224xf32, #tpu.memory_space<vmem_shared>> -> memref<1x224x224xf32, #tpu.memory_space<vmem_shared>>
    %dma_wait3A_841 = arith.constant 0 : i32
    %dma_wait3A_842 = arith.constant 0 : i32
    %dma_wait3A_843 = arith.constant 0 : i32
    %dma_wait3A_844 = tpu.memref_slice %dma_wait3A_840[%dma_wait3A_841, %dma_wait3A_842, %dma_wait3A_843] : memref<1x224x224xf32, #tpu.memory_space<vmem_shared>> -> memref<1x224x128xf32, #tpu.memory_space<vmem_shared>>
    tpu.wait_dma2 semaphore(%arg9 : memref<!tpu.dma_semaphore, #tpu.memory_space<semaphore_mem>>) src(%dma_wait3A_844 : memref<1x224x128xf32, #tpu.memory_space<vmem_shared>>) dst(%dma_wait3A_835 : memref<1x224x128xf32, #tpu.memory_space<hbm>>)
    %add3A_845 = arith.constant 6 : i32
    %add3A_846 = arith.addi %mul3A_2, %add3A_845 : i32
    %dma_wait3A_847 = arith.constant 0 : i32
    %dma_wait3A_848 = arith.constant 0 : i32
    %dma_wait3A_849 = arith.constant 128 : i32
    %dma_wait3A_850 = tpu.memref_slice %arg4[%add3A_846, %dma_wait3A_848, %dma_wait3A_849] : memref<768x224x224xf32, #tpu.memory_space<hbm>> -> memref<1x224x96xf32, #tpu.memory_space<hbm>>
    %dma_wait3A_851 = arith.constant 0 : i32
    %dma_wait3A_852 = arith.constant 0 : i32
    %dma_wait3A_853 = arith.constant 0 : i32
    %dma_wait3A_854 = tpu.memref_slice %arg6[%arg1, %dma_wait3A_847, %dma_wait3A_851, %dma_wait3A_852, %dma_wait3A_853] : memref<16x2x1x224x224xf32, #tpu.memory_space<vmem_shared>> -> memref<1x1x1x224x224xf32, #tpu.memory_space<vmem_shared>>
    %dma_wait3A_855 = tpu.memref_squeeze %dma_wait3A_854 : memref<1x1x1x224x224xf32, #tpu.memory_space<vmem_shared>> -> memref<1x224x224xf32, #tpu.memory_space<vmem_shared>>
    %dma_wait3A_856 = arith.constant 0 : i32
    %dma_wait3A_857 = arith.constant 0 : i32
    %dma_wait3A_858 = arith.constant 128 : i32
    %dma_wait3A_859 = tpu.memref_slice %dma_wait3A_855[%dma_wait3A_856, %dma_wait3A_857, %dma_wait3A_858] : memref<1x224x224xf32, #tpu.memory_space<vmem_shared>> -> memref<1x224x96xf32, #tpu.memory_space<vmem_shared>>
    tpu.wait_dma2 semaphore(%arg9 : memref<!tpu.dma_semaphore, #tpu.memory_space<semaphore_mem>>) src(%dma_wait3A_859 : memref<1x224x96xf32, #tpu.memory_space<vmem_shared>>) dst(%dma_wait3A_850 : memref<1x224x96xf32, #tpu.memory_space<hbm>>)
    %slice3A_860 = vector.extract_strided_slice %get3A_4 {offsets = [8], sizes = [1], strides = [1]} : vector<16xi32> to vector<1xi32>
    %squeeze3A_861 = vector.extract %slice3A_860[0] : i32 from vector<1xi32>
    %dma_start3A_862 = arith.constant 0 : i32
    %dma_start3A_863 = arith.constant 0 : i32
    %dma_start3A_864 = arith.constant 0 : i32
    %dma_start3A_865 = arith.constant 0 : i32
    %dma_start3A_866 = tpu.memref_slice %arg6[%arg1, %dma_start3A_862, %dma_start3A_863, %dma_start3A_864, %dma_start3A_865] : memref<16x2x1x224x224xf32, #tpu.memory_space<vmem_shared>> -> memref<1x1x1x224x224xf32, #tpu.memory_space<vmem_shared>>
    %dma_start3A_867 = tpu.memref_squeeze %dma_start3A_866 : memref<1x1x1x224x224xf32, #tpu.memory_space<vmem_shared>> -> memref<1x224x224xf32, #tpu.memory_space<vmem_shared>>
    %dma_start3A_868 = arith.constant 0 : i32
    %dma_start3A_869 = arith.constant 0 : i32
    %dma_start3A_870 = arith.constant 0 : i32
    %dma_start3A_871 = tpu.memref_slice %dma_start3A_867[%dma_start3A_868, %dma_start3A_869, %dma_start3A_870] : memref<1x224x224xf32, #tpu.memory_space<vmem_shared>> -> memref<1x224x128xf32, #tpu.memory_space<vmem_shared>>
    %dma_start3A_872 = arith.constant 0 : i32
    %dma_start3A_873 = arith.constant 0 : i32
    %dma_start3A_874 = tpu.memref_slice %arg2[%squeeze3A_861, %dma_start3A_872, %dma_start3A_873] : memref<768x224x224xf32, #tpu.memory_space<hbm>> -> memref<1x224x128xf32, #tpu.memory_space<hbm>>
    tpu.enqueue_dma source(%dma_start3A_874 : memref<1x224x128xf32, #tpu.memory_space<hbm>>) target(%dma_start3A_871 : memref<1x224x128xf32, #tpu.memory_space<vmem_shared>>) target_semaphore(%arg7 : memref<!tpu.dma_semaphore, #tpu.memory_space<semaphore_mem>>)
    %slice3A_875 = vector.extract_strided_slice %get3A_4 {offsets = [8], sizes = [1], strides = [1]} : vector<16xi32> to vector<1xi32>
    %squeeze3A_876 = vector.extract %slice3A_875[0] : i32 from vector<1xi32>
    %dma_start3A_877 = arith.constant 0 : i32
    %dma_start3A_878 = arith.constant 0 : i32
    %dma_start3A_879 = arith.constant 0 : i32
    %dma_start3A_880 = arith.constant 0 : i32
    %dma_start3A_881 = tpu.memref_slice %arg6[%arg1, %dma_start3A_877, %dma_start3A_878, %dma_start3A_879, %dma_start3A_880] : memref<16x2x1x224x224xf32, #tpu.memory_space<vmem_shared>> -> memref<1x1x1x224x224xf32, #tpu.memory_space<vmem_shared>>
    %dma_start3A_882 = tpu.memref_squeeze %dma_start3A_881 : memref<1x1x1x224x224xf32, #tpu.memory_space<vmem_shared>> -> memref<1x224x224xf32, #tpu.memory_space<vmem_shared>>
    %dma_start3A_883 = arith.constant 0 : i32
    %dma_start3A_884 = arith.constant 0 : i32
    %dma_start3A_885 = arith.constant 128 : i32
    %dma_start3A_886 = tpu.memref_slice %dma_start3A_882[%dma_start3A_883, %dma_start3A_884, %dma_start3A_885] : memref<1x224x224xf32, #tpu.memory_space<vmem_shared>> -> memref<1x224x96xf32, #tpu.memory_space<vmem_shared>>
    %dma_start3A_887 = arith.constant 0 : i32
    %dma_start3A_888 = arith.constant 128 : i32
    %dma_start3A_889 = tpu.memref_slice %arg2[%squeeze3A_876, %dma_start3A_887, %dma_start3A_888] : memref<768x224x224xf32, #tpu.memory_space<hbm>> -> memref<1x224x96xf32, #tpu.memory_space<hbm>>
    tpu.enqueue_dma source(%dma_start3A_889 : memref<1x224x96xf32, #tpu.memory_space<hbm>>) target(%dma_start3A_886 : memref<1x224x96xf32, #tpu.memory_space<vmem_shared>>) target_semaphore(%arg7 : memref<!tpu.dma_semaphore, #tpu.memory_space<semaphore_mem>>)
    %dma_wait3A_890 = arith.constant 1 : i32
    %dma_wait3A_891 = arith.constant 0 : i32
    %dma_wait3A_892 = arith.constant 0 : i32
    %dma_wait3A_893 = arith.constant 0 : i32
    %dma_wait3A_894 = tpu.memref_slice %arg6[%arg1, %dma_wait3A_890, %dma_wait3A_891, %dma_wait3A_892, %dma_wait3A_893] : memref<16x2x1x224x224xf32, #tpu.memory_space<vmem_shared>> -> memref<1x1x1x224x224xf32, #tpu.memory_space<vmem_shared>>
    %dma_wait3A_895 = tpu.memref_squeeze %dma_wait3A_894 : memref<1x1x1x224x224xf32, #tpu.memory_space<vmem_shared>> -> memref<1x224x224xf32, #tpu.memory_space<vmem_shared>>
    %dma_wait3A_896 = arith.constant 0 : i32
    %dma_wait3A_897 = arith.constant 0 : i32
    %dma_wait3A_898 = arith.constant 0 : i32
    %dma_wait3A_899 = tpu.memref_slice %dma_wait3A_895[%dma_wait3A_896, %dma_wait3A_897, %dma_wait3A_898] : memref<1x224x224xf32, #tpu.memory_space<vmem_shared>> -> memref<1x224x128xf32, #tpu.memory_space<vmem_shared>>
    %dma_wait3A_900 = arith.constant 0 : i32
    %dma_wait3A_901 = arith.constant 0 : i32
    %dma_wait3A_902 = arith.constant 0 : i32
    %dma_wait3A_903 = tpu.memref_slice %arg2[%dma_wait3A_900, %dma_wait3A_901, %dma_wait3A_902] : memref<768x224x224xf32, #tpu.memory_space<hbm>> -> memref<1x224x128xf32, #tpu.memory_space<hbm>>
    tpu.wait_dma2 semaphore(%arg8 : memref<!tpu.dma_semaphore, #tpu.memory_space<semaphore_mem>>) src(%dma_wait3A_903 : memref<1x224x128xf32, #tpu.memory_space<hbm>>) dst(%dma_wait3A_899 : memref<1x224x128xf32, #tpu.memory_space<vmem_shared>>)
    %dma_wait3A_904 = arith.constant 1 : i32
    %dma_wait3A_905 = arith.constant 0 : i32
    %dma_wait3A_906 = arith.constant 0 : i32
    %dma_wait3A_907 = arith.constant 0 : i32
    %dma_wait3A_908 = tpu.memref_slice %arg6[%arg1, %dma_wait3A_904, %dma_wait3A_905, %dma_wait3A_906, %dma_wait3A_907] : memref<16x2x1x224x224xf32, #tpu.memory_space<vmem_shared>> -> memref<1x1x1x224x224xf32, #tpu.memory_space<vmem_shared>>
    %dma_wait3A_909 = tpu.memref_squeeze %dma_wait3A_908 : memref<1x1x1x224x224xf32, #tpu.memory_space<vmem_shared>> -> memref<1x224x224xf32, #tpu.memory_space<vmem_shared>>
    %dma_wait3A_910 = arith.constant 0 : i32
    %dma_wait3A_911 = arith.constant 0 : i32
    %dma_wait3A_912 = arith.constant 128 : i32
    %dma_wait3A_913 = tpu.memref_slice %dma_wait3A_909[%dma_wait3A_910, %dma_wait3A_911, %dma_wait3A_912] : memref<1x224x224xf32, #tpu.memory_space<vmem_shared>> -> memref<1x224x96xf32, #tpu.memory_space<vmem_shared>>
    %dma_wait3A_914 = arith.constant 0 : i32
    %dma_wait3A_915 = arith.constant 0 : i32
    %dma_wait3A_916 = arith.constant 128 : i32
    %dma_wait3A_917 = tpu.memref_slice %arg2[%dma_wait3A_914, %dma_wait3A_915, %dma_wait3A_916] : memref<768x224x224xf32, #tpu.memory_space<hbm>> -> memref<1x224x96xf32, #tpu.memory_space<hbm>>
    tpu.wait_dma2 semaphore(%arg8 : memref<!tpu.dma_semaphore, #tpu.memory_space<semaphore_mem>>) src(%dma_wait3A_917 : memref<1x224x96xf32, #tpu.memory_space<hbm>>) dst(%dma_wait3A_913 : memref<1x224x96xf32, #tpu.memory_space<vmem_shared>>)
    %add3A_918 = arith.constant 7 : i32
    %add3A_919 = arith.addi %mul3A_2, %add3A_918 : i32
    %dma_start3A_920 = arith.constant 1 : i32
    %dma_start3A_921 = arith.constant 0 : i32
    %dma_start3A_922 = arith.constant 0 : i32
    %dma_start3A_923 = tpu.memref_slice %arg4[%add3A_919, %dma_start3A_921, %dma_start3A_922] : memref<768x224x224xf32, #tpu.memory_space<hbm>> -> memref<1x224x128xf32, #tpu.memory_space<hbm>>
    %dma_start3A_924 = arith.constant 0 : i32
    %dma_start3A_925 = arith.constant 0 : i32
    %dma_start3A_926 = arith.constant 0 : i32
    %dma_start3A_927 = tpu.memref_slice %arg6[%arg1, %dma_start3A_920, %dma_start3A_924, %dma_start3A_925, %dma_start3A_926] : memref<16x2x1x224x224xf32, #tpu.memory_space<vmem_shared>> -> memref<1x1x1x224x224xf32, #tpu.memory_space<vmem_shared>>
    %dma_start3A_928 = tpu.memref_squeeze %dma_start3A_927 : memref<1x1x1x224x224xf32, #tpu.memory_space<vmem_shared>> -> memref<1x224x224xf32, #tpu.memory_space<vmem_shared>>
    %dma_start3A_929 = arith.constant 0 : i32
    %dma_start3A_930 = arith.constant 0 : i32
    %dma_start3A_931 = arith.constant 0 : i32
    %dma_start3A_932 = tpu.memref_slice %dma_start3A_928[%dma_start3A_929, %dma_start3A_930, %dma_start3A_931] : memref<1x224x224xf32, #tpu.memory_space<vmem_shared>> -> memref<1x224x128xf32, #tpu.memory_space<vmem_shared>>
    tpu.enqueue_dma source(%dma_start3A_932 : memref<1x224x128xf32, #tpu.memory_space<vmem_shared>>) target(%dma_start3A_923 : memref<1x224x128xf32, #tpu.memory_space<hbm>>) target_semaphore(%arg10 : memref<!tpu.dma_semaphore, #tpu.memory_space<semaphore_mem>>)
    %add3A_933 = arith.constant 7 : i32
    %add3A_934 = arith.addi %mul3A_2, %add3A_933 : i32
    %dma_start3A_935 = arith.constant 1 : i32
    %dma_start3A_936 = arith.constant 0 : i32
    %dma_start3A_937 = arith.constant 128 : i32
    %dma_start3A_938 = tpu.memref_slice %arg4[%add3A_934, %dma_start3A_936, %dma_start3A_937] : memref<768x224x224xf32, #tpu.memory_space<hbm>> -> memref<1x224x96xf32, #tpu.memory_space<hbm>>
    %dma_start3A_939 = arith.constant 0 : i32
    %dma_start3A_940 = arith.constant 0 : i32
    %dma_start3A_941 = arith.constant 0 : i32
    %dma_start3A_942 = tpu.memref_slice %arg6[%arg1, %dma_start3A_935, %dma_start3A_939, %dma_start3A_940, %dma_start3A_941] : memref<16x2x1x224x224xf32, #tpu.memory_space<vmem_shared>> -> memref<1x1x1x224x224xf32, #tpu.memory_space<vmem_shared>>
    %dma_start3A_943 = tpu.memref_squeeze %dma_start3A_942 : memref<1x1x1x224x224xf32, #tpu.memory_space<vmem_shared>> -> memref<1x224x224xf32, #tpu.memory_space<vmem_shared>>
    %dma_start3A_944 = arith.constant 0 : i32
    %dma_start3A_945 = arith.constant 0 : i32
    %dma_start3A_946 = arith.constant 128 : i32
    %dma_start3A_947 = tpu.memref_slice %dma_start3A_943[%dma_start3A_944, %dma_start3A_945, %dma_start3A_946] : memref<1x224x224xf32, #tpu.memory_space<vmem_shared>> -> memref<1x224x96xf32, #tpu.memory_space<vmem_shared>>
    tpu.enqueue_dma source(%dma_start3A_947 : memref<1x224x96xf32, #tpu.memory_space<vmem_shared>>) target(%dma_start3A_938 : memref<1x224x96xf32, #tpu.memory_space<hbm>>) target_semaphore(%arg10 : memref<!tpu.dma_semaphore, #tpu.memory_space<semaphore_mem>>)
    %add3A_948 = arith.constant 7 : i32
    %add3A_949 = arith.addi %mul3A_2, %add3A_948 : i32
    %dma_wait3A_950 = arith.constant 1 : i32
    %dma_wait3A_951 = arith.constant 0 : i32
    %dma_wait3A_952 = arith.constant 0 : i32
    %dma_wait3A_953 = tpu.memref_slice %arg4[%add3A_949, %dma_wait3A_951, %dma_wait3A_952] : memref<768x224x224xf32, #tpu.memory_space<hbm>> -> memref<1x224x128xf32, #tpu.memory_space<hbm>>
    %dma_wait3A_954 = arith.constant 0 : i32
    %dma_wait3A_955 = arith.constant 0 : i32
    %dma_wait3A_956 = arith.constant 0 : i32
    %dma_wait3A_957 = tpu.memref_slice %arg6[%arg1, %dma_wait3A_950, %dma_wait3A_954, %dma_wait3A_955, %dma_wait3A_956] : memref<16x2x1x224x224xf32, #tpu.memory_space<vmem_shared>> -> memref<1x1x1x224x224xf32, #tpu.memory_space<vmem_shared>>
    %dma_wait3A_958 = tpu.memref_squeeze %dma_wait3A_957 : memref<1x1x1x224x224xf32, #tpu.memory_space<vmem_shared>> -> memref<1x224x224xf32, #tpu.memory_space<vmem_shared>>
    %dma_wait3A_959 = arith.constant 0 : i32
    %dma_wait3A_960 = arith.constant 0 : i32
    %dma_wait3A_961 = arith.constant 0 : i32
    %dma_wait3A_962 = tpu.memref_slice %dma_wait3A_958[%dma_wait3A_959, %dma_wait3A_960, %dma_wait3A_961] : memref<1x224x224xf32, #tpu.memory_space<vmem_shared>> -> memref<1x224x128xf32, #tpu.memory_space<vmem_shared>>
    tpu.wait_dma2 semaphore(%arg10 : memref<!tpu.dma_semaphore, #tpu.memory_space<semaphore_mem>>) src(%dma_wait3A_962 : memref<1x224x128xf32, #tpu.memory_space<vmem_shared>>) dst(%dma_wait3A_953 : memref<1x224x128xf32, #tpu.memory_space<hbm>>)
    %add3A_963 = arith.constant 7 : i32
    %add3A_964 = arith.addi %mul3A_2, %add3A_963 : i32
    %dma_wait3A_965 = arith.constant 1 : i32
    %dma_wait3A_966 = arith.constant 0 : i32
    %dma_wait3A_967 = arith.constant 128 : i32
    %dma_wait3A_968 = tpu.memref_slice %arg4[%add3A_964, %dma_wait3A_966, %dma_wait3A_967] : memref<768x224x224xf32, #tpu.memory_space<hbm>> -> memref<1x224x96xf32, #tpu.memory_space<hbm>>
    %dma_wait3A_969 = arith.constant 0 : i32
    %dma_wait3A_970 = arith.constant 0 : i32
    %dma_wait3A_971 = arith.constant 0 : i32
    %dma_wait3A_972 = tpu.memref_slice %arg6[%arg1, %dma_wait3A_965, %dma_wait3A_969, %dma_wait3A_970, %dma_wait3A_971] : memref<16x2x1x224x224xf32, #tpu.memory_space<vmem_shared>> -> memref<1x1x1x224x224xf32, #tpu.memory_space<vmem_shared>>
    %dma_wait3A_973 = tpu.memref_squeeze %dma_wait3A_972 : memref<1x1x1x224x224xf32, #tpu.memory_space<vmem_shared>> -> memref<1x224x224xf32, #tpu.memory_space<vmem_shared>>
    %dma_wait3A_974 = arith.constant 0 : i32
    %dma_wait3A_975 = arith.constant 0 : i32
    %dma_wait3A_976 = arith.constant 128 : i32
    %dma_wait3A_977 = tpu.memref_slice %dma_wait3A_973[%dma_wait3A_974, %dma_wait3A_975, %dma_wait3A_976] : memref<1x224x224xf32, #tpu.memory_space<vmem_shared>> -> memref<1x224x96xf32, #tpu.memory_space<vmem_shared>>
    tpu.wait_dma2 semaphore(%arg10 : memref<!tpu.dma_semaphore, #tpu.memory_space<semaphore_mem>>) src(%dma_wait3A_977 : memref<1x224x96xf32, #tpu.memory_space<vmem_shared>>) dst(%dma_wait3A_968 : memref<1x224x96xf32, #tpu.memory_space<hbm>>)
    %slice3A_978 = vector.extract_strided_slice %get3A_4 {offsets = [9], sizes = [1], strides = [1]} : vector<16xi32> to vector<1xi32>
    %squeeze3A_979 = vector.extract %slice3A_978[0] : i32 from vector<1xi32>
    %dma_start3A_980 = arith.constant 1 : i32
    %dma_start3A_981 = arith.constant 0 : i32
    %dma_start3A_982 = arith.constant 0 : i32
    %dma_start3A_983 = arith.constant 0 : i32
    %dma_start3A_984 = tpu.memref_slice %arg6[%arg1, %dma_start3A_980, %dma_start3A_981, %dma_start3A_982, %dma_start3A_983] : memref<16x2x1x224x224xf32, #tpu.memory_space<vmem_shared>> -> memref<1x1x1x224x224xf32, #tpu.memory_space<vmem_shared>>
    %dma_start3A_985 = tpu.memref_squeeze %dma_start3A_984 : memref<1x1x1x224x224xf32, #tpu.memory_space<vmem_shared>> -> memref<1x224x224xf32, #tpu.memory_space<vmem_shared>>
    %dma_start3A_986 = arith.constant 0 : i32
    %dma_start3A_987 = arith.constant 0 : i32
    %dma_start3A_988 = arith.constant 0 : i32
    %dma_start3A_989 = tpu.memref_slice %dma_start3A_985[%dma_start3A_986, %dma_start3A_987, %dma_start3A_988] : memref<1x224x224xf32, #tpu.memory_space<vmem_shared>> -> memref<1x224x128xf32, #tpu.memory_space<vmem_shared>>
    %dma_start3A_990 = arith.constant 0 : i32
    %dma_start3A_991 = arith.constant 0 : i32
    %dma_start3A_992 = tpu.memref_slice %arg2[%squeeze3A_979, %dma_start3A_990, %dma_start3A_991] : memref<768x224x224xf32, #tpu.memory_space<hbm>> -> memref<1x224x128xf32, #tpu.memory_space<hbm>>
    tpu.enqueue_dma source(%dma_start3A_992 : memref<1x224x128xf32, #tpu.memory_space<hbm>>) target(%dma_start3A_989 : memref<1x224x128xf32, #tpu.memory_space<vmem_shared>>) target_semaphore(%arg8 : memref<!tpu.dma_semaphore, #tpu.memory_space<semaphore_mem>>)
    %slice3A_993 = vector.extract_strided_slice %get3A_4 {offsets = [9], sizes = [1], strides = [1]} : vector<16xi32> to vector<1xi32>
    %squeeze3A_994 = vector.extract %slice3A_993[0] : i32 from vector<1xi32>
    %dma_start3A_995 = arith.constant 1 : i32
    %dma_start3A_996 = arith.constant 0 : i32
    %dma_start3A_997 = arith.constant 0 : i32
    %dma_start3A_998 = arith.constant 0 : i32
    %dma_start3A_999 = tpu.memref_slice %arg6[%arg1, %dma_start3A_995, %dma_start3A_996, %dma_start3A_997, %dma_start3A_998] : memref<16x2x1x224x224xf32, #tpu.memory_space<vmem_shared>> -> memref<1x1x1x224x224xf32, #tpu.memory_space<vmem_shared>>
    %dma_start3A_1000 = tpu.memref_squeeze %dma_start3A_999 : memref<1x1x1x224x224xf32, #tpu.memory_space<vmem_shared>> -> memref<1x224x224xf32, #tpu.memory_space<vmem_shared>>
    %dma_start3A_1001 = arith.constant 0 : i32
    %dma_start3A_1002 = arith.constant 0 : i32
    %dma_start3A_1003 = arith.constant 128 : i32
    %dma_start3A_1004 = tpu.memref_slice %dma_start3A_1000[%dma_start3A_1001, %dma_start3A_1002, %dma_start3A_1003] : memref<1x224x224xf32, #tpu.memory_space<vmem_shared>> -> memref<1x224x96xf32, #tpu.memory_space<vmem_shared>>
    %dma_start3A_1005 = arith.constant 0 : i32
    %dma_start3A_1006 = arith.constant 128 : i32
    %dma_start3A_1007 = tpu.memref_slice %arg2[%squeeze3A_994, %dma_start3A_1005, %dma_start3A_1006] : memref<768x224x224xf32, #tpu.memory_space<hbm>> -> memref<1x224x96xf32, #tpu.memory_space<hbm>>
    tpu.enqueue_dma source(%dma_start3A_1007 : memref<1x224x96xf32, #tpu.memory_space<hbm>>) target(%dma_start3A_1004 : memref<1x224x96xf32, #tpu.memory_space<vmem_shared>>) target_semaphore(%arg8 : memref<!tpu.dma_semaphore, #tpu.memory_space<semaphore_mem>>)
    %dma_wait3A_1008 = arith.constant 0 : i32
    %dma_wait3A_1009 = arith.constant 0 : i32
    %dma_wait3A_1010 = arith.constant 0 : i32
    %dma_wait3A_1011 = arith.constant 0 : i32
    %dma_wait3A_1012 = tpu.memref_slice %arg6[%arg1, %dma_wait3A_1008, %dma_wait3A_1009, %dma_wait3A_1010, %dma_wait3A_1011] : memref<16x2x1x224x224xf32, #tpu.memory_space<vmem_shared>> -> memref<1x1x1x224x224xf32, #tpu.memory_space<vmem_shared>>
    %dma_wait3A_1013 = tpu.memref_squeeze %dma_wait3A_1012 : memref<1x1x1x224x224xf32, #tpu.memory_space<vmem_shared>> -> memref<1x224x224xf32, #tpu.memory_space<vmem_shared>>
    %dma_wait3A_1014 = arith.constant 0 : i32
    %dma_wait3A_1015 = arith.constant 0 : i32
    %dma_wait3A_1016 = arith.constant 0 : i32
    %dma_wait3A_1017 = tpu.memref_slice %dma_wait3A_1013[%dma_wait3A_1014, %dma_wait3A_1015, %dma_wait3A_1016] : memref<1x224x224xf32, #tpu.memory_space<vmem_shared>> -> memref<1x224x128xf32, #tpu.memory_space<vmem_shared>>
    %dma_wait3A_1018 = arith.constant 0 : i32
    %dma_wait3A_1019 = arith.constant 0 : i32
    %dma_wait3A_1020 = arith.constant 0 : i32
    %dma_wait3A_1021 = tpu.memref_slice %arg2[%dma_wait3A_1018, %dma_wait3A_1019, %dma_wait3A_1020] : memref<768x224x224xf32, #tpu.memory_space<hbm>> -> memref<1x224x128xf32, #tpu.memory_space<hbm>>
    tpu.wait_dma2 semaphore(%arg7 : memref<!tpu.dma_semaphore, #tpu.memory_space<semaphore_mem>>) src(%dma_wait3A_1021 : memref<1x224x128xf32, #tpu.memory_space<hbm>>) dst(%dma_wait3A_1017 : memref<1x224x128xf32, #tpu.memory_space<vmem_shared>>)
    %dma_wait3A_1022 = arith.constant 0 : i32
    %dma_wait3A_1023 = arith.constant 0 : i32
    %dma_wait3A_1024 = arith.constant 0 : i32
    %dma_wait3A_1025 = arith.constant 0 : i32
    %dma_wait3A_1026 = tpu.memref_slice %arg6[%arg1, %dma_wait3A_1022, %dma_wait3A_1023, %dma_wait3A_1024, %dma_wait3A_1025] : memref<16x2x1x224x224xf32, #tpu.memory_space<vmem_shared>> -> memref<1x1x1x224x224xf32, #tpu.memory_space<vmem_shared>>
    %dma_wait3A_1027 = tpu.memref_squeeze %dma_wait3A_1026 : memref<1x1x1x224x224xf32, #tpu.memory_space<vmem_shared>> -> memref<1x224x224xf32, #tpu.memory_space<vmem_shared>>
    %dma_wait3A_1028 = arith.constant 0 : i32
    %dma_wait3A_1029 = arith.constant 0 : i32
    %dma_wait3A_1030 = arith.constant 128 : i32
    %dma_wait3A_1031 = tpu.memref_slice %dma_wait3A_1027[%dma_wait3A_1028, %dma_wait3A_1029, %dma_wait3A_1030] : memref<1x224x224xf32, #tpu.memory_space<vmem_shared>> -> memref<1x224x96xf32, #tpu.memory_space<vmem_shared>>
    %dma_wait3A_1032 = arith.constant 0 : i32
    %dma_wait3A_1033 = arith.constant 0 : i32
    %dma_wait3A_1034 = arith.constant 128 : i32
    %dma_wait3A_1035 = tpu.memref_slice %arg2[%dma_wait3A_1032, %dma_wait3A_1033, %dma_wait3A_1034] : memref<768x224x224xf32, #tpu.memory_space<hbm>> -> memref<1x224x96xf32, #tpu.memory_space<hbm>>
    tpu.wait_dma2 semaphore(%arg7 : memref<!tpu.dma_semaphore, #tpu.memory_space<semaphore_mem>>) src(%dma_wait3A_1035 : memref<1x224x96xf32, #tpu.memory_space<hbm>>) dst(%dma_wait3A_1031 : memref<1x224x96xf32, #tpu.memory_space<vmem_shared>>)
    %add3A_1036 = arith.constant 8 : i32
    %add3A_1037 = arith.addi %mul3A_2, %add3A_1036 : i32
    %dma_start3A_1038 = arith.constant 0 : i32
    %dma_start3A_1039 = arith.constant 0 : i32
    %dma_start3A_1040 = arith.constant 0 : i32
    %dma_start3A_1041 = tpu.memref_slice %arg4[%add3A_1037, %dma_start3A_1039, %dma_start3A_1040] : memref<768x224x224xf32, #tpu.memory_space<hbm>> -> memref<1x224x128xf32, #tpu.memory_space<hbm>>
    %dma_start3A_1042 = arith.constant 0 : i32
    %dma_start3A_1043 = arith.constant 0 : i32
    %dma_start3A_1044 = arith.constant 0 : i32
    %dma_start3A_1045 = tpu.memref_slice %arg6[%arg1, %dma_start3A_1038, %dma_start3A_1042, %dma_start3A_1043, %dma_start3A_1044] : memref<16x2x1x224x224xf32, #tpu.memory_space<vmem_shared>> -> memref<1x1x1x224x224xf32, #tpu.memory_space<vmem_shared>>
    %dma_start3A_1046 = tpu.memref_squeeze %dma_start3A_1045 : memref<1x1x1x224x224xf32, #tpu.memory_space<vmem_shared>> -> memref<1x224x224xf32, #tpu.memory_space<vmem_shared>>
    %dma_start3A_1047 = arith.constant 0 : i32
    %dma_start3A_1048 = arith.constant 0 : i32
    %dma_start3A_1049 = arith.constant 0 : i32
    %dma_start3A_1050 = tpu.memref_slice %dma_start3A_1046[%dma_start3A_1047, %dma_start3A_1048, %dma_start3A_1049] : memref<1x224x224xf32, #tpu.memory_space<vmem_shared>> -> memref<1x224x128xf32, #tpu.memory_space<vmem_shared>>
    tpu.enqueue_dma source(%dma_start3A_1050 : memref<1x224x128xf32, #tpu.memory_space<vmem_shared>>) target(%dma_start3A_1041 : memref<1x224x128xf32, #tpu.memory_space<hbm>>) target_semaphore(%arg9 : memref<!tpu.dma_semaphore, #tpu.memory_space<semaphore_mem>>)
    %add3A_1051 = arith.constant 8 : i32
    %add3A_1052 = arith.addi %mul3A_2, %add3A_1051 : i32
    %dma_start3A_1053 = arith.constant 0 : i32
    %dma_start3A_1054 = arith.constant 0 : i32
    %dma_start3A_1055 = arith.constant 128 : i32
    %dma_start3A_1056 = tpu.memref_slice %arg4[%add3A_1052, %dma_start3A_1054, %dma_start3A_1055] : memref<768x224x224xf32, #tpu.memory_space<hbm>> -> memref<1x224x96xf32, #tpu.memory_space<hbm>>
    %dma_start3A_1057 = arith.constant 0 : i32
    %dma_start3A_1058 = arith.constant 0 : i32
    %dma_start3A_1059 = arith.constant 0 : i32
    %dma_start3A_1060 = tpu.memref_slice %arg6[%arg1, %dma_start3A_1053, %dma_start3A_1057, %dma_start3A_1058, %dma_start3A_1059] : memref<16x2x1x224x224xf32, #tpu.memory_space<vmem_shared>> -> memref<1x1x1x224x224xf32, #tpu.memory_space<vmem_shared>>
    %dma_start3A_1061 = tpu.memref_squeeze %dma_start3A_1060 : memref<1x1x1x224x224xf32, #tpu.memory_space<vmem_shared>> -> memref<1x224x224xf32, #tpu.memory_space<vmem_shared>>
    %dma_start3A_1062 = arith.constant 0 : i32
    %dma_start3A_1063 = arith.constant 0 : i32
    %dma_start3A_1064 = arith.constant 128 : i32
    %dma_start3A_1065 = tpu.memref_slice %dma_start3A_1061[%dma_start3A_1062, %dma_start3A_1063, %dma_start3A_1064] : memref<1x224x224xf32, #tpu.memory_space<vmem_shared>> -> memref<1x224x96xf32, #tpu.memory_space<vmem_shared>>
    tpu.enqueue_dma source(%dma_start3A_1065 : memref<1x224x96xf32, #tpu.memory_space<vmem_shared>>) target(%dma_start3A_1056 : memref<1x224x96xf32, #tpu.memory_space<hbm>>) target_semaphore(%arg9 : memref<!tpu.dma_semaphore, #tpu.memory_space<semaphore_mem>>)
    %add3A_1066 = arith.constant 8 : i32
    %add3A_1067 = arith.addi %mul3A_2, %add3A_1066 : i32
    %dma_wait3A_1068 = arith.constant 0 : i32
    %dma_wait3A_1069 = arith.constant 0 : i32
    %dma_wait3A_1070 = arith.constant 0 : i32
    %dma_wait3A_1071 = tpu.memref_slice %arg4[%add3A_1067, %dma_wait3A_1069, %dma_wait3A_1070] : memref<768x224x224xf32, #tpu.memory_space<hbm>> -> memref<1x224x128xf32, #tpu.memory_space<hbm>>
    %dma_wait3A_1072 = arith.constant 0 : i32
    %dma_wait3A_1073 = arith.constant 0 : i32
    %dma_wait3A_1074 = arith.constant 0 : i32
    %dma_wait3A_1075 = tpu.memref_slice %arg6[%arg1, %dma_wait3A_1068, %dma_wait3A_1072, %dma_wait3A_1073, %dma_wait3A_1074] : memref<16x2x1x224x224xf32, #tpu.memory_space<vmem_shared>> -> memref<1x1x1x224x224xf32, #tpu.memory_space<vmem_shared>>
    %dma_wait3A_1076 = tpu.memref_squeeze %dma_wait3A_1075 : memref<1x1x1x224x224xf32, #tpu.memory_space<vmem_shared>> -> memref<1x224x224xf32, #tpu.memory_space<vmem_shared>>
    %dma_wait3A_1077 = arith.constant 0 : i32
    %dma_wait3A_1078 = arith.constant 0 : i32
    %dma_wait3A_1079 = arith.constant 0 : i32
    %dma_wait3A_1080 = tpu.memref_slice %dma_wait3A_1076[%dma_wait3A_1077, %dma_wait3A_1078, %dma_wait3A_1079] : memref<1x224x224xf32, #tpu.memory_space<vmem_shared>> -> memref<1x224x128xf32, #tpu.memory_space<vmem_shared>>
    tpu.wait_dma2 semaphore(%arg9 : memref<!tpu.dma_semaphore, #tpu.memory_space<semaphore_mem>>) src(%dma_wait3A_1080 : memref<1x224x128xf32, #tpu.memory_space<vmem_shared>>) dst(%dma_wait3A_1071 : memref<1x224x128xf32, #tpu.memory_space<hbm>>)
    %add3A_1081 = arith.constant 8 : i32
    %add3A_1082 = arith.addi %mul3A_2, %add3A_1081 : i32
    %dma_wait3A_1083 = arith.constant 0 : i32
    %dma_wait3A_1084 = arith.constant 0 : i32
    %dma_wait3A_1085 = arith.constant 128 : i32
    %dma_wait3A_1086 = tpu.memref_slice %arg4[%add3A_1082, %dma_wait3A_1084, %dma_wait3A_1085] : memref<768x224x224xf32, #tpu.memory_space<hbm>> -> memref<1x224x96xf32, #tpu.memory_space<hbm>>
    %dma_wait3A_1087 = arith.constant 0 : i32
    %dma_wait3A_1088 = arith.constant 0 : i32
    %dma_wait3A_1089 = arith.constant 0 : i32
    %dma_wait3A_1090 = tpu.memref_slice %arg6[%arg1, %dma_wait3A_1083, %dma_wait3A_1087, %dma_wait3A_1088, %dma_wait3A_1089] : memref<16x2x1x224x224xf32, #tpu.memory_space<vmem_shared>> -> memref<1x1x1x224x224xf32, #tpu.memory_space<vmem_shared>>
    %dma_wait3A_1091 = tpu.memref_squeeze %dma_wait3A_1090 : memref<1x1x1x224x224xf32, #tpu.memory_space<vmem_shared>> -> memref<1x224x224xf32, #tpu.memory_space<vmem_shared>>
    %dma_wait3A_1092 = arith.constant 0 : i32
    %dma_wait3A_1093 = arith.constant 0 : i32
    %dma_wait3A_1094 = arith.constant 128 : i32
    %dma_wait3A_1095 = tpu.memref_slice %dma_wait3A_1091[%dma_wait3A_1092, %dma_wait3A_1093, %dma_wait3A_1094] : memref<1x224x224xf32, #tpu.memory_space<vmem_shared>> -> memref<1x224x96xf32, #tpu.memory_space<vmem_shared>>
    tpu.wait_dma2 semaphore(%arg9 : memref<!tpu.dma_semaphore, #tpu.memory_space<semaphore_mem>>) src(%dma_wait3A_1095 : memref<1x224x96xf32, #tpu.memory_space<vmem_shared>>) dst(%dma_wait3A_1086 : memref<1x224x96xf32, #tpu.memory_space<hbm>>)
    %slice3A_1096 = vector.extract_strided_slice %get3A_4 {offsets = [10], sizes = [1], strides = [1]} : vector<16xi32> to vector<1xi32>
    %squeeze3A_1097 = vector.extract %slice3A_1096[0] : i32 from vector<1xi32>
    %dma_start3A_1098 = arith.constant 0 : i32
    %dma_start3A_1099 = arith.constant 0 : i32
    %dma_start3A_1100 = arith.constant 0 : i32
    %dma_start3A_1101 = arith.constant 0 : i32
    %dma_start3A_1102 = tpu.memref_slice %arg6[%arg1, %dma_start3A_1098, %dma_start3A_1099, %dma_start3A_1100, %dma_start3A_1101] : memref<16x2x1x224x224xf32, #tpu.memory_space<vmem_shared>> -> memref<1x1x1x224x224xf32, #tpu.memory_space<vmem_shared>>
    %dma_start3A_1103 = tpu.memref_squeeze %dma_start3A_1102 : memref<1x1x1x224x224xf32, #tpu.memory_space<vmem_shared>> -> memref<1x224x224xf32, #tpu.memory_space<vmem_shared>>
    %dma_start3A_1104 = arith.constant 0 : i32
    %dma_start3A_1105 = arith.constant 0 : i32
    %dma_start3A_1106 = arith.constant 0 : i32
    %dma_start3A_1107 = tpu.memref_slice %dma_start3A_1103[%dma_start3A_1104, %dma_start3A_1105, %dma_start3A_1106] : memref<1x224x224xf32, #tpu.memory_space<vmem_shared>> -> memref<1x224x128xf32, #tpu.memory_space<vmem_shared>>
    %dma_start3A_1108 = arith.constant 0 : i32
    %dma_start3A_1109 = arith.constant 0 : i32
    %dma_start3A_1110 = tpu.memref_slice %arg2[%squeeze3A_1097, %dma_start3A_1108, %dma_start3A_1109] : memref<768x224x224xf32, #tpu.memory_space<hbm>> -> memref<1x224x128xf32, #tpu.memory_space<hbm>>
    tpu.enqueue_dma source(%dma_start3A_1110 : memref<1x224x128xf32, #tpu.memory_space<hbm>>) target(%dma_start3A_1107 : memref<1x224x128xf32, #tpu.memory_space<vmem_shared>>) target_semaphore(%arg7 : memref<!tpu.dma_semaphore, #tpu.memory_space<semaphore_mem>>)
    %slice3A_1111 = vector.extract_strided_slice %get3A_4 {offsets = [10], sizes = [1], strides = [1]} : vector<16xi32> to vector<1xi32>
    %squeeze3A_1112 = vector.extract %slice3A_1111[0] : i32 from vector<1xi32>
    %dma_start3A_1113 = arith.constant 0 : i32
    %dma_start3A_1114 = arith.constant 0 : i32
    %dma_start3A_1115 = arith.constant 0 : i32
    %dma_start3A_1116 = arith.constant 0 : i32
    %dma_start3A_1117 = tpu.memref_slice %arg6[%arg1, %dma_start3A_1113, %dma_start3A_1114, %dma_start3A_1115, %dma_start3A_1116] : memref<16x2x1x224x224xf32, #tpu.memory_space<vmem_shared>> -> memref<1x1x1x224x224xf32, #tpu.memory_space<vmem_shared>>
    %dma_start3A_1118 = tpu.memref_squeeze %dma_start3A_1117 : memref<1x1x1x224x224xf32, #tpu.memory_space<vmem_shared>> -> memref<1x224x224xf32, #tpu.memory_space<vmem_shared>>
    %dma_start3A_1119 = arith.constant 0 : i32
    %dma_start3A_1120 = arith.constant 0 : i32
    %dma_start3A_1121 = arith.constant 128 : i32
    %dma_start3A_1122 = tpu.memref_slice %dma_start3A_1118[%dma_start3A_1119, %dma_start3A_1120, %dma_start3A_1121] : memref<1x224x224xf32, #tpu.memory_space<vmem_shared>> -> memref<1x224x96xf32, #tpu.memory_space<vmem_shared>>
    %dma_start3A_1123 = arith.constant 0 : i32
    %dma_start3A_1124 = arith.constant 128 : i32
    %dma_start3A_1125 = tpu.memref_slice %arg2[%squeeze3A_1112, %dma_start3A_1123, %dma_start3A_1124] : memref<768x224x224xf32, #tpu.memory_space<hbm>> -> memref<1x224x96xf32, #tpu.memory_space<hbm>>
    tpu.enqueue_dma source(%dma_start3A_1125 : memref<1x224x96xf32, #tpu.memory_space<hbm>>) target(%dma_start3A_1122 : memref<1x224x96xf32, #tpu.memory_space<vmem_shared>>) target_semaphore(%arg7 : memref<!tpu.dma_semaphore, #tpu.memory_space<semaphore_mem>>)
    %dma_wait3A_1126 = arith.constant 1 : i32
    %dma_wait3A_1127 = arith.constant 0 : i32
    %dma_wait3A_1128 = arith.constant 0 : i32
    %dma_wait3A_1129 = arith.constant 0 : i32
    %dma_wait3A_1130 = tpu.memref_slice %arg6[%arg1, %dma_wait3A_1126, %dma_wait3A_1127, %dma_wait3A_1128, %dma_wait3A_1129] : memref<16x2x1x224x224xf32, #tpu.memory_space<vmem_shared>> -> memref<1x1x1x224x224xf32, #tpu.memory_space<vmem_shared>>
    %dma_wait3A_1131 = tpu.memref_squeeze %dma_wait3A_1130 : memref<1x1x1x224x224xf32, #tpu.memory_space<vmem_shared>> -> memref<1x224x224xf32, #tpu.memory_space<vmem_shared>>
    %dma_wait3A_1132 = arith.constant 0 : i32
    %dma_wait3A_1133 = arith.constant 0 : i32
    %dma_wait3A_1134 = arith.constant 0 : i32
    %dma_wait3A_1135 = tpu.memref_slice %dma_wait3A_1131[%dma_wait3A_1132, %dma_wait3A_1133, %dma_wait3A_1134] : memref<1x224x224xf32, #tpu.memory_space<vmem_shared>> -> memref<1x224x128xf32, #tpu.memory_space<vmem_shared>>
    %dma_wait3A_1136 = arith.constant 0 : i32
    %dma_wait3A_1137 = arith.constant 0 : i32
    %dma_wait3A_1138 = arith.constant 0 : i32
    %dma_wait3A_1139 = tpu.memref_slice %arg2[%dma_wait3A_1136, %dma_wait3A_1137, %dma_wait3A_1138] : memref<768x224x224xf32, #tpu.memory_space<hbm>> -> memref<1x224x128xf32, #tpu.memory_space<hbm>>
    tpu.wait_dma2 semaphore(%arg8 : memref<!tpu.dma_semaphore, #tpu.memory_space<semaphore_mem>>) src(%dma_wait3A_1139 : memref<1x224x128xf32, #tpu.memory_space<hbm>>) dst(%dma_wait3A_1135 : memref<1x224x128xf32, #tpu.memory_space<vmem_shared>>)
    %dma_wait3A_1140 = arith.constant 1 : i32
    %dma_wait3A_1141 = arith.constant 0 : i32
    %dma_wait3A_1142 = arith.constant 0 : i32
    %dma_wait3A_1143 = arith.constant 0 : i32
    %dma_wait3A_1144 = tpu.memref_slice %arg6[%arg1, %dma_wait3A_1140, %dma_wait3A_1141, %dma_wait3A_1142, %dma_wait3A_1143] : memref<16x2x1x224x224xf32, #tpu.memory_space<vmem_shared>> -> memref<1x1x1x224x224xf32, #tpu.memory_space<vmem_shared>>
    %dma_wait3A_1145 = tpu.memref_squeeze %dma_wait3A_1144 : memref<1x1x1x224x224xf32, #tpu.memory_space<vmem_shared>> -> memref<1x224x224xf32, #tpu.memory_space<vmem_shared>>
    %dma_wait3A_1146 = arith.constant 0 : i32
    %dma_wait3A_1147 = arith.constant 0 : i32
    %dma_wait3A_1148 = arith.constant 128 : i32
    %dma_wait3A_1149 = tpu.memref_slice %dma_wait3A_1145[%dma_wait3A_1146, %dma_wait3A_1147, %dma_wait3A_1148] : memref<1x224x224xf32, #tpu.memory_space<vmem_shared>> -> memref<1x224x96xf32, #tpu.memory_space<vmem_shared>>
    %dma_wait3A_1150 = arith.constant 0 : i32
    %dma_wait3A_1151 = arith.constant 0 : i32
    %dma_wait3A_1152 = arith.constant 128 : i32
    %dma_wait3A_1153 = tpu.memref_slice %arg2[%dma_wait3A_1150, %dma_wait3A_1151, %dma_wait3A_1152] : memref<768x224x224xf32, #tpu.memory_space<hbm>> -> memref<1x224x96xf32, #tpu.memory_space<hbm>>
    tpu.wait_dma2 semaphore(%arg8 : memref<!tpu.dma_semaphore, #tpu.memory_space<semaphore_mem>>) src(%dma_wait3A_1153 : memref<1x224x96xf32, #tpu.memory_space<hbm>>) dst(%dma_wait3A_1149 : memref<1x224x96xf32, #tpu.memory_space<vmem_shared>>)
    %add3A_1154 = arith.constant 9 : i32
    %add3A_1155 = arith.addi %mul3A_2, %add3A_1154 : i32
    %dma_start3A_1156 = arith.constant 1 : i32
    %dma_start3A_1157 = arith.constant 0 : i32
    %dma_start3A_1158 = arith.constant 0 : i32
    %dma_start3A_1159 = tpu.memref_slice %arg4[%add3A_1155, %dma_start3A_1157, %dma_start3A_1158] : memref<768x224x224xf32, #tpu.memory_space<hbm>> -> memref<1x224x128xf32, #tpu.memory_space<hbm>>
    %dma_start3A_1160 = arith.constant 0 : i32
    %dma_start3A_1161 = arith.constant 0 : i32
    %dma_start3A_1162 = arith.constant 0 : i32
    %dma_start3A_1163 = tpu.memref_slice %arg6[%arg1, %dma_start3A_1156, %dma_start3A_1160, %dma_start3A_1161, %dma_start3A_1162] : memref<16x2x1x224x224xf32, #tpu.memory_space<vmem_shared>> -> memref<1x1x1x224x224xf32, #tpu.memory_space<vmem_shared>>
    %dma_start3A_1164 = tpu.memref_squeeze %dma_start3A_1163 : memref<1x1x1x224x224xf32, #tpu.memory_space<vmem_shared>> -> memref<1x224x224xf32, #tpu.memory_space<vmem_shared>>
    %dma_start3A_1165 = arith.constant 0 : i32
    %dma_start3A_1166 = arith.constant 0 : i32
    %dma_start3A_1167 = arith.constant 0 : i32
    %dma_start3A_1168 = tpu.memref_slice %dma_start3A_1164[%dma_start3A_1165, %dma_start3A_1166, %dma_start3A_1167] : memref<1x224x224xf32, #tpu.memory_space<vmem_shared>> -> memref<1x224x128xf32, #tpu.memory_space<vmem_shared>>
    tpu.enqueue_dma source(%dma_start3A_1168 : memref<1x224x128xf32, #tpu.memory_space<vmem_shared>>) target(%dma_start3A_1159 : memref<1x224x128xf32, #tpu.memory_space<hbm>>) target_semaphore(%arg10 : memref<!tpu.dma_semaphore, #tpu.memory_space<semaphore_mem>>)
    %add3A_1169 = arith.constant 9 : i32
    %add3A_1170 = arith.addi %mul3A_2, %add3A_1169 : i32
    %dma_start3A_1171 = arith.constant 1 : i32
    %dma_start3A_1172 = arith.constant 0 : i32
    %dma_start3A_1173 = arith.constant 128 : i32
    %dma_start3A_1174 = tpu.memref_slice %arg4[%add3A_1170, %dma_start3A_1172, %dma_start3A_1173] : memref<768x224x224xf32, #tpu.memory_space<hbm>> -> memref<1x224x96xf32, #tpu.memory_space<hbm>>
    %dma_start3A_1175 = arith.constant 0 : i32
    %dma_start3A_1176 = arith.constant 0 : i32
    %dma_start3A_1177 = arith.constant 0 : i32
    %dma_start3A_1178 = tpu.memref_slice %arg6[%arg1, %dma_start3A_1171, %dma_start3A_1175, %dma_start3A_1176, %dma_start3A_1177] : memref<16x2x1x224x224xf32, #tpu.memory_space<vmem_shared>> -> memref<1x1x1x224x224xf32, #tpu.memory_space<vmem_shared>>
    %dma_start3A_1179 = tpu.memref_squeeze %dma_start3A_1178 : memref<1x1x1x224x224xf32, #tpu.memory_space<vmem_shared>> -> memref<1x224x224xf32, #tpu.memory_space<vmem_shared>>
    %dma_start3A_1180 = arith.constant 0 : i32
    %dma_start3A_1181 = arith.constant 0 : i32
    %dma_start3A_1182 = arith.constant 128 : i32
    %dma_start3A_1183 = tpu.memref_slice %dma_start3A_1179[%dma_start3A_1180, %dma_start3A_1181, %dma_start3A_1182] : memref<1x224x224xf32, #tpu.memory_space<vmem_shared>> -> memref<1x224x96xf32, #tpu.memory_space<vmem_shared>>
    tpu.enqueue_dma source(%dma_start3A_1183 : memref<1x224x96xf32, #tpu.memory_space<vmem_shared>>) target(%dma_start3A_1174 : memref<1x224x96xf32, #tpu.memory_space<hbm>>) target_semaphore(%arg10 : memref<!tpu.dma_semaphore, #tpu.memory_space<semaphore_mem>>)
    %add3A_1184 = arith.constant 9 : i32
    %add3A_1185 = arith.addi %mul3A_2, %add3A_1184 : i32
    %dma_wait3A_1186 = arith.constant 1 : i32
    %dma_wait3A_1187 = arith.constant 0 : i32
    %dma_wait3A_1188 = arith.constant 0 : i32
    %dma_wait3A_1189 = tpu.memref_slice %arg4[%add3A_1185, %dma_wait3A_1187, %dma_wait3A_1188] : memref<768x224x224xf32, #tpu.memory_space<hbm>> -> memref<1x224x128xf32, #tpu.memory_space<hbm>>
    %dma_wait3A_1190 = arith.constant 0 : i32
    %dma_wait3A_1191 = arith.constant 0 : i32
    %dma_wait3A_1192 = arith.constant 0 : i32
    %dma_wait3A_1193 = tpu.memref_slice %arg6[%arg1, %dma_wait3A_1186, %dma_wait3A_1190, %dma_wait3A_1191, %dma_wait3A_1192] : memref<16x2x1x224x224xf32, #tpu.memory_space<vmem_shared>> -> memref<1x1x1x224x224xf32, #tpu.memory_space<vmem_shared>>
    %dma_wait3A_1194 = tpu.memref_squeeze %dma_wait3A_1193 : memref<1x1x1x224x224xf32, #tpu.memory_space<vmem_shared>> -> memref<1x224x224xf32, #tpu.memory_space<vmem_shared>>
    %dma_wait3A_1195 = arith.constant 0 : i32
    %dma_wait3A_1196 = arith.constant 0 : i32
    %dma_wait3A_1197 = arith.constant 0 : i32
    %dma_wait3A_1198 = tpu.memref_slice %dma_wait3A_1194[%dma_wait3A_1195, %dma_wait3A_1196, %dma_wait3A_1197] : memref<1x224x224xf32, #tpu.memory_space<vmem_shared>> -> memref<1x224x128xf32, #tpu.memory_space<vmem_shared>>
    tpu.wait_dma2 semaphore(%arg10 : memref<!tpu.dma_semaphore, #tpu.memory_space<semaphore_mem>>) src(%dma_wait3A_1198 : memref<1x224x128xf32, #tpu.memory_space<vmem_shared>>) dst(%dma_wait3A_1189 : memref<1x224x128xf32, #tpu.memory_space<hbm>>)
    %add3A_1199 = arith.constant 9 : i32
    %add3A_1200 = arith.addi %mul3A_2, %add3A_1199 : i32
    %dma_wait3A_1201 = arith.constant 1 : i32
    %dma_wait3A_1202 = arith.constant 0 : i32
    %dma_wait3A_1203 = arith.constant 128 : i32
    %dma_wait3A_1204 = tpu.memref_slice %arg4[%add3A_1200, %dma_wait3A_1202, %dma_wait3A_1203] : memref<768x224x224xf32, #tpu.memory_space<hbm>> -> memref<1x224x96xf32, #tpu.memory_space<hbm>>
    %dma_wait3A_1205 = arith.constant 0 : i32
    %dma_wait3A_1206 = arith.constant 0 : i32
    %dma_wait3A_1207 = arith.constant 0 : i32
    %dma_wait3A_1208 = tpu.memref_slice %arg6[%arg1, %dma_wait3A_1201, %dma_wait3A_1205, %dma_wait3A_1206, %dma_wait3A_1207] : memref<16x2x1x224x224xf32, #tpu.memory_space<vmem_shared>> -> memref<1x1x1x224x224xf32, #tpu.memory_space<vmem_shared>>
    %dma_wait3A_1209 = tpu.memref_squeeze %dma_wait3A_1208 : memref<1x1x1x224x224xf32, #tpu.memory_space<vmem_shared>> -> memref<1x224x224xf32, #tpu.memory_space<vmem_shared>>
    %dma_wait3A_1210 = arith.constant 0 : i32
    %dma_wait3A_1211 = arith.constant 0 : i32
    %dma_wait3A_1212 = arith.constant 128 : i32
    %dma_wait3A_1213 = tpu.memref_slice %dma_wait3A_1209[%dma_wait3A_1210, %dma_wait3A_1211, %dma_wait3A_1212] : memref<1x224x224xf32, #tpu.memory_space<vmem_shared>> -> memref<1x224x96xf32, #tpu.memory_space<vmem_shared>>
    tpu.wait_dma2 semaphore(%arg10 : memref<!tpu.dma_semaphore, #tpu.memory_space<semaphore_mem>>) src(%dma_wait3A_1213 : memref<1x224x96xf32, #tpu.memory_space<vmem_shared>>) dst(%dma_wait3A_1204 : memref<1x224x96xf32, #tpu.memory_space<hbm>>)
    %slice3A_1214 = vector.extract_strided_slice %get3A_4 {offsets = [11], sizes = [1], strides = [1]} : vector<16xi32> to vector<1xi32>
    %squeeze3A_1215 = vector.extract %slice3A_1214[0] : i32 from vector<1xi32>
    %dma_start3A_1216 = arith.constant 1 : i32
    %dma_start3A_1217 = arith.constant 0 : i32
    %dma_start3A_1218 = arith.constant 0 : i32
    %dma_start3A_1219 = arith.constant 0 : i32
    %dma_start3A_1220 = tpu.memref_slice %arg6[%arg1, %dma_start3A_1216, %dma_start3A_1217, %dma_start3A_1218, %dma_start3A_1219] : memref<16x2x1x224x224xf32, #tpu.memory_space<vmem_shared>> -> memref<1x1x1x224x224xf32, #tpu.memory_space<vmem_shared>>
    %dma_start3A_1221 = tpu.memref_squeeze %dma_start3A_1220 : memref<1x1x1x224x224xf32, #tpu.memory_space<vmem_shared>> -> memref<1x224x224xf32, #tpu.memory_space<vmem_shared>>
    %dma_start3A_1222 = arith.constant 0 : i32
    %dma_start3A_1223 = arith.constant 0 : i32
    %dma_start3A_1224 = arith.constant 0 : i32
    %dma_start3A_1225 = tpu.memref_slice %dma_start3A_1221[%dma_start3A_1222, %dma_start3A_1223, %dma_start3A_1224] : memref<1x224x224xf32, #tpu.memory_space<vmem_shared>> -> memref<1x224x128xf32, #tpu.memory_space<vmem_shared>>
    %dma_start3A_1226 = arith.constant 0 : i32
    %dma_start3A_1227 = arith.constant 0 : i32
    %dma_start3A_1228 = tpu.memref_slice %arg2[%squeeze3A_1215, %dma_start3A_1226, %dma_start3A_1227] : memref<768x224x224xf32, #tpu.memory_space<hbm>> -> memref<1x224x128xf32, #tpu.memory_space<hbm>>
    tpu.enqueue_dma source(%dma_start3A_1228 : memref<1x224x128xf32, #tpu.memory_space<hbm>>) target(%dma_start3A_1225 : memref<1x224x128xf32, #tpu.memory_space<vmem_shared>>) target_semaphore(%arg8 : memref<!tpu.dma_semaphore, #tpu.memory_space<semaphore_mem>>)
    %slice3A_1229 = vector.extract_strided_slice %get3A_4 {offsets = [11], sizes = [1], strides = [1]} : vector<16xi32> to vector<1xi32>
    %squeeze3A_1230 = vector.extract %slice3A_1229[0] : i32 from vector<1xi32>
    %dma_start3A_1231 = arith.constant 1 : i32
    %dma_start3A_1232 = arith.constant 0 : i32
    %dma_start3A_1233 = arith.constant 0 : i32
    %dma_start3A_1234 = arith.constant 0 : i32
    %dma_start3A_1235 = tpu.memref_slice %arg6[%arg1, %dma_start3A_1231, %dma_start3A_1232, %dma_start3A_1233, %dma_start3A_1234] : memref<16x2x1x224x224xf32, #tpu.memory_space<vmem_shared>> -> memref<1x1x1x224x224xf32, #tpu.memory_space<vmem_shared>>
    %dma_start3A_1236 = tpu.memref_squeeze %dma_start3A_1235 : memref<1x1x1x224x224xf32, #tpu.memory_space<vmem_shared>> -> memref<1x224x224xf32, #tpu.memory_space<vmem_shared>>
    %dma_start3A_1237 = arith.constant 0 : i32
    %dma_start3A_1238 = arith.constant 0 : i32
    %dma_start3A_1239 = arith.constant 128 : i32
    %dma_start3A_1240 = tpu.memref_slice %dma_start3A_1236[%dma_start3A_1237, %dma_start3A_1238, %dma_start3A_1239] : memref<1x224x224xf32, #tpu.memory_space<vmem_shared>> -> memref<1x224x96xf32, #tpu.memory_space<vmem_shared>>
    %dma_start3A_1241 = arith.constant 0 : i32
    %dma_start3A_1242 = arith.constant 128 : i32
    %dma_start3A_1243 = tpu.memref_slice %arg2[%squeeze3A_1230, %dma_start3A_1241, %dma_start3A_1242] : memref<768x224x224xf32, #tpu.memory_space<hbm>> -> memref<1x224x96xf32, #tpu.memory_space<hbm>>
    tpu.enqueue_dma source(%dma_start3A_1243 : memref<1x224x96xf32, #tpu.memory_space<hbm>>) target(%dma_start3A_1240 : memref<1x224x96xf32, #tpu.memory_space<vmem_shared>>) target_semaphore(%arg8 : memref<!tpu.dma_semaphore, #tpu.memory_space<semaphore_mem>>)
    %dma_wait3A_1244 = arith.constant 0 : i32
    %dma_wait3A_1245 = arith.constant 0 : i32
    %dma_wait3A_1246 = arith.constant 0 : i32
    %dma_wait3A_1247 = arith.constant 0 : i32
    %dma_wait3A_1248 = tpu.memref_slice %arg6[%arg1, %dma_wait3A_1244, %dma_wait3A_1245, %dma_wait3A_1246, %dma_wait3A_1247] : memref<16x2x1x224x224xf32, #tpu.memory_space<vmem_shared>> -> memref<1x1x1x224x224xf32, #tpu.memory_space<vmem_shared>>
    %dma_wait3A_1249 = tpu.memref_squeeze %dma_wait3A_1248 : memref<1x1x1x224x224xf32, #tpu.memory_space<vmem_shared>> -> memref<1x224x224xf32, #tpu.memory_space<vmem_shared>>
    %dma_wait3A_1250 = arith.constant 0 : i32
    %dma_wait3A_1251 = arith.constant 0 : i32
    %dma_wait3A_1252 = arith.constant 0 : i32
    %dma_wait3A_1253 = tpu.memref_slice %dma_wait3A_1249[%dma_wait3A_1250, %dma_wait3A_1251, %dma_wait3A_1252] : memref<1x224x224xf32, #tpu.memory_space<vmem_shared>> -> memref<1x224x128xf32, #tpu.memory_space<vmem_shared>>
    %dma_wait3A_1254 = arith.constant 0 : i32
    %dma_wait3A_1255 = arith.constant 0 : i32
    %dma_wait3A_1256 = arith.constant 0 : i32
    %dma_wait3A_1257 = tpu.memref_slice %arg2[%dma_wait3A_1254, %dma_wait3A_1255, %dma_wait3A_1256] : memref<768x224x224xf32, #tpu.memory_space<hbm>> -> memref<1x224x128xf32, #tpu.memory_space<hbm>>
    tpu.wait_dma2 semaphore(%arg7 : memref<!tpu.dma_semaphore, #tpu.memory_space<semaphore_mem>>) src(%dma_wait3A_1257 : memref<1x224x128xf32, #tpu.memory_space<hbm>>) dst(%dma_wait3A_1253 : memref<1x224x128xf32, #tpu.memory_space<vmem_shared>>)
    %dma_wait3A_1258 = arith.constant 0 : i32
    %dma_wait3A_1259 = arith.constant 0 : i32
    %dma_wait3A_1260 = arith.constant 0 : i32
    %dma_wait3A_1261 = arith.constant 0 : i32
    %dma_wait3A_1262 = tpu.memref_slice %arg6[%arg1, %dma_wait3A_1258, %dma_wait3A_1259, %dma_wait3A_1260, %dma_wait3A_1261] : memref<16x2x1x224x224xf32, #tpu.memory_space<vmem_shared>> -> memref<1x1x1x224x224xf32, #tpu.memory_space<vmem_shared>>
    %dma_wait3A_1263 = tpu.memref_squeeze %dma_wait3A_1262 : memref<1x1x1x224x224xf32, #tpu.memory_space<vmem_shared>> -> memref<1x224x224xf32, #tpu.memory_space<vmem_shared>>
    %dma_wait3A_1264 = arith.constant 0 : i32
    %dma_wait3A_1265 = arith.constant 0 : i32
    %dma_wait3A_1266 = arith.constant 128 : i32
    %dma_wait3A_1267 = tpu.memref_slice %dma_wait3A_1263[%dma_wait3A_1264, %dma_wait3A_1265, %dma_wait3A_1266] : memref<1x224x224xf32, #tpu.memory_space<vmem_shared>> -> memref<1x224x96xf32, #tpu.memory_space<vmem_shared>>
    %dma_wait3A_1268 = arith.constant 0 : i32
    %dma_wait3A_1269 = arith.constant 0 : i32
    %dma_wait3A_1270 = arith.constant 128 : i32
    %dma_wait3A_1271 = tpu.memref_slice %arg2[%dma_wait3A_1268, %dma_wait3A_1269, %dma_wait3A_1270] : memref<768x224x224xf32, #tpu.memory_space<hbm>> -> memref<1x224x96xf32, #tpu.memory_space<hbm>>
    tpu.wait_dma2 semaphore(%arg7 : memref<!tpu.dma_semaphore, #tpu.memory_space<semaphore_mem>>) src(%dma_wait3A_1271 : memref<1x224x96xf32, #tpu.memory_space<hbm>>) dst(%dma_wait3A_1267 : memref<1x224x96xf32, #tpu.memory_space<vmem_shared>>)
    %add3A_1272 = arith.constant 10 : i32
    %add3A_1273 = arith.addi %mul3A_2, %add3A_1272 : i32
    %dma_start3A_1274 = arith.constant 0 : i32
    %dma_start3A_1275 = arith.constant 0 : i32
    %dma_start3A_1276 = arith.constant 0 : i32
    %dma_start3A_1277 = tpu.memref_slice %arg4[%add3A_1273, %dma_start3A_1275, %dma_start3A_1276] : memref<768x224x224xf32, #tpu.memory_space<hbm>> -> memref<1x224x128xf32, #tpu.memory_space<hbm>>
    %dma_start3A_1278 = arith.constant 0 : i32
    %dma_start3A_1279 = arith.constant 0 : i32
    %dma_start3A_1280 = arith.constant 0 : i32
    %dma_start3A_1281 = tpu.memref_slice %arg6[%arg1, %dma_start3A_1274, %dma_start3A_1278, %dma_start3A_1279, %dma_start3A_1280] : memref<16x2x1x224x224xf32, #tpu.memory_space<vmem_shared>> -> memref<1x1x1x224x224xf32, #tpu.memory_space<vmem_shared>>
    %dma_start3A_1282 = tpu.memref_squeeze %dma_start3A_1281 : memref<1x1x1x224x224xf32, #tpu.memory_space<vmem_shared>> -> memref<1x224x224xf32, #tpu.memory_space<vmem_shared>>
    %dma_start3A_1283 = arith.constant 0 : i32
    %dma_start3A_1284 = arith.constant 0 : i32
    %dma_start3A_1285 = arith.constant 0 : i32
    %dma_start3A_1286 = tpu.memref_slice %dma_start3A_1282[%dma_start3A_1283, %dma_start3A_1284, %dma_start3A_1285] : memref<1x224x224xf32, #tpu.memory_space<vmem_shared>> -> memref<1x224x128xf32, #tpu.memory_space<vmem_shared>>
    tpu.enqueue_dma source(%dma_start3A_1286 : memref<1x224x128xf32, #tpu.memory_space<vmem_shared>>) target(%dma_start3A_1277 : memref<1x224x128xf32, #tpu.memory_space<hbm>>) target_semaphore(%arg9 : memref<!tpu.dma_semaphore, #tpu.memory_space<semaphore_mem>>)
    %add3A_1287 = arith.constant 10 : i32
    %add3A_1288 = arith.addi %mul3A_2, %add3A_1287 : i32
    %dma_start3A_1289 = arith.constant 0 : i32
    %dma_start3A_1290 = arith.constant 0 : i32
    %dma_start3A_1291 = arith.constant 128 : i32
    %dma_start3A_1292 = tpu.memref_slice %arg4[%add3A_1288, %dma_start3A_1290, %dma_start3A_1291] : memref<768x224x224xf32, #tpu.memory_space<hbm>> -> memref<1x224x96xf32, #tpu.memory_space<hbm>>
    %dma_start3A_1293 = arith.constant 0 : i32
    %dma_start3A_1294 = arith.constant 0 : i32
    %dma_start3A_1295 = arith.constant 0 : i32
    %dma_start3A_1296 = tpu.memref_slice %arg6[%arg1, %dma_start3A_1289, %dma_start3A_1293, %dma_start3A_1294, %dma_start3A_1295] : memref<16x2x1x224x224xf32, #tpu.memory_space<vmem_shared>> -> memref<1x1x1x224x224xf32, #tpu.memory_space<vmem_shared>>
    %dma_start3A_1297 = tpu.memref_squeeze %dma_start3A_1296 : memref<1x1x1x224x224xf32, #tpu.memory_space<vmem_shared>> -> memref<1x224x224xf32, #tpu.memory_space<vmem_shared>>
    %dma_start3A_1298 = arith.constant 0 : i32
    %dma_start3A_1299 = arith.constant 0 : i32
    %dma_start3A_1300 = arith.constant 128 : i32
    %dma_start3A_1301 = tpu.memref_slice %dma_start3A_1297[%dma_start3A_1298, %dma_start3A_1299, %dma_start3A_1300] : memref<1x224x224xf32, #tpu.memory_space<vmem_shared>> -> memref<1x224x96xf32, #tpu.memory_space<vmem_shared>>
    tpu.enqueue_dma source(%dma_start3A_1301 : memref<1x224x96xf32, #tpu.memory_space<vmem_shared>>) target(%dma_start3A_1292 : memref<1x224x96xf32, #tpu.memory_space<hbm>>) target_semaphore(%arg9 : memref<!tpu.dma_semaphore, #tpu.memory_space<semaphore_mem>>)
    %add3A_1302 = arith.constant 10 : i32
    %add3A_1303 = arith.addi %mul3A_2, %add3A_1302 : i32
    %dma_wait3A_1304 = arith.constant 0 : i32
    %dma_wait3A_1305 = arith.constant 0 : i32
    %dma_wait3A_1306 = arith.constant 0 : i32
    %dma_wait3A_1307 = tpu.memref_slice %arg4[%add3A_1303, %dma_wait3A_1305, %dma_wait3A_1306] : memref<768x224x224xf32, #tpu.memory_space<hbm>> -> memref<1x224x128xf32, #tpu.memory_space<hbm>>
    %dma_wait3A_1308 = arith.constant 0 : i32
    %dma_wait3A_1309 = arith.constant 0 : i32
    %dma_wait3A_1310 = arith.constant 0 : i32
    %dma_wait3A_1311 = tpu.memref_slice %arg6[%arg1, %dma_wait3A_1304, %dma_wait3A_1308, %dma_wait3A_1309, %dma_wait3A_1310] : memref<16x2x1x224x224xf32, #tpu.memory_space<vmem_shared>> -> memref<1x1x1x224x224xf32, #tpu.memory_space<vmem_shared>>
    %dma_wait3A_1312 = tpu.memref_squeeze %dma_wait3A_1311 : memref<1x1x1x224x224xf32, #tpu.memory_space<vmem_shared>> -> memref<1x224x224xf32, #tpu.memory_space<vmem_shared>>
    %dma_wait3A_1313 = arith.constant 0 : i32
    %dma_wait3A_1314 = arith.constant 0 : i32
    %dma_wait3A_1315 = arith.constant 0 : i32
    %dma_wait3A_1316 = tpu.memref_slice %dma_wait3A_1312[%dma_wait3A_1313, %dma_wait3A_1314, %dma_wait3A_1315] : memref<1x224x224xf32, #tpu.memory_space<vmem_shared>> -> memref<1x224x128xf32, #tpu.memory_space<vmem_shared>>
    tpu.wait_dma2 semaphore(%arg9 : memref<!tpu.dma_semaphore, #tpu.memory_space<semaphore_mem>>) src(%dma_wait3A_1316 : memref<1x224x128xf32, #tpu.memory_space<vmem_shared>>) dst(%dma_wait3A_1307 : memref<1x224x128xf32, #tpu.memory_space<hbm>>)
    %add3A_1317 = arith.constant 10 : i32
    %add3A_1318 = arith.addi %mul3A_2, %add3A_1317 : i32
    %dma_wait3A_1319 = arith.constant 0 : i32
    %dma_wait3A_1320 = arith.constant 0 : i32
    %dma_wait3A_1321 = arith.constant 128 : i32
    %dma_wait3A_1322 = tpu.memref_slice %arg4[%add3A_1318, %dma_wait3A_1320, %dma_wait3A_1321] : memref<768x224x224xf32, #tpu.memory_space<hbm>> -> memref<1x224x96xf32, #tpu.memory_space<hbm>>
    %dma_wait3A_1323 = arith.constant 0 : i32
    %dma_wait3A_1324 = arith.constant 0 : i32
    %dma_wait3A_1325 = arith.constant 0 : i32
    %dma_wait3A_1326 = tpu.memref_slice %arg6[%arg1, %dma_wait3A_1319, %dma_wait3A_1323, %dma_wait3A_1324, %dma_wait3A_1325] : memref<16x2x1x224x224xf32, #tpu.memory_space<vmem_shared>> -> memref<1x1x1x224x224xf32, #tpu.memory_space<vmem_shared>>
    %dma_wait3A_1327 = tpu.memref_squeeze %dma_wait3A_1326 : memref<1x1x1x224x224xf32, #tpu.memory_space<vmem_shared>> -> memref<1x224x224xf32, #tpu.memory_space<vmem_shared>>
    %dma_wait3A_1328 = arith.constant 0 : i32
    %dma_wait3A_1329 = arith.constant 0 : i32
    %dma_wait3A_1330 = arith.constant 128 : i32
    %dma_wait3A_1331 = tpu.memref_slice %dma_wait3A_1327[%dma_wait3A_1328, %dma_wait3A_1329, %dma_wait3A_1330] : memref<1x224x224xf32, #tpu.memory_space<vmem_shared>> -> memref<1x224x96xf32, #tpu.memory_space<vmem_shared>>
    tpu.wait_dma2 semaphore(%arg9 : memref<!tpu.dma_semaphore, #tpu.memory_space<semaphore_mem>>) src(%dma_wait3A_1331 : memref<1x224x96xf32, #tpu.memory_space<vmem_shared>>) dst(%dma_wait3A_1322 : memref<1x224x96xf32, #tpu.memory_space<hbm>>)
    %slice3A_1332 = vector.extract_strided_slice %get3A_4 {offsets = [12], sizes = [1], strides = [1]} : vector<16xi32> to vector<1xi32>
    %squeeze3A_1333 = vector.extract %slice3A_1332[0] : i32 from vector<1xi32>
    %dma_start3A_1334 = arith.constant 0 : i32
    %dma_start3A_1335 = arith.constant 0 : i32
    %dma_start3A_1336 = arith.constant 0 : i32
    %dma_start3A_1337 = arith.constant 0 : i32
    %dma_start3A_1338 = tpu.memref_slice %arg6[%arg1, %dma_start3A_1334, %dma_start3A_1335, %dma_start3A_1336, %dma_start3A_1337] : memref<16x2x1x224x224xf32, #tpu.memory_space<vmem_shared>> -> memref<1x1x1x224x224xf32, #tpu.memory_space<vmem_shared>>
    %dma_start3A_1339 = tpu.memref_squeeze %dma_start3A_1338 : memref<1x1x1x224x224xf32, #tpu.memory_space<vmem_shared>> -> memref<1x224x224xf32, #tpu.memory_space<vmem_shared>>
    %dma_start3A_1340 = arith.constant 0 : i32
    %dma_start3A_1341 = arith.constant 0 : i32
    %dma_start3A_1342 = arith.constant 0 : i32
    %dma_start3A_1343 = tpu.memref_slice %dma_start3A_1339[%dma_start3A_1340, %dma_start3A_1341, %dma_start3A_1342] : memref<1x224x224xf32, #tpu.memory_space<vmem_shared>> -> memref<1x224x128xf32, #tpu.memory_space<vmem_shared>>
    %dma_start3A_1344 = arith.constant 0 : i32
    %dma_start3A_1345 = arith.constant 0 : i32
    %dma_start3A_1346 = tpu.memref_slice %arg2[%squeeze3A_1333, %dma_start3A_1344, %dma_start3A_1345] : memref<768x224x224xf32, #tpu.memory_space<hbm>> -> memref<1x224x128xf32, #tpu.memory_space<hbm>>
    tpu.enqueue_dma source(%dma_start3A_1346 : memref<1x224x128xf32, #tpu.memory_space<hbm>>) target(%dma_start3A_1343 : memref<1x224x128xf32, #tpu.memory_space<vmem_shared>>) target_semaphore(%arg7 : memref<!tpu.dma_semaphore, #tpu.memory_space<semaphore_mem>>)
    %slice3A_1347 = vector.extract_strided_slice %get3A_4 {offsets = [12], sizes = [1], strides = [1]} : vector<16xi32> to vector<1xi32>
    %squeeze3A_1348 = vector.extract %slice3A_1347[0] : i32 from vector<1xi32>
    %dma_start3A_1349 = arith.constant 0 : i32
    %dma_start3A_1350 = arith.constant 0 : i32
    %dma_start3A_1351 = arith.constant 0 : i32
    %dma_start3A_1352 = arith.constant 0 : i32
    %dma_start3A_1353 = tpu.memref_slice %arg6[%arg1, %dma_start3A_1349, %dma_start3A_1350, %dma_start3A_1351, %dma_start3A_1352] : memref<16x2x1x224x224xf32, #tpu.memory_space<vmem_shared>> -> memref<1x1x1x224x224xf32, #tpu.memory_space<vmem_shared>>
    %dma_start3A_1354 = tpu.memref_squeeze %dma_start3A_1353 : memref<1x1x1x224x224xf32, #tpu.memory_space<vmem_shared>> -> memref<1x224x224xf32, #tpu.memory_space<vmem_shared>>
    %dma_start3A_1355 = arith.constant 0 : i32
    %dma_start3A_1356 = arith.constant 0 : i32
    %dma_start3A_1357 = arith.constant 128 : i32
    %dma_start3A_1358 = tpu.memref_slice %dma_start3A_1354[%dma_start3A_1355, %dma_start3A_1356, %dma_start3A_1357] : memref<1x224x224xf32, #tpu.memory_space<vmem_shared>> -> memref<1x224x96xf32, #tpu.memory_space<vmem_shared>>
    %dma_start3A_1359 = arith.constant 0 : i32
    %dma_start3A_1360 = arith.constant 128 : i32
    %dma_start3A_1361 = tpu.memref_slice %arg2[%squeeze3A_1348, %dma_start3A_1359, %dma_start3A_1360] : memref<768x224x224xf32, #tpu.memory_space<hbm>> -> memref<1x224x96xf32, #tpu.memory_space<hbm>>
    tpu.enqueue_dma source(%dma_start3A_1361 : memref<1x224x96xf32, #tpu.memory_space<hbm>>) target(%dma_start3A_1358 : memref<1x224x96xf32, #tpu.memory_space<vmem_shared>>) target_semaphore(%arg7 : memref<!tpu.dma_semaphore, #tpu.memory_space<semaphore_mem>>)
    %dma_wait3A_1362 = arith.constant 1 : i32
    %dma_wait3A_1363 = arith.constant 0 : i32
    %dma_wait3A_1364 = arith.constant 0 : i32
    %dma_wait3A_1365 = arith.constant 0 : i32
    %dma_wait3A_1366 = tpu.memref_slice %arg6[%arg1, %dma_wait3A_1362, %dma_wait3A_1363, %dma_wait3A_1364, %dma_wait3A_1365] : memref<16x2x1x224x224xf32, #tpu.memory_space<vmem_shared>> -> memref<1x1x1x224x224xf32, #tpu.memory_space<vmem_shared>>
    %dma_wait3A_1367 = tpu.memref_squeeze %dma_wait3A_1366 : memref<1x1x1x224x224xf32, #tpu.memory_space<vmem_shared>> -> memref<1x224x224xf32, #tpu.memory_space<vmem_shared>>
    %dma_wait3A_1368 = arith.constant 0 : i32
    %dma_wait3A_1369 = arith.constant 0 : i32
    %dma_wait3A_1370 = arith.constant 0 : i32
    %dma_wait3A_1371 = tpu.memref_slice %dma_wait3A_1367[%dma_wait3A_1368, %dma_wait3A_1369, %dma_wait3A_1370] : memref<1x224x224xf32, #tpu.memory_space<vmem_shared>> -> memref<1x224x128xf32, #tpu.memory_space<vmem_shared>>
    %dma_wait3A_1372 = arith.constant 0 : i32
    %dma_wait3A_1373 = arith.constant 0 : i32
    %dma_wait3A_1374 = arith.constant 0 : i32
    %dma_wait3A_1375 = tpu.memref_slice %arg2[%dma_wait3A_1372, %dma_wait3A_1373, %dma_wait3A_1374] : memref<768x224x224xf32, #tpu.memory_space<hbm>> -> memref<1x224x128xf32, #tpu.memory_space<hbm>>
    tpu.wait_dma2 semaphore(%arg8 : memref<!tpu.dma_semaphore, #tpu.memory_space<semaphore_mem>>) src(%dma_wait3A_1375 : memref<1x224x128xf32, #tpu.memory_space<hbm>>) dst(%dma_wait3A_1371 : memref<1x224x128xf32, #tpu.memory_space<vmem_shared>>)
    %dma_wait3A_1376 = arith.constant 1 : i32
    %dma_wait3A_1377 = arith.constant 0 : i32
    %dma_wait3A_1378 = arith.constant 0 : i32
    %dma_wait3A_1379 = arith.constant 0 : i32
    %dma_wait3A_1380 = tpu.memref_slice %arg6[%arg1, %dma_wait3A_1376, %dma_wait3A_1377, %dma_wait3A_1378, %dma_wait3A_1379] : memref<16x2x1x224x224xf32, #tpu.memory_space<vmem_shared>> -> memref<1x1x1x224x224xf32, #tpu.memory_space<vmem_shared>>
    %dma_wait3A_1381 = tpu.memref_squeeze %dma_wait3A_1380 : memref<1x1x1x224x224xf32, #tpu.memory_space<vmem_shared>> -> memref<1x224x224xf32, #tpu.memory_space<vmem_shared>>
    %dma_wait3A_1382 = arith.constant 0 : i32
    %dma_wait3A_1383 = arith.constant 0 : i32
    %dma_wait3A_1384 = arith.constant 128 : i32
    %dma_wait3A_1385 = tpu.memref_slice %dma_wait3A_1381[%dma_wait3A_1382, %dma_wait3A_1383, %dma_wait3A_1384] : memref<1x224x224xf32, #tpu.memory_space<vmem_shared>> -> memref<1x224x96xf32, #tpu.memory_space<vmem_shared>>
    %dma_wait3A_1386 = arith.constant 0 : i32
    %dma_wait3A_1387 = arith.constant 0 : i32
    %dma_wait3A_1388 = arith.constant 128 : i32
    %dma_wait3A_1389 = tpu.memref_slice %arg2[%dma_wait3A_1386, %dma_wait3A_1387, %dma_wait3A_1388] : memref<768x224x224xf32, #tpu.memory_space<hbm>> -> memref<1x224x96xf32, #tpu.memory_space<hbm>>
    tpu.wait_dma2 semaphore(%arg8 : memref<!tpu.dma_semaphore, #tpu.memory_space<semaphore_mem>>) src(%dma_wait3A_1389 : memref<1x224x96xf32, #tpu.memory_space<hbm>>) dst(%dma_wait3A_1385 : memref<1x224x96xf32, #tpu.memory_space<vmem_shared>>)
    %add3A_1390 = arith.constant 11 : i32
    %add3A_1391 = arith.addi %mul3A_2, %add3A_1390 : i32
    %dma_start3A_1392 = arith.constant 1 : i32
    %dma_start3A_1393 = arith.constant 0 : i32
    %dma_start3A_1394 = arith.constant 0 : i32
    %dma_start3A_1395 = tpu.memref_slice %arg4[%add3A_1391, %dma_start3A_1393, %dma_start3A_1394] : memref<768x224x224xf32, #tpu.memory_space<hbm>> -> memref<1x224x128xf32, #tpu.memory_space<hbm>>
    %dma_start3A_1396 = arith.constant 0 : i32
    %dma_start3A_1397 = arith.constant 0 : i32
    %dma_start3A_1398 = arith.constant 0 : i32
    %dma_start3A_1399 = tpu.memref_slice %arg6[%arg1, %dma_start3A_1392, %dma_start3A_1396, %dma_start3A_1397, %dma_start3A_1398] : memref<16x2x1x224x224xf32, #tpu.memory_space<vmem_shared>> -> memref<1x1x1x224x224xf32, #tpu.memory_space<vmem_shared>>
    %dma_start3A_1400 = tpu.memref_squeeze %dma_start3A_1399 : memref<1x1x1x224x224xf32, #tpu.memory_space<vmem_shared>> -> memref<1x224x224xf32, #tpu.memory_space<vmem_shared>>
    %dma_start3A_1401 = arith.constant 0 : i32
    %dma_start3A_1402 = arith.constant 0 : i32
    %dma_start3A_1403 = arith.constant 0 : i32
    %dma_start3A_1404 = tpu.memref_slice %dma_start3A_1400[%dma_start3A_1401, %dma_start3A_1402, %dma_start3A_1403] : memref<1x224x224xf32, #tpu.memory_space<vmem_shared>> -> memref<1x224x128xf32, #tpu.memory_space<vmem_shared>>
    tpu.enqueue_dma source(%dma_start3A_1404 : memref<1x224x128xf32, #tpu.memory_space<vmem_shared>>) target(%dma_start3A_1395 : memref<1x224x128xf32, #tpu.memory_space<hbm>>) target_semaphore(%arg10 : memref<!tpu.dma_semaphore, #tpu.memory_space<semaphore_mem>>)
    %add3A_1405 = arith.constant 11 : i32
    %add3A_1406 = arith.addi %mul3A_2, %add3A_1405 : i32
    %dma_start3A_1407 = arith.constant 1 : i32
    %dma_start3A_1408 = arith.constant 0 : i32
    %dma_start3A_1409 = arith.constant 128 : i32
    %dma_start3A_1410 = tpu.memref_slice %arg4[%add3A_1406, %dma_start3A_1408, %dma_start3A_1409] : memref<768x224x224xf32, #tpu.memory_space<hbm>> -> memref<1x224x96xf32, #tpu.memory_space<hbm>>
    %dma_start3A_1411 = arith.constant 0 : i32
    %dma_start3A_1412 = arith.constant 0 : i32
    %dma_start3A_1413 = arith.constant 0 : i32
    %dma_start3A_1414 = tpu.memref_slice %arg6[%arg1, %dma_start3A_1407, %dma_start3A_1411, %dma_start3A_1412, %dma_start3A_1413] : memref<16x2x1x224x224xf32, #tpu.memory_space<vmem_shared>> -> memref<1x1x1x224x224xf32, #tpu.memory_space<vmem_shared>>
    %dma_start3A_1415 = tpu.memref_squeeze %dma_start3A_1414 : memref<1x1x1x224x224xf32, #tpu.memory_space<vmem_shared>> -> memref<1x224x224xf32, #tpu.memory_space<vmem_shared>>
    %dma_start3A_1416 = arith.constant 0 : i32
    %dma_start3A_1417 = arith.constant 0 : i32
    %dma_start3A_1418 = arith.constant 128 : i32
    %dma_start3A_1419 = tpu.memref_slice %dma_start3A_1415[%dma_start3A_1416, %dma_start3A_1417, %dma_start3A_1418] : memref<1x224x224xf32, #tpu.memory_space<vmem_shared>> -> memref<1x224x96xf32, #tpu.memory_space<vmem_shared>>
    tpu.enqueue_dma source(%dma_start3A_1419 : memref<1x224x96xf32, #tpu.memory_space<vmem_shared>>) target(%dma_start3A_1410 : memref<1x224x96xf32, #tpu.memory_space<hbm>>) target_semaphore(%arg10 : memref<!tpu.dma_semaphore, #tpu.memory_space<semaphore_mem>>)
    %add3A_1420 = arith.constant 11 : i32
    %add3A_1421 = arith.addi %mul3A_2, %add3A_1420 : i32
    %dma_wait3A_1422 = arith.constant 1 : i32
    %dma_wait3A_1423 = arith.constant 0 : i32
    %dma_wait3A_1424 = arith.constant 0 : i32
    %dma_wait3A_1425 = tpu.memref_slice %arg4[%add3A_1421, %dma_wait3A_1423, %dma_wait3A_1424] : memref<768x224x224xf32, #tpu.memory_space<hbm>> -> memref<1x224x128xf32, #tpu.memory_space<hbm>>
    %dma_wait3A_1426 = arith.constant 0 : i32
    %dma_wait3A_1427 = arith.constant 0 : i32
    %dma_wait3A_1428 = arith.constant 0 : i32
    %dma_wait3A_1429 = tpu.memref_slice %arg6[%arg1, %dma_wait3A_1422, %dma_wait3A_1426, %dma_wait3A_1427, %dma_wait3A_1428] : memref<16x2x1x224x224xf32, #tpu.memory_space<vmem_shared>> -> memref<1x1x1x224x224xf32, #tpu.memory_space<vmem_shared>>
    %dma_wait3A_1430 = tpu.memref_squeeze %dma_wait3A_1429 : memref<1x1x1x224x224xf32, #tpu.memory_space<vmem_shared>> -> memref<1x224x224xf32, #tpu.memory_space<vmem_shared>>
    %dma_wait3A_1431 = arith.constant 0 : i32
    %dma_wait3A_1432 = arith.constant 0 : i32
    %dma_wait3A_1433 = arith.constant 0 : i32
    %dma_wait3A_1434 = tpu.memref_slice %dma_wait3A_1430[%dma_wait3A_1431, %dma_wait3A_1432, %dma_wait3A_1433] : memref<1x224x224xf32, #tpu.memory_space<vmem_shared>> -> memref<1x224x128xf32, #tpu.memory_space<vmem_shared>>
    tpu.wait_dma2 semaphore(%arg10 : memref<!tpu.dma_semaphore, #tpu.memory_space<semaphore_mem>>) src(%dma_wait3A_1434 : memref<1x224x128xf32, #tpu.memory_space<vmem_shared>>) dst(%dma_wait3A_1425 : memref<1x224x128xf32, #tpu.memory_space<hbm>>)
    %add3A_1435 = arith.constant 11 : i32
    %add3A_1436 = arith.addi %mul3A_2, %add3A_1435 : i32
    %dma_wait3A_1437 = arith.constant 1 : i32
    %dma_wait3A_1438 = arith.constant 0 : i32
    %dma_wait3A_1439 = arith.constant 128 : i32
    %dma_wait3A_1440 = tpu.memref_slice %arg4[%add3A_1436, %dma_wait3A_1438, %dma_wait3A_1439] : memref<768x224x224xf32, #tpu.memory_space<hbm>> -> memref<1x224x96xf32, #tpu.memory_space<hbm>>
    %dma_wait3A_1441 = arith.constant 0 : i32
    %dma_wait3A_1442 = arith.constant 0 : i32
    %dma_wait3A_1443 = arith.constant 0 : i32
    %dma_wait3A_1444 = tpu.memref_slice %arg6[%arg1, %dma_wait3A_1437, %dma_wait3A_1441, %dma_wait3A_1442, %dma_wait3A_1443] : memref<16x2x1x224x224xf32, #tpu.memory_space<vmem_shared>> -> memref<1x1x1x224x224xf32, #tpu.memory_space<vmem_shared>>
    %dma_wait3A_1445 = tpu.memref_squeeze %dma_wait3A_1444 : memref<1x1x1x224x224xf32, #tpu.memory_space<vmem_shared>> -> memref<1x224x224xf32, #tpu.memory_space<vmem_shared>>
    %dma_wait3A_1446 = arith.constant 0 : i32
    %dma_wait3A_1447 = arith.constant 0 : i32
    %dma_wait3A_1448 = arith.constant 128 : i32
    %dma_wait3A_1449 = tpu.memref_slice %dma_wait3A_1445[%dma_wait3A_1446, %dma_wait3A_1447, %dma_wait3A_1448] : memref<1x224x224xf32, #tpu.memory_space<vmem_shared>> -> memref<1x224x96xf32, #tpu.memory_space<vmem_shared>>
    tpu.wait_dma2 semaphore(%arg10 : memref<!tpu.dma_semaphore, #tpu.memory_space<semaphore_mem>>) src(%dma_wait3A_1449 : memref<1x224x96xf32, #tpu.memory_space<vmem_shared>>) dst(%dma_wait3A_1440 : memref<1x224x96xf32, #tpu.memory_space<hbm>>)
    %slice3A_1450 = vector.extract_strided_slice %get3A_4 {offsets = [13], sizes = [1], strides = [1]} : vector<16xi32> to vector<1xi32>
    %squeeze3A_1451 = vector.extract %slice3A_1450[0] : i32 from vector<1xi32>
    %dma_start3A_1452 = arith.constant 1 : i32
    %dma_start3A_1453 = arith.constant 0 : i32
    %dma_start3A_1454 = arith.constant 0 : i32
    %dma_start3A_1455 = arith.constant 0 : i32
    %dma_start3A_1456 = tpu.memref_slice %arg6[%arg1, %dma_start3A_1452, %dma_start3A_1453, %dma_start3A_1454, %dma_start3A_1455] : memref<16x2x1x224x224xf32, #tpu.memory_space<vmem_shared>> -> memref<1x1x1x224x224xf32, #tpu.memory_space<vmem_shared>>
    %dma_start3A_1457 = tpu.memref_squeeze %dma_start3A_1456 : memref<1x1x1x224x224xf32, #tpu.memory_space<vmem_shared>> -> memref<1x224x224xf32, #tpu.memory_space<vmem_shared>>
    %dma_start3A_1458 = arith.constant 0 : i32
    %dma_start3A_1459 = arith.constant 0 : i32
    %dma_start3A_1460 = arith.constant 0 : i32
    %dma_start3A_1461 = tpu.memref_slice %dma_start3A_1457[%dma_start3A_1458, %dma_start3A_1459, %dma_start3A_1460] : memref<1x224x224xf32, #tpu.memory_space<vmem_shared>> -> memref<1x224x128xf32, #tpu.memory_space<vmem_shared>>
    %dma_start3A_1462 = arith.constant 0 : i32
    %dma_start3A_1463 = arith.constant 0 : i32
    %dma_start3A_1464 = tpu.memref_slice %arg2[%squeeze3A_1451, %dma_start3A_1462, %dma_start3A_1463] : memref<768x224x224xf32, #tpu.memory_space<hbm>> -> memref<1x224x128xf32, #tpu.memory_space<hbm>>
    tpu.enqueue_dma source(%dma_start3A_1464 : memref<1x224x128xf32, #tpu.memory_space<hbm>>) target(%dma_start3A_1461 : memref<1x224x128xf32, #tpu.memory_space<vmem_shared>>) target_semaphore(%arg8 : memref<!tpu.dma_semaphore, #tpu.memory_space<semaphore_mem>>)
    %slice3A_1465 = vector.extract_strided_slice %get3A_4 {offsets = [13], sizes = [1], strides = [1]} : vector<16xi32> to vector<1xi32>
    %squeeze3A_1466 = vector.extract %slice3A_1465[0] : i32 from vector<1xi32>
    %dma_start3A_1467 = arith.constant 1 : i32
    %dma_start3A_1468 = arith.constant 0 : i32
    %dma_start3A_1469 = arith.constant 0 : i32
    %dma_start3A_1470 = arith.constant 0 : i32
    %dma_start3A_1471 = tpu.memref_slice %arg6[%arg1, %dma_start3A_1467, %dma_start3A_1468, %dma_start3A_1469, %dma_start3A_1470] : memref<16x2x1x224x224xf32, #tpu.memory_space<vmem_shared>> -> memref<1x1x1x224x224xf32, #tpu.memory_space<vmem_shared>>
    %dma_start3A_1472 = tpu.memref_squeeze %dma_start3A_1471 : memref<1x1x1x224x224xf32, #tpu.memory_space<vmem_shared>> -> memref<1x224x224xf32, #tpu.memory_space<vmem_shared>>
    %dma_start3A_1473 = arith.constant 0 : i32
    %dma_start3A_1474 = arith.constant 0 : i32
    %dma_start3A_1475 = arith.constant 128 : i32
    %dma_start3A_1476 = tpu.memref_slice %dma_start3A_1472[%dma_start3A_1473, %dma_start3A_1474, %dma_start3A_1475] : memref<1x224x224xf32, #tpu.memory_space<vmem_shared>> -> memref<1x224x96xf32, #tpu.memory_space<vmem_shared>>
    %dma_start3A_1477 = arith.constant 0 : i32
    %dma_start3A_1478 = arith.constant 128 : i32
    %dma_start3A_1479 = tpu.memref_slice %arg2[%squeeze3A_1466, %dma_start3A_1477, %dma_start3A_1478] : memref<768x224x224xf32, #tpu.memory_space<hbm>> -> memref<1x224x96xf32, #tpu.memory_space<hbm>>
    tpu.enqueue_dma source(%dma_start3A_1479 : memref<1x224x96xf32, #tpu.memory_space<hbm>>) target(%dma_start3A_1476 : memref<1x224x96xf32, #tpu.memory_space<vmem_shared>>) target_semaphore(%arg8 : memref<!tpu.dma_semaphore, #tpu.memory_space<semaphore_mem>>)
    %dma_wait3A_1480 = arith.constant 0 : i32
    %dma_wait3A_1481 = arith.constant 0 : i32
    %dma_wait3A_1482 = arith.constant 0 : i32
    %dma_wait3A_1483 = arith.constant 0 : i32
    %dma_wait3A_1484 = tpu.memref_slice %arg6[%arg1, %dma_wait3A_1480, %dma_wait3A_1481, %dma_wait3A_1482, %dma_wait3A_1483] : memref<16x2x1x224x224xf32, #tpu.memory_space<vmem_shared>> -> memref<1x1x1x224x224xf32, #tpu.memory_space<vmem_shared>>
    %dma_wait3A_1485 = tpu.memref_squeeze %dma_wait3A_1484 : memref<1x1x1x224x224xf32, #tpu.memory_space<vmem_shared>> -> memref<1x224x224xf32, #tpu.memory_space<vmem_shared>>
    %dma_wait3A_1486 = arith.constant 0 : i32
    %dma_wait3A_1487 = arith.constant 0 : i32
    %dma_wait3A_1488 = arith.constant 0 : i32
    %dma_wait3A_1489 = tpu.memref_slice %dma_wait3A_1485[%dma_wait3A_1486, %dma_wait3A_1487, %dma_wait3A_1488] : memref<1x224x224xf32, #tpu.memory_space<vmem_shared>> -> memref<1x224x128xf32, #tpu.memory_space<vmem_shared>>
    %dma_wait3A_1490 = arith.constant 0 : i32
    %dma_wait3A_1491 = arith.constant 0 : i32
    %dma_wait3A_1492 = arith.constant 0 : i32
    %dma_wait3A_1493 = tpu.memref_slice %arg2[%dma_wait3A_1490, %dma_wait3A_1491, %dma_wait3A_1492] : memref<768x224x224xf32, #tpu.memory_space<hbm>> -> memref<1x224x128xf32, #tpu.memory_space<hbm>>
    tpu.wait_dma2 semaphore(%arg7 : memref<!tpu.dma_semaphore, #tpu.memory_space<semaphore_mem>>) src(%dma_wait3A_1493 : memref<1x224x128xf32, #tpu.memory_space<hbm>>) dst(%dma_wait3A_1489 : memref<1x224x128xf32, #tpu.memory_space<vmem_shared>>)
    %dma_wait3A_1494 = arith.constant 0 : i32
    %dma_wait3A_1495 = arith.constant 0 : i32
    %dma_wait3A_1496 = arith.constant 0 : i32
    %dma_wait3A_1497 = arith.constant 0 : i32
    %dma_wait3A_1498 = tpu.memref_slice %arg6[%arg1, %dma_wait3A_1494, %dma_wait3A_1495, %dma_wait3A_1496, %dma_wait3A_1497] : memref<16x2x1x224x224xf32, #tpu.memory_space<vmem_shared>> -> memref<1x1x1x224x224xf32, #tpu.memory_space<vmem_shared>>
    %dma_wait3A_1499 = tpu.memref_squeeze %dma_wait3A_1498 : memref<1x1x1x224x224xf32, #tpu.memory_space<vmem_shared>> -> memref<1x224x224xf32, #tpu.memory_space<vmem_shared>>
    %dma_wait3A_1500 = arith.constant 0 : i32
    %dma_wait3A_1501 = arith.constant 0 : i32
    %dma_wait3A_1502 = arith.constant 128 : i32
    %dma_wait3A_1503 = tpu.memref_slice %dma_wait3A_1499[%dma_wait3A_1500, %dma_wait3A_1501, %dma_wait3A_1502] : memref<1x224x224xf32, #tpu.memory_space<vmem_shared>> -> memref<1x224x96xf32, #tpu.memory_space<vmem_shared>>
    %dma_wait3A_1504 = arith.constant 0 : i32
    %dma_wait3A_1505 = arith.constant 0 : i32
    %dma_wait3A_1506 = arith.constant 128 : i32
    %dma_wait3A_1507 = tpu.memref_slice %arg2[%dma_wait3A_1504, %dma_wait3A_1505, %dma_wait3A_1506] : memref<768x224x224xf32, #tpu.memory_space<hbm>> -> memref<1x224x96xf32, #tpu.memory_space<hbm>>
    tpu.wait_dma2 semaphore(%arg7 : memref<!tpu.dma_semaphore, #tpu.memory_space<semaphore_mem>>) src(%dma_wait3A_1507 : memref<1x224x96xf32, #tpu.memory_space<hbm>>) dst(%dma_wait3A_1503 : memref<1x224x96xf32, #tpu.memory_space<vmem_shared>>)
    %add3A_1508 = arith.constant 12 : i32
    %add3A_1509 = arith.addi %mul3A_2, %add3A_1508 : i32
    %dma_start3A_1510 = arith.constant 0 : i32
    %dma_start3A_1511 = arith.constant 0 : i32
    %dma_start3A_1512 = arith.constant 0 : i32
    %dma_start3A_1513 = tpu.memref_slice %arg4[%add3A_1509, %dma_start3A_1511, %dma_start3A_1512] : memref<768x224x224xf32, #tpu.memory_space<hbm>> -> memref<1x224x128xf32, #tpu.memory_space<hbm>>
    %dma_start3A_1514 = arith.constant 0 : i32
    %dma_start3A_1515 = arith.constant 0 : i32
    %dma_start3A_1516 = arith.constant 0 : i32
    %dma_start3A_1517 = tpu.memref_slice %arg6[%arg1, %dma_start3A_1510, %dma_start3A_1514, %dma_start3A_1515, %dma_start3A_1516] : memref<16x2x1x224x224xf32, #tpu.memory_space<vmem_shared>> -> memref<1x1x1x224x224xf32, #tpu.memory_space<vmem_shared>>
    %dma_start3A_1518 = tpu.memref_squeeze %dma_start3A_1517 : memref<1x1x1x224x224xf32, #tpu.memory_space<vmem_shared>> -> memref<1x224x224xf32, #tpu.memory_space<vmem_shared>>
    %dma_start3A_1519 = arith.constant 0 : i32
    %dma_start3A_1520 = arith.constant 0 : i32
    %dma_start3A_1521 = arith.constant 0 : i32
    %dma_start3A_1522 = tpu.memref_slice %dma_start3A_1518[%dma_start3A_1519, %dma_start3A_1520, %dma_start3A_1521] : memref<1x224x224xf32, #tpu.memory_space<vmem_shared>> -> memref<1x224x128xf32, #tpu.memory_space<vmem_shared>>
    tpu.enqueue_dma source(%dma_start3A_1522 : memref<1x224x128xf32, #tpu.memory_space<vmem_shared>>) target(%dma_start3A_1513 : memref<1x224x128xf32, #tpu.memory_space<hbm>>) target_semaphore(%arg9 : memref<!tpu.dma_semaphore, #tpu.memory_space<semaphore_mem>>)
    %add3A_1523 = arith.constant 12 : i32
    %add3A_1524 = arith.addi %mul3A_2, %add3A_1523 : i32
    %dma_start3A_1525 = arith.constant 0 : i32
    %dma_start3A_1526 = arith.constant 0 : i32
    %dma_start3A_1527 = arith.constant 128 : i32
    %dma_start3A_1528 = tpu.memref_slice %arg4[%add3A_1524, %dma_start3A_1526, %dma_start3A_1527] : memref<768x224x224xf32, #tpu.memory_space<hbm>> -> memref<1x224x96xf32, #tpu.memory_space<hbm>>
    %dma_start3A_1529 = arith.constant 0 : i32
    %dma_start3A_1530 = arith.constant 0 : i32
    %dma_start3A_1531 = arith.constant 0 : i32
    %dma_start3A_1532 = tpu.memref_slice %arg6[%arg1, %dma_start3A_1525, %dma_start3A_1529, %dma_start3A_1530, %dma_start3A_1531] : memref<16x2x1x224x224xf32, #tpu.memory_space<vmem_shared>> -> memref<1x1x1x224x224xf32, #tpu.memory_space<vmem_shared>>
    %dma_start3A_1533 = tpu.memref_squeeze %dma_start3A_1532 : memref<1x1x1x224x224xf32, #tpu.memory_space<vmem_shared>> -> memref<1x224x224xf32, #tpu.memory_space<vmem_shared>>
    %dma_start3A_1534 = arith.constant 0 : i32
    %dma_start3A_1535 = arith.constant 0 : i32
    %dma_start3A_1536 = arith.constant 128 : i32
    %dma_start3A_1537 = tpu.memref_slice %dma_start3A_1533[%dma_start3A_1534, %dma_start3A_1535, %dma_start3A_1536] : memref<1x224x224xf32, #tpu.memory_space<vmem_shared>> -> memref<1x224x96xf32, #tpu.memory_space<vmem_shared>>
    tpu.enqueue_dma source(%dma_start3A_1537 : memref<1x224x96xf32, #tpu.memory_space<vmem_shared>>) target(%dma_start3A_1528 : memref<1x224x96xf32, #tpu.memory_space<hbm>>) target_semaphore(%arg9 : memref<!tpu.dma_semaphore, #tpu.memory_space<semaphore_mem>>)
    %add3A_1538 = arith.constant 12 : i32
    %add3A_1539 = arith.addi %mul3A_2, %add3A_1538 : i32
    %dma_wait3A_1540 = arith.constant 0 : i32
    %dma_wait3A_1541 = arith.constant 0 : i32
    %dma_wait3A_1542 = arith.constant 0 : i32
    %dma_wait3A_1543 = tpu.memref_slice %arg4[%add3A_1539, %dma_wait3A_1541, %dma_wait3A_1542] : memref<768x224x224xf32, #tpu.memory_space<hbm>> -> memref<1x224x128xf32, #tpu.memory_space<hbm>>
    %dma_wait3A_1544 = arith.constant 0 : i32
    %dma_wait3A_1545 = arith.constant 0 : i32
    %dma_wait3A_1546 = arith.constant 0 : i32
    %dma_wait3A_1547 = tpu.memref_slice %arg6[%arg1, %dma_wait3A_1540, %dma_wait3A_1544, %dma_wait3A_1545, %dma_wait3A_1546] : memref<16x2x1x224x224xf32, #tpu.memory_space<vmem_shared>> -> memref<1x1x1x224x224xf32, #tpu.memory_space<vmem_shared>>
    %dma_wait3A_1548 = tpu.memref_squeeze %dma_wait3A_1547 : memref<1x1x1x224x224xf32, #tpu.memory_space<vmem_shared>> -> memref<1x224x224xf32, #tpu.memory_space<vmem_shared>>
    %dma_wait3A_1549 = arith.constant 0 : i32
    %dma_wait3A_1550 = arith.constant 0 : i32
    %dma_wait3A_1551 = arith.constant 0 : i32
    %dma_wait3A_1552 = tpu.memref_slice %dma_wait3A_1548[%dma_wait3A_1549, %dma_wait3A_1550, %dma_wait3A_1551] : memref<1x224x224xf32, #tpu.memory_space<vmem_shared>> -> memref<1x224x128xf32, #tpu.memory_space<vmem_shared>>
    tpu.wait_dma2 semaphore(%arg9 : memref<!tpu.dma_semaphore, #tpu.memory_space<semaphore_mem>>) src(%dma_wait3A_1552 : memref<1x224x128xf32, #tpu.memory_space<vmem_shared>>) dst(%dma_wait3A_1543 : memref<1x224x128xf32, #tpu.memory_space<hbm>>)
    %add3A_1553 = arith.constant 12 : i32
    %add3A_1554 = arith.addi %mul3A_2, %add3A_1553 : i32
    %dma_wait3A_1555 = arith.constant 0 : i32
    %dma_wait3A_1556 = arith.constant 0 : i32
    %dma_wait3A_1557 = arith.constant 128 : i32
    %dma_wait3A_1558 = tpu.memref_slice %arg4[%add3A_1554, %dma_wait3A_1556, %dma_wait3A_1557] : memref<768x224x224xf32, #tpu.memory_space<hbm>> -> memref<1x224x96xf32, #tpu.memory_space<hbm>>
    %dma_wait3A_1559 = arith.constant 0 : i32
    %dma_wait3A_1560 = arith.constant 0 : i32
    %dma_wait3A_1561 = arith.constant 0 : i32
    %dma_wait3A_1562 = tpu.memref_slice %arg6[%arg1, %dma_wait3A_1555, %dma_wait3A_1559, %dma_wait3A_1560, %dma_wait3A_1561] : memref<16x2x1x224x224xf32, #tpu.memory_space<vmem_shared>> -> memref<1x1x1x224x224xf32, #tpu.memory_space<vmem_shared>>
    %dma_wait3A_1563 = tpu.memref_squeeze %dma_wait3A_1562 : memref<1x1x1x224x224xf32, #tpu.memory_space<vmem_shared>> -> memref<1x224x224xf32, #tpu.memory_space<vmem_shared>>
    %dma_wait3A_1564 = arith.constant 0 : i32
    %dma_wait3A_1565 = arith.constant 0 : i32
    %dma_wait3A_1566 = arith.constant 128 : i32
    %dma_wait3A_1567 = tpu.memref_slice %dma_wait3A_1563[%dma_wait3A_1564, %dma_wait3A_1565, %dma_wait3A_1566] : memref<1x224x224xf32, #tpu.memory_space<vmem_shared>> -> memref<1x224x96xf32, #tpu.memory_space<vmem_shared>>
    tpu.wait_dma2 semaphore(%arg9 : memref<!tpu.dma_semaphore, #tpu.memory_space<semaphore_mem>>) src(%dma_wait3A_1567 : memref<1x224x96xf32, #tpu.memory_space<vmem_shared>>) dst(%dma_wait3A_1558 : memref<1x224x96xf32, #tpu.memory_space<hbm>>)
    %slice3A_1568 = vector.extract_strided_slice %get3A_4 {offsets = [14], sizes = [1], strides = [1]} : vector<16xi32> to vector<1xi32>
    %squeeze3A_1569 = vector.extract %slice3A_1568[0] : i32 from vector<1xi32>
    %dma_start3A_1570 = arith.constant 0 : i32
    %dma_start3A_1571 = arith.constant 0 : i32
    %dma_start3A_1572 = arith.constant 0 : i32
    %dma_start3A_1573 = arith.constant 0 : i32
    %dma_start3A_1574 = tpu.memref_slice %arg6[%arg1, %dma_start3A_1570, %dma_start3A_1571, %dma_start3A_1572, %dma_start3A_1573] : memref<16x2x1x224x224xf32, #tpu.memory_space<vmem_shared>> -> memref<1x1x1x224x224xf32, #tpu.memory_space<vmem_shared>>
    %dma_start3A_1575 = tpu.memref_squeeze %dma_start3A_1574 : memref<1x1x1x224x224xf32, #tpu.memory_space<vmem_shared>> -> memref<1x224x224xf32, #tpu.memory_space<vmem_shared>>
    %dma_start3A_1576 = arith.constant 0 : i32
    %dma_start3A_1577 = arith.constant 0 : i32
    %dma_start3A_1578 = arith.constant 0 : i32
    %dma_start3A_1579 = tpu.memref_slice %dma_start3A_1575[%dma_start3A_1576, %dma_start3A_1577, %dma_start3A_1578] : memref<1x224x224xf32, #tpu.memory_space<vmem_shared>> -> memref<1x224x128xf32, #tpu.memory_space<vmem_shared>>
    %dma_start3A_1580 = arith.constant 0 : i32
    %dma_start3A_1581 = arith.constant 0 : i32
    %dma_start3A_1582 = tpu.memref_slice %arg2[%squeeze3A_1569, %dma_start3A_1580, %dma_start3A_1581] : memref<768x224x224xf32, #tpu.memory_space<hbm>> -> memref<1x224x128xf32, #tpu.memory_space<hbm>>
    tpu.enqueue_dma source(%dma_start3A_1582 : memref<1x224x128xf32, #tpu.memory_space<hbm>>) target(%dma_start3A_1579 : memref<1x224x128xf32, #tpu.memory_space<vmem_shared>>) target_semaphore(%arg7 : memref<!tpu.dma_semaphore, #tpu.memory_space<semaphore_mem>>)
    %slice3A_1583 = vector.extract_strided_slice %get3A_4 {offsets = [14], sizes = [1], strides = [1]} : vector<16xi32> to vector<1xi32>
    %squeeze3A_1584 = vector.extract %slice3A_1583[0] : i32 from vector<1xi32>
    %dma_start3A_1585 = arith.constant 0 : i32
    %dma_start3A_1586 = arith.constant 0 : i32
    %dma_start3A_1587 = arith.constant 0 : i32
    %dma_start3A_1588 = arith.constant 0 : i32
    %dma_start3A_1589 = tpu.memref_slice %arg6[%arg1, %dma_start3A_1585, %dma_start3A_1586, %dma_start3A_1587, %dma_start3A_1588] : memref<16x2x1x224x224xf32, #tpu.memory_space<vmem_shared>> -> memref<1x1x1x224x224xf32, #tpu.memory_space<vmem_shared>>
    %dma_start3A_1590 = tpu.memref_squeeze %dma_start3A_1589 : memref<1x1x1x224x224xf32, #tpu.memory_space<vmem_shared>> -> memref<1x224x224xf32, #tpu.memory_space<vmem_shared>>
    %dma_start3A_1591 = arith.constant 0 : i32
    %dma_start3A_1592 = arith.constant 0 : i32
    %dma_start3A_1593 = arith.constant 128 : i32
    %dma_start3A_1594 = tpu.memref_slice %dma_start3A_1590[%dma_start3A_1591, %dma_start3A_1592, %dma_start3A_1593] : memref<1x224x224xf32, #tpu.memory_space<vmem_shared>> -> memref<1x224x96xf32, #tpu.memory_space<vmem_shared>>
    %dma_start3A_1595 = arith.constant 0 : i32
    %dma_start3A_1596 = arith.constant 128 : i32
    %dma_start3A_1597 = tpu.memref_slice %arg2[%squeeze3A_1584, %dma_start3A_1595, %dma_start3A_1596] : memref<768x224x224xf32, #tpu.memory_space<hbm>> -> memref<1x224x96xf32, #tpu.memory_space<hbm>>
    tpu.enqueue_dma source(%dma_start3A_1597 : memref<1x224x96xf32, #tpu.memory_space<hbm>>) target(%dma_start3A_1594 : memref<1x224x96xf32, #tpu.memory_space<vmem_shared>>) target_semaphore(%arg7 : memref<!tpu.dma_semaphore, #tpu.memory_space<semaphore_mem>>)
    %dma_wait3A_1598 = arith.constant 1 : i32
    %dma_wait3A_1599 = arith.constant 0 : i32
    %dma_wait3A_1600 = arith.constant 0 : i32
    %dma_wait3A_1601 = arith.constant 0 : i32
    %dma_wait3A_1602 = tpu.memref_slice %arg6[%arg1, %dma_wait3A_1598, %dma_wait3A_1599, %dma_wait3A_1600, %dma_wait3A_1601] : memref<16x2x1x224x224xf32, #tpu.memory_space<vmem_shared>> -> memref<1x1x1x224x224xf32, #tpu.memory_space<vmem_shared>>
    %dma_wait3A_1603 = tpu.memref_squeeze %dma_wait3A_1602 : memref<1x1x1x224x224xf32, #tpu.memory_space<vmem_shared>> -> memref<1x224x224xf32, #tpu.memory_space<vmem_shared>>
    %dma_wait3A_1604 = arith.constant 0 : i32
    %dma_wait3A_1605 = arith.constant 0 : i32
    %dma_wait3A_1606 = arith.constant 0 : i32
    %dma_wait3A_1607 = tpu.memref_slice %dma_wait3A_1603[%dma_wait3A_1604, %dma_wait3A_1605, %dma_wait3A_1606] : memref<1x224x224xf32, #tpu.memory_space<vmem_shared>> -> memref<1x224x128xf32, #tpu.memory_space<vmem_shared>>
    %dma_wait3A_1608 = arith.constant 0 : i32
    %dma_wait3A_1609 = arith.constant 0 : i32
    %dma_wait3A_1610 = arith.constant 0 : i32
    %dma_wait3A_1611 = tpu.memref_slice %arg2[%dma_wait3A_1608, %dma_wait3A_1609, %dma_wait3A_1610] : memref<768x224x224xf32, #tpu.memory_space<hbm>> -> memref<1x224x128xf32, #tpu.memory_space<hbm>>
    tpu.wait_dma2 semaphore(%arg8 : memref<!tpu.dma_semaphore, #tpu.memory_space<semaphore_mem>>) src(%dma_wait3A_1611 : memref<1x224x128xf32, #tpu.memory_space<hbm>>) dst(%dma_wait3A_1607 : memref<1x224x128xf32, #tpu.memory_space<vmem_shared>>)
    %dma_wait3A_1612 = arith.constant 1 : i32
    %dma_wait3A_1613 = arith.constant 0 : i32
    %dma_wait3A_1614 = arith.constant 0 : i32
    %dma_wait3A_1615 = arith.constant 0 : i32
    %dma_wait3A_1616 = tpu.memref_slice %arg6[%arg1, %dma_wait3A_1612, %dma_wait3A_1613, %dma_wait3A_1614, %dma_wait3A_1615] : memref<16x2x1x224x224xf32, #tpu.memory_space<vmem_shared>> -> memref<1x1x1x224x224xf32, #tpu.memory_space<vmem_shared>>
    %dma_wait3A_1617 = tpu.memref_squeeze %dma_wait3A_1616 : memref<1x1x1x224x224xf32, #tpu.memory_space<vmem_shared>> -> memref<1x224x224xf32, #tpu.memory_space<vmem_shared>>
    %dma_wait3A_1618 = arith.constant 0 : i32
    %dma_wait3A_1619 = arith.constant 0 : i32
    %dma_wait3A_1620 = arith.constant 128 : i32
    %dma_wait3A_1621 = tpu.memref_slice %dma_wait3A_1617[%dma_wait3A_1618, %dma_wait3A_1619, %dma_wait3A_1620] : memref<1x224x224xf32, #tpu.memory_space<vmem_shared>> -> memref<1x224x96xf32, #tpu.memory_space<vmem_shared>>
    %dma_wait3A_1622 = arith.constant 0 : i32
    %dma_wait3A_1623 = arith.constant 0 : i32
    %dma_wait3A_1624 = arith.constant 128 : i32
    %dma_wait3A_1625 = tpu.memref_slice %arg2[%dma_wait3A_1622, %dma_wait3A_1623, %dma_wait3A_1624] : memref<768x224x224xf32, #tpu.memory_space<hbm>> -> memref<1x224x96xf32, #tpu.memory_space<hbm>>
    tpu.wait_dma2 semaphore(%arg8 : memref<!tpu.dma_semaphore, #tpu.memory_space<semaphore_mem>>) src(%dma_wait3A_1625 : memref<1x224x96xf32, #tpu.memory_space<hbm>>) dst(%dma_wait3A_1621 : memref<1x224x96xf32, #tpu.memory_space<vmem_shared>>)
    %add3A_1626 = arith.constant 13 : i32
    %add3A_1627 = arith.addi %mul3A_2, %add3A_1626 : i32
    %dma_start3A_1628 = arith.constant 1 : i32
    %dma_start3A_1629 = arith.constant 0 : i32
    %dma_start3A_1630 = arith.constant 0 : i32
    %dma_start3A_1631 = tpu.memref_slice %arg4[%add3A_1627, %dma_start3A_1629, %dma_start3A_1630] : memref<768x224x224xf32, #tpu.memory_space<hbm>> -> memref<1x224x128xf32, #tpu.memory_space<hbm>>
    %dma_start3A_1632 = arith.constant 0 : i32
    %dma_start3A_1633 = arith.constant 0 : i32
    %dma_start3A_1634 = arith.constant 0 : i32
    %dma_start3A_1635 = tpu.memref_slice %arg6[%arg1, %dma_start3A_1628, %dma_start3A_1632, %dma_start3A_1633, %dma_start3A_1634] : memref<16x2x1x224x224xf32, #tpu.memory_space<vmem_shared>> -> memref<1x1x1x224x224xf32, #tpu.memory_space<vmem_shared>>
    %dma_start3A_1636 = tpu.memref_squeeze %dma_start3A_1635 : memref<1x1x1x224x224xf32, #tpu.memory_space<vmem_shared>> -> memref<1x224x224xf32, #tpu.memory_space<vmem_shared>>
    %dma_start3A_1637 = arith.constant 0 : i32
    %dma_start3A_1638 = arith.constant 0 : i32
    %dma_start3A_1639 = arith.constant 0 : i32
    %dma_start3A_1640 = tpu.memref_slice %dma_start3A_1636[%dma_start3A_1637, %dma_start3A_1638, %dma_start3A_1639] : memref<1x224x224xf32, #tpu.memory_space<vmem_shared>> -> memref<1x224x128xf32, #tpu.memory_space<vmem_shared>>
    tpu.enqueue_dma source(%dma_start3A_1640 : memref<1x224x128xf32, #tpu.memory_space<vmem_shared>>) target(%dma_start3A_1631 : memref<1x224x128xf32, #tpu.memory_space<hbm>>) target_semaphore(%arg10 : memref<!tpu.dma_semaphore, #tpu.memory_space<semaphore_mem>>)
    %add3A_1641 = arith.constant 13 : i32
    %add3A_1642 = arith.addi %mul3A_2, %add3A_1641 : i32
    %dma_start3A_1643 = arith.constant 1 : i32
    %dma_start3A_1644 = arith.constant 0 : i32
    %dma_start3A_1645 = arith.constant 128 : i32
    %dma_start3A_1646 = tpu.memref_slice %arg4[%add3A_1642, %dma_start3A_1644, %dma_start3A_1645] : memref<768x224x224xf32, #tpu.memory_space<hbm>> -> memref<1x224x96xf32, #tpu.memory_space<hbm>>
    %dma_start3A_1647 = arith.constant 0 : i32
    %dma_start3A_1648 = arith.constant 0 : i32
    %dma_start3A_1649 = arith.constant 0 : i32
    %dma_start3A_1650 = tpu.memref_slice %arg6[%arg1, %dma_start3A_1643, %dma_start3A_1647, %dma_start3A_1648, %dma_start3A_1649] : memref<16x2x1x224x224xf32, #tpu.memory_space<vmem_shared>> -> memref<1x1x1x224x224xf32, #tpu.memory_space<vmem_shared>>
    %dma_start3A_1651 = tpu.memref_squeeze %dma_start3A_1650 : memref<1x1x1x224x224xf32, #tpu.memory_space<vmem_shared>> -> memref<1x224x224xf32, #tpu.memory_space<vmem_shared>>
    %dma_start3A_1652 = arith.constant 0 : i32
    %dma_start3A_1653 = arith.constant 0 : i32
    %dma_start3A_1654 = arith.constant 128 : i32
    %dma_start3A_1655 = tpu.memref_slice %dma_start3A_1651[%dma_start3A_1652, %dma_start3A_1653, %dma_start3A_1654] : memref<1x224x224xf32, #tpu.memory_space<vmem_shared>> -> memref<1x224x96xf32, #tpu.memory_space<vmem_shared>>
    tpu.enqueue_dma source(%dma_start3A_1655 : memref<1x224x96xf32, #tpu.memory_space<vmem_shared>>) target(%dma_start3A_1646 : memref<1x224x96xf32, #tpu.memory_space<hbm>>) target_semaphore(%arg10 : memref<!tpu.dma_semaphore, #tpu.memory_space<semaphore_mem>>)
    %add3A_1656 = arith.constant 13 : i32
    %add3A_1657 = arith.addi %mul3A_2, %add3A_1656 : i32
    %dma_wait3A_1658 = arith.constant 1 : i32
    %dma_wait3A_1659 = arith.constant 0 : i32
    %dma_wait3A_1660 = arith.constant 0 : i32
    %dma_wait3A_1661 = tpu.memref_slice %arg4[%add3A_1657, %dma_wait3A_1659, %dma_wait3A_1660] : memref<768x224x224xf32, #tpu.memory_space<hbm>> -> memref<1x224x128xf32, #tpu.memory_space<hbm>>
    %dma_wait3A_1662 = arith.constant 0 : i32
    %dma_wait3A_1663 = arith.constant 0 : i32
    %dma_wait3A_1664 = arith.constant 0 : i32
    %dma_wait3A_1665 = tpu.memref_slice %arg6[%arg1, %dma_wait3A_1658, %dma_wait3A_1662, %dma_wait3A_1663, %dma_wait3A_1664] : memref<16x2x1x224x224xf32, #tpu.memory_space<vmem_shared>> -> memref<1x1x1x224x224xf32, #tpu.memory_space<vmem_shared>>
    %dma_wait3A_1666 = tpu.memref_squeeze %dma_wait3A_1665 : memref<1x1x1x224x224xf32, #tpu.memory_space<vmem_shared>> -> memref<1x224x224xf32, #tpu.memory_space<vmem_shared>>
    %dma_wait3A_1667 = arith.constant 0 : i32
    %dma_wait3A_1668 = arith.constant 0 : i32
    %dma_wait3A_1669 = arith.constant 0 : i32
    %dma_wait3A_1670 = tpu.memref_slice %dma_wait3A_1666[%dma_wait3A_1667, %dma_wait3A_1668, %dma_wait3A_1669] : memref<1x224x224xf32, #tpu.memory_space<vmem_shared>> -> memref<1x224x128xf32, #tpu.memory_space<vmem_shared>>
    tpu.wait_dma2 semaphore(%arg10 : memref<!tpu.dma_semaphore, #tpu.memory_space<semaphore_mem>>) src(%dma_wait3A_1670 : memref<1x224x128xf32, #tpu.memory_space<vmem_shared>>) dst(%dma_wait3A_1661 : memref<1x224x128xf32, #tpu.memory_space<hbm>>)
    %add3A_1671 = arith.constant 13 : i32
    %add3A_1672 = arith.addi %mul3A_2, %add3A_1671 : i32
    %dma_wait3A_1673 = arith.constant 1 : i32
    %dma_wait3A_1674 = arith.constant 0 : i32
    %dma_wait3A_1675 = arith.constant 128 : i32
    %dma_wait3A_1676 = tpu.memref_slice %arg4[%add3A_1672, %dma_wait3A_1674, %dma_wait3A_1675] : memref<768x224x224xf32, #tpu.memory_space<hbm>> -> memref<1x224x96xf32, #tpu.memory_space<hbm>>
    %dma_wait3A_1677 = arith.constant 0 : i32
    %dma_wait3A_1678 = arith.constant 0 : i32
    %dma_wait3A_1679 = arith.constant 0 : i32
    %dma_wait3A_1680 = tpu.memref_slice %arg6[%arg1, %dma_wait3A_1673, %dma_wait3A_1677, %dma_wait3A_1678, %dma_wait3A_1679] : memref<16x2x1x224x224xf32, #tpu.memory_space<vmem_shared>> -> memref<1x1x1x224x224xf32, #tpu.memory_space<vmem_shared>>
    %dma_wait3A_1681 = tpu.memref_squeeze %dma_wait3A_1680 : memref<1x1x1x224x224xf32, #tpu.memory_space<vmem_shared>> -> memref<1x224x224xf32, #tpu.memory_space<vmem_shared>>
    %dma_wait3A_1682 = arith.constant 0 : i32
    %dma_wait3A_1683 = arith.constant 0 : i32
    %dma_wait3A_1684 = arith.constant 128 : i32
    %dma_wait3A_1685 = tpu.memref_slice %dma_wait3A_1681[%dma_wait3A_1682, %dma_wait3A_1683, %dma_wait3A_1684] : memref<1x224x224xf32, #tpu.memory_space<vmem_shared>> -> memref<1x224x96xf32, #tpu.memory_space<vmem_shared>>
    tpu.wait_dma2 semaphore(%arg10 : memref<!tpu.dma_semaphore, #tpu.memory_space<semaphore_mem>>) src(%dma_wait3A_1685 : memref<1x224x96xf32, #tpu.memory_space<vmem_shared>>) dst(%dma_wait3A_1676 : memref<1x224x96xf32, #tpu.memory_space<hbm>>)
    %slice3A_1686 = vector.extract_strided_slice %get3A_4 {offsets = [15], sizes = [1], strides = [1]} : vector<16xi32> to vector<1xi32>
    %squeeze3A_1687 = vector.extract %slice3A_1686[0] : i32 from vector<1xi32>
    %dma_start3A_1688 = arith.constant 1 : i32
    %dma_start3A_1689 = arith.constant 0 : i32
    %dma_start3A_1690 = arith.constant 0 : i32
    %dma_start3A_1691 = arith.constant 0 : i32
    %dma_start3A_1692 = tpu.memref_slice %arg6[%arg1, %dma_start3A_1688, %dma_start3A_1689, %dma_start3A_1690, %dma_start3A_1691] : memref<16x2x1x224x224xf32, #tpu.memory_space<vmem_shared>> -> memref<1x1x1x224x224xf32, #tpu.memory_space<vmem_shared>>
    %dma_start3A_1693 = tpu.memref_squeeze %dma_start3A_1692 : memref<1x1x1x224x224xf32, #tpu.memory_space<vmem_shared>> -> memref<1x224x224xf32, #tpu.memory_space<vmem_shared>>
    %dma_start3A_1694 = arith.constant 0 : i32
    %dma_start3A_1695 = arith.constant 0 : i32
    %dma_start3A_1696 = arith.constant 0 : i32
    %dma_start3A_1697 = tpu.memref_slice %dma_start3A_1693[%dma_start3A_1694, %dma_start3A_1695, %dma_start3A_1696] : memref<1x224x224xf32, #tpu.memory_space<vmem_shared>> -> memref<1x224x128xf32, #tpu.memory_space<vmem_shared>>
    %dma_start3A_1698 = arith.constant 0 : i32
    %dma_start3A_1699 = arith.constant 0 : i32
    %dma_start3A_1700 = tpu.memref_slice %arg2[%squeeze3A_1687, %dma_start3A_1698, %dma_start3A_1699] : memref<768x224x224xf32, #tpu.memory_space<hbm>> -> memref<1x224x128xf32, #tpu.memory_space<hbm>>
    tpu.enqueue_dma source(%dma_start3A_1700 : memref<1x224x128xf32, #tpu.memory_space<hbm>>) target(%dma_start3A_1697 : memref<1x224x128xf32, #tpu.memory_space<vmem_shared>>) target_semaphore(%arg8 : memref<!tpu.dma_semaphore, #tpu.memory_space<semaphore_mem>>)
    %slice3A_1701 = vector.extract_strided_slice %get3A_4 {offsets = [15], sizes = [1], strides = [1]} : vector<16xi32> to vector<1xi32>
    %squeeze3A_1702 = vector.extract %slice3A_1701[0] : i32 from vector<1xi32>
    %dma_start3A_1703 = arith.constant 1 : i32
    %dma_start3A_1704 = arith.constant 0 : i32
    %dma_start3A_1705 = arith.constant 0 : i32
    %dma_start3A_1706 = arith.constant 0 : i32
    %dma_start3A_1707 = tpu.memref_slice %arg6[%arg1, %dma_start3A_1703, %dma_start3A_1704, %dma_start3A_1705, %dma_start3A_1706] : memref<16x2x1x224x224xf32, #tpu.memory_space<vmem_shared>> -> memref<1x1x1x224x224xf32, #tpu.memory_space<vmem_shared>>
    %dma_start3A_1708 = tpu.memref_squeeze %dma_start3A_1707 : memref<1x1x1x224x224xf32, #tpu.memory_space<vmem_shared>> -> memref<1x224x224xf32, #tpu.memory_space<vmem_shared>>
    %dma_start3A_1709 = arith.constant 0 : i32
    %dma_start3A_1710 = arith.constant 0 : i32
    %dma_start3A_1711 = arith.constant 128 : i32
    %dma_start3A_1712 = tpu.memref_slice %dma_start3A_1708[%dma_start3A_1709, %dma_start3A_1710, %dma_start3A_1711] : memref<1x224x224xf32, #tpu.memory_space<vmem_shared>> -> memref<1x224x96xf32, #tpu.memory_space<vmem_shared>>
    %dma_start3A_1713 = arith.constant 0 : i32
    %dma_start3A_1714 = arith.constant 128 : i32
    %dma_start3A_1715 = tpu.memref_slice %arg2[%squeeze3A_1702, %dma_start3A_1713, %dma_start3A_1714] : memref<768x224x224xf32, #tpu.memory_space<hbm>> -> memref<1x224x96xf32, #tpu.memory_space<hbm>>
    tpu.enqueue_dma source(%dma_start3A_1715 : memref<1x224x96xf32, #tpu.memory_space<hbm>>) target(%dma_start3A_1712 : memref<1x224x96xf32, #tpu.memory_space<vmem_shared>>) target_semaphore(%arg8 : memref<!tpu.dma_semaphore, #tpu.memory_space<semaphore_mem>>)
    %dma_wait3A_1716 = arith.constant 0 : i32
    %dma_wait3A_1717 = arith.constant 0 : i32
    %dma_wait3A_1718 = arith.constant 0 : i32
    %dma_wait3A_1719 = arith.constant 0 : i32
    %dma_wait3A_1720 = tpu.memref_slice %arg6[%arg1, %dma_wait3A_1716, %dma_wait3A_1717, %dma_wait3A_1718, %dma_wait3A_1719] : memref<16x2x1x224x224xf32, #tpu.memory_space<vmem_shared>> -> memref<1x1x1x224x224xf32, #tpu.memory_space<vmem_shared>>
    %dma_wait3A_1721 = tpu.memref_squeeze %dma_wait3A_1720 : memref<1x1x1x224x224xf32, #tpu.memory_space<vmem_shared>> -> memref<1x224x224xf32, #tpu.memory_space<vmem_shared>>
    %dma_wait3A_1722 = arith.constant 0 : i32
    %dma_wait3A_1723 = arith.constant 0 : i32
    %dma_wait3A_1724 = arith.constant 0 : i32
    %dma_wait3A_1725 = tpu.memref_slice %dma_wait3A_1721[%dma_wait3A_1722, %dma_wait3A_1723, %dma_wait3A_1724] : memref<1x224x224xf32, #tpu.memory_space<vmem_shared>> -> memref<1x224x128xf32, #tpu.memory_space<vmem_shared>>
    %dma_wait3A_1726 = arith.constant 0 : i32
    %dma_wait3A_1727 = arith.constant 0 : i32
    %dma_wait3A_1728 = arith.constant 0 : i32
    %dma_wait3A_1729 = tpu.memref_slice %arg2[%dma_wait3A_1726, %dma_wait3A_1727, %dma_wait3A_1728] : memref<768x224x224xf32, #tpu.memory_space<hbm>> -> memref<1x224x128xf32, #tpu.memory_space<hbm>>
    tpu.wait_dma2 semaphore(%arg7 : memref<!tpu.dma_semaphore, #tpu.memory_space<semaphore_mem>>) src(%dma_wait3A_1729 : memref<1x224x128xf32, #tpu.memory_space<hbm>>) dst(%dma_wait3A_1725 : memref<1x224x128xf32, #tpu.memory_space<vmem_shared>>)
    %dma_wait3A_1730 = arith.constant 0 : i32
    %dma_wait3A_1731 = arith.constant 0 : i32
    %dma_wait3A_1732 = arith.constant 0 : i32
    %dma_wait3A_1733 = arith.constant 0 : i32
    %dma_wait3A_1734 = tpu.memref_slice %arg6[%arg1, %dma_wait3A_1730, %dma_wait3A_1731, %dma_wait3A_1732, %dma_wait3A_1733] : memref<16x2x1x224x224xf32, #tpu.memory_space<vmem_shared>> -> memref<1x1x1x224x224xf32, #tpu.memory_space<vmem_shared>>
    %dma_wait3A_1735 = tpu.memref_squeeze %dma_wait3A_1734 : memref<1x1x1x224x224xf32, #tpu.memory_space<vmem_shared>> -> memref<1x224x224xf32, #tpu.memory_space<vmem_shared>>
    %dma_wait3A_1736 = arith.constant 0 : i32
    %dma_wait3A_1737 = arith.constant 0 : i32
    %dma_wait3A_1738 = arith.constant 128 : i32
    %dma_wait3A_1739 = tpu.memref_slice %dma_wait3A_1735[%dma_wait3A_1736, %dma_wait3A_1737, %dma_wait3A_1738] : memref<1x224x224xf32, #tpu.memory_space<vmem_shared>> -> memref<1x224x96xf32, #tpu.memory_space<vmem_shared>>
    %dma_wait3A_1740 = arith.constant 0 : i32
    %dma_wait3A_1741 = arith.constant 0 : i32
    %dma_wait3A_1742 = arith.constant 128 : i32
    %dma_wait3A_1743 = tpu.memref_slice %arg2[%dma_wait3A_1740, %dma_wait3A_1741, %dma_wait3A_1742] : memref<768x224x224xf32, #tpu.memory_space<hbm>> -> memref<1x224x96xf32, #tpu.memory_space<hbm>>
    tpu.wait_dma2 semaphore(%arg7 : memref<!tpu.dma_semaphore, #tpu.memory_space<semaphore_mem>>) src(%dma_wait3A_1743 : memref<1x224x96xf32, #tpu.memory_space<hbm>>) dst(%dma_wait3A_1739 : memref<1x224x96xf32, #tpu.memory_space<vmem_shared>>)
    %add3A_1744 = arith.constant 14 : i32
    %add3A_1745 = arith.addi %mul3A_2, %add3A_1744 : i32
    %dma_start3A_1746 = arith.constant 0 : i32
    %dma_start3A_1747 = arith.constant 0 : i32
    %dma_start3A_1748 = arith.constant 0 : i32
    %dma_start3A_1749 = tpu.memref_slice %arg4[%add3A_1745, %dma_start3A_1747, %dma_start3A_1748] : memref<768x224x224xf32, #tpu.memory_space<hbm>> -> memref<1x224x128xf32, #tpu.memory_space<hbm>>
    %dma_start3A_1750 = arith.constant 0 : i32
    %dma_start3A_1751 = arith.constant 0 : i32
    %dma_start3A_1752 = arith.constant 0 : i32
    %dma_start3A_1753 = tpu.memref_slice %arg6[%arg1, %dma_start3A_1746, %dma_start3A_1750, %dma_start3A_1751, %dma_start3A_1752] : memref<16x2x1x224x224xf32, #tpu.memory_space<vmem_shared>> -> memref<1x1x1x224x224xf32, #tpu.memory_space<vmem_shared>>
    %dma_start3A_1754 = tpu.memref_squeeze %dma_start3A_1753 : memref<1x1x1x224x224xf32, #tpu.memory_space<vmem_shared>> -> memref<1x224x224xf32, #tpu.memory_space<vmem_shared>>
    %dma_start3A_1755 = arith.constant 0 : i32
    %dma_start3A_1756 = arith.constant 0 : i32
    %dma_start3A_1757 = arith.constant 0 : i32
    %dma_start3A_1758 = tpu.memref_slice %dma_start3A_1754[%dma_start3A_1755, %dma_start3A_1756, %dma_start3A_1757] : memref<1x224x224xf32, #tpu.memory_space<vmem_shared>> -> memref<1x224x128xf32, #tpu.memory_space<vmem_shared>>
    tpu.enqueue_dma source(%dma_start3A_1758 : memref<1x224x128xf32, #tpu.memory_space<vmem_shared>>) target(%dma_start3A_1749 : memref<1x224x128xf32, #tpu.memory_space<hbm>>) target_semaphore(%arg9 : memref<!tpu.dma_semaphore, #tpu.memory_space<semaphore_mem>>)
    %add3A_1759 = arith.constant 14 : i32
    %add3A_1760 = arith.addi %mul3A_2, %add3A_1759 : i32
    %dma_start3A_1761 = arith.constant 0 : i32
    %dma_start3A_1762 = arith.constant 0 : i32
    %dma_start3A_1763 = arith.constant 128 : i32
    %dma_start3A_1764 = tpu.memref_slice %arg4[%add3A_1760, %dma_start3A_1762, %dma_start3A_1763] : memref<768x224x224xf32, #tpu.memory_space<hbm>> -> memref<1x224x96xf32, #tpu.memory_space<hbm>>
    %dma_start3A_1765 = arith.constant 0 : i32
    %dma_start3A_1766 = arith.constant 0 : i32
    %dma_start3A_1767 = arith.constant 0 : i32
    %dma_start3A_1768 = tpu.memref_slice %arg6[%arg1, %dma_start3A_1761, %dma_start3A_1765, %dma_start3A_1766, %dma_start3A_1767] : memref<16x2x1x224x224xf32, #tpu.memory_space<vmem_shared>> -> memref<1x1x1x224x224xf32, #tpu.memory_space<vmem_shared>>
    %dma_start3A_1769 = tpu.memref_squeeze %dma_start3A_1768 : memref<1x1x1x224x224xf32, #tpu.memory_space<vmem_shared>> -> memref<1x224x224xf32, #tpu.memory_space<vmem_shared>>
    %dma_start3A_1770 = arith.constant 0 : i32
    %dma_start3A_1771 = arith.constant 0 : i32
    %dma_start3A_1772 = arith.constant 128 : i32
    %dma_start3A_1773 = tpu.memref_slice %dma_start3A_1769[%dma_start3A_1770, %dma_start3A_1771, %dma_start3A_1772] : memref<1x224x224xf32, #tpu.memory_space<vmem_shared>> -> memref<1x224x96xf32, #tpu.memory_space<vmem_shared>>
    tpu.enqueue_dma source(%dma_start3A_1773 : memref<1x224x96xf32, #tpu.memory_space<vmem_shared>>) target(%dma_start3A_1764 : memref<1x224x96xf32, #tpu.memory_space<hbm>>) target_semaphore(%arg9 : memref<!tpu.dma_semaphore, #tpu.memory_space<semaphore_mem>>)
    %add3A_1774 = arith.constant 14 : i32
    %add3A_1775 = arith.addi %mul3A_2, %add3A_1774 : i32
    %dma_wait3A_1776 = arith.constant 0 : i32
    %dma_wait3A_1777 = arith.constant 0 : i32
    %dma_wait3A_1778 = arith.constant 0 : i32
    %dma_wait3A_1779 = tpu.memref_slice %arg4[%add3A_1775, %dma_wait3A_1777, %dma_wait3A_1778] : memref<768x224x224xf32, #tpu.memory_space<hbm>> -> memref<1x224x128xf32, #tpu.memory_space<hbm>>
    %dma_wait3A_1780 = arith.constant 0 : i32
    %dma_wait3A_1781 = arith.constant 0 : i32
    %dma_wait3A_1782 = arith.constant 0 : i32
    %dma_wait3A_1783 = tpu.memref_slice %arg6[%arg1, %dma_wait3A_1776, %dma_wait3A_1780, %dma_wait3A_1781, %dma_wait3A_1782] : memref<16x2x1x224x224xf32, #tpu.memory_space<vmem_shared>> -> memref<1x1x1x224x224xf32, #tpu.memory_space<vmem_shared>>
    %dma_wait3A_1784 = tpu.memref_squeeze %dma_wait3A_1783 : memref<1x1x1x224x224xf32, #tpu.memory_space<vmem_shared>> -> memref<1x224x224xf32, #tpu.memory_space<vmem_shared>>
    %dma_wait3A_1785 = arith.constant 0 : i32
    %dma_wait3A_1786 = arith.constant 0 : i32
    %dma_wait3A_1787 = arith.constant 0 : i32
    %dma_wait3A_1788 = tpu.memref_slice %dma_wait3A_1784[%dma_wait3A_1785, %dma_wait3A_1786, %dma_wait3A_1787] : memref<1x224x224xf32, #tpu.memory_space<vmem_shared>> -> memref<1x224x128xf32, #tpu.memory_space<vmem_shared>>
    tpu.wait_dma2 semaphore(%arg9 : memref<!tpu.dma_semaphore, #tpu.memory_space<semaphore_mem>>) src(%dma_wait3A_1788 : memref<1x224x128xf32, #tpu.memory_space<vmem_shared>>) dst(%dma_wait3A_1779 : memref<1x224x128xf32, #tpu.memory_space<hbm>>)
    %add3A_1789 = arith.constant 14 : i32
    %add3A_1790 = arith.addi %mul3A_2, %add3A_1789 : i32
    %dma_wait3A_1791 = arith.constant 0 : i32
    %dma_wait3A_1792 = arith.constant 0 : i32
    %dma_wait3A_1793 = arith.constant 128 : i32
    %dma_wait3A_1794 = tpu.memref_slice %arg4[%add3A_1790, %dma_wait3A_1792, %dma_wait3A_1793] : memref<768x224x224xf32, #tpu.memory_space<hbm>> -> memref<1x224x96xf32, #tpu.memory_space<hbm>>
    %dma_wait3A_1795 = arith.constant 0 : i32
    %dma_wait3A_1796 = arith.constant 0 : i32
    %dma_wait3A_1797 = arith.constant 0 : i32
    %dma_wait3A_1798 = tpu.memref_slice %arg6[%arg1, %dma_wait3A_1791, %dma_wait3A_1795, %dma_wait3A_1796, %dma_wait3A_1797] : memref<16x2x1x224x224xf32, #tpu.memory_space<vmem_shared>> -> memref<1x1x1x224x224xf32, #tpu.memory_space<vmem_shared>>
    %dma_wait3A_1799 = tpu.memref_squeeze %dma_wait3A_1798 : memref<1x1x1x224x224xf32, #tpu.memory_space<vmem_shared>> -> memref<1x224x224xf32, #tpu.memory_space<vmem_shared>>
    %dma_wait3A_1800 = arith.constant 0 : i32
    %dma_wait3A_1801 = arith.constant 0 : i32
    %dma_wait3A_1802 = arith.constant 128 : i32
    %dma_wait3A_1803 = tpu.memref_slice %dma_wait3A_1799[%dma_wait3A_1800, %dma_wait3A_1801, %dma_wait3A_1802] : memref<1x224x224xf32, #tpu.memory_space<vmem_shared>> -> memref<1x224x96xf32, #tpu.memory_space<vmem_shared>>
    tpu.wait_dma2 semaphore(%arg9 : memref<!tpu.dma_semaphore, #tpu.memory_space<semaphore_mem>>) src(%dma_wait3A_1803 : memref<1x224x96xf32, #tpu.memory_space<vmem_shared>>) dst(%dma_wait3A_1794 : memref<1x224x96xf32, #tpu.memory_space<hbm>>)
    %slice3A_1804 = vector.extract_strided_slice %get3A_7 {offsets = [0], sizes = [1], strides = [1]} : vector<16xi32> to vector<1xi32>
    %squeeze3A_1805 = vector.extract %slice3A_1804[0] : i32 from vector<1xi32>
    %dma_start3A_1806 = arith.constant 0 : i32
    %dma_start3A_1807 = arith.constant 0 : i32
    %dma_start3A_1808 = arith.constant 0 : i32
    %dma_start3A_1809 = arith.constant 0 : i32
    %dma_start3A_1810 = tpu.memref_slice %arg6[%arg1, %dma_start3A_1806, %dma_start3A_1807, %dma_start3A_1808, %dma_start3A_1809] : memref<16x2x1x224x224xf32, #tpu.memory_space<vmem_shared>> -> memref<1x1x1x224x224xf32, #tpu.memory_space<vmem_shared>>
    %dma_start3A_1811 = tpu.memref_squeeze %dma_start3A_1810 : memref<1x1x1x224x224xf32, #tpu.memory_space<vmem_shared>> -> memref<1x224x224xf32, #tpu.memory_space<vmem_shared>>
    %dma_start3A_1812 = arith.constant 0 : i32
    %dma_start3A_1813 = arith.constant 0 : i32
    %dma_start3A_1814 = arith.constant 0 : i32
    %dma_start3A_1815 = tpu.memref_slice %dma_start3A_1811[%dma_start3A_1812, %dma_start3A_1813, %dma_start3A_1814] : memref<1x224x224xf32, #tpu.memory_space<vmem_shared>> -> memref<1x224x128xf32, #tpu.memory_space<vmem_shared>>
    %dma_start3A_1816 = arith.constant 0 : i32
    %dma_start3A_1817 = arith.constant 0 : i32
    %dma_start3A_1818 = tpu.memref_slice %arg2[%squeeze3A_1805, %dma_start3A_1816, %dma_start3A_1817] : memref<768x224x224xf32, #tpu.memory_space<hbm>> -> memref<1x224x128xf32, #tpu.memory_space<hbm>>
    tpu.enqueue_dma source(%dma_start3A_1818 : memref<1x224x128xf32, #tpu.memory_space<hbm>>) target(%dma_start3A_1815 : memref<1x224x128xf32, #tpu.memory_space<vmem_shared>>) target_semaphore(%arg7 : memref<!tpu.dma_semaphore, #tpu.memory_space<semaphore_mem>>)
    %slice3A_1819 = vector.extract_strided_slice %get3A_7 {offsets = [0], sizes = [1], strides = [1]} : vector<16xi32> to vector<1xi32>
    %squeeze3A_1820 = vector.extract %slice3A_1819[0] : i32 from vector<1xi32>
    %dma_start3A_1821 = arith.constant 0 : i32
    %dma_start3A_1822 = arith.constant 0 : i32
    %dma_start3A_1823 = arith.constant 0 : i32
    %dma_start3A_1824 = arith.constant 0 : i32
    %dma_start3A_1825 = tpu.memref_slice %arg6[%arg1, %dma_start3A_1821, %dma_start3A_1822, %dma_start3A_1823, %dma_start3A_1824] : memref<16x2x1x224x224xf32, #tpu.memory_space<vmem_shared>> -> memref<1x1x1x224x224xf32, #tpu.memory_space<vmem_shared>>
    %dma_start3A_1826 = tpu.memref_squeeze %dma_start3A_1825 : memref<1x1x1x224x224xf32, #tpu.memory_space<vmem_shared>> -> memref<1x224x224xf32, #tpu.memory_space<vmem_shared>>
    %dma_start3A_1827 = arith.constant 0 : i32
    %dma_start3A_1828 = arith.constant 0 : i32
    %dma_start3A_1829 = arith.constant 128 : i32
    %dma_start3A_1830 = tpu.memref_slice %dma_start3A_1826[%dma_start3A_1827, %dma_start3A_1828, %dma_start3A_1829] : memref<1x224x224xf32, #tpu.memory_space<vmem_shared>> -> memref<1x224x96xf32, #tpu.memory_space<vmem_shared>>
    %dma_start3A_1831 = arith.constant 0 : i32
    %dma_start3A_1832 = arith.constant 128 : i32
    %dma_start3A_1833 = tpu.memref_slice %arg2[%squeeze3A_1820, %dma_start3A_1831, %dma_start3A_1832] : memref<768x224x224xf32, #tpu.memory_space<hbm>> -> memref<1x224x96xf32, #tpu.memory_space<hbm>>
    tpu.enqueue_dma source(%dma_start3A_1833 : memref<1x224x96xf32, #tpu.memory_space<hbm>>) target(%dma_start3A_1830 : memref<1x224x96xf32, #tpu.memory_space<vmem_shared>>) target_semaphore(%arg7 : memref<!tpu.dma_semaphore, #tpu.memory_space<semaphore_mem>>)
    %dma_wait3A_1834 = arith.constant 1 : i32
    %dma_wait3A_1835 = arith.constant 0 : i32
    %dma_wait3A_1836 = arith.constant 0 : i32
    %dma_wait3A_1837 = arith.constant 0 : i32
    %dma_wait3A_1838 = tpu.memref_slice %arg6[%arg1, %dma_wait3A_1834, %dma_wait3A_1835, %dma_wait3A_1836, %dma_wait3A_1837] : memref<16x2x1x224x224xf32, #tpu.memory_space<vmem_shared>> -> memref<1x1x1x224x224xf32, #tpu.memory_space<vmem_shared>>
    %dma_wait3A_1839 = tpu.memref_squeeze %dma_wait3A_1838 : memref<1x1x1x224x224xf32, #tpu.memory_space<vmem_shared>> -> memref<1x224x224xf32, #tpu.memory_space<vmem_shared>>
    %dma_wait3A_1840 = arith.constant 0 : i32
    %dma_wait3A_1841 = arith.constant 0 : i32
    %dma_wait3A_1842 = arith.constant 0 : i32
    %dma_wait3A_1843 = tpu.memref_slice %dma_wait3A_1839[%dma_wait3A_1840, %dma_wait3A_1841, %dma_wait3A_1842] : memref<1x224x224xf32, #tpu.memory_space<vmem_shared>> -> memref<1x224x128xf32, #tpu.memory_space<vmem_shared>>
    %dma_wait3A_1844 = arith.constant 0 : i32
    %dma_wait3A_1845 = arith.constant 0 : i32
    %dma_wait3A_1846 = arith.constant 0 : i32
    %dma_wait3A_1847 = tpu.memref_slice %arg2[%dma_wait3A_1844, %dma_wait3A_1845, %dma_wait3A_1846] : memref<768x224x224xf32, #tpu.memory_space<hbm>> -> memref<1x224x128xf32, #tpu.memory_space<hbm>>
    tpu.wait_dma2 semaphore(%arg8 : memref<!tpu.dma_semaphore, #tpu.memory_space<semaphore_mem>>) src(%dma_wait3A_1847 : memref<1x224x128xf32, #tpu.memory_space<hbm>>) dst(%dma_wait3A_1843 : memref<1x224x128xf32, #tpu.memory_space<vmem_shared>>)
    %dma_wait3A_1848 = arith.constant 1 : i32
    %dma_wait3A_1849 = arith.constant 0 : i32
    %dma_wait3A_1850 = arith.constant 0 : i32
    %dma_wait3A_1851 = arith.constant 0 : i32
    %dma_wait3A_1852 = tpu.memref_slice %arg6[%arg1, %dma_wait3A_1848, %dma_wait3A_1849, %dma_wait3A_1850, %dma_wait3A_1851] : memref<16x2x1x224x224xf32, #tpu.memory_space<vmem_shared>> -> memref<1x1x1x224x224xf32, #tpu.memory_space<vmem_shared>>
    %dma_wait3A_1853 = tpu.memref_squeeze %dma_wait3A_1852 : memref<1x1x1x224x224xf32, #tpu.memory_space<vmem_shared>> -> memref<1x224x224xf32, #tpu.memory_space<vmem_shared>>
    %dma_wait3A_1854 = arith.constant 0 : i32
    %dma_wait3A_1855 = arith.constant 0 : i32
    %dma_wait3A_1856 = arith.constant 128 : i32
    %dma_wait3A_1857 = tpu.memref_slice %dma_wait3A_1853[%dma_wait3A_1854, %dma_wait3A_1855, %dma_wait3A_1856] : memref<1x224x224xf32, #tpu.memory_space<vmem_shared>> -> memref<1x224x96xf32, #tpu.memory_space<vmem_shared>>
    %dma_wait3A_1858 = arith.constant 0 : i32
    %dma_wait3A_1859 = arith.constant 0 : i32
    %dma_wait3A_1860 = arith.constant 128 : i32
    %dma_wait3A_1861 = tpu.memref_slice %arg2[%dma_wait3A_1858, %dma_wait3A_1859, %dma_wait3A_1860] : memref<768x224x224xf32, #tpu.memory_space<hbm>> -> memref<1x224x96xf32, #tpu.memory_space<hbm>>
    tpu.wait_dma2 semaphore(%arg8 : memref<!tpu.dma_semaphore, #tpu.memory_space<semaphore_mem>>) src(%dma_wait3A_1861 : memref<1x224x96xf32, #tpu.memory_space<hbm>>) dst(%dma_wait3A_1857 : memref<1x224x96xf32, #tpu.memory_space<vmem_shared>>)
    %add3A_1862 = arith.constant 15 : i32
    %add3A_1863 = arith.addi %mul3A_2, %add3A_1862 : i32
    %dma_start3A_1864 = arith.constant 1 : i32
    %dma_start3A_1865 = arith.constant 0 : i32
    %dma_start3A_1866 = arith.constant 0 : i32
    %dma_start3A_1867 = tpu.memref_slice %arg4[%add3A_1863, %dma_start3A_1865, %dma_start3A_1866] : memref<768x224x224xf32, #tpu.memory_space<hbm>> -> memref<1x224x128xf32, #tpu.memory_space<hbm>>
    %dma_start3A_1868 = arith.constant 0 : i32
    %dma_start3A_1869 = arith.constant 0 : i32
    %dma_start3A_1870 = arith.constant 0 : i32
    %dma_start3A_1871 = tpu.memref_slice %arg6[%arg1, %dma_start3A_1864, %dma_start3A_1868, %dma_start3A_1869, %dma_start3A_1870] : memref<16x2x1x224x224xf32, #tpu.memory_space<vmem_shared>> -> memref<1x1x1x224x224xf32, #tpu.memory_space<vmem_shared>>
    %dma_start3A_1872 = tpu.memref_squeeze %dma_start3A_1871 : memref<1x1x1x224x224xf32, #tpu.memory_space<vmem_shared>> -> memref<1x224x224xf32, #tpu.memory_space<vmem_shared>>
    %dma_start3A_1873 = arith.constant 0 : i32
    %dma_start3A_1874 = arith.constant 0 : i32
    %dma_start3A_1875 = arith.constant 0 : i32
    %dma_start3A_1876 = tpu.memref_slice %dma_start3A_1872[%dma_start3A_1873, %dma_start3A_1874, %dma_start3A_1875] : memref<1x224x224xf32, #tpu.memory_space<vmem_shared>> -> memref<1x224x128xf32, #tpu.memory_space<vmem_shared>>
    tpu.enqueue_dma source(%dma_start3A_1876 : memref<1x224x128xf32, #tpu.memory_space<vmem_shared>>) target(%dma_start3A_1867 : memref<1x224x128xf32, #tpu.memory_space<hbm>>) target_semaphore(%arg10 : memref<!tpu.dma_semaphore, #tpu.memory_space<semaphore_mem>>)
    %add3A_1877 = arith.constant 15 : i32
    %add3A_1878 = arith.addi %mul3A_2, %add3A_1877 : i32
    %dma_start3A_1879 = arith.constant 1 : i32
    %dma_start3A_1880 = arith.constant 0 : i32
    %dma_start3A_1881 = arith.constant 128 : i32
    %dma_start3A_1882 = tpu.memref_slice %arg4[%add3A_1878, %dma_start3A_1880, %dma_start3A_1881] : memref<768x224x224xf32, #tpu.memory_space<hbm>> -> memref<1x224x96xf32, #tpu.memory_space<hbm>>
    %dma_start3A_1883 = arith.constant 0 : i32
    %dma_start3A_1884 = arith.constant 0 : i32
    %dma_start3A_1885 = arith.constant 0 : i32
    %dma_start3A_1886 = tpu.memref_slice %arg6[%arg1, %dma_start3A_1879, %dma_start3A_1883, %dma_start3A_1884, %dma_start3A_1885] : memref<16x2x1x224x224xf32, #tpu.memory_space<vmem_shared>> -> memref<1x1x1x224x224xf32, #tpu.memory_space<vmem_shared>>
    %dma_start3A_1887 = tpu.memref_squeeze %dma_start3A_1886 : memref<1x1x1x224x224xf32, #tpu.memory_space<vmem_shared>> -> memref<1x224x224xf32, #tpu.memory_space<vmem_shared>>
    %dma_start3A_1888 = arith.constant 0 : i32
    %dma_start3A_1889 = arith.constant 0 : i32
    %dma_start3A_1890 = arith.constant 128 : i32
    %dma_start3A_1891 = tpu.memref_slice %dma_start3A_1887[%dma_start3A_1888, %dma_start3A_1889, %dma_start3A_1890] : memref<1x224x224xf32, #tpu.memory_space<vmem_shared>> -> memref<1x224x96xf32, #tpu.memory_space<vmem_shared>>
    tpu.enqueue_dma source(%dma_start3A_1891 : memref<1x224x96xf32, #tpu.memory_space<vmem_shared>>) target(%dma_start3A_1882 : memref<1x224x96xf32, #tpu.memory_space<hbm>>) target_semaphore(%arg10 : memref<!tpu.dma_semaphore, #tpu.memory_space<semaphore_mem>>)
    %add3A_1892 = arith.constant 15 : i32
    %add3A_1893 = arith.addi %mul3A_2, %add3A_1892 : i32
    %dma_wait3A_1894 = arith.constant 1 : i32
    %dma_wait3A_1895 = arith.constant 0 : i32
    %dma_wait3A_1896 = arith.constant 0 : i32
    %dma_wait3A_1897 = tpu.memref_slice %arg4[%add3A_1893, %dma_wait3A_1895, %dma_wait3A_1896] : memref<768x224x224xf32, #tpu.memory_space<hbm>> -> memref<1x224x128xf32, #tpu.memory_space<hbm>>
    %dma_wait3A_1898 = arith.constant 0 : i32
    %dma_wait3A_1899 = arith.constant 0 : i32
    %dma_wait3A_1900 = arith.constant 0 : i32
    %dma_wait3A_1901 = tpu.memref_slice %arg6[%arg1, %dma_wait3A_1894, %dma_wait3A_1898, %dma_wait3A_1899, %dma_wait3A_1900] : memref<16x2x1x224x224xf32, #tpu.memory_space<vmem_shared>> -> memref<1x1x1x224x224xf32, #tpu.memory_space<vmem_shared>>
    %dma_wait3A_1902 = tpu.memref_squeeze %dma_wait3A_1901 : memref<1x1x1x224x224xf32, #tpu.memory_space<vmem_shared>> -> memref<1x224x224xf32, #tpu.memory_space<vmem_shared>>
    %dma_wait3A_1903 = arith.constant 0 : i32
    %dma_wait3A_1904 = arith.constant 0 : i32
    %dma_wait3A_1905 = arith.constant 0 : i32
    %dma_wait3A_1906 = tpu.memref_slice %dma_wait3A_1902[%dma_wait3A_1903, %dma_wait3A_1904, %dma_wait3A_1905] : memref<1x224x224xf32, #tpu.memory_space<vmem_shared>> -> memref<1x224x128xf32, #tpu.memory_space<vmem_shared>>
    tpu.wait_dma2 semaphore(%arg10 : memref<!tpu.dma_semaphore, #tpu.memory_space<semaphore_mem>>) src(%dma_wait3A_1906 : memref<1x224x128xf32, #tpu.memory_space<vmem_shared>>) dst(%dma_wait3A_1897 : memref<1x224x128xf32, #tpu.memory_space<hbm>>)
    %add3A_1907 = arith.constant 15 : i32
    %add3A_1908 = arith.addi %mul3A_2, %add3A_1907 : i32
    %dma_wait3A_1909 = arith.constant 1 : i32
    %dma_wait3A_1910 = arith.constant 0 : i32
    %dma_wait3A_1911 = arith.constant 128 : i32
    %dma_wait3A_1912 = tpu.memref_slice %arg4[%add3A_1908, %dma_wait3A_1910, %dma_wait3A_1911] : memref<768x224x224xf32, #tpu.memory_space<hbm>> -> memref<1x224x96xf32, #tpu.memory_space<hbm>>
    %dma_wait3A_1913 = arith.constant 0 : i32
    %dma_wait3A_1914 = arith.constant 0 : i32
    %dma_wait3A_1915 = arith.constant 0 : i32
    %dma_wait3A_1916 = tpu.memref_slice %arg6[%arg1, %dma_wait3A_1909, %dma_wait3A_1913, %dma_wait3A_1914, %dma_wait3A_1915] : memref<16x2x1x224x224xf32, #tpu.memory_space<vmem_shared>> -> memref<1x1x1x224x224xf32, #tpu.memory_space<vmem_shared>>
    %dma_wait3A_1917 = tpu.memref_squeeze %dma_wait3A_1916 : memref<1x1x1x224x224xf32, #tpu.memory_space<vmem_shared>> -> memref<1x224x224xf32, #tpu.memory_space<vmem_shared>>
    %dma_wait3A_1918 = arith.constant 0 : i32
    %dma_wait3A_1919 = arith.constant 0 : i32
    %dma_wait3A_1920 = arith.constant 128 : i32
    %dma_wait3A_1921 = tpu.memref_slice %dma_wait3A_1917[%dma_wait3A_1918, %dma_wait3A_1919, %dma_wait3A_1920] : memref<1x224x224xf32, #tpu.memory_space<vmem_shared>> -> memref<1x224x96xf32, #tpu.memory_space<vmem_shared>>
    tpu.wait_dma2 semaphore(%arg10 : memref<!tpu.dma_semaphore, #tpu.memory_space<semaphore_mem>>) src(%dma_wait3A_1921 : memref<1x224x96xf32, #tpu.memory_space<vmem_shared>>) dst(%dma_wait3A_1912 : memref<1x224x96xf32, #tpu.memory_space<hbm>>)
    %slice3A_1922 = vector.extract_strided_slice %get3A_7 {offsets = [1], sizes = [1], strides = [1]} : vector<16xi32> to vector<1xi32>
    %squeeze3A_1923 = vector.extract %slice3A_1922[0] : i32 from vector<1xi32>
    %dma_start3A_1924 = arith.constant 1 : i32
    %dma_start3A_1925 = arith.constant 0 : i32
    %dma_start3A_1926 = arith.constant 0 : i32
    %dma_start3A_1927 = arith.constant 0 : i32
    %dma_start3A_1928 = tpu.memref_slice %arg6[%arg1, %dma_start3A_1924, %dma_start3A_1925, %dma_start3A_1926, %dma_start3A_1927] : memref<16x2x1x224x224xf32, #tpu.memory_space<vmem_shared>> -> memref<1x1x1x224x224xf32, #tpu.memory_space<vmem_shared>>
    %dma_start3A_1929 = tpu.memref_squeeze %dma_start3A_1928 : memref<1x1x1x224x224xf32, #tpu.memory_space<vmem_shared>> -> memref<1x224x224xf32, #tpu.memory_space<vmem_shared>>
    %dma_start3A_1930 = arith.constant 0 : i32
    %dma_start3A_1931 = arith.constant 0 : i32
    %dma_start3A_1932 = arith.constant 0 : i32
    %dma_start3A_1933 = tpu.memref_slice %dma_start3A_1929[%dma_start3A_1930, %dma_start3A_1931, %dma_start3A_1932] : memref<1x224x224xf32, #tpu.memory_space<vmem_shared>> -> memref<1x224x128xf32, #tpu.memory_space<vmem_shared>>
    %dma_start3A_1934 = arith.constant 0 : i32
    %dma_start3A_1935 = arith.constant 0 : i32
    %dma_start3A_1936 = tpu.memref_slice %arg2[%squeeze3A_1923, %dma_start3A_1934, %dma_start3A_1935] : memref<768x224x224xf32, #tpu.memory_space<hbm>> -> memref<1x224x128xf32, #tpu.memory_space<hbm>>
    tpu.enqueue_dma source(%dma_start3A_1936 : memref<1x224x128xf32, #tpu.memory_space<hbm>>) target(%dma_start3A_1933 : memref<1x224x128xf32, #tpu.memory_space<vmem_shared>>) target_semaphore(%arg8 : memref<!tpu.dma_semaphore, #tpu.memory_space<semaphore_mem>>)
    %slice3A_1937 = vector.extract_strided_slice %get3A_7 {offsets = [1], sizes = [1], strides = [1]} : vector<16xi32> to vector<1xi32>
    %squeeze3A_1938 = vector.extract %slice3A_1937[0] : i32 from vector<1xi32>
    %dma_start3A_1939 = arith.constant 1 : i32
    %dma_start3A_1940 = arith.constant 0 : i32
    %dma_start3A_1941 = arith.constant 0 : i32
    %dma_start3A_1942 = arith.constant 0 : i32
    %dma_start3A_1943 = tpu.memref_slice %arg6[%arg1, %dma_start3A_1939, %dma_start3A_1940, %dma_start3A_1941, %dma_start3A_1942] : memref<16x2x1x224x224xf32, #tpu.memory_space<vmem_shared>> -> memref<1x1x1x224x224xf32, #tpu.memory_space<vmem_shared>>
    %dma_start3A_1944 = tpu.memref_squeeze %dma_start3A_1943 : memref<1x1x1x224x224xf32, #tpu.memory_space<vmem_shared>> -> memref<1x224x224xf32, #tpu.memory_space<vmem_shared>>
    %dma_start3A_1945 = arith.constant 0 : i32
    %dma_start3A_1946 = arith.constant 0 : i32
    %dma_start3A_1947 = arith.constant 128 : i32
    %dma_start3A_1948 = tpu.memref_slice %dma_start3A_1944[%dma_start3A_1945, %dma_start3A_1946, %dma_start3A_1947] : memref<1x224x224xf32, #tpu.memory_space<vmem_shared>> -> memref<1x224x96xf32, #tpu.memory_space<vmem_shared>>
    %dma_start3A_1949 = arith.constant 0 : i32
    %dma_start3A_1950 = arith.constant 128 : i32
    %dma_start3A_1951 = tpu.memref_slice %arg2[%squeeze3A_1938, %dma_start3A_1949, %dma_start3A_1950] : memref<768x224x224xf32, #tpu.memory_space<hbm>> -> memref<1x224x96xf32, #tpu.memory_space<hbm>>
    tpu.enqueue_dma source(%dma_start3A_1951 : memref<1x224x96xf32, #tpu.memory_space<hbm>>) target(%dma_start3A_1948 : memref<1x224x96xf32, #tpu.memory_space<vmem_shared>>) target_semaphore(%arg8 : memref<!tpu.dma_semaphore, #tpu.memory_space<semaphore_mem>>)
    %dma_wait3A_1952 = arith.constant 0 : i32
    %dma_wait3A_1953 = arith.constant 0 : i32
    %dma_wait3A_1954 = arith.constant 0 : i32
    %dma_wait3A_1955 = arith.constant 0 : i32
    %dma_wait3A_1956 = tpu.memref_slice %arg6[%arg1, %dma_wait3A_1952, %dma_wait3A_1953, %dma_wait3A_1954, %dma_wait3A_1955] : memref<16x2x1x224x224xf32, #tpu.memory_space<vmem_shared>> -> memref<1x1x1x224x224xf32, #tpu.memory_space<vmem_shared>>
    %dma_wait3A_1957 = tpu.memref_squeeze %dma_wait3A_1956 : memref<1x1x1x224x224xf32, #tpu.memory_space<vmem_shared>> -> memref<1x224x224xf32, #tpu.memory_space<vmem_shared>>
    %dma_wait3A_1958 = arith.constant 0 : i32
    %dma_wait3A_1959 = arith.constant 0 : i32
    %dma_wait3A_1960 = arith.constant 0 : i32
    %dma_wait3A_1961 = tpu.memref_slice %dma_wait3A_1957[%dma_wait3A_1958, %dma_wait3A_1959, %dma_wait3A_1960] : memref<1x224x224xf32, #tpu.memory_space<vmem_shared>> -> memref<1x224x128xf32, #tpu.memory_space<vmem_shared>>
    %dma_wait3A_1962 = arith.constant 0 : i32
    %dma_wait3A_1963 = arith.constant 0 : i32
    %dma_wait3A_1964 = arith.constant 0 : i32
    %dma_wait3A_1965 = tpu.memref_slice %arg2[%dma_wait3A_1962, %dma_wait3A_1963, %dma_wait3A_1964] : memref<768x224x224xf32, #tpu.memory_space<hbm>> -> memref<1x224x128xf32, #tpu.memory_space<hbm>>
    tpu.wait_dma2 semaphore(%arg7 : memref<!tpu.dma_semaphore, #tpu.memory_space<semaphore_mem>>) src(%dma_wait3A_1965 : memref<1x224x128xf32, #tpu.memory_space<hbm>>) dst(%dma_wait3A_1961 : memref<1x224x128xf32, #tpu.memory_space<vmem_shared>>)
    %dma_wait3A_1966 = arith.constant 0 : i32
    %dma_wait3A_1967 = arith.constant 0 : i32
    %dma_wait3A_1968 = arith.constant 0 : i32
    %dma_wait3A_1969 = arith.constant 0 : i32
    %dma_wait3A_1970 = tpu.memref_slice %arg6[%arg1, %dma_wait3A_1966, %dma_wait3A_1967, %dma_wait3A_1968, %dma_wait3A_1969] : memref<16x2x1x224x224xf32, #tpu.memory_space<vmem_shared>> -> memref<1x1x1x224x224xf32, #tpu.memory_space<vmem_shared>>
    %dma_wait3A_1971 = tpu.memref_squeeze %dma_wait3A_1970 : memref<1x1x1x224x224xf32, #tpu.memory_space<vmem_shared>> -> memref<1x224x224xf32, #tpu.memory_space<vmem_shared>>
    %dma_wait3A_1972 = arith.constant 0 : i32
    %dma_wait3A_1973 = arith.constant 0 : i32
    %dma_wait3A_1974 = arith.constant 128 : i32
    %dma_wait3A_1975 = tpu.memref_slice %dma_wait3A_1971[%dma_wait3A_1972, %dma_wait3A_1973, %dma_wait3A_1974] : memref<1x224x224xf32, #tpu.memory_space<vmem_shared>> -> memref<1x224x96xf32, #tpu.memory_space<vmem_shared>>
    %dma_wait3A_1976 = arith.constant 0 : i32
    %dma_wait3A_1977 = arith.constant 0 : i32
    %dma_wait3A_1978 = arith.constant 128 : i32
    %dma_wait3A_1979 = tpu.memref_slice %arg2[%dma_wait3A_1976, %dma_wait3A_1977, %dma_wait3A_1978] : memref<768x224x224xf32, #tpu.memory_space<hbm>> -> memref<1x224x96xf32, #tpu.memory_space<hbm>>
    tpu.wait_dma2 semaphore(%arg7 : memref<!tpu.dma_semaphore, #tpu.memory_space<semaphore_mem>>) src(%dma_wait3A_1979 : memref<1x224x96xf32, #tpu.memory_space<hbm>>) dst(%dma_wait3A_1975 : memref<1x224x96xf32, #tpu.memory_space<vmem_shared>>)
    %add3A_1980 = arith.constant 16 : i32
    %add3A_1981 = arith.addi %mul3A_2, %add3A_1980 : i32
    %dma_start3A_1982 = arith.constant 0 : i32
    %dma_start3A_1983 = arith.constant 0 : i32
    %dma_start3A_1984 = arith.constant 0 : i32
    %dma_start3A_1985 = tpu.memref_slice %arg4[%add3A_1981, %dma_start3A_1983, %dma_start3A_1984] : memref<768x224x224xf32, #tpu.memory_space<hbm>> -> memref<1x224x128xf32, #tpu.memory_space<hbm>>
    %dma_start3A_1986 = arith.constant 0 : i32
    %dma_start3A_1987 = arith.constant 0 : i32
    %dma_start3A_1988 = arith.constant 0 : i32
    %dma_start3A_1989 = tpu.memref_slice %arg6[%arg1, %dma_start3A_1982, %dma_start3A_1986, %dma_start3A_1987, %dma_start3A_1988] : memref<16x2x1x224x224xf32, #tpu.memory_space<vmem_shared>> -> memref<1x1x1x224x224xf32, #tpu.memory_space<vmem_shared>>
    %dma_start3A_1990 = tpu.memref_squeeze %dma_start3A_1989 : memref<1x1x1x224x224xf32, #tpu.memory_space<vmem_shared>> -> memref<1x224x224xf32, #tpu.memory_space<vmem_shared>>
    %dma_start3A_1991 = arith.constant 0 : i32
    %dma_start3A_1992 = arith.constant 0 : i32
    %dma_start3A_1993 = arith.constant 0 : i32
    %dma_start3A_1994 = tpu.memref_slice %dma_start3A_1990[%dma_start3A_1991, %dma_start3A_1992, %dma_start3A_1993] : memref<1x224x224xf32, #tpu.memory_space<vmem_shared>> -> memref<1x224x128xf32, #tpu.memory_space<vmem_shared>>
    tpu.enqueue_dma source(%dma_start3A_1994 : memref<1x224x128xf32, #tpu.memory_space<vmem_shared>>) target(%dma_start3A_1985 : memref<1x224x128xf32, #tpu.memory_space<hbm>>) target_semaphore(%arg9 : memref<!tpu.dma_semaphore, #tpu.memory_space<semaphore_mem>>)
    %add3A_1995 = arith.constant 16 : i32
    %add3A_1996 = arith.addi %mul3A_2, %add3A_1995 : i32
    %dma_start3A_1997 = arith.constant 0 : i32
    %dma_start3A_1998 = arith.constant 0 : i32
    %dma_start3A_1999 = arith.constant 128 : i32
    %dma_start3A_2000 = tpu.memref_slice %arg4[%add3A_1996, %dma_start3A_1998, %dma_start3A_1999] : memref<768x224x224xf32, #tpu.memory_space<hbm>> -> memref<1x224x96xf32, #tpu.memory_space<hbm>>
    %dma_start3A_2001 = arith.constant 0 : i32
    %dma_start3A_2002 = arith.constant 0 : i32
    %dma_start3A_2003 = arith.constant 0 : i32
    %dma_start3A_2004 = tpu.memref_slice %arg6[%arg1, %dma_start3A_1997, %dma_start3A_2001, %dma_start3A_2002, %dma_start3A_2003] : memref<16x2x1x224x224xf32, #tpu.memory_space<vmem_shared>> -> memref<1x1x1x224x224xf32, #tpu.memory_space<vmem_shared>>
    %dma_start3A_2005 = tpu.memref_squeeze %dma_start3A_2004 : memref<1x1x1x224x224xf32, #tpu.memory_space<vmem_shared>> -> memref<1x224x224xf32, #tpu.memory_space<vmem_shared>>
    %dma_start3A_2006 = arith.constant 0 : i32
    %dma_start3A_2007 = arith.constant 0 : i32
    %dma_start3A_2008 = arith.constant 128 : i32
    %dma_start3A_2009 = tpu.memref_slice %dma_start3A_2005[%dma_start3A_2006, %dma_start3A_2007, %dma_start3A_2008] : memref<1x224x224xf32, #tpu.memory_space<vmem_shared>> -> memref<1x224x96xf32, #tpu.memory_space<vmem_shared>>
    tpu.enqueue_dma source(%dma_start3A_2009 : memref<1x224x96xf32, #tpu.memory_space<vmem_shared>>) target(%dma_start3A_2000 : memref<1x224x96xf32, #tpu.memory_space<hbm>>) target_semaphore(%arg9 : memref<!tpu.dma_semaphore, #tpu.memory_space<semaphore_mem>>)
    %add3A_2010 = arith.constant 16 : i32
    %add3A_2011 = arith.addi %mul3A_2, %add3A_2010 : i32
    %dma_wait3A_2012 = arith.constant 0 : i32
    %dma_wait3A_2013 = arith.constant 0 : i32
    %dma_wait3A_2014 = arith.constant 0 : i32
    %dma_wait3A_2015 = tpu.memref_slice %arg4[%add3A_2011, %dma_wait3A_2013, %dma_wait3A_2014] : memref<768x224x224xf32, #tpu.memory_space<hbm>> -> memref<1x224x128xf32, #tpu.memory_space<hbm>>
    %dma_wait3A_2016 = arith.constant 0 : i32
    %dma_wait3A_2017 = arith.constant 0 : i32
    %dma_wait3A_2018 = arith.constant 0 : i32
    %dma_wait3A_2019 = tpu.memref_slice %arg6[%arg1, %dma_wait3A_2012, %dma_wait3A_2016, %dma_wait3A_2017, %dma_wait3A_2018] : memref<16x2x1x224x224xf32, #tpu.memory_space<vmem_shared>> -> memref<1x1x1x224x224xf32, #tpu.memory_space<vmem_shared>>
    %dma_wait3A_2020 = tpu.memref_squeeze %dma_wait3A_2019 : memref<1x1x1x224x224xf32, #tpu.memory_space<vmem_shared>> -> memref<1x224x224xf32, #tpu.memory_space<vmem_shared>>
    %dma_wait3A_2021 = arith.constant 0 : i32
    %dma_wait3A_2022 = arith.constant 0 : i32
    %dma_wait3A_2023 = arith.constant 0 : i32
    %dma_wait3A_2024 = tpu.memref_slice %dma_wait3A_2020[%dma_wait3A_2021, %dma_wait3A_2022, %dma_wait3A_2023] : memref<1x224x224xf32, #tpu.memory_space<vmem_shared>> -> memref<1x224x128xf32, #tpu.memory_space<vmem_shared>>
    tpu.wait_dma2 semaphore(%arg9 : memref<!tpu.dma_semaphore, #tpu.memory_space<semaphore_mem>>) src(%dma_wait3A_2024 : memref<1x224x128xf32, #tpu.memory_space<vmem_shared>>) dst(%dma_wait3A_2015 : memref<1x224x128xf32, #tpu.memory_space<hbm>>)
    %add3A_2025 = arith.constant 16 : i32
    %add3A_2026 = arith.addi %mul3A_2, %add3A_2025 : i32
    %dma_wait3A_2027 = arith.constant 0 : i32
    %dma_wait3A_2028 = arith.constant 0 : i32
    %dma_wait3A_2029 = arith.constant 128 : i32
    %dma_wait3A_2030 = tpu.memref_slice %arg4[%add3A_2026, %dma_wait3A_2028, %dma_wait3A_2029] : memref<768x224x224xf32, #tpu.memory_space<hbm>> -> memref<1x224x96xf32, #tpu.memory_space<hbm>>
    %dma_wait3A_2031 = arith.constant 0 : i32
    %dma_wait3A_2032 = arith.constant 0 : i32
    %dma_wait3A_2033 = arith.constant 0 : i32
    %dma_wait3A_2034 = tpu.memref_slice %arg6[%arg1, %dma_wait3A_2027, %dma_wait3A_2031, %dma_wait3A_2032, %dma_wait3A_2033] : memref<16x2x1x224x224xf32, #tpu.memory_space<vmem_shared>> -> memref<1x1x1x224x224xf32, #tpu.memory_space<vmem_shared>>
    %dma_wait3A_2035 = tpu.memref_squeeze %dma_wait3A_2034 : memref<1x1x1x224x224xf32, #tpu.memory_space<vmem_shared>> -> memref<1x224x224xf32, #tpu.memory_space<vmem_shared>>
    %dma_wait3A_2036 = arith.constant 0 : i32
    %dma_wait3A_2037 = arith.constant 0 : i32
    %dma_wait3A_2038 = arith.constant 128 : i32
    %dma_wait3A_2039 = tpu.memref_slice %dma_wait3A_2035[%dma_wait3A_2036, %dma_wait3A_2037, %dma_wait3A_2038] : memref<1x224x224xf32, #tpu.memory_space<vmem_shared>> -> memref<1x224x96xf32, #tpu.memory_space<vmem_shared>>
    tpu.wait_dma2 semaphore(%arg9 : memref<!tpu.dma_semaphore, #tpu.memory_space<semaphore_mem>>) src(%dma_wait3A_2039 : memref<1x224x96xf32, #tpu.memory_space<vmem_shared>>) dst(%dma_wait3A_2030 : memref<1x224x96xf32, #tpu.memory_space<hbm>>)
    %slice3A_2040 = vector.extract_strided_slice %get3A_7 {offsets = [2], sizes = [1], strides = [1]} : vector<16xi32> to vector<1xi32>
    %squeeze3A_2041 = vector.extract %slice3A_2040[0] : i32 from vector<1xi32>
    %dma_start3A_2042 = arith.constant 0 : i32
    %dma_start3A_2043 = arith.constant 0 : i32
    %dma_start3A_2044 = arith.constant 0 : i32
    %dma_start3A_2045 = arith.constant 0 : i32
    %dma_start3A_2046 = tpu.memref_slice %arg6[%arg1, %dma_start3A_2042, %dma_start3A_2043, %dma_start3A_2044, %dma_start3A_2045] : memref<16x2x1x224x224xf32, #tpu.memory_space<vmem_shared>> -> memref<1x1x1x224x224xf32, #tpu.memory_space<vmem_shared>>
    %dma_start3A_2047 = tpu.memref_squeeze %dma_start3A_2046 : memref<1x1x1x224x224xf32, #tpu.memory_space<vmem_shared>> -> memref<1x224x224xf32, #tpu.memory_space<vmem_shared>>
    %dma_start3A_2048 = arith.constant 0 : i32
    %dma_start3A_2049 = arith.constant 0 : i32
    %dma_start3A_2050 = arith.constant 0 : i32
    %dma_start3A_2051 = tpu.memref_slice %dma_start3A_2047[%dma_start3A_2048, %dma_start3A_2049, %dma_start3A_2050] : memref<1x224x224xf32, #tpu.memory_space<vmem_shared>> -> memref<1x224x128xf32, #tpu.memory_space<vmem_shared>>
    %dma_start3A_2052 = arith.constant 0 : i32
    %dma_start3A_2053 = arith.constant 0 : i32
    %dma_start3A_2054 = tpu.memref_slice %arg2[%squeeze3A_2041, %dma_start3A_2052, %dma_start3A_2053] : memref<768x224x224xf32, #tpu.memory_space<hbm>> -> memref<1x224x128xf32, #tpu.memory_space<hbm>>
    tpu.enqueue_dma source(%dma_start3A_2054 : memref<1x224x128xf32, #tpu.memory_space<hbm>>) target(%dma_start3A_2051 : memref<1x224x128xf32, #tpu.memory_space<vmem_shared>>) target_semaphore(%arg7 : memref<!tpu.dma_semaphore, #tpu.memory_space<semaphore_mem>>)
    %slice3A_2055 = vector.extract_strided_slice %get3A_7 {offsets = [2], sizes = [1], strides = [1]} : vector<16xi32> to vector<1xi32>
    %squeeze3A_2056 = vector.extract %slice3A_2055[0] : i32 from vector<1xi32>
    %dma_start3A_2057 = arith.constant 0 : i32
    %dma_start3A_2058 = arith.constant 0 : i32
    %dma_start3A_2059 = arith.constant 0 : i32
    %dma_start3A_2060 = arith.constant 0 : i32
    %dma_start3A_2061 = tpu.memref_slice %arg6[%arg1, %dma_start3A_2057, %dma_start3A_2058, %dma_start3A_2059, %dma_start3A_2060] : memref<16x2x1x224x224xf32, #tpu.memory_space<vmem_shared>> -> memref<1x1x1x224x224xf32, #tpu.memory_space<vmem_shared>>
    %dma_start3A_2062 = tpu.memref_squeeze %dma_start3A_2061 : memref<1x1x1x224x224xf32, #tpu.memory_space<vmem_shared>> -> memref<1x224x224xf32, #tpu.memory_space<vmem_shared>>
    %dma_start3A_2063 = arith.constant 0 : i32
    %dma_start3A_2064 = arith.constant 0 : i32
    %dma_start3A_2065 = arith.constant 128 : i32
    %dma_start3A_2066 = tpu.memref_slice %dma_start3A_2062[%dma_start3A_2063, %dma_start3A_2064, %dma_start3A_2065] : memref<1x224x224xf32, #tpu.memory_space<vmem_shared>> -> memref<1x224x96xf32, #tpu.memory_space<vmem_shared>>
    %dma_start3A_2067 = arith.constant 0 : i32
    %dma_start3A_2068 = arith.constant 128 : i32
    %dma_start3A_2069 = tpu.memref_slice %arg2[%squeeze3A_2056, %dma_start3A_2067, %dma_start3A_2068] : memref<768x224x224xf32, #tpu.memory_space<hbm>> -> memref<1x224x96xf32, #tpu.memory_space<hbm>>
    tpu.enqueue_dma source(%dma_start3A_2069 : memref<1x224x96xf32, #tpu.memory_space<hbm>>) target(%dma_start3A_2066 : memref<1x224x96xf32, #tpu.memory_space<vmem_shared>>) target_semaphore(%arg7 : memref<!tpu.dma_semaphore, #tpu.memory_space<semaphore_mem>>)
    %dma_wait3A_2070 = arith.constant 1 : i32
    %dma_wait3A_2071 = arith.constant 0 : i32
    %dma_wait3A_2072 = arith.constant 0 : i32
    %dma_wait3A_2073 = arith.constant 0 : i32
    %dma_wait3A_2074 = tpu.memref_slice %arg6[%arg1, %dma_wait3A_2070, %dma_wait3A_2071, %dma_wait3A_2072, %dma_wait3A_2073] : memref<16x2x1x224x224xf32, #tpu.memory_space<vmem_shared>> -> memref<1x1x1x224x224xf32, #tpu.memory_space<vmem_shared>>
    %dma_wait3A_2075 = tpu.memref_squeeze %dma_wait3A_2074 : memref<1x1x1x224x224xf32, #tpu.memory_space<vmem_shared>> -> memref<1x224x224xf32, #tpu.memory_space<vmem_shared>>
    %dma_wait3A_2076 = arith.constant 0 : i32
    %dma_wait3A_2077 = arith.constant 0 : i32
    %dma_wait3A_2078 = arith.constant 0 : i32
    %dma_wait3A_2079 = tpu.memref_slice %dma_wait3A_2075[%dma_wait3A_2076, %dma_wait3A_2077, %dma_wait3A_2078] : memref<1x224x224xf32, #tpu.memory_space<vmem_shared>> -> memref<1x224x128xf32, #tpu.memory_space<vmem_shared>>
    %dma_wait3A_2080 = arith.constant 0 : i32
    %dma_wait3A_2081 = arith.constant 0 : i32
    %dma_wait3A_2082 = arith.constant 0 : i32
    %dma_wait3A_2083 = tpu.memref_slice %arg2[%dma_wait3A_2080, %dma_wait3A_2081, %dma_wait3A_2082] : memref<768x224x224xf32, #tpu.memory_space<hbm>> -> memref<1x224x128xf32, #tpu.memory_space<hbm>>
    tpu.wait_dma2 semaphore(%arg8 : memref<!tpu.dma_semaphore, #tpu.memory_space<semaphore_mem>>) src(%dma_wait3A_2083 : memref<1x224x128xf32, #tpu.memory_space<hbm>>) dst(%dma_wait3A_2079 : memref<1x224x128xf32, #tpu.memory_space<vmem_shared>>)
    %dma_wait3A_2084 = arith.constant 1 : i32
    %dma_wait3A_2085 = arith.constant 0 : i32
    %dma_wait3A_2086 = arith.constant 0 : i32
    %dma_wait3A_2087 = arith.constant 0 : i32
    %dma_wait3A_2088 = tpu.memref_slice %arg6[%arg1, %dma_wait3A_2084, %dma_wait3A_2085, %dma_wait3A_2086, %dma_wait3A_2087] : memref<16x2x1x224x224xf32, #tpu.memory_space<vmem_shared>> -> memref<1x1x1x224x224xf32, #tpu.memory_space<vmem_shared>>
    %dma_wait3A_2089 = tpu.memref_squeeze %dma_wait3A_2088 : memref<1x1x1x224x224xf32, #tpu.memory_space<vmem_shared>> -> memref<1x224x224xf32, #tpu.memory_space<vmem_shared>>
    %dma_wait3A_2090 = arith.constant 0 : i32
    %dma_wait3A_2091 = arith.constant 0 : i32
    %dma_wait3A_2092 = arith.constant 128 : i32
    %dma_wait3A_2093 = tpu.memref_slice %dma_wait3A_2089[%dma_wait3A_2090, %dma_wait3A_2091, %dma_wait3A_2092] : memref<1x224x224xf32, #tpu.memory_space<vmem_shared>> -> memref<1x224x96xf32, #tpu.memory_space<vmem_shared>>
    %dma_wait3A_2094 = arith.constant 0 : i32
    %dma_wait3A_2095 = arith.constant 0 : i32
    %dma_wait3A_2096 = arith.constant 128 : i32
    %dma_wait3A_2097 = tpu.memref_slice %arg2[%dma_wait3A_2094, %dma_wait3A_2095, %dma_wait3A_2096] : memref<768x224x224xf32, #tpu.memory_space<hbm>> -> memref<1x224x96xf32, #tpu.memory_space<hbm>>
    tpu.wait_dma2 semaphore(%arg8 : memref<!tpu.dma_semaphore, #tpu.memory_space<semaphore_mem>>) src(%dma_wait3A_2097 : memref<1x224x96xf32, #tpu.memory_space<hbm>>) dst(%dma_wait3A_2093 : memref<1x224x96xf32, #tpu.memory_space<vmem_shared>>)
    %add3A_2098 = arith.constant 17 : i32
    %add3A_2099 = arith.addi %mul3A_2, %add3A_2098 : i32
    %dma_start3A_2100 = arith.constant 1 : i32
    %dma_start3A_2101 = arith.constant 0 : i32
    %dma_start3A_2102 = arith.constant 0 : i32
    %dma_start3A_2103 = tpu.memref_slice %arg4[%add3A_2099, %dma_start3A_2101, %dma_start3A_2102] : memref<768x224x224xf32, #tpu.memory_space<hbm>> -> memref<1x224x128xf32, #tpu.memory_space<hbm>>
    %dma_start3A_2104 = arith.constant 0 : i32
    %dma_start3A_2105 = arith.constant 0 : i32
    %dma_start3A_2106 = arith.constant 0 : i32
    %dma_start3A_2107 = tpu.memref_slice %arg6[%arg1, %dma_start3A_2100, %dma_start3A_2104, %dma_start3A_2105, %dma_start3A_2106] : memref<16x2x1x224x224xf32, #tpu.memory_space<vmem_shared>> -> memref<1x1x1x224x224xf32, #tpu.memory_space<vmem_shared>>
    %dma_start3A_2108 = tpu.memref_squeeze %dma_start3A_2107 : memref<1x1x1x224x224xf32, #tpu.memory_space<vmem_shared>> -> memref<1x224x224xf32, #tpu.memory_space<vmem_shared>>
    %dma_start3A_2109 = arith.constant 0 : i32
    %dma_start3A_2110 = arith.constant 0 : i32
    %dma_start3A_2111 = arith.constant 0 : i32
    %dma_start3A_2112 = tpu.memref_slice %dma_start3A_2108[%dma_start3A_2109, %dma_start3A_2110, %dma_start3A_2111] : memref<1x224x224xf32, #tpu.memory_space<vmem_shared>> -> memref<1x224x128xf32, #tpu.memory_space<vmem_shared>>
    tpu.enqueue_dma source(%dma_start3A_2112 : memref<1x224x128xf32, #tpu.memory_space<vmem_shared>>) target(%dma_start3A_2103 : memref<1x224x128xf32, #tpu.memory_space<hbm>>) target_semaphore(%arg10 : memref<!tpu.dma_semaphore, #tpu.memory_space<semaphore_mem>>)
    %add3A_2113 = arith.constant 17 : i32
    %add3A_2114 = arith.addi %mul3A_2, %add3A_2113 : i32
    %dma_start3A_2115 = arith.constant 1 : i32
    %dma_start3A_2116 = arith.constant 0 : i32
    %dma_start3A_2117 = arith.constant 128 : i32
    %dma_start3A_2118 = tpu.memref_slice %arg4[%add3A_2114, %dma_start3A_2116, %dma_start3A_2117] : memref<768x224x224xf32, #tpu.memory_space<hbm>> -> memref<1x224x96xf32, #tpu.memory_space<hbm>>
    %dma_start3A_2119 = arith.constant 0 : i32
    %dma_start3A_2120 = arith.constant 0 : i32
    %dma_start3A_2121 = arith.constant 0 : i32
    %dma_start3A_2122 = tpu.memref_slice %arg6[%arg1, %dma_start3A_2115, %dma_start3A_2119, %dma_start3A_2120, %dma_start3A_2121] : memref<16x2x1x224x224xf32, #tpu.memory_space<vmem_shared>> -> memref<1x1x1x224x224xf32, #tpu.memory_space<vmem_shared>>
    %dma_start3A_2123 = tpu.memref_squeeze %dma_start3A_2122 : memref<1x1x1x224x224xf32, #tpu.memory_space<vmem_shared>> -> memref<1x224x224xf32, #tpu.memory_space<vmem_shared>>
    %dma_start3A_2124 = arith.constant 0 : i32
    %dma_start3A_2125 = arith.constant 0 : i32
    %dma_start3A_2126 = arith.constant 128 : i32
    %dma_start3A_2127 = tpu.memref_slice %dma_start3A_2123[%dma_start3A_2124, %dma_start3A_2125, %dma_start3A_2126] : memref<1x224x224xf32, #tpu.memory_space<vmem_shared>> -> memref<1x224x96xf32, #tpu.memory_space<vmem_shared>>
    tpu.enqueue_dma source(%dma_start3A_2127 : memref<1x224x96xf32, #tpu.memory_space<vmem_shared>>) target(%dma_start3A_2118 : memref<1x224x96xf32, #tpu.memory_space<hbm>>) target_semaphore(%arg10 : memref<!tpu.dma_semaphore, #tpu.memory_space<semaphore_mem>>)
    %add3A_2128 = arith.constant 17 : i32
    %add3A_2129 = arith.addi %mul3A_2, %add3A_2128 : i32
    %dma_wait3A_2130 = arith.constant 1 : i32
    %dma_wait3A_2131 = arith.constant 0 : i32
    %dma_wait3A_2132 = arith.constant 0 : i32
    %dma_wait3A_2133 = tpu.memref_slice %arg4[%add3A_2129, %dma_wait3A_2131, %dma_wait3A_2132] : memref<768x224x224xf32, #tpu.memory_space<hbm>> -> memref<1x224x128xf32, #tpu.memory_space<hbm>>
    %dma_wait3A_2134 = arith.constant 0 : i32
    %dma_wait3A_2135 = arith.constant 0 : i32
    %dma_wait3A_2136 = arith.constant 0 : i32
    %dma_wait3A_2137 = tpu.memref_slice %arg6[%arg1, %dma_wait3A_2130, %dma_wait3A_2134, %dma_wait3A_2135, %dma_wait3A_2136] : memref<16x2x1x224x224xf32, #tpu.memory_space<vmem_shared>> -> memref<1x1x1x224x224xf32, #tpu.memory_space<vmem_shared>>
    %dma_wait3A_2138 = tpu.memref_squeeze %dma_wait3A_2137 : memref<1x1x1x224x224xf32, #tpu.memory_space<vmem_shared>> -> memref<1x224x224xf32, #tpu.memory_space<vmem_shared>>
    %dma_wait3A_2139 = arith.constant 0 : i32
    %dma_wait3A_2140 = arith.constant 0 : i32
    %dma_wait3A_2141 = arith.constant 0 : i32
    %dma_wait3A_2142 = tpu.memref_slice %dma_wait3A_2138[%dma_wait3A_2139, %dma_wait3A_2140, %dma_wait3A_2141] : memref<1x224x224xf32, #tpu.memory_space<vmem_shared>> -> memref<1x224x128xf32, #tpu.memory_space<vmem_shared>>
    tpu.wait_dma2 semaphore(%arg10 : memref<!tpu.dma_semaphore, #tpu.memory_space<semaphore_mem>>) src(%dma_wait3A_2142 : memref<1x224x128xf32, #tpu.memory_space<vmem_shared>>) dst(%dma_wait3A_2133 : memref<1x224x128xf32, #tpu.memory_space<hbm>>)
    %add3A_2143 = arith.constant 17 : i32
    %add3A_2144 = arith.addi %mul3A_2, %add3A_2143 : i32
    %dma_wait3A_2145 = arith.constant 1 : i32
    %dma_wait3A_2146 = arith.constant 0 : i32
    %dma_wait3A_2147 = arith.constant 128 : i32
    %dma_wait3A_2148 = tpu.memref_slice %arg4[%add3A_2144, %dma_wait3A_2146, %dma_wait3A_2147] : memref<768x224x224xf32, #tpu.memory_space<hbm>> -> memref<1x224x96xf32, #tpu.memory_space<hbm>>
    %dma_wait3A_2149 = arith.constant 0 : i32
    %dma_wait3A_2150 = arith.constant 0 : i32
    %dma_wait3A_2151 = arith.constant 0 : i32
    %dma_wait3A_2152 = tpu.memref_slice %arg6[%arg1, %dma_wait3A_2145, %dma_wait3A_2149, %dma_wait3A_2150, %dma_wait3A_2151] : memref<16x2x1x224x224xf32, #tpu.memory_space<vmem_shared>> -> memref<1x1x1x224x224xf32, #tpu.memory_space<vmem_shared>>
    %dma_wait3A_2153 = tpu.memref_squeeze %dma_wait3A_2152 : memref<1x1x1x224x224xf32, #tpu.memory_space<vmem_shared>> -> memref<1x224x224xf32, #tpu.memory_space<vmem_shared>>
    %dma_wait3A_2154 = arith.constant 0 : i32
    %dma_wait3A_2155 = arith.constant 0 : i32
    %dma_wait3A_2156 = arith.constant 128 : i32
    %dma_wait3A_2157 = tpu.memref_slice %dma_wait3A_2153[%dma_wait3A_2154, %dma_wait3A_2155, %dma_wait3A_2156] : memref<1x224x224xf32, #tpu.memory_space<vmem_shared>> -> memref<1x224x96xf32, #tpu.memory_space<vmem_shared>>
    tpu.wait_dma2 semaphore(%arg10 : memref<!tpu.dma_semaphore, #tpu.memory_space<semaphore_mem>>) src(%dma_wait3A_2157 : memref<1x224x96xf32, #tpu.memory_space<vmem_shared>>) dst(%dma_wait3A_2148 : memref<1x224x96xf32, #tpu.memory_space<hbm>>)
    %slice3A_2158 = vector.extract_strided_slice %get3A_7 {offsets = [3], sizes = [1], strides = [1]} : vector<16xi32> to vector<1xi32>
    %squeeze3A_2159 = vector.extract %slice3A_2158[0] : i32 from vector<1xi32>
    %dma_start3A_2160 = arith.constant 1 : i32
    %dma_start3A_2161 = arith.constant 0 : i32
    %dma_start3A_2162 = arith.constant 0 : i32
    %dma_start3A_2163 = arith.constant 0 : i32
    %dma_start3A_2164 = tpu.memref_slice %arg6[%arg1, %dma_start3A_2160, %dma_start3A_2161, %dma_start3A_2162, %dma_start3A_2163] : memref<16x2x1x224x224xf32, #tpu.memory_space<vmem_shared>> -> memref<1x1x1x224x224xf32, #tpu.memory_space<vmem_shared>>
    %dma_start3A_2165 = tpu.memref_squeeze %dma_start3A_2164 : memref<1x1x1x224x224xf32, #tpu.memory_space<vmem_shared>> -> memref<1x224x224xf32, #tpu.memory_space<vmem_shared>>
    %dma_start3A_2166 = arith.constant 0 : i32
    %dma_start3A_2167 = arith.constant 0 : i32
    %dma_start3A_2168 = arith.constant 0 : i32
    %dma_start3A_2169 = tpu.memref_slice %dma_start3A_2165[%dma_start3A_2166, %dma_start3A_2167, %dma_start3A_2168] : memref<1x224x224xf32, #tpu.memory_space<vmem_shared>> -> memref<1x224x128xf32, #tpu.memory_space<vmem_shared>>
    %dma_start3A_2170 = arith.constant 0 : i32
    %dma_start3A_2171 = arith.constant 0 : i32
    %dma_start3A_2172 = tpu.memref_slice %arg2[%squeeze3A_2159, %dma_start3A_2170, %dma_start3A_2171] : memref<768x224x224xf32, #tpu.memory_space<hbm>> -> memref<1x224x128xf32, #tpu.memory_space<hbm>>
    tpu.enqueue_dma source(%dma_start3A_2172 : memref<1x224x128xf32, #tpu.memory_space<hbm>>) target(%dma_start3A_2169 : memref<1x224x128xf32, #tpu.memory_space<vmem_shared>>) target_semaphore(%arg8 : memref<!tpu.dma_semaphore, #tpu.memory_space<semaphore_mem>>)
    %slice3A_2173 = vector.extract_strided_slice %get3A_7 {offsets = [3], sizes = [1], strides = [1]} : vector<16xi32> to vector<1xi32>
    %squeeze3A_2174 = vector.extract %slice3A_2173[0] : i32 from vector<1xi32>
    %dma_start3A_2175 = arith.constant 1 : i32
    %dma_start3A_2176 = arith.constant 0 : i32
    %dma_start3A_2177 = arith.constant 0 : i32
    %dma_start3A_2178 = arith.constant 0 : i32
    %dma_start3A_2179 = tpu.memref_slice %arg6[%arg1, %dma_start3A_2175, %dma_start3A_2176, %dma_start3A_2177, %dma_start3A_2178] : memref<16x2x1x224x224xf32, #tpu.memory_space<vmem_shared>> -> memref<1x1x1x224x224xf32, #tpu.memory_space<vmem_shared>>
    %dma_start3A_2180 = tpu.memref_squeeze %dma_start3A_2179 : memref<1x1x1x224x224xf32, #tpu.memory_space<vmem_shared>> -> memref<1x224x224xf32, #tpu.memory_space<vmem_shared>>
    %dma_start3A_2181 = arith.constant 0 : i32
    %dma_start3A_2182 = arith.constant 0 : i32
    %dma_start3A_2183 = arith.constant 128 : i32
    %dma_start3A_2184 = tpu.memref_slice %dma_start3A_2180[%dma_start3A_2181, %dma_start3A_2182, %dma_start3A_2183] : memref<1x224x224xf32, #tpu.memory_space<vmem_shared>> -> memref<1x224x96xf32, #tpu.memory_space<vmem_shared>>
    %dma_start3A_2185 = arith.constant 0 : i32
    %dma_start3A_2186 = arith.constant 128 : i32
    %dma_start3A_2187 = tpu.memref_slice %arg2[%squeeze3A_2174, %dma_start3A_2185, %dma_start3A_2186] : memref<768x224x224xf32, #tpu.memory_space<hbm>> -> memref<1x224x96xf32, #tpu.memory_space<hbm>>
    tpu.enqueue_dma source(%dma_start3A_2187 : memref<1x224x96xf32, #tpu.memory_space<hbm>>) target(%dma_start3A_2184 : memref<1x224x96xf32, #tpu.memory_space<vmem_shared>>) target_semaphore(%arg8 : memref<!tpu.dma_semaphore, #tpu.memory_space<semaphore_mem>>)
    %dma_wait3A_2188 = arith.constant 0 : i32
    %dma_wait3A_2189 = arith.constant 0 : i32
    %dma_wait3A_2190 = arith.constant 0 : i32
    %dma_wait3A_2191 = arith.constant 0 : i32
    %dma_wait3A_2192 = tpu.memref_slice %arg6[%arg1, %dma_wait3A_2188, %dma_wait3A_2189, %dma_wait3A_2190, %dma_wait3A_2191] : memref<16x2x1x224x224xf32, #tpu.memory_space<vmem_shared>> -> memref<1x1x1x224x224xf32, #tpu.memory_space<vmem_shared>>
    %dma_wait3A_2193 = tpu.memref_squeeze %dma_wait3A_2192 : memref<1x1x1x224x224xf32, #tpu.memory_space<vmem_shared>> -> memref<1x224x224xf32, #tpu.memory_space<vmem_shared>>
    %dma_wait3A_2194 = arith.constant 0 : i32
    %dma_wait3A_2195 = arith.constant 0 : i32
    %dma_wait3A_2196 = arith.constant 0 : i32
    %dma_wait3A_2197 = tpu.memref_slice %dma_wait3A_2193[%dma_wait3A_2194, %dma_wait3A_2195, %dma_wait3A_2196] : memref<1x224x224xf32, #tpu.memory_space<vmem_shared>> -> memref<1x224x128xf32, #tpu.memory_space<vmem_shared>>
    %dma_wait3A_2198 = arith.constant 0 : i32
    %dma_wait3A_2199 = arith.constant 0 : i32
    %dma_wait3A_2200 = arith.constant 0 : i32
    %dma_wait3A_2201 = tpu.memref_slice %arg2[%dma_wait3A_2198, %dma_wait3A_2199, %dma_wait3A_2200] : memref<768x224x224xf32, #tpu.memory_space<hbm>> -> memref<1x224x128xf32, #tpu.memory_space<hbm>>
    tpu.wait_dma2 semaphore(%arg7 : memref<!tpu.dma_semaphore, #tpu.memory_space<semaphore_mem>>) src(%dma_wait3A_2201 : memref<1x224x128xf32, #tpu.memory_space<hbm>>) dst(%dma_wait3A_2197 : memref<1x224x128xf32, #tpu.memory_space<vmem_shared>>)
    %dma_wait3A_2202 = arith.constant 0 : i32
    %dma_wait3A_2203 = arith.constant 0 : i32
    %dma_wait3A_2204 = arith.constant 0 : i32
    %dma_wait3A_2205 = arith.constant 0 : i32
    %dma_wait3A_2206 = tpu.memref_slice %arg6[%arg1, %dma_wait3A_2202, %dma_wait3A_2203, %dma_wait3A_2204, %dma_wait3A_2205] : memref<16x2x1x224x224xf32, #tpu.memory_space<vmem_shared>> -> memref<1x1x1x224x224xf32, #tpu.memory_space<vmem_shared>>
    %dma_wait3A_2207 = tpu.memref_squeeze %dma_wait3A_2206 : memref<1x1x1x224x224xf32, #tpu.memory_space<vmem_shared>> -> memref<1x224x224xf32, #tpu.memory_space<vmem_shared>>
    %dma_wait3A_2208 = arith.constant 0 : i32
    %dma_wait3A_2209 = arith.constant 0 : i32
    %dma_wait3A_2210 = arith.constant 128 : i32
    %dma_wait3A_2211 = tpu.memref_slice %dma_wait3A_2207[%dma_wait3A_2208, %dma_wait3A_2209, %dma_wait3A_2210] : memref<1x224x224xf32, #tpu.memory_space<vmem_shared>> -> memref<1x224x96xf32, #tpu.memory_space<vmem_shared>>
    %dma_wait3A_2212 = arith.constant 0 : i32
    %dma_wait3A_2213 = arith.constant 0 : i32
    %dma_wait3A_2214 = arith.constant 128 : i32
    %dma_wait3A_2215 = tpu.memref_slice %arg2[%dma_wait3A_2212, %dma_wait3A_2213, %dma_wait3A_2214] : memref<768x224x224xf32, #tpu.memory_space<hbm>> -> memref<1x224x96xf32, #tpu.memory_space<hbm>>
    tpu.wait_dma2 semaphore(%arg7 : memref<!tpu.dma_semaphore, #tpu.memory_space<semaphore_mem>>) src(%dma_wait3A_2215 : memref<1x224x96xf32, #tpu.memory_space<hbm>>) dst(%dma_wait3A_2211 : memref<1x224x96xf32, #tpu.memory_space<vmem_shared>>)
    %add3A_2216 = arith.constant 18 : i32
    %add3A_2217 = arith.addi %mul3A_2, %add3A_2216 : i32
    %dma_start3A_2218 = arith.constant 0 : i32
    %dma_start3A_2219 = arith.constant 0 : i32
    %dma_start3A_2220 = arith.constant 0 : i32
    %dma_start3A_2221 = tpu.memref_slice %arg4[%add3A_2217, %dma_start3A_2219, %dma_start3A_2220] : memref<768x224x224xf32, #tpu.memory_space<hbm>> -> memref<1x224x128xf32, #tpu.memory_space<hbm>>
    %dma_start3A_2222 = arith.constant 0 : i32
    %dma_start3A_2223 = arith.constant 0 : i32
    %dma_start3A_2224 = arith.constant 0 : i32
    %dma_start3A_2225 = tpu.memref_slice %arg6[%arg1, %dma_start3A_2218, %dma_start3A_2222, %dma_start3A_2223, %dma_start3A_2224] : memref<16x2x1x224x224xf32, #tpu.memory_space<vmem_shared>> -> memref<1x1x1x224x224xf32, #tpu.memory_space<vmem_shared>>
    %dma_start3A_2226 = tpu.memref_squeeze %dma_start3A_2225 : memref<1x1x1x224x224xf32, #tpu.memory_space<vmem_shared>> -> memref<1x224x224xf32, #tpu.memory_space<vmem_shared>>
    %dma_start3A_2227 = arith.constant 0 : i32
    %dma_start3A_2228 = arith.constant 0 : i32
    %dma_start3A_2229 = arith.constant 0 : i32
    %dma_start3A_2230 = tpu.memref_slice %dma_start3A_2226[%dma_start3A_2227, %dma_start3A_2228, %dma_start3A_2229] : memref<1x224x224xf32, #tpu.memory_space<vmem_shared>> -> memref<1x224x128xf32, #tpu.memory_space<vmem_shared>>
    tpu.enqueue_dma source(%dma_start3A_2230 : memref<1x224x128xf32, #tpu.memory_space<vmem_shared>>) target(%dma_start3A_2221 : memref<1x224x128xf32, #tpu.memory_space<hbm>>) target_semaphore(%arg9 : memref<!tpu.dma_semaphore, #tpu.memory_space<semaphore_mem>>)
    %add3A_2231 = arith.constant 18 : i32
    %add3A_2232 = arith.addi %mul3A_2, %add3A_2231 : i32
    %dma_start3A_2233 = arith.constant 0 : i32
    %dma_start3A_2234 = arith.constant 0 : i32
    %dma_start3A_2235 = arith.constant 128 : i32
    %dma_start3A_2236 = tpu.memref_slice %arg4[%add3A_2232, %dma_start3A_2234, %dma_start3A_2235] : memref<768x224x224xf32, #tpu.memory_space<hbm>> -> memref<1x224x96xf32, #tpu.memory_space<hbm>>
    %dma_start3A_2237 = arith.constant 0 : i32
    %dma_start3A_2238 = arith.constant 0 : i32
    %dma_start3A_2239 = arith.constant 0 : i32
    %dma_start3A_2240 = tpu.memref_slice %arg6[%arg1, %dma_start3A_2233, %dma_start3A_2237, %dma_start3A_2238, %dma_start3A_2239] : memref<16x2x1x224x224xf32, #tpu.memory_space<vmem_shared>> -> memref<1x1x1x224x224xf32, #tpu.memory_space<vmem_shared>>
    %dma_start3A_2241 = tpu.memref_squeeze %dma_start3A_2240 : memref<1x1x1x224x224xf32, #tpu.memory_space<vmem_shared>> -> memref<1x224x224xf32, #tpu.memory_space<vmem_shared>>
    %dma_start3A_2242 = arith.constant 0 : i32
    %dma_start3A_2243 = arith.constant 0 : i32
    %dma_start3A_2244 = arith.constant 128 : i32
    %dma_start3A_2245 = tpu.memref_slice %dma_start3A_2241[%dma_start3A_2242, %dma_start3A_2243, %dma_start3A_2244] : memref<1x224x224xf32, #tpu.memory_space<vmem_shared>> -> memref<1x224x96xf32, #tpu.memory_space<vmem_shared>>
    tpu.enqueue_dma source(%dma_start3A_2245 : memref<1x224x96xf32, #tpu.memory_space<vmem_shared>>) target(%dma_start3A_2236 : memref<1x224x96xf32, #tpu.memory_space<hbm>>) target_semaphore(%arg9 : memref<!tpu.dma_semaphore, #tpu.memory_space<semaphore_mem>>)
    %add3A_2246 = arith.constant 18 : i32
    %add3A_2247 = arith.addi %mul3A_2, %add3A_2246 : i32
    %dma_wait3A_2248 = arith.constant 0 : i32
    %dma_wait3A_2249 = arith.constant 0 : i32
    %dma_wait3A_2250 = arith.constant 0 : i32
    %dma_wait3A_2251 = tpu.memref_slice %arg4[%add3A_2247, %dma_wait3A_2249, %dma_wait3A_2250] : memref<768x224x224xf32, #tpu.memory_space<hbm>> -> memref<1x224x128xf32, #tpu.memory_space<hbm>>
    %dma_wait3A_2252 = arith.constant 0 : i32
    %dma_wait3A_2253 = arith.constant 0 : i32
    %dma_wait3A_2254 = arith.constant 0 : i32
    %dma_wait3A_2255 = tpu.memref_slice %arg6[%arg1, %dma_wait3A_2248, %dma_wait3A_2252, %dma_wait3A_2253, %dma_wait3A_2254] : memref<16x2x1x224x224xf32, #tpu.memory_space<vmem_shared>> -> memref<1x1x1x224x224xf32, #tpu.memory_space<vmem_shared>>
    %dma_wait3A_2256 = tpu.memref_squeeze %dma_wait3A_2255 : memref<1x1x1x224x224xf32, #tpu.memory_space<vmem_shared>> -> memref<1x224x224xf32, #tpu.memory_space<vmem_shared>>
    %dma_wait3A_2257 = arith.constant 0 : i32
    %dma_wait3A_2258 = arith.constant 0 : i32
    %dma_wait3A_2259 = arith.constant 0 : i32
    %dma_wait3A_2260 = tpu.memref_slice %dma_wait3A_2256[%dma_wait3A_2257, %dma_wait3A_2258, %dma_wait3A_2259] : memref<1x224x224xf32, #tpu.memory_space<vmem_shared>> -> memref<1x224x128xf32, #tpu.memory_space<vmem_shared>>
    tpu.wait_dma2 semaphore(%arg9 : memref<!tpu.dma_semaphore, #tpu.memory_space<semaphore_mem>>) src(%dma_wait3A_2260 : memref<1x224x128xf32, #tpu.memory_space<vmem_shared>>) dst(%dma_wait3A_2251 : memref<1x224x128xf32, #tpu.memory_space<hbm>>)
    %add3A_2261 = arith.constant 18 : i32
    %add3A_2262 = arith.addi %mul3A_2, %add3A_2261 : i32
    %dma_wait3A_2263 = arith.constant 0 : i32
    %dma_wait3A_2264 = arith.constant 0 : i32
    %dma_wait3A_2265 = arith.constant 128 : i32
    %dma_wait3A_2266 = tpu.memref_slice %arg4[%add3A_2262, %dma_wait3A_2264, %dma_wait3A_2265] : memref<768x224x224xf32, #tpu.memory_space<hbm>> -> memref<1x224x96xf32, #tpu.memory_space<hbm>>
    %dma_wait3A_2267 = arith.constant 0 : i32
    %dma_wait3A_2268 = arith.constant 0 : i32
    %dma_wait3A_2269 = arith.constant 0 : i32
    %dma_wait3A_2270 = tpu.memref_slice %arg6[%arg1, %dma_wait3A_2263, %dma_wait3A_2267, %dma_wait3A_2268, %dma_wait3A_2269] : memref<16x2x1x224x224xf32, #tpu.memory_space<vmem_shared>> -> memref<1x1x1x224x224xf32, #tpu.memory_space<vmem_shared>>
    %dma_wait3A_2271 = tpu.memref_squeeze %dma_wait3A_2270 : memref<1x1x1x224x224xf32, #tpu.memory_space<vmem_shared>> -> memref<1x224x224xf32, #tpu.memory_space<vmem_shared>>
    %dma_wait3A_2272 = arith.constant 0 : i32
    %dma_wait3A_2273 = arith.constant 0 : i32
    %dma_wait3A_2274 = arith.constant 128 : i32
    %dma_wait3A_2275 = tpu.memref_slice %dma_wait3A_2271[%dma_wait3A_2272, %dma_wait3A_2273, %dma_wait3A_2274] : memref<1x224x224xf32, #tpu.memory_space<vmem_shared>> -> memref<1x224x96xf32, #tpu.memory_space<vmem_shared>>
    tpu.wait_dma2 semaphore(%arg9 : memref<!tpu.dma_semaphore, #tpu.memory_space<semaphore_mem>>) src(%dma_wait3A_2275 : memref<1x224x96xf32, #tpu.memory_space<vmem_shared>>) dst(%dma_wait3A_2266 : memref<1x224x96xf32, #tpu.memory_space<hbm>>)
    %slice3A_2276 = vector.extract_strided_slice %get3A_7 {offsets = [4], sizes = [1], strides = [1]} : vector<16xi32> to vector<1xi32>
    %squeeze3A_2277 = vector.extract %slice3A_2276[0] : i32 from vector<1xi32>
    %dma_start3A_2278 = arith.constant 0 : i32
    %dma_start3A_2279 = arith.constant 0 : i32
    %dma_start3A_2280 = arith.constant 0 : i32
    %dma_start3A_2281 = arith.constant 0 : i32
    %dma_start3A_2282 = tpu.memref_slice %arg6[%arg1, %dma_start3A_2278, %dma_start3A_2279, %dma_start3A_2280, %dma_start3A_2281] : memref<16x2x1x224x224xf32, #tpu.memory_space<vmem_shared>> -> memref<1x1x1x224x224xf32, #tpu.memory_space<vmem_shared>>
    %dma_start3A_2283 = tpu.memref_squeeze %dma_start3A_2282 : memref<1x1x1x224x224xf32, #tpu.memory_space<vmem_shared>> -> memref<1x224x224xf32, #tpu.memory_space<vmem_shared>>
    %dma_start3A_2284 = arith.constant 0 : i32
    %dma_start3A_2285 = arith.constant 0 : i32
    %dma_start3A_2286 = arith.constant 0 : i32
    %dma_start3A_2287 = tpu.memref_slice %dma_start3A_2283[%dma_start3A_2284, %dma_start3A_2285, %dma_start3A_2286] : memref<1x224x224xf32, #tpu.memory_space<vmem_shared>> -> memref<1x224x128xf32, #tpu.memory_space<vmem_shared>>
    %dma_start3A_2288 = arith.constant 0 : i32
    %dma_start3A_2289 = arith.constant 0 : i32
    %dma_start3A_2290 = tpu.memref_slice %arg2[%squeeze3A_2277, %dma_start3A_2288, %dma_start3A_2289] : memref<768x224x224xf32, #tpu.memory_space<hbm>> -> memref<1x224x128xf32, #tpu.memory_space<hbm>>
    tpu.enqueue_dma source(%dma_start3A_2290 : memref<1x224x128xf32, #tpu.memory_space<hbm>>) target(%dma_start3A_2287 : memref<1x224x128xf32, #tpu.memory_space<vmem_shared>>) target_semaphore(%arg7 : memref<!tpu.dma_semaphore, #tpu.memory_space<semaphore_mem>>)
    %slice3A_2291 = vector.extract_strided_slice %get3A_7 {offsets = [4], sizes = [1], strides = [1]} : vector<16xi32> to vector<1xi32>
    %squeeze3A_2292 = vector.extract %slice3A_2291[0] : i32 from vector<1xi32>
    %dma_start3A_2293 = arith.constant 0 : i32
    %dma_start3A_2294 = arith.constant 0 : i32
    %dma_start3A_2295 = arith.constant 0 : i32
    %dma_start3A_2296 = arith.constant 0 : i32
    %dma_start3A_2297 = tpu.memref_slice %arg6[%arg1, %dma_start3A_2293, %dma_start3A_2294, %dma_start3A_2295, %dma_start3A_2296] : memref<16x2x1x224x224xf32, #tpu.memory_space<vmem_shared>> -> memref<1x1x1x224x224xf32, #tpu.memory_space<vmem_shared>>
    %dma_start3A_2298 = tpu.memref_squeeze %dma_start3A_2297 : memref<1x1x1x224x224xf32, #tpu.memory_space<vmem_shared>> -> memref<1x224x224xf32, #tpu.memory_space<vmem_shared>>
    %dma_start3A_2299 = arith.constant 0 : i32
    %dma_start3A_2300 = arith.constant 0 : i32
    %dma_start3A_2301 = arith.constant 128 : i32
    %dma_start3A_2302 = tpu.memref_slice %dma_start3A_2298[%dma_start3A_2299, %dma_start3A_2300, %dma_start3A_2301] : memref<1x224x224xf32, #tpu.memory_space<vmem_shared>> -> memref<1x224x96xf32, #tpu.memory_space<vmem_shared>>
    %dma_start3A_2303 = arith.constant 0 : i32
    %dma_start3A_2304 = arith.constant 128 : i32
    %dma_start3A_2305 = tpu.memref_slice %arg2[%squeeze3A_2292, %dma_start3A_2303, %dma_start3A_2304] : memref<768x224x224xf32, #tpu.memory_space<hbm>> -> memref<1x224x96xf32, #tpu.memory_space<hbm>>
    tpu.enqueue_dma source(%dma_start3A_2305 : memref<1x224x96xf32, #tpu.memory_space<hbm>>) target(%dma_start3A_2302 : memref<1x224x96xf32, #tpu.memory_space<vmem_shared>>) target_semaphore(%arg7 : memref<!tpu.dma_semaphore, #tpu.memory_space<semaphore_mem>>)
    %dma_wait3A_2306 = arith.constant 1 : i32
    %dma_wait3A_2307 = arith.constant 0 : i32
    %dma_wait3A_2308 = arith.constant 0 : i32
    %dma_wait3A_2309 = arith.constant 0 : i32
    %dma_wait3A_2310 = tpu.memref_slice %arg6[%arg1, %dma_wait3A_2306, %dma_wait3A_2307, %dma_wait3A_2308, %dma_wait3A_2309] : memref<16x2x1x224x224xf32, #tpu.memory_space<vmem_shared>> -> memref<1x1x1x224x224xf32, #tpu.memory_space<vmem_shared>>
    %dma_wait3A_2311 = tpu.memref_squeeze %dma_wait3A_2310 : memref<1x1x1x224x224xf32, #tpu.memory_space<vmem_shared>> -> memref<1x224x224xf32, #tpu.memory_space<vmem_shared>>
    %dma_wait3A_2312 = arith.constant 0 : i32
    %dma_wait3A_2313 = arith.constant 0 : i32
    %dma_wait3A_2314 = arith.constant 0 : i32
    %dma_wait3A_2315 = tpu.memref_slice %dma_wait3A_2311[%dma_wait3A_2312, %dma_wait3A_2313, %dma_wait3A_2314] : memref<1x224x224xf32, #tpu.memory_space<vmem_shared>> -> memref<1x224x128xf32, #tpu.memory_space<vmem_shared>>
    %dma_wait3A_2316 = arith.constant 0 : i32
    %dma_wait3A_2317 = arith.constant 0 : i32
    %dma_wait3A_2318 = arith.constant 0 : i32
    %dma_wait3A_2319 = tpu.memref_slice %arg2[%dma_wait3A_2316, %dma_wait3A_2317, %dma_wait3A_2318] : memref<768x224x224xf32, #tpu.memory_space<hbm>> -> memref<1x224x128xf32, #tpu.memory_space<hbm>>
    tpu.wait_dma2 semaphore(%arg8 : memref<!tpu.dma_semaphore, #tpu.memory_space<semaphore_mem>>) src(%dma_wait3A_2319 : memref<1x224x128xf32, #tpu.memory_space<hbm>>) dst(%dma_wait3A_2315 : memref<1x224x128xf32, #tpu.memory_space<vmem_shared>>)
    %dma_wait3A_2320 = arith.constant 1 : i32
    %dma_wait3A_2321 = arith.constant 0 : i32
    %dma_wait3A_2322 = arith.constant 0 : i32
    %dma_wait3A_2323 = arith.constant 0 : i32
    %dma_wait3A_2324 = tpu.memref_slice %arg6[%arg1, %dma_wait3A_2320, %dma_wait3A_2321, %dma_wait3A_2322, %dma_wait3A_2323] : memref<16x2x1x224x224xf32, #tpu.memory_space<vmem_shared>> -> memref<1x1x1x224x224xf32, #tpu.memory_space<vmem_shared>>
    %dma_wait3A_2325 = tpu.memref_squeeze %dma_wait3A_2324 : memref<1x1x1x224x224xf32, #tpu.memory_space<vmem_shared>> -> memref<1x224x224xf32, #tpu.memory_space<vmem_shared>>
    %dma_wait3A_2326 = arith.constant 0 : i32
    %dma_wait3A_2327 = arith.constant 0 : i32
    %dma_wait3A_2328 = arith.constant 128 : i32
    %dma_wait3A_2329 = tpu.memref_slice %dma_wait3A_2325[%dma_wait3A_2326, %dma_wait3A_2327, %dma_wait3A_2328] : memref<1x224x224xf32, #tpu.memory_space<vmem_shared>> -> memref<1x224x96xf32, #tpu.memory_space<vmem_shared>>
    %dma_wait3A_2330 = arith.constant 0 : i32
    %dma_wait3A_2331 = arith.constant 0 : i32
    %dma_wait3A_2332 = arith.constant 128 : i32
    %dma_wait3A_2333 = tpu.memref_slice %arg2[%dma_wait3A_2330, %dma_wait3A_2331, %dma_wait3A_2332] : memref<768x224x224xf32, #tpu.memory_space<hbm>> -> memref<1x224x96xf32, #tpu.memory_space<hbm>>
    tpu.wait_dma2 semaphore(%arg8 : memref<!tpu.dma_semaphore, #tpu.memory_space<semaphore_mem>>) src(%dma_wait3A_2333 : memref<1x224x96xf32, #tpu.memory_space<hbm>>) dst(%dma_wait3A_2329 : memref<1x224x96xf32, #tpu.memory_space<vmem_shared>>)
    %add3A_2334 = arith.constant 19 : i32
    %add3A_2335 = arith.addi %mul3A_2, %add3A_2334 : i32
    %dma_start3A_2336 = arith.constant 1 : i32
    %dma_start3A_2337 = arith.constant 0 : i32
    %dma_start3A_2338 = arith.constant 0 : i32
    %dma_start3A_2339 = tpu.memref_slice %arg4[%add3A_2335, %dma_start3A_2337, %dma_start3A_2338] : memref<768x224x224xf32, #tpu.memory_space<hbm>> -> memref<1x224x128xf32, #tpu.memory_space<hbm>>
    %dma_start3A_2340 = arith.constant 0 : i32
    %dma_start3A_2341 = arith.constant 0 : i32
    %dma_start3A_2342 = arith.constant 0 : i32
    %dma_start3A_2343 = tpu.memref_slice %arg6[%arg1, %dma_start3A_2336, %dma_start3A_2340, %dma_start3A_2341, %dma_start3A_2342] : memref<16x2x1x224x224xf32, #tpu.memory_space<vmem_shared>> -> memref<1x1x1x224x224xf32, #tpu.memory_space<vmem_shared>>
    %dma_start3A_2344 = tpu.memref_squeeze %dma_start3A_2343 : memref<1x1x1x224x224xf32, #tpu.memory_space<vmem_shared>> -> memref<1x224x224xf32, #tpu.memory_space<vmem_shared>>
    %dma_start3A_2345 = arith.constant 0 : i32
    %dma_start3A_2346 = arith.constant 0 : i32
    %dma_start3A_2347 = arith.constant 0 : i32
    %dma_start3A_2348 = tpu.memref_slice %dma_start3A_2344[%dma_start3A_2345, %dma_start3A_2346, %dma_start3A_2347] : memref<1x224x224xf32, #tpu.memory_space<vmem_shared>> -> memref<1x224x128xf32, #tpu.memory_space<vmem_shared>>
    tpu.enqueue_dma source(%dma_start3A_2348 : memref<1x224x128xf32, #tpu.memory_space<vmem_shared>>) target(%dma_start3A_2339 : memref<1x224x128xf32, #tpu.memory_space<hbm>>) target_semaphore(%arg10 : memref<!tpu.dma_semaphore, #tpu.memory_space<semaphore_mem>>)
    %add3A_2349 = arith.constant 19 : i32
    %add3A_2350 = arith.addi %mul3A_2, %add3A_2349 : i32
    %dma_start3A_2351 = arith.constant 1 : i32
    %dma_start3A_2352 = arith.constant 0 : i32
    %dma_start3A_2353 = arith.constant 128 : i32
    %dma_start3A_2354 = tpu.memref_slice %arg4[%add3A_2350, %dma_start3A_2352, %dma_start3A_2353] : memref<768x224x224xf32, #tpu.memory_space<hbm>> -> memref<1x224x96xf32, #tpu.memory_space<hbm>>
    %dma_start3A_2355 = arith.constant 0 : i32
    %dma_start3A_2356 = arith.constant 0 : i32
    %dma_start3A_2357 = arith.constant 0 : i32
    %dma_start3A_2358 = tpu.memref_slice %arg6[%arg1, %dma_start3A_2351, %dma_start3A_2355, %dma_start3A_2356, %dma_start3A_2357] : memref<16x2x1x224x224xf32, #tpu.memory_space<vmem_shared>> -> memref<1x1x1x224x224xf32, #tpu.memory_space<vmem_shared>>
    %dma_start3A_2359 = tpu.memref_squeeze %dma_start3A_2358 : memref<1x1x1x224x224xf32, #tpu.memory_space<vmem_shared>> -> memref<1x224x224xf32, #tpu.memory_space<vmem_shared>>
    %dma_start3A_2360 = arith.constant 0 : i32
    %dma_start3A_2361 = arith.constant 0 : i32
    %dma_start3A_2362 = arith.constant 128 : i32
    %dma_start3A_2363 = tpu.memref_slice %dma_start3A_2359[%dma_start3A_2360, %dma_start3A_2361, %dma_start3A_2362] : memref<1x224x224xf32, #tpu.memory_space<vmem_shared>> -> memref<1x224x96xf32, #tpu.memory_space<vmem_shared>>
    tpu.enqueue_dma source(%dma_start3A_2363 : memref<1x224x96xf32, #tpu.memory_space<vmem_shared>>) target(%dma_start3A_2354 : memref<1x224x96xf32, #tpu.memory_space<hbm>>) target_semaphore(%arg10 : memref<!tpu.dma_semaphore, #tpu.memory_space<semaphore_mem>>)
    %add3A_2364 = arith.constant 19 : i32
    %add3A_2365 = arith.addi %mul3A_2, %add3A_2364 : i32
    %dma_wait3A_2366 = arith.constant 1 : i32
    %dma_wait3A_2367 = arith.constant 0 : i32
    %dma_wait3A_2368 = arith.constant 0 : i32
    %dma_wait3A_2369 = tpu.memref_slice %arg4[%add3A_2365, %dma_wait3A_2367, %dma_wait3A_2368] : memref<768x224x224xf32, #tpu.memory_space<hbm>> -> memref<1x224x128xf32, #tpu.memory_space<hbm>>
    %dma_wait3A_2370 = arith.constant 0 : i32
    %dma_wait3A_2371 = arith.constant 0 : i32
    %dma_wait3A_2372 = arith.constant 0 : i32
    %dma_wait3A_2373 = tpu.memref_slice %arg6[%arg1, %dma_wait3A_2366, %dma_wait3A_2370, %dma_wait3A_2371, %dma_wait3A_2372] : memref<16x2x1x224x224xf32, #tpu.memory_space<vmem_shared>> -> memref<1x1x1x224x224xf32, #tpu.memory_space<vmem_shared>>
    %dma_wait3A_2374 = tpu.memref_squeeze %dma_wait3A_2373 : memref<1x1x1x224x224xf32, #tpu.memory_space<vmem_shared>> -> memref<1x224x224xf32, #tpu.memory_space<vmem_shared>>
    %dma_wait3A_2375 = arith.constant 0 : i32
    %dma_wait3A_2376 = arith.constant 0 : i32
    %dma_wait3A_2377 = arith.constant 0 : i32
    %dma_wait3A_2378 = tpu.memref_slice %dma_wait3A_2374[%dma_wait3A_2375, %dma_wait3A_2376, %dma_wait3A_2377] : memref<1x224x224xf32, #tpu.memory_space<vmem_shared>> -> memref<1x224x128xf32, #tpu.memory_space<vmem_shared>>
    tpu.wait_dma2 semaphore(%arg10 : memref<!tpu.dma_semaphore, #tpu.memory_space<semaphore_mem>>) src(%dma_wait3A_2378 : memref<1x224x128xf32, #tpu.memory_space<vmem_shared>>) dst(%dma_wait3A_2369 : memref<1x224x128xf32, #tpu.memory_space<hbm>>)
    %add3A_2379 = arith.constant 19 : i32
    %add3A_2380 = arith.addi %mul3A_2, %add3A_2379 : i32
    %dma_wait3A_2381 = arith.constant 1 : i32
    %dma_wait3A_2382 = arith.constant 0 : i32
    %dma_wait3A_2383 = arith.constant 128 : i32
    %dma_wait3A_2384 = tpu.memref_slice %arg4[%add3A_2380, %dma_wait3A_2382, %dma_wait3A_2383] : memref<768x224x224xf32, #tpu.memory_space<hbm>> -> memref<1x224x96xf32, #tpu.memory_space<hbm>>
    %dma_wait3A_2385 = arith.constant 0 : i32
    %dma_wait3A_2386 = arith.constant 0 : i32
    %dma_wait3A_2387 = arith.constant 0 : i32
    %dma_wait3A_2388 = tpu.memref_slice %arg6[%arg1, %dma_wait3A_2381, %dma_wait3A_2385, %dma_wait3A_2386, %dma_wait3A_2387] : memref<16x2x1x224x224xf32, #tpu.memory_space<vmem_shared>> -> memref<1x1x1x224x224xf32, #tpu.memory_space<vmem_shared>>
    %dma_wait3A_2389 = tpu.memref_squeeze %dma_wait3A_2388 : memref<1x1x1x224x224xf32, #tpu.memory_space<vmem_shared>> -> memref<1x224x224xf32, #tpu.memory_space<vmem_shared>>
    %dma_wait3A_2390 = arith.constant 0 : i32
    %dma_wait3A_2391 = arith.constant 0 : i32
    %dma_wait3A_2392 = arith.constant 128 : i32
    %dma_wait3A_2393 = tpu.memref_slice %dma_wait3A_2389[%dma_wait3A_2390, %dma_wait3A_2391, %dma_wait3A_2392] : memref<1x224x224xf32, #tpu.memory_space<vmem_shared>> -> memref<1x224x96xf32, #tpu.memory_space<vmem_shared>>
    tpu.wait_dma2 semaphore(%arg10 : memref<!tpu.dma_semaphore, #tpu.memory_space<semaphore_mem>>) src(%dma_wait3A_2393 : memref<1x224x96xf32, #tpu.memory_space<vmem_shared>>) dst(%dma_wait3A_2384 : memref<1x224x96xf32, #tpu.memory_space<hbm>>)
    %slice3A_2394 = vector.extract_strided_slice %get3A_7 {offsets = [5], sizes = [1], strides = [1]} : vector<16xi32> to vector<1xi32>
    %squeeze3A_2395 = vector.extract %slice3A_2394[0] : i32 from vector<1xi32>
    %dma_start3A_2396 = arith.constant 1 : i32
    %dma_start3A_2397 = arith.constant 0 : i32
    %dma_start3A_2398 = arith.constant 0 : i32
    %dma_start3A_2399 = arith.constant 0 : i32
    %dma_start3A_2400 = tpu.memref_slice %arg6[%arg1, %dma_start3A_2396, %dma_start3A_2397, %dma_start3A_2398, %dma_start3A_2399] : memref<16x2x1x224x224xf32, #tpu.memory_space<vmem_shared>> -> memref<1x1x1x224x224xf32, #tpu.memory_space<vmem_shared>>
    %dma_start3A_2401 = tpu.memref_squeeze %dma_start3A_2400 : memref<1x1x1x224x224xf32, #tpu.memory_space<vmem_shared>> -> memref<1x224x224xf32, #tpu.memory_space<vmem_shared>>
    %dma_start3A_2402 = arith.constant 0 : i32
    %dma_start3A_2403 = arith.constant 0 : i32
    %dma_start3A_2404 = arith.constant 0 : i32
    %dma_start3A_2405 = tpu.memref_slice %dma_start3A_2401[%dma_start3A_2402, %dma_start3A_2403, %dma_start3A_2404] : memref<1x224x224xf32, #tpu.memory_space<vmem_shared>> -> memref<1x224x128xf32, #tpu.memory_space<vmem_shared>>
    %dma_start3A_2406 = arith.constant 0 : i32
    %dma_start3A_2407 = arith.constant 0 : i32
    %dma_start3A_2408 = tpu.memref_slice %arg2[%squeeze3A_2395, %dma_start3A_2406, %dma_start3A_2407] : memref<768x224x224xf32, #tpu.memory_space<hbm>> -> memref<1x224x128xf32, #tpu.memory_space<hbm>>
    tpu.enqueue_dma source(%dma_start3A_2408 : memref<1x224x128xf32, #tpu.memory_space<hbm>>) target(%dma_start3A_2405 : memref<1x224x128xf32, #tpu.memory_space<vmem_shared>>) target_semaphore(%arg8 : memref<!tpu.dma_semaphore, #tpu.memory_space<semaphore_mem>>)
    %slice3A_2409 = vector.extract_strided_slice %get3A_7 {offsets = [5], sizes = [1], strides = [1]} : vector<16xi32> to vector<1xi32>
    %squeeze3A_2410 = vector.extract %slice3A_2409[0] : i32 from vector<1xi32>
    %dma_start3A_2411 = arith.constant 1 : i32
    %dma_start3A_2412 = arith.constant 0 : i32
    %dma_start3A_2413 = arith.constant 0 : i32
    %dma_start3A_2414 = arith.constant 0 : i32
    %dma_start3A_2415 = tpu.memref_slice %arg6[%arg1, %dma_start3A_2411, %dma_start3A_2412, %dma_start3A_2413, %dma_start3A_2414] : memref<16x2x1x224x224xf32, #tpu.memory_space<vmem_shared>> -> memref<1x1x1x224x224xf32, #tpu.memory_space<vmem_shared>>
    %dma_start3A_2416 = tpu.memref_squeeze %dma_start3A_2415 : memref<1x1x1x224x224xf32, #tpu.memory_space<vmem_shared>> -> memref<1x224x224xf32, #tpu.memory_space<vmem_shared>>
    %dma_start3A_2417 = arith.constant 0 : i32
    %dma_start3A_2418 = arith.constant 0 : i32
    %dma_start3A_2419 = arith.constant 128 : i32
    %dma_start3A_2420 = tpu.memref_slice %dma_start3A_2416[%dma_start3A_2417, %dma_start3A_2418, %dma_start3A_2419] : memref<1x224x224xf32, #tpu.memory_space<vmem_shared>> -> memref<1x224x96xf32, #tpu.memory_space<vmem_shared>>
    %dma_start3A_2421 = arith.constant 0 : i32
    %dma_start3A_2422 = arith.constant 128 : i32
    %dma_start3A_2423 = tpu.memref_slice %arg2[%squeeze3A_2410, %dma_start3A_2421, %dma_start3A_2422] : memref<768x224x224xf32, #tpu.memory_space<hbm>> -> memref<1x224x96xf32, #tpu.memory_space<hbm>>
    tpu.enqueue_dma source(%dma_start3A_2423 : memref<1x224x96xf32, #tpu.memory_space<hbm>>) target(%dma_start3A_2420 : memref<1x224x96xf32, #tpu.memory_space<vmem_shared>>) target_semaphore(%arg8 : memref<!tpu.dma_semaphore, #tpu.memory_space<semaphore_mem>>)
    %dma_wait3A_2424 = arith.constant 0 : i32
    %dma_wait3A_2425 = arith.constant 0 : i32
    %dma_wait3A_2426 = arith.constant 0 : i32
    %dma_wait3A_2427 = arith.constant 0 : i32
    %dma_wait3A_2428 = tpu.memref_slice %arg6[%arg1, %dma_wait3A_2424, %dma_wait3A_2425, %dma_wait3A_2426, %dma_wait3A_2427] : memref<16x2x1x224x224xf32, #tpu.memory_space<vmem_shared>> -> memref<1x1x1x224x224xf32, #tpu.memory_space<vmem_shared>>
    %dma_wait3A_2429 = tpu.memref_squeeze %dma_wait3A_2428 : memref<1x1x1x224x224xf32, #tpu.memory_space<vmem_shared>> -> memref<1x224x224xf32, #tpu.memory_space<vmem_shared>>
    %dma_wait3A_2430 = arith.constant 0 : i32
    %dma_wait3A_2431 = arith.constant 0 : i32
    %dma_wait3A_2432 = arith.constant 0 : i32
    %dma_wait3A_2433 = tpu.memref_slice %dma_wait3A_2429[%dma_wait3A_2430, %dma_wait3A_2431, %dma_wait3A_2432] : memref<1x224x224xf32, #tpu.memory_space<vmem_shared>> -> memref<1x224x128xf32, #tpu.memory_space<vmem_shared>>
    %dma_wait3A_2434 = arith.constant 0 : i32
    %dma_wait3A_2435 = arith.constant 0 : i32
    %dma_wait3A_2436 = arith.constant 0 : i32
    %dma_wait3A_2437 = tpu.memref_slice %arg2[%dma_wait3A_2434, %dma_wait3A_2435, %dma_wait3A_2436] : memref<768x224x224xf32, #tpu.memory_space<hbm>> -> memref<1x224x128xf32, #tpu.memory_space<hbm>>
    tpu.wait_dma2 semaphore(%arg7 : memref<!tpu.dma_semaphore, #tpu.memory_space<semaphore_mem>>) src(%dma_wait3A_2437 : memref<1x224x128xf32, #tpu.memory_space<hbm>>) dst(%dma_wait3A_2433 : memref<1x224x128xf32, #tpu.memory_space<vmem_shared>>)
    %dma_wait3A_2438 = arith.constant 0 : i32
    %dma_wait3A_2439 = arith.constant 0 : i32
    %dma_wait3A_2440 = arith.constant 0 : i32
    %dma_wait3A_2441 = arith.constant 0 : i32
    %dma_wait3A_2442 = tpu.memref_slice %arg6[%arg1, %dma_wait3A_2438, %dma_wait3A_2439, %dma_wait3A_2440, %dma_wait3A_2441] : memref<16x2x1x224x224xf32, #tpu.memory_space<vmem_shared>> -> memref<1x1x1x224x224xf32, #tpu.memory_space<vmem_shared>>
    %dma_wait3A_2443 = tpu.memref_squeeze %dma_wait3A_2442 : memref<1x1x1x224x224xf32, #tpu.memory_space<vmem_shared>> -> memref<1x224x224xf32, #tpu.memory_space<vmem_shared>>
    %dma_wait3A_2444 = arith.constant 0 : i32
    %dma_wait3A_2445 = arith.constant 0 : i32
    %dma_wait3A_2446 = arith.constant 128 : i32
    %dma_wait3A_2447 = tpu.memref_slice %dma_wait3A_2443[%dma_wait3A_2444, %dma_wait3A_2445, %dma_wait3A_2446] : memref<1x224x224xf32, #tpu.memory_space<vmem_shared>> -> memref<1x224x96xf32, #tpu.memory_space<vmem_shared>>
    %dma_wait3A_2448 = arith.constant 0 : i32
    %dma_wait3A_2449 = arith.constant 0 : i32
    %dma_wait3A_2450 = arith.constant 128 : i32
    %dma_wait3A_2451 = tpu.memref_slice %arg2[%dma_wait3A_2448, %dma_wait3A_2449, %dma_wait3A_2450] : memref<768x224x224xf32, #tpu.memory_space<hbm>> -> memref<1x224x96xf32, #tpu.memory_space<hbm>>
    tpu.wait_dma2 semaphore(%arg7 : memref<!tpu.dma_semaphore, #tpu.memory_space<semaphore_mem>>) src(%dma_wait3A_2451 : memref<1x224x96xf32, #tpu.memory_space<hbm>>) dst(%dma_wait3A_2447 : memref<1x224x96xf32, #tpu.memory_space<vmem_shared>>)
    %add3A_2452 = arith.constant 20 : i32
    %add3A_2453 = arith.addi %mul3A_2, %add3A_2452 : i32
    %dma_start3A_2454 = arith.constant 0 : i32
    %dma_start3A_2455 = arith.constant 0 : i32
    %dma_start3A_2456 = arith.constant 0 : i32
    %dma_start3A_2457 = tpu.memref_slice %arg4[%add3A_2453, %dma_start3A_2455, %dma_start3A_2456] : memref<768x224x224xf32, #tpu.memory_space<hbm>> -> memref<1x224x128xf32, #tpu.memory_space<hbm>>
    %dma_start3A_2458 = arith.constant 0 : i32
    %dma_start3A_2459 = arith.constant 0 : i32
    %dma_start3A_2460 = arith.constant 0 : i32
    %dma_start3A_2461 = tpu.memref_slice %arg6[%arg1, %dma_start3A_2454, %dma_start3A_2458, %dma_start3A_2459, %dma_start3A_2460] : memref<16x2x1x224x224xf32, #tpu.memory_space<vmem_shared>> -> memref<1x1x1x224x224xf32, #tpu.memory_space<vmem_shared>>
    %dma_start3A_2462 = tpu.memref_squeeze %dma_start3A_2461 : memref<1x1x1x224x224xf32, #tpu.memory_space<vmem_shared>> -> memref<1x224x224xf32, #tpu.memory_space<vmem_shared>>
    %dma_start3A_2463 = arith.constant 0 : i32
    %dma_start3A_2464 = arith.constant 0 : i32
    %dma_start3A_2465 = arith.constant 0 : i32
    %dma_start3A_2466 = tpu.memref_slice %dma_start3A_2462[%dma_start3A_2463, %dma_start3A_2464, %dma_start3A_2465] : memref<1x224x224xf32, #tpu.memory_space<vmem_shared>> -> memref<1x224x128xf32, #tpu.memory_space<vmem_shared>>
    tpu.enqueue_dma source(%dma_start3A_2466 : memref<1x224x128xf32, #tpu.memory_space<vmem_shared>>) target(%dma_start3A_2457 : memref<1x224x128xf32, #tpu.memory_space<hbm>>) target_semaphore(%arg9 : memref<!tpu.dma_semaphore, #tpu.memory_space<semaphore_mem>>)
    %add3A_2467 = arith.constant 20 : i32
    %add3A_2468 = arith.addi %mul3A_2, %add3A_2467 : i32
    %dma_start3A_2469 = arith.constant 0 : i32
    %dma_start3A_2470 = arith.constant 0 : i32
    %dma_start3A_2471 = arith.constant 128 : i32
    %dma_start3A_2472 = tpu.memref_slice %arg4[%add3A_2468, %dma_start3A_2470, %dma_start3A_2471] : memref<768x224x224xf32, #tpu.memory_space<hbm>> -> memref<1x224x96xf32, #tpu.memory_space<hbm>>
    %dma_start3A_2473 = arith.constant 0 : i32
    %dma_start3A_2474 = arith.constant 0 : i32
    %dma_start3A_2475 = arith.constant 0 : i32
    %dma_start3A_2476 = tpu.memref_slice %arg6[%arg1, %dma_start3A_2469, %dma_start3A_2473, %dma_start3A_2474, %dma_start3A_2475] : memref<16x2x1x224x224xf32, #tpu.memory_space<vmem_shared>> -> memref<1x1x1x224x224xf32, #tpu.memory_space<vmem_shared>>
    %dma_start3A_2477 = tpu.memref_squeeze %dma_start3A_2476 : memref<1x1x1x224x224xf32, #tpu.memory_space<vmem_shared>> -> memref<1x224x224xf32, #tpu.memory_space<vmem_shared>>
    %dma_start3A_2478 = arith.constant 0 : i32
    %dma_start3A_2479 = arith.constant 0 : i32
    %dma_start3A_2480 = arith.constant 128 : i32
    %dma_start3A_2481 = tpu.memref_slice %dma_start3A_2477[%dma_start3A_2478, %dma_start3A_2479, %dma_start3A_2480] : memref<1x224x224xf32, #tpu.memory_space<vmem_shared>> -> memref<1x224x96xf32, #tpu.memory_space<vmem_shared>>
    tpu.enqueue_dma source(%dma_start3A_2481 : memref<1x224x96xf32, #tpu.memory_space<vmem_shared>>) target(%dma_start3A_2472 : memref<1x224x96xf32, #tpu.memory_space<hbm>>) target_semaphore(%arg9 : memref<!tpu.dma_semaphore, #tpu.memory_space<semaphore_mem>>)
    %add3A_2482 = arith.constant 20 : i32
    %add3A_2483 = arith.addi %mul3A_2, %add3A_2482 : i32
    %dma_wait3A_2484 = arith.constant 0 : i32
    %dma_wait3A_2485 = arith.constant 0 : i32
    %dma_wait3A_2486 = arith.constant 0 : i32
    %dma_wait3A_2487 = tpu.memref_slice %arg4[%add3A_2483, %dma_wait3A_2485, %dma_wait3A_2486] : memref<768x224x224xf32, #tpu.memory_space<hbm>> -> memref<1x224x128xf32, #tpu.memory_space<hbm>>
    %dma_wait3A_2488 = arith.constant 0 : i32
    %dma_wait3A_2489 = arith.constant 0 : i32
    %dma_wait3A_2490 = arith.constant 0 : i32
    %dma_wait3A_2491 = tpu.memref_slice %arg6[%arg1, %dma_wait3A_2484, %dma_wait3A_2488, %dma_wait3A_2489, %dma_wait3A_2490] : memref<16x2x1x224x224xf32, #tpu.memory_space<vmem_shared>> -> memref<1x1x1x224x224xf32, #tpu.memory_space<vmem_shared>>
    %dma_wait3A_2492 = tpu.memref_squeeze %dma_wait3A_2491 : memref<1x1x1x224x224xf32, #tpu.memory_space<vmem_shared>> -> memref<1x224x224xf32, #tpu.memory_space<vmem_shared>>
    %dma_wait3A_2493 = arith.constant 0 : i32
    %dma_wait3A_2494 = arith.constant 0 : i32
    %dma_wait3A_2495 = arith.constant 0 : i32
    %dma_wait3A_2496 = tpu.memref_slice %dma_wait3A_2492[%dma_wait3A_2493, %dma_wait3A_2494, %dma_wait3A_2495] : memref<1x224x224xf32, #tpu.memory_space<vmem_shared>> -> memref<1x224x128xf32, #tpu.memory_space<vmem_shared>>
    tpu.wait_dma2 semaphore(%arg9 : memref<!tpu.dma_semaphore, #tpu.memory_space<semaphore_mem>>) src(%dma_wait3A_2496 : memref<1x224x128xf32, #tpu.memory_space<vmem_shared>>) dst(%dma_wait3A_2487 : memref<1x224x128xf32, #tpu.memory_space<hbm>>)
    %add3A_2497 = arith.constant 20 : i32
    %add3A_2498 = arith.addi %mul3A_2, %add3A_2497 : i32
    %dma_wait3A_2499 = arith.constant 0 : i32
    %dma_wait3A_2500 = arith.constant 0 : i32
    %dma_wait3A_2501 = arith.constant 128 : i32
    %dma_wait3A_2502 = tpu.memref_slice %arg4[%add3A_2498, %dma_wait3A_2500, %dma_wait3A_2501] : memref<768x224x224xf32, #tpu.memory_space<hbm>> -> memref<1x224x96xf32, #tpu.memory_space<hbm>>
    %dma_wait3A_2503 = arith.constant 0 : i32
    %dma_wait3A_2504 = arith.constant 0 : i32
    %dma_wait3A_2505 = arith.constant 0 : i32
    %dma_wait3A_2506 = tpu.memref_slice %arg6[%arg1, %dma_wait3A_2499, %dma_wait3A_2503, %dma_wait3A_2504, %dma_wait3A_2505] : memref<16x2x1x224x224xf32, #tpu.memory_space<vmem_shared>> -> memref<1x1x1x224x224xf32, #tpu.memory_space<vmem_shared>>
    %dma_wait3A_2507 = tpu.memref_squeeze %dma_wait3A_2506 : memref<1x1x1x224x224xf32, #tpu.memory_space<vmem_shared>> -> memref<1x224x224xf32, #tpu.memory_space<vmem_shared>>
    %dma_wait3A_2508 = arith.constant 0 : i32
    %dma_wait3A_2509 = arith.constant 0 : i32
    %dma_wait3A_2510 = arith.constant 128 : i32
    %dma_wait3A_2511 = tpu.memref_slice %dma_wait3A_2507[%dma_wait3A_2508, %dma_wait3A_2509, %dma_wait3A_2510] : memref<1x224x224xf32, #tpu.memory_space<vmem_shared>> -> memref<1x224x96xf32, #tpu.memory_space<vmem_shared>>
    tpu.wait_dma2 semaphore(%arg9 : memref<!tpu.dma_semaphore, #tpu.memory_space<semaphore_mem>>) src(%dma_wait3A_2511 : memref<1x224x96xf32, #tpu.memory_space<vmem_shared>>) dst(%dma_wait3A_2502 : memref<1x224x96xf32, #tpu.memory_space<hbm>>)
    %slice3A_2512 = vector.extract_strided_slice %get3A_7 {offsets = [6], sizes = [1], strides = [1]} : vector<16xi32> to vector<1xi32>
    %squeeze3A_2513 = vector.extract %slice3A_2512[0] : i32 from vector<1xi32>
    %dma_start3A_2514 = arith.constant 0 : i32
    %dma_start3A_2515 = arith.constant 0 : i32
    %dma_start3A_2516 = arith.constant 0 : i32
    %dma_start3A_2517 = arith.constant 0 : i32
    %dma_start3A_2518 = tpu.memref_slice %arg6[%arg1, %dma_start3A_2514, %dma_start3A_2515, %dma_start3A_2516, %dma_start3A_2517] : memref<16x2x1x224x224xf32, #tpu.memory_space<vmem_shared>> -> memref<1x1x1x224x224xf32, #tpu.memory_space<vmem_shared>>
    %dma_start3A_2519 = tpu.memref_squeeze %dma_start3A_2518 : memref<1x1x1x224x224xf32, #tpu.memory_space<vmem_shared>> -> memref<1x224x224xf32, #tpu.memory_space<vmem_shared>>
    %dma_start3A_2520 = arith.constant 0 : i32
    %dma_start3A_2521 = arith.constant 0 : i32
    %dma_start3A_2522 = arith.constant 0 : i32
    %dma_start3A_2523 = tpu.memref_slice %dma_start3A_2519[%dma_start3A_2520, %dma_start3A_2521, %dma_start3A_2522] : memref<1x224x224xf32, #tpu.memory_space<vmem_shared>> -> memref<1x224x128xf32, #tpu.memory_space<vmem_shared>>
    %dma_start3A_2524 = arith.constant 0 : i32
    %dma_start3A_2525 = arith.constant 0 : i32
    %dma_start3A_2526 = tpu.memref_slice %arg2[%squeeze3A_2513, %dma_start3A_2524, %dma_start3A_2525] : memref<768x224x224xf32, #tpu.memory_space<hbm>> -> memref<1x224x128xf32, #tpu.memory_space<hbm>>
    tpu.enqueue_dma source(%dma_start3A_2526 : memref<1x224x128xf32, #tpu.memory_space<hbm>>) target(%dma_start3A_2523 : memref<1x224x128xf32, #tpu.memory_space<vmem_shared>>) target_semaphore(%arg7 : memref<!tpu.dma_semaphore, #tpu.memory_space<semaphore_mem>>)
    %slice3A_2527 = vector.extract_strided_slice %get3A_7 {offsets = [6], sizes = [1], strides = [1]} : vector<16xi32> to vector<1xi32>
    %squeeze3A_2528 = vector.extract %slice3A_2527[0] : i32 from vector<1xi32>
    %dma_start3A_2529 = arith.constant 0 : i32
    %dma_start3A_2530 = arith.constant 0 : i32
    %dma_start3A_2531 = arith.constant 0 : i32
    %dma_start3A_2532 = arith.constant 0 : i32
    %dma_start3A_2533 = tpu.memref_slice %arg6[%arg1, %dma_start3A_2529, %dma_start3A_2530, %dma_start3A_2531, %dma_start3A_2532] : memref<16x2x1x224x224xf32, #tpu.memory_space<vmem_shared>> -> memref<1x1x1x224x224xf32, #tpu.memory_space<vmem_shared>>
    %dma_start3A_2534 = tpu.memref_squeeze %dma_start3A_2533 : memref<1x1x1x224x224xf32, #tpu.memory_space<vmem_shared>> -> memref<1x224x224xf32, #tpu.memory_space<vmem_shared>>
    %dma_start3A_2535 = arith.constant 0 : i32
    %dma_start3A_2536 = arith.constant 0 : i32
    %dma_start3A_2537 = arith.constant 128 : i32
    %dma_start3A_2538 = tpu.memref_slice %dma_start3A_2534[%dma_start3A_2535, %dma_start3A_2536, %dma_start3A_2537] : memref<1x224x224xf32, #tpu.memory_space<vmem_shared>> -> memref<1x224x96xf32, #tpu.memory_space<vmem_shared>>
    %dma_start3A_2539 = arith.constant 0 : i32
    %dma_start3A_2540 = arith.constant 128 : i32
    %dma_start3A_2541 = tpu.memref_slice %arg2[%squeeze3A_2528, %dma_start3A_2539, %dma_start3A_2540] : memref<768x224x224xf32, #tpu.memory_space<hbm>> -> memref<1x224x96xf32, #tpu.memory_space<hbm>>
    tpu.enqueue_dma source(%dma_start3A_2541 : memref<1x224x96xf32, #tpu.memory_space<hbm>>) target(%dma_start3A_2538 : memref<1x224x96xf32, #tpu.memory_space<vmem_shared>>) target_semaphore(%arg7 : memref<!tpu.dma_semaphore, #tpu.memory_space<semaphore_mem>>)
    %dma_wait3A_2542 = arith.constant 1 : i32
    %dma_wait3A_2543 = arith.constant 0 : i32
    %dma_wait3A_2544 = arith.constant 0 : i32
    %dma_wait3A_2545 = arith.constant 0 : i32
    %dma_wait3A_2546 = tpu.memref_slice %arg6[%arg1, %dma_wait3A_2542, %dma_wait3A_2543, %dma_wait3A_2544, %dma_wait3A_2545] : memref<16x2x1x224x224xf32, #tpu.memory_space<vmem_shared>> -> memref<1x1x1x224x224xf32, #tpu.memory_space<vmem_shared>>
    %dma_wait3A_2547 = tpu.memref_squeeze %dma_wait3A_2546 : memref<1x1x1x224x224xf32, #tpu.memory_space<vmem_shared>> -> memref<1x224x224xf32, #tpu.memory_space<vmem_shared>>
    %dma_wait3A_2548 = arith.constant 0 : i32
    %dma_wait3A_2549 = arith.constant 0 : i32
    %dma_wait3A_2550 = arith.constant 0 : i32
    %dma_wait3A_2551 = tpu.memref_slice %dma_wait3A_2547[%dma_wait3A_2548, %dma_wait3A_2549, %dma_wait3A_2550] : memref<1x224x224xf32, #tpu.memory_space<vmem_shared>> -> memref<1x224x128xf32, #tpu.memory_space<vmem_shared>>
    %dma_wait3A_2552 = arith.constant 0 : i32
    %dma_wait3A_2553 = arith.constant 0 : i32
    %dma_wait3A_2554 = arith.constant 0 : i32
    %dma_wait3A_2555 = tpu.memref_slice %arg2[%dma_wait3A_2552, %dma_wait3A_2553, %dma_wait3A_2554] : memref<768x224x224xf32, #tpu.memory_space<hbm>> -> memref<1x224x128xf32, #tpu.memory_space<hbm>>
    tpu.wait_dma2 semaphore(%arg8 : memref<!tpu.dma_semaphore, #tpu.memory_space<semaphore_mem>>) src(%dma_wait3A_2555 : memref<1x224x128xf32, #tpu.memory_space<hbm>>) dst(%dma_wait3A_2551 : memref<1x224x128xf32, #tpu.memory_space<vmem_shared>>)
    %dma_wait3A_2556 = arith.constant 1 : i32
    %dma_wait3A_2557 = arith.constant 0 : i32
    %dma_wait3A_2558 = arith.constant 0 : i32
    %dma_wait3A_2559 = arith.constant 0 : i32
    %dma_wait3A_2560 = tpu.memref_slice %arg6[%arg1, %dma_wait3A_2556, %dma_wait3A_2557, %dma_wait3A_2558, %dma_wait3A_2559] : memref<16x2x1x224x224xf32, #tpu.memory_space<vmem_shared>> -> memref<1x1x1x224x224xf32, #tpu.memory_space<vmem_shared>>
    %dma_wait3A_2561 = tpu.memref_squeeze %dma_wait3A_2560 : memref<1x1x1x224x224xf32, #tpu.memory_space<vmem_shared>> -> memref<1x224x224xf32, #tpu.memory_space<vmem_shared>>
    %dma_wait3A_2562 = arith.constant 0 : i32
    %dma_wait3A_2563 = arith.constant 0 : i32
    %dma_wait3A_2564 = arith.constant 128 : i32
    %dma_wait3A_2565 = tpu.memref_slice %dma_wait3A_2561[%dma_wait3A_2562, %dma_wait3A_2563, %dma_wait3A_2564] : memref<1x224x224xf32, #tpu.memory_space<vmem_shared>> -> memref<1x224x96xf32, #tpu.memory_space<vmem_shared>>
    %dma_wait3A_2566 = arith.constant 0 : i32
    %dma_wait3A_2567 = arith.constant 0 : i32
    %dma_wait3A_2568 = arith.constant 128 : i32
    %dma_wait3A_2569 = tpu.memref_slice %arg2[%dma_wait3A_2566, %dma_wait3A_2567, %dma_wait3A_2568] : memref<768x224x224xf32, #tpu.memory_space<hbm>> -> memref<1x224x96xf32, #tpu.memory_space<hbm>>
    tpu.wait_dma2 semaphore(%arg8 : memref<!tpu.dma_semaphore, #tpu.memory_space<semaphore_mem>>) src(%dma_wait3A_2569 : memref<1x224x96xf32, #tpu.memory_space<hbm>>) dst(%dma_wait3A_2565 : memref<1x224x96xf32, #tpu.memory_space<vmem_shared>>)
    %add3A_2570 = arith.constant 21 : i32
    %add3A_2571 = arith.addi %mul3A_2, %add3A_2570 : i32
    %dma_start3A_2572 = arith.constant 1 : i32
    %dma_start3A_2573 = arith.constant 0 : i32
    %dma_start3A_2574 = arith.constant 0 : i32
    %dma_start3A_2575 = tpu.memref_slice %arg4[%add3A_2571, %dma_start3A_2573, %dma_start3A_2574] : memref<768x224x224xf32, #tpu.memory_space<hbm>> -> memref<1x224x128xf32, #tpu.memory_space<hbm>>
    %dma_start3A_2576 = arith.constant 0 : i32
    %dma_start3A_2577 = arith.constant 0 : i32
    %dma_start3A_2578 = arith.constant 0 : i32
    %dma_start3A_2579 = tpu.memref_slice %arg6[%arg1, %dma_start3A_2572, %dma_start3A_2576, %dma_start3A_2577, %dma_start3A_2578] : memref<16x2x1x224x224xf32, #tpu.memory_space<vmem_shared>> -> memref<1x1x1x224x224xf32, #tpu.memory_space<vmem_shared>>
    %dma_start3A_2580 = tpu.memref_squeeze %dma_start3A_2579 : memref<1x1x1x224x224xf32, #tpu.memory_space<vmem_shared>> -> memref<1x224x224xf32, #tpu.memory_space<vmem_shared>>
    %dma_start3A_2581 = arith.constant 0 : i32
    %dma_start3A_2582 = arith.constant 0 : i32
    %dma_start3A_2583 = arith.constant 0 : i32
    %dma_start3A_2584 = tpu.memref_slice %dma_start3A_2580[%dma_start3A_2581, %dma_start3A_2582, %dma_start3A_2583] : memref<1x224x224xf32, #tpu.memory_space<vmem_shared>> -> memref<1x224x128xf32, #tpu.memory_space<vmem_shared>>
    tpu.enqueue_dma source(%dma_start3A_2584 : memref<1x224x128xf32, #tpu.memory_space<vmem_shared>>) target(%dma_start3A_2575 : memref<1x224x128xf32, #tpu.memory_space<hbm>>) target_semaphore(%arg10 : memref<!tpu.dma_semaphore, #tpu.memory_space<semaphore_mem>>)
    %add3A_2585 = arith.constant 21 : i32
    %add3A_2586 = arith.addi %mul3A_2, %add3A_2585 : i32
    %dma_start3A_2587 = arith.constant 1 : i32
    %dma_start3A_2588 = arith.constant 0 : i32
    %dma_start3A_2589 = arith.constant 128 : i32
    %dma_start3A_2590 = tpu.memref_slice %arg4[%add3A_2586, %dma_start3A_2588, %dma_start3A_2589] : memref<768x224x224xf32, #tpu.memory_space<hbm>> -> memref<1x224x96xf32, #tpu.memory_space<hbm>>
    %dma_start3A_2591 = arith.constant 0 : i32
    %dma_start3A_2592 = arith.constant 0 : i32
    %dma_start3A_2593 = arith.constant 0 : i32
    %dma_start3A_2594 = tpu.memref_slice %arg6[%arg1, %dma_start3A_2587, %dma_start3A_2591, %dma_start3A_2592, %dma_start3A_2593] : memref<16x2x1x224x224xf32, #tpu.memory_space<vmem_shared>> -> memref<1x1x1x224x224xf32, #tpu.memory_space<vmem_shared>>
    %dma_start3A_2595 = tpu.memref_squeeze %dma_start3A_2594 : memref<1x1x1x224x224xf32, #tpu.memory_space<vmem_shared>> -> memref<1x224x224xf32, #tpu.memory_space<vmem_shared>>
    %dma_start3A_2596 = arith.constant 0 : i32
    %dma_start3A_2597 = arith.constant 0 : i32
    %dma_start3A_2598 = arith.constant 128 : i32
    %dma_start3A_2599 = tpu.memref_slice %dma_start3A_2595[%dma_start3A_2596, %dma_start3A_2597, %dma_start3A_2598] : memref<1x224x224xf32, #tpu.memory_space<vmem_shared>> -> memref<1x224x96xf32, #tpu.memory_space<vmem_shared>>
    tpu.enqueue_dma source(%dma_start3A_2599 : memref<1x224x96xf32, #tpu.memory_space<vmem_shared>>) target(%dma_start3A_2590 : memref<1x224x96xf32, #tpu.memory_space<hbm>>) target_semaphore(%arg10 : memref<!tpu.dma_semaphore, #tpu.memory_space<semaphore_mem>>)
    %add3A_2600 = arith.constant 21 : i32
    %add3A_2601 = arith.addi %mul3A_2, %add3A_2600 : i32
    %dma_wait3A_2602 = arith.constant 1 : i32
    %dma_wait3A_2603 = arith.constant 0 : i32
    %dma_wait3A_2604 = arith.constant 0 : i32
    %dma_wait3A_2605 = tpu.memref_slice %arg4[%add3A_2601, %dma_wait3A_2603, %dma_wait3A_2604] : memref<768x224x224xf32, #tpu.memory_space<hbm>> -> memref<1x224x128xf32, #tpu.memory_space<hbm>>
    %dma_wait3A_2606 = arith.constant 0 : i32
    %dma_wait3A_2607 = arith.constant 0 : i32
    %dma_wait3A_2608 = arith.constant 0 : i32
    %dma_wait3A_2609 = tpu.memref_slice %arg6[%arg1, %dma_wait3A_2602, %dma_wait3A_2606, %dma_wait3A_2607, %dma_wait3A_2608] : memref<16x2x1x224x224xf32, #tpu.memory_space<vmem_shared>> -> memref<1x1x1x224x224xf32, #tpu.memory_space<vmem_shared>>
    %dma_wait3A_2610 = tpu.memref_squeeze %dma_wait3A_2609 : memref<1x1x1x224x224xf32, #tpu.memory_space<vmem_shared>> -> memref<1x224x224xf32, #tpu.memory_space<vmem_shared>>
    %dma_wait3A_2611 = arith.constant 0 : i32
    %dma_wait3A_2612 = arith.constant 0 : i32
    %dma_wait3A_2613 = arith.constant 0 : i32
    %dma_wait3A_2614 = tpu.memref_slice %dma_wait3A_2610[%dma_wait3A_2611, %dma_wait3A_2612, %dma_wait3A_2613] : memref<1x224x224xf32, #tpu.memory_space<vmem_shared>> -> memref<1x224x128xf32, #tpu.memory_space<vmem_shared>>
    tpu.wait_dma2 semaphore(%arg10 : memref<!tpu.dma_semaphore, #tpu.memory_space<semaphore_mem>>) src(%dma_wait3A_2614 : memref<1x224x128xf32, #tpu.memory_space<vmem_shared>>) dst(%dma_wait3A_2605 : memref<1x224x128xf32, #tpu.memory_space<hbm>>)
    %add3A_2615 = arith.constant 21 : i32
    %add3A_2616 = arith.addi %mul3A_2, %add3A_2615 : i32
    %dma_wait3A_2617 = arith.constant 1 : i32
    %dma_wait3A_2618 = arith.constant 0 : i32
    %dma_wait3A_2619 = arith.constant 128 : i32
    %dma_wait3A_2620 = tpu.memref_slice %arg4[%add3A_2616, %dma_wait3A_2618, %dma_wait3A_2619] : memref<768x224x224xf32, #tpu.memory_space<hbm>> -> memref<1x224x96xf32, #tpu.memory_space<hbm>>
    %dma_wait3A_2621 = arith.constant 0 : i32
    %dma_wait3A_2622 = arith.constant 0 : i32
    %dma_wait3A_2623 = arith.constant 0 : i32
    %dma_wait3A_2624 = tpu.memref_slice %arg6[%arg1, %dma_wait3A_2617, %dma_wait3A_2621, %dma_wait3A_2622, %dma_wait3A_2623] : memref<16x2x1x224x224xf32, #tpu.memory_space<vmem_shared>> -> memref<1x1x1x224x224xf32, #tpu.memory_space<vmem_shared>>
    %dma_wait3A_2625 = tpu.memref_squeeze %dma_wait3A_2624 : memref<1x1x1x224x224xf32, #tpu.memory_space<vmem_shared>> -> memref<1x224x224xf32, #tpu.memory_space<vmem_shared>>
    %dma_wait3A_2626 = arith.constant 0 : i32
    %dma_wait3A_2627 = arith.constant 0 : i32
    %dma_wait3A_2628 = arith.constant 128 : i32
    %dma_wait3A_2629 = tpu.memref_slice %dma_wait3A_2625[%dma_wait3A_2626, %dma_wait3A_2627, %dma_wait3A_2628] : memref<1x224x224xf32, #tpu.memory_space<vmem_shared>> -> memref<1x224x96xf32, #tpu.memory_space<vmem_shared>>
    tpu.wait_dma2 semaphore(%arg10 : memref<!tpu.dma_semaphore, #tpu.memory_space<semaphore_mem>>) src(%dma_wait3A_2629 : memref<1x224x96xf32, #tpu.memory_space<vmem_shared>>) dst(%dma_wait3A_2620 : memref<1x224x96xf32, #tpu.memory_space<hbm>>)
    %slice3A_2630 = vector.extract_strided_slice %get3A_7 {offsets = [7], sizes = [1], strides = [1]} : vector<16xi32> to vector<1xi32>
    %squeeze3A_2631 = vector.extract %slice3A_2630[0] : i32 from vector<1xi32>
    %dma_start3A_2632 = arith.constant 1 : i32
    %dma_start3A_2633 = arith.constant 0 : i32
    %dma_start3A_2634 = arith.constant 0 : i32
    %dma_start3A_2635 = arith.constant 0 : i32
    %dma_start3A_2636 = tpu.memref_slice %arg6[%arg1, %dma_start3A_2632, %dma_start3A_2633, %dma_start3A_2634, %dma_start3A_2635] : memref<16x2x1x224x224xf32, #tpu.memory_space<vmem_shared>> -> memref<1x1x1x224x224xf32, #tpu.memory_space<vmem_shared>>
    %dma_start3A_2637 = tpu.memref_squeeze %dma_start3A_2636 : memref<1x1x1x224x224xf32, #tpu.memory_space<vmem_shared>> -> memref<1x224x224xf32, #tpu.memory_space<vmem_shared>>
    %dma_start3A_2638 = arith.constant 0 : i32
    %dma_start3A_2639 = arith.constant 0 : i32
    %dma_start3A_2640 = arith.constant 0 : i32
    %dma_start3A_2641 = tpu.memref_slice %dma_start3A_2637[%dma_start3A_2638, %dma_start3A_2639, %dma_start3A_2640] : memref<1x224x224xf32, #tpu.memory_space<vmem_shared>> -> memref<1x224x128xf32, #tpu.memory_space<vmem_shared>>
    %dma_start3A_2642 = arith.constant 0 : i32
    %dma_start3A_2643 = arith.constant 0 : i32
    %dma_start3A_2644 = tpu.memref_slice %arg2[%squeeze3A_2631, %dma_start3A_2642, %dma_start3A_2643] : memref<768x224x224xf32, #tpu.memory_space<hbm>> -> memref<1x224x128xf32, #tpu.memory_space<hbm>>
    tpu.enqueue_dma source(%dma_start3A_2644 : memref<1x224x128xf32, #tpu.memory_space<hbm>>) target(%dma_start3A_2641 : memref<1x224x128xf32, #tpu.memory_space<vmem_shared>>) target_semaphore(%arg8 : memref<!tpu.dma_semaphore, #tpu.memory_space<semaphore_mem>>)
    %slice3A_2645 = vector.extract_strided_slice %get3A_7 {offsets = [7], sizes = [1], strides = [1]} : vector<16xi32> to vector<1xi32>
    %squeeze3A_2646 = vector.extract %slice3A_2645[0] : i32 from vector<1xi32>
    %dma_start3A_2647 = arith.constant 1 : i32
    %dma_start3A_2648 = arith.constant 0 : i32
    %dma_start3A_2649 = arith.constant 0 : i32
    %dma_start3A_2650 = arith.constant 0 : i32
    %dma_start3A_2651 = tpu.memref_slice %arg6[%arg1, %dma_start3A_2647, %dma_start3A_2648, %dma_start3A_2649, %dma_start3A_2650] : memref<16x2x1x224x224xf32, #tpu.memory_space<vmem_shared>> -> memref<1x1x1x224x224xf32, #tpu.memory_space<vmem_shared>>
    %dma_start3A_2652 = tpu.memref_squeeze %dma_start3A_2651 : memref<1x1x1x224x224xf32, #tpu.memory_space<vmem_shared>> -> memref<1x224x224xf32, #tpu.memory_space<vmem_shared>>
    %dma_start3A_2653 = arith.constant 0 : i32
    %dma_start3A_2654 = arith.constant 0 : i32
    %dma_start3A_2655 = arith.constant 128 : i32
    %dma_start3A_2656 = tpu.memref_slice %dma_start3A_2652[%dma_start3A_2653, %dma_start3A_2654, %dma_start3A_2655] : memref<1x224x224xf32, #tpu.memory_space<vmem_shared>> -> memref<1x224x96xf32, #tpu.memory_space<vmem_shared>>
    %dma_start3A_2657 = arith.constant 0 : i32
    %dma_start3A_2658 = arith.constant 128 : i32
    %dma_start3A_2659 = tpu.memref_slice %arg2[%squeeze3A_2646, %dma_start3A_2657, %dma_start3A_2658] : memref<768x224x224xf32, #tpu.memory_space<hbm>> -> memref<1x224x96xf32, #tpu.memory_space<hbm>>
    tpu.enqueue_dma source(%dma_start3A_2659 : memref<1x224x96xf32, #tpu.memory_space<hbm>>) target(%dma_start3A_2656 : memref<1x224x96xf32, #tpu.memory_space<vmem_shared>>) target_semaphore(%arg8 : memref<!tpu.dma_semaphore, #tpu.memory_space<semaphore_mem>>)
    %dma_wait3A_2660 = arith.constant 0 : i32
    %dma_wait3A_2661 = arith.constant 0 : i32
    %dma_wait3A_2662 = arith.constant 0 : i32
    %dma_wait3A_2663 = arith.constant 0 : i32
    %dma_wait3A_2664 = tpu.memref_slice %arg6[%arg1, %dma_wait3A_2660, %dma_wait3A_2661, %dma_wait3A_2662, %dma_wait3A_2663] : memref<16x2x1x224x224xf32, #tpu.memory_space<vmem_shared>> -> memref<1x1x1x224x224xf32, #tpu.memory_space<vmem_shared>>
    %dma_wait3A_2665 = tpu.memref_squeeze %dma_wait3A_2664 : memref<1x1x1x224x224xf32, #tpu.memory_space<vmem_shared>> -> memref<1x224x224xf32, #tpu.memory_space<vmem_shared>>
    %dma_wait3A_2666 = arith.constant 0 : i32
    %dma_wait3A_2667 = arith.constant 0 : i32
    %dma_wait3A_2668 = arith.constant 0 : i32
    %dma_wait3A_2669 = tpu.memref_slice %dma_wait3A_2665[%dma_wait3A_2666, %dma_wait3A_2667, %dma_wait3A_2668] : memref<1x224x224xf32, #tpu.memory_space<vmem_shared>> -> memref<1x224x128xf32, #tpu.memory_space<vmem_shared>>
    %dma_wait3A_2670 = arith.constant 0 : i32
    %dma_wait3A_2671 = arith.constant 0 : i32
    %dma_wait3A_2672 = arith.constant 0 : i32
    %dma_wait3A_2673 = tpu.memref_slice %arg2[%dma_wait3A_2670, %dma_wait3A_2671, %dma_wait3A_2672] : memref<768x224x224xf32, #tpu.memory_space<hbm>> -> memref<1x224x128xf32, #tpu.memory_space<hbm>>
    tpu.wait_dma2 semaphore(%arg7 : memref<!tpu.dma_semaphore, #tpu.memory_space<semaphore_mem>>) src(%dma_wait3A_2673 : memref<1x224x128xf32, #tpu.memory_space<hbm>>) dst(%dma_wait3A_2669 : memref<1x224x128xf32, #tpu.memory_space<vmem_shared>>)
    %dma_wait3A_2674 = arith.constant 0 : i32
    %dma_wait3A_2675 = arith.constant 0 : i32
    %dma_wait3A_2676 = arith.constant 0 : i32
    %dma_wait3A_2677 = arith.constant 0 : i32
    %dma_wait3A_2678 = tpu.memref_slice %arg6[%arg1, %dma_wait3A_2674, %dma_wait3A_2675, %dma_wait3A_2676, %dma_wait3A_2677] : memref<16x2x1x224x224xf32, #tpu.memory_space<vmem_shared>> -> memref<1x1x1x224x224xf32, #tpu.memory_space<vmem_shared>>
    %dma_wait3A_2679 = tpu.memref_squeeze %dma_wait3A_2678 : memref<1x1x1x224x224xf32, #tpu.memory_space<vmem_shared>> -> memref<1x224x224xf32, #tpu.memory_space<vmem_shared>>
    %dma_wait3A_2680 = arith.constant 0 : i32
    %dma_wait3A_2681 = arith.constant 0 : i32
    %dma_wait3A_2682 = arith.constant 128 : i32
    %dma_wait3A_2683 = tpu.memref_slice %dma_wait3A_2679[%dma_wait3A_2680, %dma_wait3A_2681, %dma_wait3A_2682] : memref<1x224x224xf32, #tpu.memory_space<vmem_shared>> -> memref<1x224x96xf32, #tpu.memory_space<vmem_shared>>
    %dma_wait3A_2684 = arith.constant 0 : i32
    %dma_wait3A_2685 = arith.constant 0 : i32
    %dma_wait3A_2686 = arith.constant 128 : i32
    %dma_wait3A_2687 = tpu.memref_slice %arg2[%dma_wait3A_2684, %dma_wait3A_2685, %dma_wait3A_2686] : memref<768x224x224xf32, #tpu.memory_space<hbm>> -> memref<1x224x96xf32, #tpu.memory_space<hbm>>
    tpu.wait_dma2 semaphore(%arg7 : memref<!tpu.dma_semaphore, #tpu.memory_space<semaphore_mem>>) src(%dma_wait3A_2687 : memref<1x224x96xf32, #tpu.memory_space<hbm>>) dst(%dma_wait3A_2683 : memref<1x224x96xf32, #tpu.memory_space<vmem_shared>>)
    %add3A_2688 = arith.constant 22 : i32
    %add3A_2689 = arith.addi %mul3A_2, %add3A_2688 : i32
    %dma_start3A_2690 = arith.constant 0 : i32
    %dma_start3A_2691 = arith.constant 0 : i32
    %dma_start3A_2692 = arith.constant 0 : i32
    %dma_start3A_2693 = tpu.memref_slice %arg4[%add3A_2689, %dma_start3A_2691, %dma_start3A_2692] : memref<768x224x224xf32, #tpu.memory_space<hbm>> -> memref<1x224x128xf32, #tpu.memory_space<hbm>>
    %dma_start3A_2694 = arith.constant 0 : i32
    %dma_start3A_2695 = arith.constant 0 : i32
    %dma_start3A_2696 = arith.constant 0 : i32
    %dma_start3A_2697 = tpu.memref_slice %arg6[%arg1, %dma_start3A_2690, %dma_start3A_2694, %dma_start3A_2695, %dma_start3A_2696] : memref<16x2x1x224x224xf32, #tpu.memory_space<vmem_shared>> -> memref<1x1x1x224x224xf32, #tpu.memory_space<vmem_shared>>
    %dma_start3A_2698 = tpu.memref_squeeze %dma_start3A_2697 : memref<1x1x1x224x224xf32, #tpu.memory_space<vmem_shared>> -> memref<1x224x224xf32, #tpu.memory_space<vmem_shared>>
    %dma_start3A_2699 = arith.constant 0 : i32
    %dma_start3A_2700 = arith.constant 0 : i32
    %dma_start3A_2701 = arith.constant 0 : i32
    %dma_start3A_2702 = tpu.memref_slice %dma_start3A_2698[%dma_start3A_2699, %dma_start3A_2700, %dma_start3A_2701] : memref<1x224x224xf32, #tpu.memory_space<vmem_shared>> -> memref<1x224x128xf32, #tpu.memory_space<vmem_shared>>
    tpu.enqueue_dma source(%dma_start3A_2702 : memref<1x224x128xf32, #tpu.memory_space<vmem_shared>>) target(%dma_start3A_2693 : memref<1x224x128xf32, #tpu.memory_space<hbm>>) target_semaphore(%arg9 : memref<!tpu.dma_semaphore, #tpu.memory_space<semaphore_mem>>)
    %add3A_2703 = arith.constant 22 : i32
    %add3A_2704 = arith.addi %mul3A_2, %add3A_2703 : i32
    %dma_start3A_2705 = arith.constant 0 : i32
    %dma_start3A_2706 = arith.constant 0 : i32
    %dma_start3A_2707 = arith.constant 128 : i32
    %dma_start3A_2708 = tpu.memref_slice %arg4[%add3A_2704, %dma_start3A_2706, %dma_start3A_2707] : memref<768x224x224xf32, #tpu.memory_space<hbm>> -> memref<1x224x96xf32, #tpu.memory_space<hbm>>
    %dma_start3A_2709 = arith.constant 0 : i32
    %dma_start3A_2710 = arith.constant 0 : i32
    %dma_start3A_2711 = arith.constant 0 : i32
    %dma_start3A_2712 = tpu.memref_slice %arg6[%arg1, %dma_start3A_2705, %dma_start3A_2709, %dma_start3A_2710, %dma_start3A_2711] : memref<16x2x1x224x224xf32, #tpu.memory_space<vmem_shared>> -> memref<1x1x1x224x224xf32, #tpu.memory_space<vmem_shared>>
    %dma_start3A_2713 = tpu.memref_squeeze %dma_start3A_2712 : memref<1x1x1x224x224xf32, #tpu.memory_space<vmem_shared>> -> memref<1x224x224xf32, #tpu.memory_space<vmem_shared>>
    %dma_start3A_2714 = arith.constant 0 : i32
    %dma_start3A_2715 = arith.constant 0 : i32
    %dma_start3A_2716 = arith.constant 128 : i32
    %dma_start3A_2717 = tpu.memref_slice %dma_start3A_2713[%dma_start3A_2714, %dma_start3A_2715, %dma_start3A_2716] : memref<1x224x224xf32, #tpu.memory_space<vmem_shared>> -> memref<1x224x96xf32, #tpu.memory_space<vmem_shared>>
    tpu.enqueue_dma source(%dma_start3A_2717 : memref<1x224x96xf32, #tpu.memory_space<vmem_shared>>) target(%dma_start3A_2708 : memref<1x224x96xf32, #tpu.memory_space<hbm>>) target_semaphore(%arg9 : memref<!tpu.dma_semaphore, #tpu.memory_space<semaphore_mem>>)
    %dma_wait3A_2718 = arith.constant 1 : i32
    %dma_wait3A_2719 = arith.constant 0 : i32
    %dma_wait3A_2720 = arith.constant 0 : i32
    %dma_wait3A_2721 = arith.constant 0 : i32
    %dma_wait3A_2722 = tpu.memref_slice %arg6[%arg1, %dma_wait3A_2718, %dma_wait3A_2719, %dma_wait3A_2720, %dma_wait3A_2721] : memref<16x2x1x224x224xf32, #tpu.memory_space<vmem_shared>> -> memref<1x1x1x224x224xf32, #tpu.memory_space<vmem_shared>>
    %dma_wait3A_2723 = tpu.memref_squeeze %dma_wait3A_2722 : memref<1x1x1x224x224xf32, #tpu.memory_space<vmem_shared>> -> memref<1x224x224xf32, #tpu.memory_space<vmem_shared>>
    %dma_wait3A_2724 = arith.constant 0 : i32
    %dma_wait3A_2725 = arith.constant 0 : i32
    %dma_wait3A_2726 = arith.constant 0 : i32
    %dma_wait3A_2727 = tpu.memref_slice %dma_wait3A_2723[%dma_wait3A_2724, %dma_wait3A_2725, %dma_wait3A_2726] : memref<1x224x224xf32, #tpu.memory_space<vmem_shared>> -> memref<1x224x128xf32, #tpu.memory_space<vmem_shared>>
    %dma_wait3A_2728 = arith.constant 0 : i32
    %dma_wait3A_2729 = arith.constant 0 : i32
    %dma_wait3A_2730 = arith.constant 0 : i32
    %dma_wait3A_2731 = tpu.memref_slice %arg2[%dma_wait3A_2728, %dma_wait3A_2729, %dma_wait3A_2730] : memref<768x224x224xf32, #tpu.memory_space<hbm>> -> memref<1x224x128xf32, #tpu.memory_space<hbm>>
    tpu.wait_dma2 semaphore(%arg8 : memref<!tpu.dma_semaphore, #tpu.memory_space<semaphore_mem>>) src(%dma_wait3A_2731 : memref<1x224x128xf32, #tpu.memory_space<hbm>>) dst(%dma_wait3A_2727 : memref<1x224x128xf32, #tpu.memory_space<vmem_shared>>)
    %dma_wait3A_2732 = arith.constant 1 : i32
    %dma_wait3A_2733 = arith.constant 0 : i32
    %dma_wait3A_2734 = arith.constant 0 : i32
    %dma_wait3A_2735 = arith.constant 0 : i32
    %dma_wait3A_2736 = tpu.memref_slice %arg6[%arg1, %dma_wait3A_2732, %dma_wait3A_2733, %dma_wait3A_2734, %dma_wait3A_2735] : memref<16x2x1x224x224xf32, #tpu.memory_space<vmem_shared>> -> memref<1x1x1x224x224xf32, #tpu.memory_space<vmem_shared>>
    %dma_wait3A_2737 = tpu.memref_squeeze %dma_wait3A_2736 : memref<1x1x1x224x224xf32, #tpu.memory_space<vmem_shared>> -> memref<1x224x224xf32, #tpu.memory_space<vmem_shared>>
    %dma_wait3A_2738 = arith.constant 0 : i32
    %dma_wait3A_2739 = arith.constant 0 : i32
    %dma_wait3A_2740 = arith.constant 128 : i32
    %dma_wait3A_2741 = tpu.memref_slice %dma_wait3A_2737[%dma_wait3A_2738, %dma_wait3A_2739, %dma_wait3A_2740] : memref<1x224x224xf32, #tpu.memory_space<vmem_shared>> -> memref<1x224x96xf32, #tpu.memory_space<vmem_shared>>
    %dma_wait3A_2742 = arith.constant 0 : i32
    %dma_wait3A_2743 = arith.constant 0 : i32
    %dma_wait3A_2744 = arith.constant 128 : i32
    %dma_wait3A_2745 = tpu.memref_slice %arg2[%dma_wait3A_2742, %dma_wait3A_2743, %dma_wait3A_2744] : memref<768x224x224xf32, #tpu.memory_space<hbm>> -> memref<1x224x96xf32, #tpu.memory_space<hbm>>
    tpu.wait_dma2 semaphore(%arg8 : memref<!tpu.dma_semaphore, #tpu.memory_space<semaphore_mem>>) src(%dma_wait3A_2745 : memref<1x224x96xf32, #tpu.memory_space<hbm>>) dst(%dma_wait3A_2741 : memref<1x224x96xf32, #tpu.memory_space<vmem_shared>>)
    %add3A_2746 = arith.constant 23 : i32
    %add3A_2747 = arith.addi %mul3A_2, %add3A_2746 : i32
    %dma_start3A_2748 = arith.constant 1 : i32
    %dma_start3A_2749 = arith.constant 0 : i32
    %dma_start3A_2750 = arith.constant 0 : i32
    %dma_start3A_2751 = tpu.memref_slice %arg4[%add3A_2747, %dma_start3A_2749, %dma_start3A_2750] : memref<768x224x224xf32, #tpu.memory_space<hbm>> -> memref<1x224x128xf32, #tpu.memory_space<hbm>>
    %dma_start3A_2752 = arith.constant 0 : i32
    %dma_start3A_2753 = arith.constant 0 : i32
    %dma_start3A_2754 = arith.constant 0 : i32
    %dma_start3A_2755 = tpu.memref_slice %arg6[%arg1, %dma_start3A_2748, %dma_start3A_2752, %dma_start3A_2753, %dma_start3A_2754] : memref<16x2x1x224x224xf32, #tpu.memory_space<vmem_shared>> -> memref<1x1x1x224x224xf32, #tpu.memory_space<vmem_shared>>
    %dma_start3A_2756 = tpu.memref_squeeze %dma_start3A_2755 : memref<1x1x1x224x224xf32, #tpu.memory_space<vmem_shared>> -> memref<1x224x224xf32, #tpu.memory_space<vmem_shared>>
    %dma_start3A_2757 = arith.constant 0 : i32
    %dma_start3A_2758 = arith.constant 0 : i32
    %dma_start3A_2759 = arith.constant 0 : i32
    %dma_start3A_2760 = tpu.memref_slice %dma_start3A_2756[%dma_start3A_2757, %dma_start3A_2758, %dma_start3A_2759] : memref<1x224x224xf32, #tpu.memory_space<vmem_shared>> -> memref<1x224x128xf32, #tpu.memory_space<vmem_shared>>
    tpu.enqueue_dma source(%dma_start3A_2760 : memref<1x224x128xf32, #tpu.memory_space<vmem_shared>>) target(%dma_start3A_2751 : memref<1x224x128xf32, #tpu.memory_space<hbm>>) target_semaphore(%arg10 : memref<!tpu.dma_semaphore, #tpu.memory_space<semaphore_mem>>)
    %add3A_2761 = arith.constant 23 : i32
    %add3A_2762 = arith.addi %mul3A_2, %add3A_2761 : i32
    %dma_start3A_2763 = arith.constant 1 : i32
    %dma_start3A_2764 = arith.constant 0 : i32
    %dma_start3A_2765 = arith.constant 128 : i32
    %dma_start3A_2766 = tpu.memref_slice %arg4[%add3A_2762, %dma_start3A_2764, %dma_start3A_2765] : memref<768x224x224xf32, #tpu.memory_space<hbm>> -> memref<1x224x96xf32, #tpu.memory_space<hbm>>
    %dma_start3A_2767 = arith.constant 0 : i32
    %dma_start3A_2768 = arith.constant 0 : i32
    %dma_start3A_2769 = arith.constant 0 : i32
    %dma_start3A_2770 = tpu.memref_slice %arg6[%arg1, %dma_start3A_2763, %dma_start3A_2767, %dma_start3A_2768, %dma_start3A_2769] : memref<16x2x1x224x224xf32, #tpu.memory_space<vmem_shared>> -> memref<1x1x1x224x224xf32, #tpu.memory_space<vmem_shared>>
    %dma_start3A_2771 = tpu.memref_squeeze %dma_start3A_2770 : memref<1x1x1x224x224xf32, #tpu.memory_space<vmem_shared>> -> memref<1x224x224xf32, #tpu.memory_space<vmem_shared>>
    %dma_start3A_2772 = arith.constant 0 : i32
    %dma_start3A_2773 = arith.constant 0 : i32
    %dma_start3A_2774 = arith.constant 128 : i32
    %dma_start3A_2775 = tpu.memref_slice %dma_start3A_2771[%dma_start3A_2772, %dma_start3A_2773, %dma_start3A_2774] : memref<1x224x224xf32, #tpu.memory_space<vmem_shared>> -> memref<1x224x96xf32, #tpu.memory_space<vmem_shared>>
    tpu.enqueue_dma source(%dma_start3A_2775 : memref<1x224x96xf32, #tpu.memory_space<vmem_shared>>) target(%dma_start3A_2766 : memref<1x224x96xf32, #tpu.memory_space<hbm>>) target_semaphore(%arg10 : memref<!tpu.dma_semaphore, #tpu.memory_space<semaphore_mem>>)
    %add3A_2776 = arith.constant 22 : i32
    %add3A_2777 = arith.addi %mul3A_2, %add3A_2776 : i32
    %dma_wait3A_2778 = arith.constant 0 : i32
    %dma_wait3A_2779 = arith.constant 0 : i32
    %dma_wait3A_2780 = arith.constant 0 : i32
    %dma_wait3A_2781 = tpu.memref_slice %arg4[%add3A_2777, %dma_wait3A_2779, %dma_wait3A_2780] : memref<768x224x224xf32, #tpu.memory_space<hbm>> -> memref<1x224x128xf32, #tpu.memory_space<hbm>>
    %dma_wait3A_2782 = arith.constant 0 : i32
    %dma_wait3A_2783 = arith.constant 0 : i32
    %dma_wait3A_2784 = arith.constant 0 : i32
    %dma_wait3A_2785 = tpu.memref_slice %arg6[%arg1, %dma_wait3A_2778, %dma_wait3A_2782, %dma_wait3A_2783, %dma_wait3A_2784] : memref<16x2x1x224x224xf32, #tpu.memory_space<vmem_shared>> -> memref<1x1x1x224x224xf32, #tpu.memory_space<vmem_shared>>
    %dma_wait3A_2786 = tpu.memref_squeeze %dma_wait3A_2785 : memref<1x1x1x224x224xf32, #tpu.memory_space<vmem_shared>> -> memref<1x224x224xf32, #tpu.memory_space<vmem_shared>>
    %dma_wait3A_2787 = arith.constant 0 : i32
    %dma_wait3A_2788 = arith.constant 0 : i32
    %dma_wait3A_2789 = arith.constant 0 : i32
    %dma_wait3A_2790 = tpu.memref_slice %dma_wait3A_2786[%dma_wait3A_2787, %dma_wait3A_2788, %dma_wait3A_2789] : memref<1x224x224xf32, #tpu.memory_space<vmem_shared>> -> memref<1x224x128xf32, #tpu.memory_space<vmem_shared>>
    tpu.wait_dma2 semaphore(%arg9 : memref<!tpu.dma_semaphore, #tpu.memory_space<semaphore_mem>>) src(%dma_wait3A_2790 : memref<1x224x128xf32, #tpu.memory_space<vmem_shared>>) dst(%dma_wait3A_2781 : memref<1x224x128xf32, #tpu.memory_space<hbm>>)
    %add3A_2791 = arith.constant 22 : i32
    %add3A_2792 = arith.addi %mul3A_2, %add3A_2791 : i32
    %dma_wait3A_2793 = arith.constant 0 : i32
    %dma_wait3A_2794 = arith.constant 0 : i32
    %dma_wait3A_2795 = arith.constant 128 : i32
    %dma_wait3A_2796 = tpu.memref_slice %arg4[%add3A_2792, %dma_wait3A_2794, %dma_wait3A_2795] : memref<768x224x224xf32, #tpu.memory_space<hbm>> -> memref<1x224x96xf32, #tpu.memory_space<hbm>>
    %dma_wait3A_2797 = arith.constant 0 : i32
    %dma_wait3A_2798 = arith.constant 0 : i32
    %dma_wait3A_2799 = arith.constant 0 : i32
    %dma_wait3A_2800 = tpu.memref_slice %arg6[%arg1, %dma_wait3A_2793, %dma_wait3A_2797, %dma_wait3A_2798, %dma_wait3A_2799] : memref<16x2x1x224x224xf32, #tpu.memory_space<vmem_shared>> -> memref<1x1x1x224x224xf32, #tpu.memory_space<vmem_shared>>
    %dma_wait3A_2801 = tpu.memref_squeeze %dma_wait3A_2800 : memref<1x1x1x224x224xf32, #tpu.memory_space<vmem_shared>> -> memref<1x224x224xf32, #tpu.memory_space<vmem_shared>>
    %dma_wait3A_2802 = arith.constant 0 : i32
    %dma_wait3A_2803 = arith.constant 0 : i32
    %dma_wait3A_2804 = arith.constant 128 : i32
    %dma_wait3A_2805 = tpu.memref_slice %dma_wait3A_2801[%dma_wait3A_2802, %dma_wait3A_2803, %dma_wait3A_2804] : memref<1x224x224xf32, #tpu.memory_space<vmem_shared>> -> memref<1x224x96xf32, #tpu.memory_space<vmem_shared>>
    tpu.wait_dma2 semaphore(%arg9 : memref<!tpu.dma_semaphore, #tpu.memory_space<semaphore_mem>>) src(%dma_wait3A_2805 : memref<1x224x96xf32, #tpu.memory_space<vmem_shared>>) dst(%dma_wait3A_2796 : memref<1x224x96xf32, #tpu.memory_space<hbm>>)
    %add3A_2806 = arith.constant 23 : i32
    %add3A_2807 = arith.addi %mul3A_2, %add3A_2806 : i32
    %dma_wait3A_2808 = arith.constant 1 : i32
    %dma_wait3A_2809 = arith.constant 0 : i32
    %dma_wait3A_2810 = arith.constant 0 : i32
    %dma_wait3A_2811 = tpu.memref_slice %arg4[%add3A_2807, %dma_wait3A_2809, %dma_wait3A_2810] : memref<768x224x224xf32, #tpu.memory_space<hbm>> -> memref<1x224x128xf32, #tpu.memory_space<hbm>>
    %dma_wait3A_2812 = arith.constant 0 : i32
    %dma_wait3A_2813 = arith.constant 0 : i32
    %dma_wait3A_2814 = arith.constant 0 : i32
    %dma_wait3A_2815 = tpu.memref_slice %arg6[%arg1, %dma_wait3A_2808, %dma_wait3A_2812, %dma_wait3A_2813, %dma_wait3A_2814] : memref<16x2x1x224x224xf32, #tpu.memory_space<vmem_shared>> -> memref<1x1x1x224x224xf32, #tpu.memory_space<vmem_shared>>
    %dma_wait3A_2816 = tpu.memref_squeeze %dma_wait3A_2815 : memref<1x1x1x224x224xf32, #tpu.memory_space<vmem_shared>> -> memref<1x224x224xf32, #tpu.memory_space<vmem_shared>>
    %dma_wait3A_2817 = arith.constant 0 : i32
    %dma_wait3A_2818 = arith.constant 0 : i32
    %dma_wait3A_2819 = arith.constant 0 : i32
    %dma_wait3A_2820 = tpu.memref_slice %dma_wait3A_2816[%dma_wait3A_2817, %dma_wait3A_2818, %dma_wait3A_2819] : memref<1x224x224xf32, #tpu.memory_space<vmem_shared>> -> memref<1x224x128xf32, #tpu.memory_space<vmem_shared>>
    tpu.wait_dma2 semaphore(%arg10 : memref<!tpu.dma_semaphore, #tpu.memory_space<semaphore_mem>>) src(%dma_wait3A_2820 : memref<1x224x128xf32, #tpu.memory_space<vmem_shared>>) dst(%dma_wait3A_2811 : memref<1x224x128xf32, #tpu.memory_space<hbm>>)
    %add3A_2821 = arith.constant 23 : i32
    %add3A_2822 = arith.addi %mul3A_2, %add3A_2821 : i32
    %dma_wait3A_2823 = arith.constant 1 : i32
    %dma_wait3A_2824 = arith.constant 0 : i32
    %dma_wait3A_2825 = arith.constant 128 : i32
    %dma_wait3A_2826 = tpu.memref_slice %arg4[%add3A_2822, %dma_wait3A_2824, %dma_wait3A_2825] : memref<768x224x224xf32, #tpu.memory_space<hbm>> -> memref<1x224x96xf32, #tpu.memory_space<hbm>>
    %dma_wait3A_2827 = arith.constant 0 : i32
    %dma_wait3A_2828 = arith.constant 0 : i32
    %dma_wait3A_2829 = arith.constant 0 : i32
    %dma_wait3A_2830 = tpu.memref_slice %arg6[%arg1, %dma_wait3A_2823, %dma_wait3A_2827, %dma_wait3A_2828, %dma_wait3A_2829] : memref<16x2x1x224x224xf32, #tpu.memory_space<vmem_shared>> -> memref<1x1x1x224x224xf32, #tpu.memory_space<vmem_shared>>
    %dma_wait3A_2831 = tpu.memref_squeeze %dma_wait3A_2830 : memref<1x1x1x224x224xf32, #tpu.memory_space<vmem_shared>> -> memref<1x224x224xf32, #tpu.memory_space<vmem_shared>>
    %dma_wait3A_2832 = arith.constant 0 : i32
    %dma_wait3A_2833 = arith.constant 0 : i32
    %dma_wait3A_2834 = arith.constant 128 : i32
    %dma_wait3A_2835 = tpu.memref_slice %dma_wait3A_2831[%dma_wait3A_2832, %dma_wait3A_2833, %dma_wait3A_2834] : memref<1x224x224xf32, #tpu.memory_space<vmem_shared>> -> memref<1x224x96xf32, #tpu.memory_space<vmem_shared>>
    tpu.wait_dma2 semaphore(%arg10 : memref<!tpu.dma_semaphore, #tpu.memory_space<semaphore_mem>>) src(%dma_wait3A_2835 : memref<1x224x96xf32, #tpu.memory_space<vmem_shared>>) dst(%dma_wait3A_2826 : memref<1x224x96xf32, #tpu.memory_space<hbm>>)
    return
  }
}

</mosaic_0001>

<sc_bundles>
// kernel: kernel.3.cloned.1.call-start
scs
__scs_entry_jumppad:
0x0: {  	(pc) =	sbr.rel $0x88, $3  }
0x1: {  	(tag) =	ssettag $0x0;
	lr =	simm.s32 $0x1  }
0x2: {  	[smem:$0x3F9F] =	sst lr;
	_ =	strace $0xD0000000  }
0x3: {  	_ = 	snop  }
0x4: {  	_ = 	snop  }
0x5: {  	_ = 	snop  }
0x6: {  	_ = 	snop  }
0x7: {  	_ = 	snop  }
__scs_overlays_trampoline_lowered:
0x8: {  	[smem:$0x3FAE] =	sst s0  }
0x9: {  	[smem:$0x3FAF] =	sst s1  }
0xa: {  	[smem:$0x3FB0] =	sst s2  }
0xb: {  	[smem:$0x3FB1] =	sst s3  }
0xc: {  	[smem:$0x3FB2] =	sst s4  }
0xd: {  	[smem:$0x3FB3] =	sst s5  }
0xe: {  	[smem:$0x3FB4] =	sst s6  }
0xf: {  	[smem:$0x3FB5] =	sst s7  }
0x10: {  	[smem:$0x3FB6] =	sst s8  }
0x11: {  	[smem:$0x3FB7] =	sst s9;
	s0 =	simm.s32 @!p0 $0x0  }
0x12: {  	s1 =	sld [smem:$0x3F9D];
	s0 =	simm.s32 @p0 $0x1  }
0x13: {  	[smem:$0x3FB8] =	sst s0;
	s0 =	simm.s32 @!p1 $0x0  }
0x14: {  	s2 =	sld [smem:$0x3F9C];
	s0 =	simm.s32 @p1 $0x1  }
0x15: {  	[smem:$0x3FB9] =	sst s0;
	s0 =	simm.s32 @!p2 $0x0  }
0x16: {  	s3 =	sld [smem:$0x3FDB];
	s0 =	simm.s32 @p2 $0x1  }
0x17: {  	s4 =	simm.s32 $0x1BF5;
	[smem:$0x3FBB] =	sst s0  }
0x18: {  	s0 =	sld [smem:$0x3F9E];
	_ =	swait.ge [sflag:s4], $0x0  }
0x19: {  	s7 =	sld [smem:$0x3F9F]  }
0x1a: {  	s8 =	sadd.s32 $0xFFFFE003, lr  }
0x1b: {  	s9 =	sadd.s32 $0xFFFFFEF7, lr;
	s5 =	simm.s32 $0xFFFFFFFF;
	p2 =	slt.u32 s8, $0xFFFFF086  }
0x1c: {  	p1 =	slt.u32 s9, $0xF7A;
	s5 =	simm.s32 @!p2 $0x0  }
0x1d: {  	s5 =	simm.s32 @p1 $0x1;
	p0 =	seq.s32 s7, s2  }
0x1e: {  	s7 =	smul.u32 @!p0 $0xF7A, s2;
	p2 =	seq.s32 @!p0 s5, $0x0  }
0x1f: {  	s9 =	smul.u32 $0xF7A, s1;
	s8 =	simm.s32 @!p0 $0x1BF5;
	p2 =	por !p2, p0  }
0x20: {  	[sflag:s8] =	ssyncset.s32 @!p0 $0xFFFFF086;
	s6 =	sadd.s32 @!p0 s3, s7;
	s7 =	simm.s32 @!p0 $0x108  }
0x21: {  	s3 =	sadd.s32 s3, s9;
	s6 =	sadd.s32 @!p0 $0x88, s6;
	s7 =	simm.s32 @p2 $0x1082  }
0x22: {  	[simem:s7], [sflag:s8] =	dma.local @!p0 [hbm:s6], $0xF7A  }
0x23: {  	s9 =	sor.u32 $0xD0000000, s2;
	s6 =	simm.s32 $0x108;
	_ =	swait.ge @!p0 [sflag:s8], $0x0  }
0x24: {  	s3 =	sadd.s32 $0x88, s3;
	s6 =	simm.s32 @!p1 $0x1082;
	[sflag:s4] =	ssyncset.s32 $0xFFFFF086  }
0x25: {  	[simem:s6], [sflag:s4] =	dma.local [hbm:s3], $0xF7A  }
0x26: {  	[smem:$0x3F9F] =	sst s1;
	(tag) =	ssettag s2;
	_ =	strace s9  }
0x27: {  	s1 =	sld [smem:$0x3FAF]  }
0x28: {  	s2 =	sld [smem:$0x3FB0]  }
0x29: {  	s4 =	sld [smem:$0x3FB2]  }
0x2a: {  	p0 =	seq.s32 s5, $0x0;
	s5 =	sld [smem:$0x3FB3]  }
0x2b: {  	s6 =	sld [smem:$0x3FB4]  }
0x2c: {  	s7 =	sld [smem:$0x3FB5]  }
0x2d: {  	s3 =	simm.s32 $0x108;
	s8 =	sld [smem:$0x3FB6]  }
0x2e: {  	s3 =	simm.s32 @!p0 $0x1082;
	s9 =	sld [smem:$0x3FB7]  }
0x2f: {  	lr =	sadd.s32 s0, s3;
	s0 =	sld [smem:$0x3FAE]  }
0x30: {  	s3 =	sld [smem:$0x3FB1]  }
0x31: {  	[smem:$0x3FBA] =	sst s10  }
0x32: {  	s10 =	sld [smem:$0x3FB8];
	_ =	sdelay $0x3  }
0x33: {  	p0 =	seq.s32 s10, $0x1;
	s10 =	sld [smem:$0x3FBA];
	_ =	sdelay $0x3  }
0x34: {  	[smem:$0x3FBA] =	sst s10  }
0x35: {  	s10 =	sld [smem:$0x3FB9];
	_ =	sdelay $0x3  }
0x36: {  	p1 =	seq.s32 s10, $0x1;
	s10 =	sld [smem:$0x3FBA];
	_ =	sdelay $0x3  }
0x37: {  	[smem:$0x3FBA] =	sst s10  }
0x38: {  	s10 =	sld [smem:$0x3FBB]  }
0x39: {  	_ = 	snop;
	(pc) =	sbr.ind lr, $3  }
0x3a: {  	_ = 	snop  }
0x3b: {  	_ = 	snop  }
0x3c: {  	p2 =	seq.s32 s10, $0x1;
	s10 =	sld [smem:$0x3FBA]  }
0x3d: {  	_ =	shalt  }
0x3e: {  	_ =	shalt  }
0x3f: {  	_ =	shalt  }
0x40: {  	_ =	shalt  }
0x41: {  	_ =	shalt  }
0x42: {  	_ =	shalt  }
0x43: {  	_ =	shalt  }
0x44: {  	_ =	shalt  }
0x45: {  	_ =	shalt  }
0x46: {  	_ =	shalt  }
0x47: {  	_ =	shalt  }
0x48: {  	_ =	shalt  }
0x49: {  	_ =	shalt  }
0x4a: {  	_ =	shalt  }
0x4b: {  	_ =	shalt  }
0x4c: {  	_ =	shalt  }
0x4d: {  	_ =	shalt  }
0x4e: {  	_ =	shalt  }
0x4f: {  	_ =	shalt  }
0x50: {  	_ =	shalt  }
0x51: {  	_ =	shalt  }
0x52: {  	_ =	shalt  }
0x53: {  	_ =	shalt  }
0x54: {  	_ =	shalt  }
0x55: {  	_ =	shalt  }
0x56: {  	_ =	shalt  }
0x57: {  	_ =	shalt  }
0x58: {  	_ =	shalt  }
0x59: {  	_ =	shalt  }
0x5a: {  	_ =	shalt  }
0x5b: {  	_ =	shalt  }
0x5c: {  	_ =	shalt  }
0x5d: {  	_ =	shalt  }
0x5e: {  	_ =	shalt  }
0x5f: {  	_ =	shalt  }
0x60: {  	_ =	shalt  }
0x61: {  	_ =	shalt  }
0x62: {  	_ =	shalt  }
0x63: {  	_ =	shalt  }
0x64: {  	_ =	shalt  }
0x65: {  	_ =	shalt  }
0x66: {  	_ =	shalt  }
0x67: {  	_ =	shalt  }
0x68: {  	_ =	shalt  }
0x69: {  	_ =	shalt  }
0x6a: {  	_ =	shalt  }
0x6b: {  	_ =	shalt  }
0x6c: {  	_ =	shalt  }
0x6d: {  	_ =	shalt  }
0x6e: {  	_ =	shalt  }
0x6f: {  	_ =	shalt  }
0x70: {  	_ =	shalt  }
0x71: {  	_ =	shalt  }
0x72: {  	_ =	shalt  }
0x73: {  	_ =	shalt  }
0x74: {  	_ =	shalt  }
0x75: {  	_ =	shalt  }
0x76: {  	_ =	shalt  }
0x77: {  	_ =	shalt  }
0x78: {  	_ =	shalt  }
0x79: {  	_ =	shalt  }
0x7a: {  	_ =	shalt  }
0x7b: {  	_ =	shalt  }
0x7c: {  	_ =	shalt  }
0x7d: {  	_ =	shalt  }
0x7e: {  	_ =	shalt  }
0x7f: {  	_ =	shalt  }
0x80: {  	_ =	shalt  }
0x81: {  	_ =	shalt  }
0x82: {  	_ =	shalt  }
0x83: {  	_ =	shalt  }
0x84: {  	_ =	shalt  }
0x85: {  	_ =	shalt  }
0x86: {  	_ =	shalt  }
0x87: {  	_ =	shalt  }
.Lfunc_end0:
.L_simem_size_0:
called_computation_lowered:
.L_overlay_start_0:
0x88: {  	s2 =	sld [smem:$0x3FD9]  }
0x89: {  	s3 =	sld [smem:$0x3FFE];
	_ =	sdelay $0x1  }
0x8a: {  	s1 =	srdreg.scid  }
0x8b: {  	s0 =	sand.u32 $0x1, s1  }
0x8c: {  	s14 =	sshll.u32 s0, $0xA;
	s2 =	sadd.s32 s3, s2  }
0x8d: {  	s2 =	sadd.s32 s2, s14  }
0x8e: {  	[smem:$0x3FC6] =	sst s2  }
0x8f: {  	_ = 	snop  }
0x90: {  	s2 =	sld [smem:$0x3FD0];
	_ =	sdelay $0x2  }
0x91: {  	s4 =	simm.s32 $0xA;
	s5 =	simm.s32 $0x10;
	s15 =	sld [smem:$0x3FC9]  }
0x92: {  	[smem:s5], [sflag:s4] =	dma.local [hbm:s2], $0x1  }
0x93: {  	_ =	swait.eq [sflag:s4], $0x1  }
0x94: {  	[sflag:s4] =	ssyncset.done $0x0  }
0x95: {  	[sflag:s4] =	ssyncadd.s32 $0xFFFFFFFF  }
0x96: {  	s16 =	sld [smem:$0x10];
	(tm) =	ssettm $0x1  }
0x97: {  	s17 =	sld [smem:$0x3FFB];
	_ =	sdelay $0x3  }
0x98: {  	_ =	strace s17  }
0x99: {  	s4 =	sld [smem:$0x3FFC];
	_ =	sdelay $0x3  }
0x9a: {  	_ =	strace s4  }
0x9b: {  	s4 =	sld [smem:$0x3FFD];
	_ =	sdelay $0x3  }
0x9c: {  	_ =	strace s4  }
0x9d: {  	_ =	strace $0x8FFFFFFF  }
0x9e: {  	s18 =	sld [smem:$0x3FDB];
	_ =	sdelay $0x1  }
0x9f: {  	s19 =	simm.s32 $_scs_section_size  }
0xa0: {  	s6 =	simm.s32 $_size__tile_overlayer_lowered;
	s7 =	simm.s32 $_tile_overlayer_lowered  }
0xa1: {  	s22 =	simm.s32 $0x1BFF;
	s21 =	sshll.u32 s7, $0x1;
	s4 =	sadd.s32 s19, s18  }
0xa2: {  	s8 =	simm.s32 $0x0;
	s20 =	sshll.u32 s6, $0x1;
	s6 =	sadd.s32 s21, s4  }
0xa3: {  	[timem:s8], [sflag:s22] =	dma.local [hbm:s6], s20  }
0xa4: {  	_ =	swait.ge [sflag:s22], s20  }
0xa5: {  	s5 =	ssub.s32 $0x0, s20;
	[sflag:s22] =	ssyncset.done $0x0  }
0xa6: {  	[sflag:s22] =	ssyncadd.s32 s5;
	_ =	sdelay $0x1  }
0xa7: {  	s23 =	simm.s32 $0x1B8B  }
0xa8: {  	_ =	swait.ge [sflag:s23], $0x1  }
0xa9: {  	[sflag:s23] =	ssyncset.done $0x0  }
0xaa: {  	s25 =	simm.s32 $0x1B8E;
	s24 =	sld [smem:$0x3FFE];
	[sflag:s23] =	ssyncadd.s32 $0xFFFFFFFF  }
0xab: {  	s26 =	simm.s32 $execute0_lowered;
	[smem:$0x3FD2] =	sst s25  }
0xac: {  	s6 =	sshll.u32 s26, $0x1;
	_ =	strace $0x80000046;
	[dreg:$0x1] =	wrdreg $0xFFFFFFFF  }
0xad: {  	s28 =	simm.s32 $_size_execute0_lowered;
	s4 =	sadd.s32 s4, s6;
	[dreg:$0x0] =	wrdreg $0x0  }
0xae: {  	s6 =	sshll.u32 s28, $0x1;
	[dreg:$0x2] =	wrdreg s4  }
0xaf: {  	[dreg:$0x3] =	wrdreg s6  }
0xb0: {  	[dreg:$0x4] =	wrdreg $0xC0  }
0xb1: {  	_ =	task [dreg:s8], $0x5FFFF  }
0xb2: {  	[dreg:$0x1] =	wrdreg $0xFFFFFFFF  }
0xb3: {  	[dreg:$0x0] =	wrdreg $0x60  }
0xb4: {  	[dreg:$0x2] =	wrdreg s15  }
0xb5: {  	[dreg:$0x3] =	wrdreg s24  }
0xb6: {  	[dreg:$0x4] =	wrdreg s16  }
0xb7: {  	[dreg:$0x5] =	wrdreg $0x800  }
0xb8: {  	[dreg:$0x6] =	wrdreg $0x9  }
0xb9: {  	_ =	task.clear_ibuf [dreg:s8], $0x7FFFF;
	_ =	strace $0x90000046  }
0xba: {  	s29 =	simm.s32 $0x9;
	_ =	strace $0x80000048  }
0xbb: {  	_ =	swait.ge [sflag:s29], $0x1  }
0xbc: {  	[sflag:s29] =	ssyncadd.s32 $0xFFFFFFFF  }
0xbd: {  	_ =	strace $0x90000048  }
0xbe: {  	_ =	sfence  }
0xbf: {  	s30 =	sld [smem:$0x0];
	_ =	sdelay $0x2  }
0xc0: {  	s31 =	sshll.u32 s1, $0xD;
	s1 =	sshrl.u32 s1, $0x2  }
0xc1: {  	s3 =	sand.u32 $0x4000, s31;
	s1 =	sadd.s32 s1, s30  }
0xc2: {  	s0 =	sor.u32 s3, s0;
	s1 =	sshll.u32 s1, $0x11  }
0xc3: {  	s0 =	sor.u32 s1, s0  }
0xc4: {  	s0 =	sadd.s32 $0x8F2B, s0  }
0xc5: {  	[sflag:s0] =	ssyncadd.remote.s32 $0x1  }
0xc6: {  	_ =	sfence.sel $0xFFFF  }
0xc7: {  	[dreg:$0x0] =	wrdreg $0xFFFFFFFF;
	(pc) =	sbr.abs _section_cstart, $3  }
0xc8: {  	[dreg:$0x1] =	wrdreg $0xFFFFFFFF  }
0xc9: {  	_ =	task.clear_ibuf [dreg:s8], $0x2FFFF;
	_ =	strace $0x9FFFFFFF  }
0xca: {  	(tm) =	ssettm $0x7FFFFFFF  }
0xcb: {  	_ =	shalt  }
tec
execute0_lowered:
.L_overlay_start_1:
0x0: {  	(tag) =	ssettag $0x1  }
0x1: {  	s0 =	srdreg.scid;
	s13 =	stileid.u32  }
0x2: {  	s31 =	rddreg [dreg:$0x0];
	s2 =	sand.u32 $0x1, s0;
	s4 =	sshll.u32 s13, $0x1  }
0x3: {  	s1 =	rddreg [dreg:$0x1];
	s4 =	sor.u32 s2, s4  }
0x4: {  	s3 =	rddreg [dreg:$0x2];
	s14 =	simm.s32 $0x0;
	s5 =	smul.u32 $0x2A000, s4  }
0x5: {  	[smem:$0x7FF] =	sst s14;
	s6 =	sshll.u32 s4, $0x4;
	s4 =	smul.u32 $0x150000, s4  }
0x6: {  	s0 =	rddreg [dreg:$0x3];
	_ =	strace $0x80000047;
	s1 =	sadd.s32 s6, s1  }
0x7: {  	s1 =	sadd.s32 $0x400, s1;
	s25 =	sadd.s32 s3, s5;
	s4 =	sshrl.u32 s4, $0x3  }
0x8: {  	[dreg:$0x5] =	wrdreg s1;
	s5 =	sadd.s32 $0x80, s25;
	s1 =	sadd.s32 s3, s4  }
0x9: {  	[dreg:$0x6] =	wrdreg s5;
	s3 =	sadd.s32 $0x1C00, s1  }
0xa: {  	s24 =	sadd.s32 $0x1C80, s1;
	[dreg:$0x7] =	wrdreg s3  }
0xb: {  	s26 =	sadd.s32 $0x3800, s1;
	[dreg:$0x8] =	wrdreg s24  }
0xc: {  	s28 =	sadd.s32 $0x3880, s1;
	[dreg:$0x9] =	wrdreg s26  }
0xd: {  	s29 =	sadd.s32 $0x5400, s1;
	[dreg:$0xa] =	wrdreg s28  }
0xe: {  	s30 =	sadd.s32 $0x5480, s1;
	[dreg:$0xb] =	wrdreg s29  }
0xf: {  	s4 =	sadd.s32 $0x7000, s1;
	[dreg:$0xc] =	wrdreg s30  }
0x10: {  	s5 =	sadd.s32 $0x7080, s1;
	[dreg:$0xd] =	wrdreg s4  }
0x11: {  	s6 =	sadd.s32 $0x8C00, s1;
	[dreg:$0xe] =	wrdreg s5  }
0x12: {  	s7 =	sadd.s32 $0x8C80, s1;
	[dreg:$0xf] =	wrdreg s6  }
0x13: {  	s8 =	sadd.s32 $0xA800, s1;
	[dreg:$0x10] =	wrdreg s7  }
0x14: {  	s9 =	sadd.s32 $0xA880, s1;
	[dreg:$0x11] =	wrdreg s8  }
0x15: {  	s10 =	sadd.s32 $0xC400, s1;
	[dreg:$0x12] =	wrdreg s9  }
0x16: {  	s11 =	sadd.s32 $0xC480, s1;
	[dreg:$0x13] =	wrdreg s10  }
0x17: {  	s12 =	sadd.s32 $0xE000, s1;
	[dreg:$0x14] =	wrdreg s11  }
0x18: {  	s15 =	sadd.s32 $0xE080, s1;
	[dreg:$0x15] =	wrdreg s12  }
0x19: {  	s16 =	sadd.s32 $0xFC00, s1;
	[dreg:$0x16] =	wrdreg s15  }
0x1a: {  	s17 =	sadd.s32 $0xFC80, s1;
	[dreg:$0x17] =	wrdreg s16  }
0x1b: {  	s18 =	sadd.s32 $0x11800, s1;
	[dreg:$0x18] =	wrdreg s17  }
0x1c: {  	s19 =	sadd.s32 $0x11880, s1;
	[dreg:$0x19] =	wrdreg s18  }
0x1d: {  	s20 =	sadd.s32 $0x13400, s1;
	[dreg:$0x1a] =	wrdreg s19  }
0x1e: {  	s21 =	sadd.s32 $0x13480, s1;
	[dreg:$0x1b] =	wrdreg s20  }
0x1f: {  	s22 =	sadd.s32 $0x15000, s1;
	[dreg:$0x1c] =	wrdreg s21  }
0x20: {  	s23 =	sadd.s32 $0x15080, s1;
	[dreg:$0x1d] =	wrdreg s22  }
0x21: {  	[dreg:$0x1e] =	wrdreg s23;
	s24 =	sadd.s32 $0x16C00, s1  }
0x22: {  	s26 =	sadd.s32 $0x16C80, s1;
	[dreg:$0x1f] =	wrdreg s24  }
0x23: {  	s28 =	sadd.s32 $0x18800, s1;
	[smem:$0x7E9] =	sst s26  }
0x24: {  	s29 =	sadd.s32 $0x18880, s1;
	[smem:$0x7EA] =	sst s28  }
0x25: {  	s30 =	sadd.s32 $0x1A400, s1;
	[smem:$0x7EB] =	sst s29  }
0x26: {  	s4 =	sadd.s32 $0x1A480, s1;
	[smem:$0x7EC] =	sst s30  }
0x27: {  	s5 =	sadd.s32 $0x1C000, s1;
	[smem:$0x7ED] =	sst s4  }
0x28: {  	s6 =	sadd.s32 $0x1C080, s1;
	[smem:$0x7EE] =	sst s5  }
0x29: {  	s7 =	sadd.s32 $0x1DC00, s1;
	[smem:$0x7EF] =	sst s6  }
0x2a: {  	s8 =	sadd.s32 $0x1DC80, s1;
	[smem:$0x7F0] =	sst s7  }
0x2b: {  	s9 =	sadd.s32 $0x1F800, s1;
	[smem:$0x7F1] =	sst s8  }
0x2c: {  	s10 =	sadd.s32 $0x1F880, s1;
	[smem:$0x7F2] =	sst s9  }
0x2d: {  	s11 =	sadd.s32 $0x21400, s1;
	[smem:$0x7F3] =	sst s10  }
0x2e: {  	s15 =	sadd.s32 $0x21480, s1;
	[smem:$0x7F4] =	sst s11  }
0x2f: {  	p0 =	por $0x0, $0x0;
	s17 =	sadd.s32 $0x23000, s1;
	[smem:$0x7F5] =	sst s15  }
0x30: {  	s2 =	ssub.s32 $0x2, s2;
	s18 =	sadd.s32 $0x23080, s1;
	[smem:$0x7F6] =	sst s17  }
0x31: {  	s12 =	sshrl.u32 s2, $0x1;
	s20 =	sadd.s32 $0x24C00, s1;
	[smem:$0x7F7] =	sst s18  }
0x32: {  	s16 =	smul.u32 $0x70000, s13;
	s21 =	sadd.s32 $0x24C80, s1;
	[smem:$0x7F8] =	sst s20  }
0x33: {  	s22 =	sadd.s32 $0x26800, s1;
	s3 =	simm.s32 $0x4;
	[smem:$0x7F9] =	sst s21  }
0x34: {  	s2 =	ssub.s32 s2, s12;
	s9 =	sadd.s32 $0x80, s31;
	[smem:$0x7FA] =	sst s22  }
0x35: {  	s24 =	sadd.s32 $0x26880, s1;
	s28 =	sadd.s32 $0x28400, s1;
	s29 =	sadd.s32 $0x28480, s1  }
0x36: {  	s1 =	simm.s32 $0x5;
	s4 =	simm.s32 $0x8;
	s30 =	smax.u32 s2, $0x1  }
0x37: {  	s6 =	simm.s32 $0x100;
	s12 =	simm.s32 $0x1;
	p1 =	sne.s32 s30, $0x1  }
.Ltmp0:
0x38: {  	s5 =	simm.s32 $0x3;
	[smem:$0x7FB] =	sst s24;
	(pc) =	sbr.rel @!p1 .LBB2_5-.Ltmp0, $4  }
0x39: {  	s10 =	simm.s32 $0x2;
	s19 =	sshrl.u32 s16, $0x2;
	[smem:$0x7FC] =	sst s28  }
0x3a: {  	[smem:$0x7FD] =	sst s29;
	s15 =	sadd.s32 s19, s0;
	s0 =	sadd.s32 $0xFFFFFFFF, s30  }
0x3b: {  	s23 =	sadd.s32 $0x400, s15;
	s26 =	sadd.s32 $0xE000, s15;
	s7 =	sadd.s32 $0xE400, s15  }
0x3c: {  	s11 =	sshrl.u32 s23, $0x3;
	s8 =	sshrl.u32 s26, $0x3;
	s7 =	sshrl.u32 s7, $0x3  }
0x3d: {  	[smem:$0x7E8] =	sst s0  }
0x3e: {  	s24 =	rddreg [dreg:$0x5]  }
0x3f: {  	[tilespmem:s14], [sflag:$0x5] =	stream.linear.gather [hbm4b:s24+s14], $0x80, $0x38;
	[tilespmem:$0x18880] =	vst v63  }
0x40: {  	_ =	swait.ge [sflag:s1], $0x80  }
0x41: {  	[sflag:s1] =	ssyncset.done $0x0  }
0x42: {  	[sflag:s1] =	ssyncadd.s32 $0xFFFFFF80  }
0x43: {  	v0 =	vld [tilespmem:$0x0];
	_ =	sdelay $0x4  }
0x44: {  	v0 =	vmul.u32 $0xE000, v0;
	_ =	sdelay $0x1  }
0x45: {  	v0 =	vshrl.u32 v0, $0x3  }
0x46: {  	(v2sf) =	vpush v0, $0x0  }
0x47: {  	(v2sf) =	vpush v0, $0x1;
	_ =	sdelay $0x1  }
0x48: {  	(v2sf) =	vpush v0, $0x2;
	_ =	sdelay $0x4  }
0x49: {  	(v2sf) =	vpush v0, $0x3  }
0x4a: {  	(v2sf) =	vpush v0, $0x4  }
0x4b: {  	(v2sf) =	vpush v0, $0x5  }
0x4c: {  	(v2sf) =	vpush v0, $0x6  }
0x4d: {  	(v2sf) =	vpush v0, $0x7  }
0x4e: {  	(v2sf) =	vpush v0, $0x8  }
0x4f: {  	s21 =	sshll.u32 s13, $0x6;
	(v2sf) =	vpush v0, $0x9  }
0x50: {  	s18 =	sshrl.u32 s15, $0x3;
	s17 =	sor.u32 $0x1C01, s21;
	s26 =	spop (v2sf);
	(v2sf) =	vpush v0, $0xA  }
0x51: {  	[smem:$0x7DF] =	sst s15;
	s28 =	sadd.s32 s31, s26;
	s2 =	spop (v2sf);
	(v2sf) =	vpush v0, $0xB  }
0x52: {  	v1 =	vld [tilespmem:$0x10];
	[spmem:s18@s6], [sflag:s17] =	dma.strided [hbm:s28@s6], $0xE00, s4, $0x10   }
0x53: {  	s0 =	sadd.s32 s26, s9;
	s16 =	spop (v2sf);
	(v2sf) =	vpush v0, $0xC  }
0x54: {  	[spmem:s11@s6], [sflag:s17] =	dma.strided [hbm:s0@s6], $0xE00, s4, $0x10   }
0x55: {  	s19 =	sor.u32 $0x1C02, s21;
	s29 =	sadd.s32 s31, s2;
	(v2sf) =	vpush v0, $0xD  }
0x56: {  	[spmem:s8@s6], [sflag:s19] =	dma.strided [hbm:s29@s6], $0xE00, s4, $0x10   }
0x57: {  	s30 =	sadd.s32 s2, s9;
	(v2sf) =	vpush v0, $0xE  }
0x58: {  	[spmem:s7@s6], [sflag:s19] =	dma.strided [hbm:s30@s6], $0xE00, s4, $0x10   }
0x59: {  	v1 =	vmul.u32 $0xE000, v1;
	(v2sf) =	vpush v0, $0xF  }
0x5a: {  	_ =	swait.ge [sflag:s12], $0xE00  }
0x5b: {  	v63 =	vshrl.u32 v1, $0x3;
	s2 =	spop (v2sf)  }
0x5c: {  	(v2sf) =	vpush v63, $0x0;
	[sflag:s12] =	ssyncset.done $0x0;
	s13 =	spop (v2sf)  }
0x5d: {  	(v2sf) =	vpush v63, $0x1;
	[sflag:s12] =	ssyncadd.s32 $0xFFFFF200;
	s14 =	spop (v2sf)  }
0x5e: {  	_ =	swait.ge [sflag:s12], $0xE00  }
0x5f: {  	s15 =	spop (v2sf)  }
0x60: {  	[sflag:s12] =	ssyncset.done $0x0;
	(v2sf) =	vpush v63, $0x2;
	s22 =	spop (v2sf)  }
0x61: {  	s20 =	sor.u32 $0x1C03, s21;
	[sflag:s12] =	ssyncadd.s32 $0xFFFFF200;
	(v2sf) =	vpush v63, $0x3;
	s24 =	spop (v2sf)  }
0x62: {  	[hbm:s25@s6], [sflag:s20] =	dma.strided [spmem:s18@s6], $0xE00, s4, $0x10   }
0x63: {  	(v2sf) =	vpush v63, $0x4  }
0x64: {  	[smem:$0x7E0] =	sst s25;
	s25 =	spop (v2sf);
	(v2sf) =	vpush v63, $0x5  }
0x65: {  	s30 =	spop (v2sf);
	(v2sf) =	vpush v63, $0x6  }
0x66: {  	s23 =	rddreg [dreg:$0x6];
	s29 =	spop (v2sf);
	(v2sf) =	vpush v63, $0x7  }
0x67: {  	[hbm:s23@s6], [sflag:s20] =	dma.strided [spmem:s11@s6], $0xE00, s4, $0x10   }
0x68: {  	_ =	swait.ge [sflag:s5], $0xE00  }
0x69: {  	s28 =	spop (v2sf)  }
0x6a: {  	[sflag:s5] =	ssyncset.done $0x0;
	s26 =	spop (v2sf)  }
0x6b: {  	[sflag:s5] =	ssyncadd.s32 $0xFFFFF200;
	s23 =	spop (v2sf)  }
0x6c: {  	_ =	swait.ge [sflag:s5], $0xE00  }
0x6d: {  	s1 =	spop (v2sf)  }
0x6e: {  	[sflag:s5] =	ssyncset.done $0x0;
	[smem:$0x7E1] =	sst s1  }
0x6f: {  	s1 =	sadd.s32 s31, s16;
	s0 =	spop (v2sf);
	[sflag:s5] =	ssyncadd.s32 $0xFFFFF200  }
0x70: {  	[smem:$0x7E2] =	sst s0;
	s0 =	sadd.s32 s16, s9;
	s16 =	spop (v2sf)  }
0x71: {  	[spmem:s18@s6], [sflag:s17] =	dma.strided [hbm:s1@s6], $0xE00, s4, $0x10   }
0x72: {  	[spmem:s11@s6], [sflag:s17] =	dma.strided [hbm:s0@s6], $0xE00, s4, $0x10   }
0x73: {  	_ =	swait.ge [sflag:s10], $0xE00  }
0x74: {  	s1 =	spop (v2sf)  }
0x75: {  	[smem:$0x7E3] =	sst s1;
	s1 =	spop (v2sf)  }
0x76: {  	[sflag:s10] =	ssyncset.done $0x0;
	[smem:$0x7E4] =	sst s1;
	s1 =	spop (v2sf)  }
0x77: {  	[sflag:s10] =	ssyncadd.s32 $0xFFFFF200;
	[smem:$0x7E5] =	sst s1  }
0x78: {  	_ =	swait.ge [sflag:s10], $0xE00  }
0x79: {  	s21 =	sor.u32 $0x1C04, s21;
	s1 =	spop (v2sf);
	s0 =	rddreg [dreg:$0x7]  }
0x7a: {  	[sflag:s10] =	ssyncset.done $0x0;
	[smem:$0x7E6] =	sst s1;
	s1 =	spop (v2sf)  }
0x7b: {  	[sflag:s10] =	ssyncadd.s32 $0xFFFFF200;
	[smem:$0x7E7] =	sst s1;
	s1 =	spop (v2sf)  }
0x7c: {  	[hbm:s0@s6], [sflag:s21] =	dma.strided [spmem:s8@s6], $0xE00, s4, $0x10   }
0x7d: {  	s0 =	rddreg [dreg:$0x8]  }
0x7e: {  	[hbm:s0@s6], [sflag:s21] =	dma.strided [spmem:s7@s6], $0xE00, s4, $0x10   }
0x7f: {  	_ =	swait.ge [sflag:s3], $0xE00  }
0x80: {  	[sflag:s3] =	ssyncset.done $0x0  }
0x81: {  	[sflag:s3] =	ssyncadd.s32 $0xFFFFF200  }
0x82: {  	_ =	swait.ge [sflag:s3], $0xE00  }
0x83: {  	[sflag:s3] =	ssyncset.done $0x0  }
0x84: {  	s0 =	sadd.s32 s31, s2;
	s2 =	sadd.s32 s2, s9;
	[sflag:s3] =	ssyncadd.s32 $0xFFFFF200  }
0x85: {  	[spmem:s8@s6], [sflag:s19] =	dma.strided [hbm:s0@s6], $0xE00, s4, $0x10   }
0x86: {  	[spmem:s7@s6], [sflag:s19] =	dma.strided [hbm:s2@s6], $0xE00, s4, $0x10   }
0x87: {  	_ =	swait.ge [sflag:s12], $0xE00  }
0x88: {  	[sflag:s12] =	ssyncset.done $0x0  }
0x89: {  	[sflag:s12] =	ssyncadd.s32 $0xFFFFF200  }
0x8a: {  	_ =	swait.ge [sflag:s12], $0xE00  }
0x8b: {  	[sflag:s12] =	ssyncset.done $0x0  }
0x8c: {  	s2 =	rddreg [dreg:$0x9];
	[sflag:s12] =	ssyncadd.s32 $0xFFFFF200  }
0x8d: {  	[hbm:s2@s6], [sflag:s20] =	dma.strided [spmem:s18@s6], $0xE00, s4, $0x10   }
0x8e: {  	s0 =	rddreg [dreg:$0xa]  }
0x8f: {  	[hbm:s0@s6], [sflag:s20] =	dma.strided [spmem:s11@s6], $0xE00, s4, $0x10   }
0x90: {  	_ =	swait.ge [sflag:s5], $0xE00  }
0x91: {  	[sflag:s5] =	ssyncset.done $0x0  }
0x92: {  	[sflag:s5] =	ssyncadd.s32 $0xFFFFF200  }
0x93: {  	_ =	swait.ge [sflag:s5], $0xE00  }
0x94: {  	[sflag:s5] =	ssyncset.done $0x0  }
0x95: {  	s2 =	sadd.s32 s31, s13;
	s13 =	sadd.s32 s13, s9;
	[sflag:s5] =	ssyncadd.s32 $0xFFFFF200  }
0x96: {  	[spmem:s18@s6], [sflag:s17] =	dma.strided [hbm:s2@s6], $0xE00, s4, $0x10   }
0x97: {  	[spmem:s11@s6], [sflag:s17] =	dma.strided [hbm:s13@s6], $0xE00, s4, $0x10   }
0x98: {  	_ =	swait.ge [sflag:s10], $0xE00  }
0x99: {  	[sflag:s10] =	ssyncset.done $0x0  }
0x9a: {  	[sflag:s10] =	ssyncadd.s32 $0xFFFFF200  }
0x9b: {  	_ =	swait.ge [sflag:s10], $0xE00  }
0x9c: {  	[sflag:s10] =	ssyncset.done $0x0  }
0x9d: {  	s2 =	rddreg [dreg:$0xb];
	[sflag:s10] =	ssyncadd.s32 $0xFFFFF200  }
0x9e: {  	[hbm:s2@s6], [sflag:s21] =	dma.strided [spmem:s8@s6], $0xE00, s4, $0x10   }
0x9f: {  	s0 =	rddreg [dreg:$0xc]  }
0xa0: {  	[hbm:s0@s6], [sflag:s21] =	dma.strided [spmem:s7@s6], $0xE00, s4, $0x10   }
0xa1: {  	_ =	swait.ge [sflag:s3], $0xE00  }
0xa2: {  	[sflag:s3] =	ssyncset.done $0x0  }
0xa3: {  	[sflag:s3] =	ssyncadd.s32 $0xFFFFF200  }
0xa4: {  	_ =	swait.ge [sflag:s3], $0xE00  }
0xa5: {  	[sflag:s3] =	ssyncset.done $0x0  }
0xa6: {  	s13 =	sadd.s32 s31, s14;
	s14 =	sadd.s32 s14, s9;
	[sflag:s3] =	ssyncadd.s32 $0xFFFFF200  }
0xa7: {  	[spmem:s8@s6], [sflag:s19] =	dma.strided [hbm:s13@s6], $0xE00, s4, $0x10   }
0xa8: {  	[spmem:s7@s6], [sflag:s19] =	dma.strided [hbm:s14@s6], $0xE00, s4, $0x10   }
0xa9: {  	_ =	swait.ge [sflag:s12], $0xE00  }
0xaa: {  	[sflag:s12] =	ssyncset.done $0x0  }
0xab: {  	[sflag:s12] =	ssyncadd.s32 $0xFFFFF200  }
0xac: {  	_ =	swait.ge [sflag:s12], $0xE00  }
0xad: {  	[sflag:s12] =	ssyncset.done $0x0  }
0xae: {  	s2 =	rddreg [dreg:$0xd];
	[sflag:s12] =	ssyncadd.s32 $0xFFFFF200  }
0xaf: {  	[hbm:s2@s6], [sflag:s20] =	dma.strided [spmem:s18@s6], $0xE00, s4, $0x10   }
0xb0: {  	s0 =	rddreg [dreg:$0xe]  }
0xb1: {  	[hbm:s0@s6], [sflag:s20] =	dma.strided [spmem:s11@s6], $0xE00, s4, $0x10   }
0xb2: {  	_ =	swait.ge [sflag:s5], $0xE00  }
0xb3: {  	[sflag:s5] =	ssyncset.done $0x0  }
0xb4: {  	[sflag:s5] =	ssyncadd.s32 $0xFFFFF200  }
0xb5: {  	_ =	swait.ge [sflag:s5], $0xE00  }
0xb6: {  	[sflag:s5] =	ssyncset.done $0x0  }
0xb7: {  	s13 =	sadd.s32 s31, s15;
	s14 =	sadd.s32 s15, s9;
	[sflag:s5] =	ssyncadd.s32 $0xFFFFF200  }
0xb8: {  	[spmem:s18@s6], [sflag:s17] =	dma.strided [hbm:s13@s6], $0xE00, s4, $0x10   }
0xb9: {  	[spmem:s11@s6], [sflag:s17] =	dma.strided [hbm:s14@s6], $0xE00, s4, $0x10   }
0xba: {  	_ =	swait.ge [sflag:s10], $0xE00  }
0xbb: {  	[sflag:s10] =	ssyncset.done $0x0  }
0xbc: {  	[sflag:s10] =	ssyncadd.s32 $0xFFFFF200  }
0xbd: {  	_ =	swait.ge [sflag:s10], $0xE00  }
0xbe: {  	[sflag:s10] =	ssyncset.done $0x0  }
0xbf: {  	s15 =	rddreg [dreg:$0xf];
	[sflag:s10] =	ssyncadd.s32 $0xFFFFF200  }
0xc0: {  	[hbm:s15@s6], [sflag:s21] =	dma.strided [spmem:s8@s6], $0xE00, s4, $0x10   }
0xc1: {  	s0 =	rddreg [dreg:$0x10]  }
0xc2: {  	[hbm:s0@s6], [sflag:s21] =	dma.strided [spmem:s7@s6], $0xE00, s4, $0x10   }
0xc3: {  	_ =	swait.ge [sflag:s3], $0xE00  }
0xc4: {  	[sflag:s3] =	ssyncset.done $0x0  }
0xc5: {  	[sflag:s3] =	ssyncadd.s32 $0xFFFFF200  }
0xc6: {  	_ =	swait.ge [sflag:s3], $0xE00  }
0xc7: {  	[sflag:s3] =	ssyncset.done $0x0  }
0xc8: {  	s2 =	sadd.s32 s31, s22;
	s13 =	sadd.s32 s22, s9;
	[sflag:s3] =	ssyncadd.s32 $0xFFFFF200  }
0xc9: {  	[spmem:s8@s6], [sflag:s19] =	dma.strided [hbm:s2@s6], $0xE00, s4, $0x10   }
0xca: {  	[spmem:s7@s6], [sflag:s19] =	dma.strided [hbm:s13@s6], $0xE00, s4, $0x10   }
0xcb: {  	_ =	swait.ge [sflag:s12], $0xE00  }
0xcc: {  	[sflag:s12] =	ssyncset.done $0x0  }
0xcd: {  	[sflag:s12] =	ssyncadd.s32 $0xFFFFF200  }
0xce: {  	_ =	swait.ge [sflag:s12], $0xE00  }
0xcf: {  	[sflag:s12] =	ssyncset.done $0x0  }
0xd0: {  	s14 =	rddreg [dreg:$0x11];
	[sflag:s12] =	ssyncadd.s32 $0xFFFFF200  }
0xd1: {  	[hbm:s14@s6], [sflag:s20] =	dma.strided [spmem:s18@s6], $0xE00, s4, $0x10   }
0xd2: {  	s0 =	rddreg [dreg:$0x12]  }
0xd3: {  	[hbm:s0@s6], [sflag:s20] =	dma.strided [spmem:s11@s6], $0xE00, s4, $0x10   }
0xd4: {  	_ =	swait.ge [sflag:s5], $0xE00  }
0xd5: {  	[sflag:s5] =	ssyncset.done $0x0  }
0xd6: {  	[sflag:s5] =	ssyncadd.s32 $0xFFFFF200  }
0xd7: {  	_ =	swait.ge [sflag:s5], $0xE00  }
0xd8: {  	[sflag:s5] =	ssyncset.done $0x0  }
0xd9: {  	s22 =	sadd.s32 s24, s9;
	s15 =	sadd.s32 s31, s24;
	[sflag:s5] =	ssyncadd.s32 $0xFFFFF200  }
0xda: {  	[spmem:s18@s6], [sflag:s17] =	dma.strided [hbm:s15@s6], $0xE00, s4, $0x10   }
0xdb: {  	[spmem:s11@s6], [sflag:s17] =	dma.strided [hbm:s22@s6], $0xE00, s4, $0x10   }
0xdc: {  	_ =	swait.ge [sflag:s10], $0xE00  }
0xdd: {  	[sflag:s10] =	ssyncset.done $0x0  }
0xde: {  	[sflag:s10] =	ssyncadd.s32 $0xFFFFF200  }
0xdf: {  	_ =	swait.ge [sflag:s10], $0xE00  }
0xe0: {  	[sflag:s10] =	ssyncset.done $0x0  }
0xe1: {  	s24 =	rddreg [dreg:$0x13];
	[sflag:s10] =	ssyncadd.s32 $0xFFFFF200  }
0xe2: {  	[hbm:s24@s6], [sflag:s21] =	dma.strided [spmem:s8@s6], $0xE00, s4, $0x10   }
0xe3: {  	s0 =	rddreg [dreg:$0x14]  }
0xe4: {  	[hbm:s0@s6], [sflag:s21] =	dma.strided [spmem:s7@s6], $0xE00, s4, $0x10   }
0xe5: {  	_ =	swait.ge [sflag:s3], $0xE00  }
0xe6: {  	[sflag:s3] =	ssyncset.done $0x0  }
0xe7: {  	[sflag:s3] =	ssyncadd.s32 $0xFFFFF200  }
0xe8: {  	_ =	swait.ge [sflag:s3], $0xE00  }
0xe9: {  	[sflag:s3] =	ssyncset.done $0x0  }
0xea: {  	s2 =	sadd.s32 s31, s25;
	s13 =	sadd.s32 s25, s9;
	[sflag:s3] =	ssyncadd.s32 $0xFFFFF200  }
0xeb: {  	[spmem:s8@s6], [sflag:s19] =	dma.strided [hbm:s2@s6], $0xE00, s4, $0x10   }
0xec: {  	[spmem:s7@s6], [sflag:s19] =	dma.strided [hbm:s13@s6], $0xE00, s4, $0x10   }
0xed: {  	_ =	swait.ge [sflag:s12], $0xE00  }
0xee: {  	[sflag:s12] =	ssyncset.done $0x0  }
0xef: {  	[sflag:s12] =	ssyncadd.s32 $0xFFFFF200  }
0xf0: {  	_ =	swait.ge [sflag:s12], $0xE00  }
0xf1: {  	[sflag:s12] =	ssyncset.done $0x0  }
0xf2: {  	s14 =	rddreg [dreg:$0x15];
	[sflag:s12] =	ssyncadd.s32 $0xFFFFF200  }
0xf3: {  	[hbm:s14@s6], [sflag:s20] =	dma.strided [spmem:s18@s6], $0xE00, s4, $0x10   }
0xf4: {  	s0 =	rddreg [dreg:$0x16]  }
0xf5: {  	[hbm:s0@s6], [sflag:s20] =	dma.strided [spmem:s11@s6], $0xE00, s4, $0x10   }
0xf6: {  	_ =	swait.ge [sflag:s5], $0xE00  }
0xf7: {  	[sflag:s5] =	ssyncset.done $0x0  }
0xf8: {  	[sflag:s5] =	ssyncadd.s32 $0xFFFFF200  }
0xf9: {  	_ =	swait.ge [sflag:s5], $0xE00  }
0xfa: {  	[sflag:s5] =	ssyncset.done $0x0  }
0xfb: {  	s15 =	sadd.s32 s31, s30;
	s22 =	sadd.s32 s30, s9;
	[sflag:s5] =	ssyncadd.s32 $0xFFFFF200  }
0xfc: {  	[spmem:s18@s6], [sflag:s17] =	dma.strided [hbm:s15@s6], $0xE00, s4, $0x10   }
0xfd: {  	[spmem:s11@s6], [sflag:s17] =	dma.strided [hbm:s22@s6], $0xE00, s4, $0x10   }
0xfe: {  	_ =	swait.ge [sflag:s10], $0xE00  }
0xff: {  	[sflag:s10] =	ssyncset.done $0x0  }
0x100: {  	[sflag:s10] =	ssyncadd.s32 $0xFFFFF200  }
0x101: {  	_ =	swait.ge [sflag:s10], $0xE00  }
0x102: {  	[sflag:s10] =	ssyncset.done $0x0  }
0x103: {  	s24 =	rddreg [dreg:$0x17];
	[sflag:s10] =	ssyncadd.s32 $0xFFFFF200  }
0x104: {  	[hbm:s24@s6], [sflag:s21] =	dma.strided [spmem:s8@s6], $0xE00, s4, $0x10   }
0x105: {  	s0 =	rddreg [dreg:$0x18]  }
0x106: {  	[hbm:s0@s6], [sflag:s21] =	dma.strided [spmem:s7@s6], $0xE00, s4, $0x10   }
0x107: {  	_ =	swait.ge [sflag:s3], $0xE00  }
0x108: {  	[sflag:s3] =	ssyncset.done $0x0  }
0x109: {  	[sflag:s3] =	ssyncadd.s32 $0xFFFFF200  }
0x10a: {  	_ =	swait.ge [sflag:s3], $0xE00  }
0x10b: {  	[sflag:s3] =	ssyncset.done $0x0  }
0x10c: {  	s25 =	sadd.s32 s31, s29;
	s30 =	sadd.s32 s29, s9;
	[sflag:s3] =	ssyncadd.s32 $0xFFFFF200  }
0x10d: {  	[spmem:s8@s6], [sflag:s19] =	dma.strided [hbm:s25@s6], $0xE00, s4, $0x10   }
0x10e: {  	[spmem:s7@s6], [sflag:s19] =	dma.strided [hbm:s30@s6], $0xE00, s4, $0x10   }
0x10f: {  	_ =	swait.ge [sflag:s12], $0xE00  }
0x110: {  	[sflag:s12] =	ssyncset.done $0x0  }
0x111: {  	[sflag:s12] =	ssyncadd.s32 $0xFFFFF200  }
0x112: {  	_ =	swait.ge [sflag:s12], $0xE00  }
0x113: {  	[sflag:s12] =	ssyncset.done $0x0  }
0x114: {  	s2 =	rddreg [dreg:$0x19];
	[sflag:s12] =	ssyncadd.s32 $0xFFFFF200  }
0x115: {  	[hbm:s2@s6], [sflag:s20] =	dma.strided [spmem:s18@s6], $0xE00, s4, $0x10   }
0x116: {  	s0 =	rddreg [dreg:$0x1a]  }
0x117: {  	[hbm:s0@s6], [sflag:s20] =	dma.strided [spmem:s11@s6], $0xE00, s4, $0x10   }
0x118: {  	_ =	swait.ge [sflag:s5], $0xE00  }
0x119: {  	[sflag:s5] =	ssyncset.done $0x0  }
0x11a: {  	[sflag:s5] =	ssyncadd.s32 $0xFFFFF200  }
0x11b: {  	_ =	swait.ge [sflag:s5], $0xE00  }
0x11c: {  	[sflag:s5] =	ssyncset.done $0x0  }
0x11d: {  	s13 =	sadd.s32 s31, s28;
	s14 =	sadd.s32 s28, s9;
	[sflag:s5] =	ssyncadd.s32 $0xFFFFF200  }
0x11e: {  	[spmem:s18@s6], [sflag:s17] =	dma.strided [hbm:s13@s6], $0xE00, s4, $0x10   }
0x11f: {  	[spmem:s11@s6], [sflag:s17] =	dma.strided [hbm:s14@s6], $0xE00, s4, $0x10   }
0x120: {  	_ =	swait.ge [sflag:s10], $0xE00  }
0x121: {  	[sflag:s10] =	ssyncset.done $0x0  }
0x122: {  	[sflag:s10] =	ssyncadd.s32 $0xFFFFF200  }
0x123: {  	_ =	swait.ge [sflag:s10], $0xE00  }
0x124: {  	[sflag:s10] =	ssyncset.done $0x0  }
0x125: {  	s15 =	rddreg [dreg:$0x1b];
	[sflag:s10] =	ssyncadd.s32 $0xFFFFF200  }
0x126: {  	[hbm:s15@s6], [sflag:s21] =	dma.strided [spmem:s8@s6], $0xE00, s4, $0x10   }
0x127: {  	s0 =	rddreg [dreg:$0x1c]  }
0x128: {  	[hbm:s0@s6], [sflag:s21] =	dma.strided [spmem:s7@s6], $0xE00, s4, $0x10   }
0x129: {  	_ =	swait.ge [sflag:s3], $0xE00  }
0x12a: {  	[sflag:s3] =	ssyncset.done $0x0  }
0x12b: {  	[sflag:s3] =	ssyncadd.s32 $0xFFFFF200  }
0x12c: {  	_ =	swait.ge [sflag:s3], $0xE00  }
0x12d: {  	[sflag:s3] =	ssyncset.done $0x0  }
0x12e: {  	s22 =	sadd.s32 s31, s26;
	s24 =	sadd.s32 s26, s9;
	[sflag:s3] =	ssyncadd.s32 $0xFFFFF200  }
0x12f: {  	[spmem:s8@s6], [sflag:s19] =	dma.strided [hbm:s22@s6], $0xE00, s4, $0x10   }
0x130: {  	[spmem:s7@s6], [sflag:s19] =	dma.strided [hbm:s24@s6], $0xE00, s4, $0x10   }
0x131: {  	_ =	swait.ge [sflag:s12], $0xE00  }
0x132: {  	[sflag:s12] =	ssyncset.done $0x0  }
0x133: {  	[sflag:s12] =	ssyncadd.s32 $0xFFFFF200  }
0x134: {  	_ =	swait.ge [sflag:s12], $0xE00  }
0x135: {  	[sflag:s12] =	ssyncset.done $0x0  }
0x136: {  	s25 =	rddreg [dreg:$0x1d];
	[sflag:s12] =	ssyncadd.s32 $0xFFFFF200  }
0x137: {  	[hbm:s25@s6], [sflag:s20] =	dma.strided [spmem:s18@s6], $0xE00, s4, $0x10   }
0x138: {  	s0 =	rddreg [dreg:$0x1e]  }
0x139: {  	[hbm:s0@s6], [sflag:s20] =	dma.strided [spmem:s11@s6], $0xE00, s4, $0x10   }
0x13a: {  	_ =	swait.ge [sflag:s5], $0xE00  }
0x13b: {  	[sflag:s5] =	ssyncset.done $0x0  }
0x13c: {  	[sflag:s5] =	ssyncadd.s32 $0xFFFFF200  }
0x13d: {  	_ =	swait.ge [sflag:s5], $0xE00  }
0x13e: {  	[sflag:s5] =	ssyncset.done $0x0  }
0x13f: {  	s28 =	sadd.s32 s23, s9;
	s26 =	sadd.s32 s31, s23;
	[sflag:s5] =	ssyncadd.s32 $0xFFFFF200  }
0x140: {  	[spmem:s18@s6], [sflag:s17] =	dma.strided [hbm:s26@s6], $0xE00, s4, $0x10   }
0x141: {  	[spmem:s11@s6], [sflag:s17] =	dma.strided [hbm:s28@s6], $0xE00, s4, $0x10   }
0x142: {  	_ =	swait.ge [sflag:s10], $0xE00  }
0x143: {  	[sflag:s10] =	ssyncset.done $0x0  }
0x144: {  	[sflag:s10] =	ssyncadd.s32 $0xFFFFF200  }
0x145: {  	_ =	swait.ge [sflag:s10], $0xE00  }
0x146: {  	[sflag:s10] =	ssyncset.done $0x0  }
0x147: {  	s29 =	rddreg [dreg:$0x1f];
	[sflag:s10] =	ssyncadd.s32 $0xFFFFF200  }
0x148: {  	[hbm:s29@s6], [sflag:s21] =	dma.strided [spmem:s8@s6], $0xE00, s4, $0x10   }
0x149: {  	s0 =	sld [smem:$0x7E9];
	_ =	sdelay $0x2  }
0x14a: {  	[hbm:s0@s6], [sflag:s21] =	dma.strided [spmem:s7@s6], $0xE00, s4, $0x10   }
0x14b: {  	_ =	swait.ge [sflag:s3], $0xE00  }
0x14c: {  	[sflag:s3] =	ssyncset.done $0x0  }
0x14d: {  	[sflag:s3] =	ssyncadd.s32 $0xFFFFF200  }
0x14e: {  	_ =	swait.ge [sflag:s3], $0xE00  }
0x14f: {  	s30 =	sld [smem:$0x7E1];
	_ =	sdelay $0x1  }
0x150: {  	[sflag:s3] =	ssyncset.done $0x0  }
0x151: {  	[sflag:s3] =	ssyncadd.s32 $0xFFFFF200;
	s13 =	sadd.s32 s31, s30;
	s14 =	sadd.s32 s30, s9  }
0x152: {  	[spmem:s8@s6], [sflag:s19] =	dma.strided [hbm:s13@s6], $0xE00, s4, $0x10   }
0x153: {  	[spmem:s7@s6], [sflag:s19] =	dma.strided [hbm:s14@s6], $0xE00, s4, $0x10   }
0x154: {  	_ =	swait.ge [sflag:s12], $0xE00  }
0x155: {  	[sflag:s12] =	ssyncset.done $0x0  }
0x156: {  	[sflag:s12] =	ssyncadd.s32 $0xFFFFF200  }
0x157: {  	_ =	swait.ge [sflag:s12], $0xE00  }
0x158: {  	s15 =	sld [smem:$0x7EA]  }
0x159: {  	[sflag:s12] =	ssyncset.done $0x0  }
0x15a: {  	[sflag:s12] =	ssyncadd.s32 $0xFFFFF200  }
0x15b: {  	[hbm:s15@s6], [sflag:s20] =	dma.strided [spmem:s18@s6], $0xE00, s4, $0x10   }
0x15c: {  	s0 =	sld [smem:$0x7EB];
	_ =	sdelay $0x2  }
0x15d: {  	[hbm:s0@s6], [sflag:s20] =	dma.strided [spmem:s11@s6], $0xE00, s4, $0x10   }
0x15e: {  	_ =	swait.ge [sflag:s5], $0xE00  }
0x15f: {  	[sflag:s5] =	ssyncset.done $0x0  }
0x160: {  	[sflag:s5] =	ssyncadd.s32 $0xFFFFF200  }
0x161: {  	_ =	swait.ge [sflag:s5], $0xE00  }
0x162: {  	s22 =	sld [smem:$0x7E2];
	_ =	sdelay $0x1  }
0x163: {  	[sflag:s5] =	ssyncset.done $0x0  }
0x164: {  	[sflag:s5] =	ssyncadd.s32 $0xFFFFF200;
	s23 =	sadd.s32 s31, s22;
	s24 =	sadd.s32 s22, s9  }
0x165: {  	[spmem:s18@s6], [sflag:s17] =	dma.strided [hbm:s23@s6], $0xE00, s4, $0x10   }
0x166: {  	[spmem:s11@s6], [sflag:s17] =	dma.strided [hbm:s24@s6], $0xE00, s4, $0x10   }
0x167: {  	_ =	swait.ge [sflag:s10], $0xE00  }
0x168: {  	[sflag:s10] =	ssyncset.done $0x0  }
0x169: {  	[sflag:s10] =	ssyncadd.s32 $0xFFFFF200  }
0x16a: {  	_ =	swait.ge [sflag:s10], $0xE00  }
0x16b: {  	s25 =	sld [smem:$0x7EC]  }
0x16c: {  	[sflag:s10] =	ssyncset.done $0x0  }
0x16d: {  	[sflag:s10] =	ssyncadd.s32 $0xFFFFF200  }
0x16e: {  	[hbm:s25@s6], [sflag:s21] =	dma.strided [spmem:s8@s6], $0xE00, s4, $0x10   }
0x16f: {  	s0 =	sld [smem:$0x7ED];
	_ =	sdelay $0x2  }
0x170: {  	[hbm:s0@s6], [sflag:s21] =	dma.strided [spmem:s7@s6], $0xE00, s4, $0x10   }
0x171: {  	_ =	swait.ge [sflag:s3], $0xE00  }
0x172: {  	[sflag:s3] =	ssyncset.done $0x0  }
0x173: {  	[sflag:s3] =	ssyncadd.s32 $0xFFFFF200  }
0x174: {  	_ =	swait.ge [sflag:s3], $0xE00  }
0x175: {  	[sflag:s3] =	ssyncset.done $0x0  }
0x176: {  	s26 =	sadd.s32 s31, s16;
	s28 =	sadd.s32 s16, s9;
	[sflag:s3] =	ssyncadd.s32 $0xFFFFF200  }
0x177: {  	[spmem:s8@s6], [sflag:s19] =	dma.strided [hbm:s26@s6], $0xE00, s4, $0x10   }
0x178: {  	[spmem:s7@s6], [sflag:s19] =	dma.strided [hbm:s28@s6], $0xE00, s4, $0x10   }
0x179: {  	_ =	swait.ge [sflag:s12], $0xE00  }
0x17a: {  	[sflag:s12] =	ssyncset.done $0x0  }
0x17b: {  	[sflag:s12] =	ssyncadd.s32 $0xFFFFF200  }
0x17c: {  	_ =	swait.ge [sflag:s12], $0xE00  }
0x17d: {  	s29 =	sld [smem:$0x7EE]  }
0x17e: {  	[sflag:s12] =	ssyncset.done $0x0  }
0x17f: {  	[sflag:s12] =	ssyncadd.s32 $0xFFFFF200  }
0x180: {  	[hbm:s29@s6], [sflag:s20] =	dma.strided [spmem:s18@s6], $0xE00, s4, $0x10   }
0x181: {  	s0 =	sld [smem:$0x7EF];
	_ =	sdelay $0x2  }
0x182: {  	[hbm:s0@s6], [sflag:s20] =	dma.strided [spmem:s11@s6], $0xE00, s4, $0x10   }
0x183: {  	_ =	swait.ge [sflag:s5], $0xE00  }
0x184: {  	[sflag:s5] =	ssyncset.done $0x0  }
0x185: {  	[sflag:s5] =	ssyncadd.s32 $0xFFFFF200  }
0x186: {  	_ =	swait.ge [sflag:s5], $0xE00  }
0x187: {  	s30 =	sld [smem:$0x7E3];
	_ =	sdelay $0x1  }
0x188: {  	[sflag:s5] =	ssyncset.done $0x0  }
0x189: {  	[sflag:s5] =	ssyncadd.s32 $0xFFFFF200;
	s13 =	sadd.s32 s31, s30;
	s14 =	sadd.s32 s30, s9  }
0x18a: {  	[spmem:s18@s6], [sflag:s17] =	dma.strided [hbm:s13@s6], $0xE00, s4, $0x10   }
0x18b: {  	[spmem:s11@s6], [sflag:s17] =	dma.strided [hbm:s14@s6], $0xE00, s4, $0x10   }
0x18c: {  	_ =	swait.ge [sflag:s10], $0xE00  }
0x18d: {  	[sflag:s10] =	ssyncset.done $0x0  }
0x18e: {  	[sflag:s10] =	ssyncadd.s32 $0xFFFFF200  }
0x18f: {  	_ =	swait.ge [sflag:s10], $0xE00  }
0x190: {  	s15 =	sld [smem:$0x7F0]  }
0x191: {  	[sflag:s10] =	ssyncset.done $0x0  }
0x192: {  	[sflag:s10] =	ssyncadd.s32 $0xFFFFF200  }
0x193: {  	[hbm:s15@s6], [sflag:s21] =	dma.strided [spmem:s8@s6], $0xE00, s4, $0x10   }
0x194: {  	s0 =	sld [smem:$0x7F1];
	_ =	sdelay $0x2  }
0x195: {  	[hbm:s0@s6], [sflag:s21] =	dma.strided [spmem:s7@s6], $0xE00, s4, $0x10   }
0x196: {  	_ =	swait.ge [sflag:s3], $0xE00  }
0x197: {  	[sflag:s3] =	ssyncset.done $0x0  }
0x198: {  	[sflag:s3] =	ssyncadd.s32 $0xFFFFF200  }
0x199: {  	_ =	swait.ge [sflag:s3], $0xE00  }
0x19a: {  	s16 =	sld [smem:$0x7E4];
	_ =	sdelay $0x1  }
0x19b: {  	[sflag:s3] =	ssyncset.done $0x0  }
0x19c: {  	[sflag:s3] =	ssyncadd.s32 $0xFFFFF200;
	s22 =	sadd.s32 s31, s16;
	s23 =	sadd.s32 s16, s9  }
0x19d: {  	[spmem:s8@s6], [sflag:s19] =	dma.strided [hbm:s22@s6], $0xE00, s4, $0x10   }
0x19e: {  	[spmem:s7@s6], [sflag:s19] =	dma.strided [hbm:s23@s6], $0xE00, s4, $0x10   }
0x19f: {  	_ =	swait.ge [sflag:s12], $0xE00  }
0x1a0: {  	[sflag:s12] =	ssyncset.done $0x0  }
0x1a1: {  	[sflag:s12] =	ssyncadd.s32 $0xFFFFF200  }
0x1a2: {  	_ =	swait.ge [sflag:s12], $0xE00  }
0x1a3: {  	s24 =	sld [smem:$0x7F2]  }
0x1a4: {  	[sflag:s12] =	ssyncset.done $0x0  }
0x1a5: {  	[sflag:s12] =	ssyncadd.s32 $0xFFFFF200  }
0x1a6: {  	[hbm:s24@s6], [sflag:s20] =	dma.strided [spmem:s18@s6], $0xE00, s4, $0x10   }
0x1a7: {  	s0 =	sld [smem:$0x7F3];
	_ =	sdelay $0x2  }
0x1a8: {  	[hbm:s0@s6], [sflag:s20] =	dma.strided [spmem:s11@s6], $0xE00, s4, $0x10   }
0x1a9: {  	_ =	swait.ge [sflag:s5], $0xE00  }
0x1aa: {  	[sflag:s5] =	ssyncset.done $0x0  }
0x1ab: {  	[sflag:s5] =	ssyncadd.s32 $0xFFFFF200  }
0x1ac: {  	_ =	swait.ge [sflag:s5], $0xE00  }
0x1ad: {  	s25 =	sld [smem:$0x7E5];
	_ =	sdelay $0x1  }
0x1ae: {  	[sflag:s5] =	ssyncset.done $0x0  }
0x1af: {  	[sflag:s5] =	ssyncadd.s32 $0xFFFFF200;
	s26 =	sadd.s32 s31, s25;
	s28 =	sadd.s32 s25, s9  }
0x1b0: {  	[spmem:s18@s6], [sflag:s17] =	dma.strided [hbm:s26@s6], $0xE00, s4, $0x10   }
0x1b1: {  	[spmem:s11@s6], [sflag:s17] =	dma.strided [hbm:s28@s6], $0xE00, s4, $0x10   }
0x1b2: {  	_ =	swait.ge [sflag:s10], $0xE00  }
0x1b3: {  	[sflag:s10] =	ssyncset.done $0x0  }
0x1b4: {  	[sflag:s10] =	ssyncadd.s32 $0xFFFFF200  }
0x1b5: {  	_ =	swait.ge [sflag:s10], $0xE00  }
0x1b6: {  	s29 =	sld [smem:$0x7F4]  }
0x1b7: {  	[sflag:s10] =	ssyncset.done $0x0  }
0x1b8: {  	[sflag:s10] =	ssyncadd.s32 $0xFFFFF200  }
0x1b9: {  	[hbm:s29@s6], [sflag:s21] =	dma.strided [spmem:s8@s6], $0xE00, s4, $0x10   }
0x1ba: {  	s0 =	sld [smem:$0x7F5];
	_ =	sdelay $0x2  }
0x1bb: {  	[hbm:s0@s6], [sflag:s21] =	dma.strided [spmem:s7@s6], $0xE00, s4, $0x10   }
0x1bc: {  	_ =	swait.ge [sflag:s3], $0xE00  }
0x1bd: {  	[sflag:s3] =	ssyncset.done $0x0  }
0x1be: {  	[sflag:s3] =	ssyncadd.s32 $0xFFFFF200  }
0x1bf: {  	_ =	swait.ge [sflag:s3], $0xE00  }
0x1c0: {  	s30 =	sld [smem:$0x7E6];
	_ =	sdelay $0x1  }
0x1c1: {  	[sflag:s3] =	ssyncset.done $0x0  }
0x1c2: {  	[sflag:s3] =	ssyncadd.s32 $0xFFFFF200;
	s13 =	sadd.s32 s31, s30;
	s14 =	sadd.s32 s30, s9  }
0x1c3: {  	[spmem:s8@s6], [sflag:s19] =	dma.strided [hbm:s13@s6], $0xE00, s4, $0x10   }
0x1c4: {  	[spmem:s7@s6], [sflag:s19] =	dma.strided [hbm:s14@s6], $0xE00, s4, $0x10   }
0x1c5: {  	_ =	swait.ge [sflag:s12], $0xE00  }
0x1c6: {  	[sflag:s12] =	ssyncset.done $0x0  }
0x1c7: {  	[sflag:s12] =	ssyncadd.s32 $0xFFFFF200  }
0x1c8: {  	_ =	swait.ge [sflag:s12], $0xE00  }
0x1c9: {  	s15 =	sld [smem:$0x7F6]  }
0x1ca: {  	[sflag:s12] =	ssyncset.done $0x0  }
0x1cb: {  	[sflag:s12] =	ssyncadd.s32 $0xFFFFF200  }
0x1cc: {  	[hbm:s15@s6], [sflag:s20] =	dma.strided [spmem:s18@s6], $0xE00, s4, $0x10   }
0x1cd: {  	s0 =	sld [smem:$0x7F7];
	_ =	sdelay $0x2  }
0x1ce: {  	[hbm:s0@s6], [sflag:s20] =	dma.strided [spmem:s11@s6], $0xE00, s4, $0x10   }
0x1cf: {  	_ =	swait.ge [sflag:s5], $0xE00  }
0x1d0: {  	[sflag:s5] =	ssyncset.done $0x0  }
0x1d1: {  	[sflag:s5] =	ssyncadd.s32 $0xFFFFF200  }
0x1d2: {  	_ =	swait.ge [sflag:s5], $0xE00  }
0x1d3: {  	s16 =	sld [smem:$0x7E7];
	_ =	sdelay $0x1  }
0x1d4: {  	[sflag:s5] =	ssyncset.done $0x0  }
0x1d5: {  	[sflag:s5] =	ssyncadd.s32 $0xFFFFF200;
	s22 =	sadd.s32 s31, s16;
	s23 =	sadd.s32 s16, s9  }
0x1d6: {  	[spmem:s18@s6], [sflag:s17] =	dma.strided [hbm:s22@s6], $0xE00, s4, $0x10   }
0x1d7: {  	[spmem:s11@s6], [sflag:s17] =	dma.strided [hbm:s23@s6], $0xE00, s4, $0x10   }
0x1d8: {  	_ =	swait.ge [sflag:s10], $0xE00  }
0x1d9: {  	[sflag:s10] =	ssyncset.done $0x0  }
0x1da: {  	[sflag:s10] =	ssyncadd.s32 $0xFFFFF200  }
0x1db: {  	_ =	swait.ge [sflag:s10], $0xE00  }
0x1dc: {  	s24 =	sld [smem:$0x7F8]  }
0x1dd: {  	[sflag:s10] =	ssyncset.done $0x0  }
0x1de: {  	[sflag:s10] =	ssyncadd.s32 $0xFFFFF200  }
0x1df: {  	[hbm:s24@s6], [sflag:s21] =	dma.strided [spmem:s8@s6], $0xE00, s4, $0x10   }
0x1e0: {  	s0 =	sld [smem:$0x7F9];
	_ =	sdelay $0x2  }
0x1e1: {  	[hbm:s0@s6], [sflag:s21] =	dma.strided [spmem:s7@s6], $0xE00, s4, $0x10   }
0x1e2: {  	_ =	swait.ge [sflag:s3], $0xE00  }
0x1e3: {  	[sflag:s3] =	ssyncset.done $0x0  }
0x1e4: {  	[sflag:s3] =	ssyncadd.s32 $0xFFFFF200  }
0x1e5: {  	_ =	swait.ge [sflag:s3], $0xE00  }
0x1e6: {  	[sflag:s3] =	ssyncset.done $0x0  }
0x1e7: {  	s25 =	sadd.s32 s31, s1;
	s26 =	sadd.s32 s1, s9;
	[sflag:s3] =	ssyncadd.s32 $0xFFFFF200  }
0x1e8: {  	[spmem:s8@s6], [sflag:s19] =	dma.strided [hbm:s25@s6], $0xE00, s4, $0x10   }
0x1e9: {  	[spmem:s7@s6], [sflag:s19] =	dma.strided [hbm:s26@s6], $0xE00, s4, $0x10   }
0x1ea: {  	_ =	swait.ge [sflag:s12], $0xE00  }
0x1eb: {  	[sflag:s12] =	ssyncset.done $0x0  }
0x1ec: {  	[sflag:s12] =	ssyncadd.s32 $0xFFFFF200  }
0x1ed: {  	_ =	swait.ge [sflag:s12], $0xE00  }
0x1ee: {  	s28 =	sld [smem:$0x7FA]  }
0x1ef: {  	[sflag:s12] =	ssyncset.done $0x0  }
0x1f0: {  	[sflag:s12] =	ssyncadd.s32 $0xFFFFF200  }
0x1f1: {  	[hbm:s28@s6], [sflag:s20] =	dma.strided [spmem:s18@s6], $0xE00, s4, $0x10   }
0x1f2: {  	s0 =	sld [smem:$0x7FB];
	_ =	sdelay $0x2  }
0x1f3: {  	[hbm:s0@s6], [sflag:s20] =	dma.strided [spmem:s11@s6], $0xE00, s4, $0x10   }
0x1f4: {  	_ =	swait.ge [sflag:s10], $0xE00  }
0x1f5: {  	[sflag:s10] =	ssyncset.done $0x0  }
0x1f6: {  	[sflag:s10] =	ssyncadd.s32 $0xFFFFF200  }
0x1f7: {  	_ =	swait.ge [sflag:s10], $0xE00  }
0x1f8: {  	s29 =	sld [smem:$0x7FC]  }
0x1f9: {  	[sflag:s10] =	ssyncset.done $0x0  }
0x1fa: {  	[sflag:s10] =	ssyncadd.s32 $0xFFFFF200  }
0x1fb: {  	[hbm:s29@s6], [sflag:s21] =	dma.strided [spmem:s8@s6], $0xE00, s4, $0x10   }
0x1fc: {  	s0 =	sld [smem:$0x7FD];
	_ =	sdelay $0x2  }
0x1fd: {  	[hbm:s0@s6], [sflag:s21] =	dma.strided [spmem:s7@s6], $0xE00, s4, $0x10   }
0x1fe: {  	_ =	swait.ge [sflag:s5], $0xE00  }
0x1ff: {  	[sflag:s5] =	ssyncset.done $0x0  }
0x200: {  	[sflag:s5] =	ssyncadd.s32 $0xFFFFF200  }
0x201: {  	_ =	swait.ge [sflag:s5], $0xE00  }
0x202: {  	s30 =	sld [smem:$0x7E8];
	_ =	sdelay $0x2  }
0x203: {  	p1 =	sne.s32 s30, $0x1  }
.Ltmp1:
0x204: {  	_ = 	snop;
	(pc) =	sbr.rel @!p1 .LBB2_2-.Ltmp1, $4  }
0x205: {  	[sflag:s5] =	ssyncset.done $0x0  }
0x206: {  	[sflag:s5] =	ssyncadd.s32 $0xFFFFF200  }
0x207: {  	_ =	swait.ge [sflag:s3], $0xE00  }
0x208: {  	p0 =	por $0x1, $0x1;
	s22 =	sadd.s32 $0xFFFFFFFF, s30;
	[sflag:s3] =	ssyncset.done $0x0  }
.LBB2_3:
0x209: {  	[sflag:s3] =	ssyncadd.s32 $0xFFFFF200  }
0x20a: {  	_ =	swait.ge [sflag:s3], $0xE00  }
0x20b: {  	s1 =	simm.s32 $0x0;
	[sflag:s3] =	ssyncset.done $0x0  }
0x20c: {  	s2 =	simm.s32 $0x5;
	s0 =	rddreg [dreg:$0x5];
	[sflag:s3] =	ssyncadd.s32 $0xFFFFF200  }
0x20d: {  	[tilespmem:s1], [sflag:$0x5] =	stream.linear.gather [hbm4b:s0+s1], $0x80, $0x38;
	[tilespmem:$0x18880] =	vst v63  }
0x20e: {  	_ =	swait.ge [sflag:s2], $0x80  }
0x20f: {  	[sflag:s2] =	ssyncset.done $0x0  }
0x210: {  	[sflag:s2] =	ssyncadd.s32 $0xFFFFFF80  }
0x211: {  	v0 =	vld [tilespmem:$0x0];
	_ =	sdelay $0x4  }
0x212: {  	v0 =	vmul.u32 $0xE000, v0;
	_ =	sdelay $0x1  }
0x213: {  	v0 =	vshrl.u32 v0, $0x3  }
0x214: {  	(v2sf) =	vpush v0, $0x0  }
0x215: {  	(v2sf) =	vpush v0, $0x1;
	_ =	sdelay $0x1  }
0x216: {  	(v2sf) =	vpush v0, $0x2;
	_ =	sdelay $0x4  }
0x217: {  	(v2sf) =	vpush v0, $0x3  }
0x218: {  	(v2sf) =	vpush v0, $0x4  }
0x219: {  	(v2sf) =	vpush v0, $0x5  }
0x21a: {  	(v2sf) =	vpush v0, $0x6  }
0x21b: {  	(v2sf) =	vpush v0, $0x7  }
0x21c: {  	(v2sf) =	vpush v0, $0x8  }
0x21d: {  	(v2sf) =	vpush v0, $0x9  }
0x21e: {  	s13 =	spop (v2sf);
	(v2sf) =	vpush v0, $0xA  }
0x21f: {  	s14 =	sadd.s32 s31, s13;
	s2 =	spop (v2sf);
	(v2sf) =	vpush v0, $0xB  }
0x220: {  	v1 =	vld [tilespmem:$0x10];
	[spmem:s18@s6], [sflag:s17] =	dma.strided [hbm:s14@s6], $0xE00, s4, $0x10   }
0x221: {  	s0 =	sadd.s32 s13, s9;
	s30 =	spop (v2sf);
	(v2sf) =	vpush v0, $0xC  }
0x222: {  	[spmem:s11@s6], [sflag:s17] =	dma.strided [hbm:s0@s6], $0xE00, s4, $0x10   }
0x223: {  	s15 =	sadd.s32 s31, s2;
	(v2sf) =	vpush v0, $0xD  }
0x224: {  	[spmem:s8@s6], [sflag:s19] =	dma.strided [hbm:s15@s6], $0xE00, s4, $0x10   }
0x225: {  	s2 =	sadd.s32 s2, s9;
	(v2sf) =	vpush v0, $0xE  }
0x226: {  	[spmem:s7@s6], [sflag:s19] =	dma.strided [hbm:s2@s6], $0xE00, s4, $0x10   }
0x227: {  	v1 =	vmul.u32 $0xE000, v1;
	(v2sf) =	vpush v0, $0xF  }
0x228: {  	_ =	swait.ge [sflag:s12], $0xE00  }
0x229: {  	v1 =	vshrl.u32 v1, $0x3;
	s29 =	spop (v2sf)  }
0x22a: {  	(v2sf) =	vpush v1, $0x0;
	[sflag:s12] =	ssyncset.done $0x0;
	s28 =	spop (v2sf)  }
0x22b: {  	(v2sf) =	vpush v1, $0x1;
	[sflag:s12] =	ssyncadd.s32 $0xFFFFF200;
	s26 =	spop (v2sf)  }
0x22c: {  	_ =	swait.ge [sflag:s12], $0xE00  }
0x22d: {  	s25 =	spop (v2sf);
	s16 =	sld [smem:$0x7E0]  }
0x22e: {  	[sflag:s12] =	ssyncset.done $0x0;
	s24 =	spop (v2sf);
	(v2sf) =	vpush v1, $0x2  }
0x22f: {  	[sflag:s12] =	ssyncadd.s32 $0xFFFFF200;
	s23 =	spop (v2sf);
	(v2sf) =	vpush v1, $0x3  }
0x230: {  	[hbm:s16@s6], [sflag:s20] =	dma.strided [spmem:s18@s6], $0xE00, s4, $0x10   }
0x231: {  	(v2sf) =	vpush v1, $0x4  }
0x232: {  	s2 =	spop (v2sf);
	(v2sf) =	vpush v1, $0x5  }
0x233: {  	s16 =	spop (v2sf);
	(v2sf) =	vpush v1, $0x6  }
0x234: {  	s0 =	rddreg [dreg:$0x6];
	s13 =	spop (v2sf);
	(v2sf) =	vpush v1, $0x7  }
0x235: {  	[hbm:s0@s6], [sflag:s20] =	dma.strided [spmem:s11@s6], $0xE00, s4, $0x10   }
0x236: {  	_ =	swait.ge [sflag:s5], $0xE00  }
0x237: {  	s14 =	spop (v2sf)  }
0x238: {  	s15 =	spop (v2sf)  }
0x239: {  	[sflag:s5] =	ssyncset.done $0x0;
	s1 =	spop (v2sf)  }
0x23a: {  	[sflag:s5] =	ssyncadd.s32 $0xFFFFF200;
	[smem:$0x7D5] =	sst s1  }
0x23b: {  	_ =	swait.ge [sflag:s5], $0xE00  }
0x23c: {  	s1 =	spop (v2sf)  }
0x23d: {  	s0 =	sadd.s32 s31, s30;
	[smem:$0x7D6] =	sst s1;
	s1 =	spop (v2sf)  }
0x23e: {  	[sflag:s5] =	ssyncset.done $0x0;
	[smem:$0x7D7] =	sst s1;
	s1 =	spop (v2sf)  }
0x23f: {  	s30 =	sadd.s32 s30, s9;
	[sflag:s5] =	ssyncadd.s32 $0xFFFFF200;
	[smem:$0x7D8] =	sst s1  }
0x240: {  	[spmem:s18@s6], [sflag:s17] =	dma.strided [hbm:s0@s6], $0xE00, s4, $0x10   }
0x241: {  	[spmem:s11@s6], [sflag:s17] =	dma.strided [hbm:s30@s6], $0xE00, s4, $0x10   }
0x242: {  	_ =	swait.ge [sflag:s10], $0xE00  }
0x243: {  	s1 =	spop (v2sf)  }
0x244: {  	[smem:$0x7D9] =	sst s1;
	s30 =	spop (v2sf)  }
0x245: {  	[sflag:s10] =	ssyncset.done $0x0;
	[smem:$0x7DA] =	sst s30;
	s1 =	spop (v2sf)  }
0x246: {  	[sflag:s10] =	ssyncadd.s32 $0xFFFFF200;
	[smem:$0x7DB] =	sst s1  }
0x247: {  	_ =	swait.ge [sflag:s10], $0xE00  }
0x248: {  	s30 =	spop (v2sf)  }
0x249: {  	[smem:$0x7DC] =	sst s30  }
0x24a: {  	s30 =	rddreg [dreg:$0x7];
	s1 =	spop (v2sf)  }
0x24b: {  	[sflag:s10] =	ssyncset.done $0x0;
	[smem:$0x7DD] =	sst s1;
	s1 =	spop (v2sf)  }
0x24c: {  	[sflag:s10] =	ssyncadd.s32 $0xFFFFF200;
	[smem:$0x7DE] =	sst s1  }
0x24d: {  	[hbm:s30@s6], [sflag:s21] =	dma.strided [spmem:s8@s6], $0xE00, s4, $0x10   }
0x24e: {  	s30 =	rddreg [dreg:$0x8]  }
0x24f: {  	[hbm:s30@s6], [sflag:s21] =	dma.strided [spmem:s7@s6], $0xE00, s4, $0x10   }
0x250: {  	_ =	swait.ge [sflag:s3], $0xE00  }
0x251: {  	[sflag:s3] =	ssyncset.done $0x0  }
0x252: {  	[sflag:s3] =	ssyncadd.s32 $0xFFFFF200  }
0x253: {  	_ =	swait.ge [sflag:s3], $0xE00  }
0x254: {  	[sflag:s3] =	ssyncset.done $0x0  }
0x255: {  	s1 =	sadd.s32 s31, s29;
	s29 =	sadd.s32 s29, s9;
	[sflag:s3] =	ssyncadd.s32 $0xFFFFF200  }
0x256: {  	[spmem:s8@s6], [sflag:s19] =	dma.strided [hbm:s1@s6], $0xE00, s4, $0x10   }
0x257: {  	[spmem:s7@s6], [sflag:s19] =	dma.strided [hbm:s29@s6], $0xE00, s4, $0x10   }
0x258: {  	_ =	swait.ge [sflag:s12], $0xE00  }
0x259: {  	[sflag:s12] =	ssyncset.done $0x0  }
0x25a: {  	[sflag:s12] =	ssyncadd.s32 $0xFFFFF200  }
0x25b: {  	_ =	swait.ge [sflag:s12], $0xE00  }
0x25c: {  	[sflag:s12] =	ssyncset.done $0x0  }
0x25d: {  	s0 =	rddreg [dreg:$0x9];
	[sflag:s12] =	ssyncadd.s32 $0xFFFFF200  }
0x25e: {  	[hbm:s0@s6], [sflag:s20] =	dma.strided [spmem:s18@s6], $0xE00, s4, $0x10   }
0x25f: {  	s29 =	rddreg [dreg:$0xa]  }
0x260: {  	[hbm:s29@s6], [sflag:s20] =	dma.strided [spmem:s11@s6], $0xE00, s4, $0x10   }
0x261: {  	_ =	swait.ge [sflag:s5], $0xE00  }
0x262: {  	[sflag:s5] =	ssyncset.done $0x0  }
0x263: {  	[sflag:s5] =	ssyncadd.s32 $0xFFFFF200  }
0x264: {  	_ =	swait.ge [sflag:s5], $0xE00  }
0x265: {  	[sflag:s5] =	ssyncset.done $0x0  }
0x266: {  	s1 =	sadd.s32 s31, s28;
	s28 =	sadd.s32 s28, s9;
	[sflag:s5] =	ssyncadd.s32 $0xFFFFF200  }
0x267: {  	[spmem:s18@s6], [sflag:s17] =	dma.strided [hbm:s1@s6], $0xE00, s4, $0x10   }
0x268: {  	[spmem:s11@s6], [sflag:s17] =	dma.strided [hbm:s28@s6], $0xE00, s4, $0x10   }
0x269: {  	_ =	swait.ge [sflag:s10], $0xE00  }
0x26a: {  	[sflag:s10] =	ssyncset.done $0x0  }
0x26b: {  	[sflag:s10] =	ssyncadd.s32 $0xFFFFF200  }
0x26c: {  	_ =	swait.ge [sflag:s10], $0xE00  }
0x26d: {  	[sflag:s10] =	ssyncset.done $0x0  }
0x26e: {  	s29 =	rddreg [dreg:$0xb];
	[sflag:s10] =	ssyncadd.s32 $0xFFFFF200  }
0x26f: {  	[hbm:s29@s6], [sflag:s21] =	dma.strided [spmem:s8@s6], $0xE00, s4, $0x10   }
0x270: {  	s28 =	rddreg [dreg:$0xc]  }
0x271: {  	[hbm:s28@s6], [sflag:s21] =	dma.strided [spmem:s7@s6], $0xE00, s4, $0x10   }
0x272: {  	_ =	swait.ge [sflag:s3], $0xE00  }
0x273: {  	[sflag:s3] =	ssyncset.done $0x0  }
0x274: {  	[sflag:s3] =	ssyncadd.s32 $0xFFFFF200  }
0x275: {  	_ =	swait.ge [sflag:s3], $0xE00  }
0x276: {  	[sflag:s3] =	ssyncset.done $0x0  }
0x277: {  	s30 =	sadd.s32 s31, s26;
	s26 =	sadd.s32 s26, s9;
	[sflag:s3] =	ssyncadd.s32 $0xFFFFF200  }
0x278: {  	[spmem:s8@s6], [sflag:s19] =	dma.strided [hbm:s30@s6], $0xE00, s4, $0x10   }
0x279: {  	[spmem:s7@s6], [sflag:s19] =	dma.strided [hbm:s26@s6], $0xE00, s4, $0x10   }
0x27a: {  	_ =	swait.ge [sflag:s12], $0xE00  }
0x27b: {  	[sflag:s12] =	ssyncset.done $0x0  }
0x27c: {  	[sflag:s12] =	ssyncadd.s32 $0xFFFFF200  }
0x27d: {  	_ =	swait.ge [sflag:s12], $0xE00  }
0x27e: {  	[sflag:s12] =	ssyncset.done $0x0  }
0x27f: {  	s0 =	rddreg [dreg:$0xd];
	[sflag:s12] =	ssyncadd.s32 $0xFFFFF200  }
0x280: {  	[hbm:s0@s6], [sflag:s20] =	dma.strided [spmem:s18@s6], $0xE00, s4, $0x10   }
0x281: {  	s26 =	rddreg [dreg:$0xe]  }
0x282: {  	[hbm:s26@s6], [sflag:s20] =	dma.strided [spmem:s11@s6], $0xE00, s4, $0x10   }
0x283: {  	_ =	swait.ge [sflag:s5], $0xE00  }
0x284: {  	[sflag:s5] =	ssyncset.done $0x0  }
0x285: {  	[sflag:s5] =	ssyncadd.s32 $0xFFFFF200  }
0x286: {  	_ =	swait.ge [sflag:s5], $0xE00  }
0x287: {  	[sflag:s5] =	ssyncset.done $0x0  }
0x288: {  	s1 =	sadd.s32 s31, s25;
	s25 =	sadd.s32 s25, s9;
	[sflag:s5] =	ssyncadd.s32 $0xFFFFF200  }
0x289: {  	[spmem:s18@s6], [sflag:s17] =	dma.strided [hbm:s1@s6], $0xE00, s4, $0x10   }
0x28a: {  	[spmem:s11@s6], [sflag:s17] =	dma.strided [hbm:s25@s6], $0xE00, s4, $0x10   }
0x28b: {  	_ =	swait.ge [sflag:s10], $0xE00  }
0x28c: {  	[sflag:s10] =	ssyncset.done $0x0  }
0x28d: {  	[sflag:s10] =	ssyncadd.s32 $0xFFFFF200  }
0x28e: {  	_ =	swait.ge [sflag:s10], $0xE00  }
0x28f: {  	[sflag:s10] =	ssyncset.done $0x0  }
0x290: {  	s28 =	rddreg [dreg:$0xf];
	[sflag:s10] =	ssyncadd.s32 $0xFFFFF200  }
0x291: {  	[hbm:s28@s6], [sflag:s21] =	dma.strided [spmem:s8@s6], $0xE00, s4, $0x10   }
0x292: {  	s25 =	rddreg [dreg:$0x10]  }
0x293: {  	[hbm:s25@s6], [sflag:s21] =	dma.strided [spmem:s7@s6], $0xE00, s4, $0x10   }
0x294: {  	_ =	swait.ge [sflag:s3], $0xE00  }
0x295: {  	[sflag:s3] =	ssyncset.done $0x0  }
0x296: {  	[sflag:s3] =	ssyncadd.s32 $0xFFFFF200  }
0x297: {  	_ =	swait.ge [sflag:s3], $0xE00  }
0x298: {  	[sflag:s3] =	ssyncset.done $0x0  }
0x299: {  	s29 =	sadd.s32 s31, s24;
	s24 =	sadd.s32 s24, s9;
	[sflag:s3] =	ssyncadd.s32 $0xFFFFF200  }
0x29a: {  	[spmem:s8@s6], [sflag:s19] =	dma.strided [hbm:s29@s6], $0xE00, s4, $0x10   }
0x29b: {  	[spmem:s7@s6], [sflag:s19] =	dma.strided [hbm:s24@s6], $0xE00, s4, $0x10   }
0x29c: {  	_ =	swait.ge [sflag:s12], $0xE00  }
0x29d: {  	[sflag:s12] =	ssyncset.done $0x0  }
0x29e: {  	[sflag:s12] =	ssyncadd.s32 $0xFFFFF200  }
0x29f: {  	_ =	swait.ge [sflag:s12], $0xE00  }
0x2a0: {  	[sflag:s12] =	ssyncset.done $0x0  }
0x2a1: {  	s30 =	rddreg [dreg:$0x11];
	[sflag:s12] =	ssyncadd.s32 $0xFFFFF200  }
0x2a2: {  	[hbm:s30@s6], [sflag:s20] =	dma.strided [spmem:s18@s6], $0xE00, s4, $0x10   }
0x2a3: {  	s24 =	rddreg [dreg:$0x12]  }
0x2a4: {  	[hbm:s24@s6], [sflag:s20] =	dma.strided [spmem:s11@s6], $0xE00, s4, $0x10   }
0x2a5: {  	_ =	swait.ge [sflag:s5], $0xE00  }
0x2a6: {  	[sflag:s5] =	ssyncset.done $0x0  }
0x2a7: {  	[sflag:s5] =	ssyncadd.s32 $0xFFFFF200  }
0x2a8: {  	_ =	swait.ge [sflag:s5], $0xE00  }
0x2a9: {  	[sflag:s5] =	ssyncset.done $0x0  }
0x2aa: {  	s0 =	sadd.s32 s31, s23;
	s23 =	sadd.s32 s23, s9;
	[sflag:s5] =	ssyncadd.s32 $0xFFFFF200  }
0x2ab: {  	[spmem:s18@s6], [sflag:s17] =	dma.strided [hbm:s0@s6], $0xE00, s4, $0x10   }
0x2ac: {  	[spmem:s11@s6], [sflag:s17] =	dma.strided [hbm:s23@s6], $0xE00, s4, $0x10   }
0x2ad: {  	_ =	swait.ge [sflag:s10], $0xE00  }
0x2ae: {  	[sflag:s10] =	ssyncset.done $0x0  }
0x2af: {  	[sflag:s10] =	ssyncadd.s32 $0xFFFFF200  }
0x2b0: {  	_ =	swait.ge [sflag:s10], $0xE00  }
0x2b1: {  	[sflag:s10] =	ssyncset.done $0x0  }
0x2b2: {  	s1 =	rddreg [dreg:$0x13];
	[sflag:s10] =	ssyncadd.s32 $0xFFFFF200  }
0x2b3: {  	[hbm:s1@s6], [sflag:s21] =	dma.strided [spmem:s8@s6], $0xE00, s4, $0x10   }
0x2b4: {  	s23 =	rddreg [dreg:$0x14]  }
0x2b5: {  	[hbm:s23@s6], [sflag:s21] =	dma.strided [spmem:s7@s6], $0xE00, s4, $0x10   }
0x2b6: {  	_ =	swait.ge [sflag:s3], $0xE00  }
0x2b7: {  	[sflag:s3] =	ssyncset.done $0x0  }
0x2b8: {  	[sflag:s3] =	ssyncadd.s32 $0xFFFFF200  }
0x2b9: {  	_ =	swait.ge [sflag:s3], $0xE00  }
0x2ba: {  	[sflag:s3] =	ssyncset.done $0x0  }
0x2bb: {  	s24 =	sadd.s32 s31, s2;
	s2 =	sadd.s32 s2, s9;
	[sflag:s3] =	ssyncadd.s32 $0xFFFFF200  }
0x2bc: {  	[spmem:s8@s6], [sflag:s19] =	dma.strided [hbm:s24@s6], $0xE00, s4, $0x10   }
0x2bd: {  	[spmem:s7@s6], [sflag:s19] =	dma.strided [hbm:s2@s6], $0xE00, s4, $0x10   }
0x2be: {  	_ =	swait.ge [sflag:s12], $0xE00  }
0x2bf: {  	[sflag:s12] =	ssyncset.done $0x0  }
0x2c0: {  	[sflag:s12] =	ssyncadd.s32 $0xFFFFF200  }
0x2c1: {  	_ =	swait.ge [sflag:s12], $0xE00  }
0x2c2: {  	[sflag:s12] =	ssyncset.done $0x0  }
0x2c3: {  	s25 =	rddreg [dreg:$0x15];
	[sflag:s12] =	ssyncadd.s32 $0xFFFFF200  }
0x2c4: {  	[hbm:s25@s6], [sflag:s20] =	dma.strided [spmem:s18@s6], $0xE00, s4, $0x10   }
0x2c5: {  	s2 =	rddreg [dreg:$0x16]  }
0x2c6: {  	[hbm:s2@s6], [sflag:s20] =	dma.strided [spmem:s11@s6], $0xE00, s4, $0x10   }
0x2c7: {  	_ =	swait.ge [sflag:s5], $0xE00  }
0x2c8: {  	[sflag:s5] =	ssyncset.done $0x0  }
0x2c9: {  	[sflag:s5] =	ssyncadd.s32 $0xFFFFF200  }
0x2ca: {  	_ =	swait.ge [sflag:s5], $0xE00  }
0x2cb: {  	[sflag:s5] =	ssyncset.done $0x0  }
0x2cc: {  	s26 =	sadd.s32 s31, s16;
	s16 =	sadd.s32 s16, s9;
	[sflag:s5] =	ssyncadd.s32 $0xFFFFF200  }
0x2cd: {  	[spmem:s18@s6], [sflag:s17] =	dma.strided [hbm:s26@s6], $0xE00, s4, $0x10   }
0x2ce: {  	[spmem:s11@s6], [sflag:s17] =	dma.strided [hbm:s16@s6], $0xE00, s4, $0x10   }
0x2cf: {  	_ =	swait.ge [sflag:s10], $0xE00  }
0x2d0: {  	[sflag:s10] =	ssyncset.done $0x0  }
0x2d1: {  	[sflag:s10] =	ssyncadd.s32 $0xFFFFF200  }
0x2d2: {  	_ =	swait.ge [sflag:s10], $0xE00  }
0x2d3: {  	[sflag:s10] =	ssyncset.done $0x0  }
0x2d4: {  	s28 =	rddreg [dreg:$0x17];
	[sflag:s10] =	ssyncadd.s32 $0xFFFFF200  }
0x2d5: {  	[hbm:s28@s6], [sflag:s21] =	dma.strided [spmem:s8@s6], $0xE00, s4, $0x10   }
0x2d6: {  	s2 =	rddreg [dreg:$0x18]  }
0x2d7: {  	[hbm:s2@s6], [sflag:s21] =	dma.strided [spmem:s7@s6], $0xE00, s4, $0x10   }
0x2d8: {  	_ =	swait.ge [sflag:s3], $0xE00  }
0x2d9: {  	[sflag:s3] =	ssyncset.done $0x0  }
0x2da: {  	[sflag:s3] =	ssyncadd.s32 $0xFFFFF200  }
0x2db: {  	_ =	swait.ge [sflag:s3], $0xE00  }
0x2dc: {  	[sflag:s3] =	ssyncset.done $0x0  }
0x2dd: {  	s29 =	sadd.s32 s31, s13;
	s13 =	sadd.s32 s13, s9;
	[sflag:s3] =	ssyncadd.s32 $0xFFFFF200  }
0x2de: {  	[spmem:s8@s6], [sflag:s19] =	dma.strided [hbm:s29@s6], $0xE00, s4, $0x10   }
0x2df: {  	[spmem:s7@s6], [sflag:s19] =	dma.strided [hbm:s13@s6], $0xE00, s4, $0x10   }
0x2e0: {  	_ =	swait.ge [sflag:s12], $0xE00  }
0x2e1: {  	[sflag:s12] =	ssyncset.done $0x0  }
0x2e2: {  	[sflag:s12] =	ssyncadd.s32 $0xFFFFF200  }
0x2e3: {  	_ =	swait.ge [sflag:s12], $0xE00  }
0x2e4: {  	[sflag:s12] =	ssyncset.done $0x0  }
0x2e5: {  	s30 =	rddreg [dreg:$0x19];
	[sflag:s12] =	ssyncadd.s32 $0xFFFFF200  }
0x2e6: {  	[hbm:s30@s6], [sflag:s20] =	dma.strided [spmem:s18@s6], $0xE00, s4, $0x10   }
0x2e7: {  	s2 =	rddreg [dreg:$0x1a]  }
0x2e8: {  	[hbm:s2@s6], [sflag:s20] =	dma.strided [spmem:s11@s6], $0xE00, s4, $0x10   }
0x2e9: {  	_ =	swait.ge [sflag:s5], $0xE00  }
0x2ea: {  	[sflag:s5] =	ssyncset.done $0x0  }
0x2eb: {  	[sflag:s5] =	ssyncadd.s32 $0xFFFFF200  }
0x2ec: {  	_ =	swait.ge [sflag:s5], $0xE00  }
0x2ed: {  	[sflag:s5] =	ssyncset.done $0x0  }
0x2ee: {  	s0 =	sadd.s32 s31, s14;
	s1 =	sadd.s32 s14, s9;
	[sflag:s5] =	ssyncadd.s32 $0xFFFFF200  }
0x2ef: {  	[spmem:s18@s6], [sflag:s17] =	dma.strided [hbm:s0@s6], $0xE00, s4, $0x10   }
0x2f0: {  	[spmem:s11@s6], [sflag:s17] =	dma.strided [hbm:s1@s6], $0xE00, s4, $0x10   }
0x2f1: {  	_ =	swait.ge [sflag:s10], $0xE00  }
0x2f2: {  	[sflag:s10] =	ssyncset.done $0x0  }
0x2f3: {  	[sflag:s10] =	ssyncadd.s32 $0xFFFFF200  }
0x2f4: {  	_ =	swait.ge [sflag:s10], $0xE00  }
0x2f5: {  	[sflag:s10] =	ssyncset.done $0x0  }
0x2f6: {  	s14 =	rddreg [dreg:$0x1b];
	[sflag:s10] =	ssyncadd.s32 $0xFFFFF200  }
0x2f7: {  	[hbm:s14@s6], [sflag:s21] =	dma.strided [spmem:s8@s6], $0xE00, s4, $0x10   }
0x2f8: {  	s2 =	rddreg [dreg:$0x1c]  }
0x2f9: {  	[hbm:s2@s6], [sflag:s21] =	dma.strided [spmem:s7@s6], $0xE00, s4, $0x10   }
0x2fa: {  	_ =	swait.ge [sflag:s3], $0xE00  }
0x2fb: {  	[sflag:s3] =	ssyncset.done $0x0  }
0x2fc: {  	[sflag:s3] =	ssyncadd.s32 $0xFFFFF200  }
0x2fd: {  	_ =	swait.ge [sflag:s3], $0xE00  }
0x2fe: {  	[sflag:s3] =	ssyncset.done $0x0  }
0x2ff: {  	s23 =	sadd.s32 s15, s9;
	s16 =	sadd.s32 s31, s15;
	[sflag:s3] =	ssyncadd.s32 $0xFFFFF200  }
0x300: {  	[spmem:s8@s6], [sflag:s19] =	dma.strided [hbm:s16@s6], $0xE00, s4, $0x10   }
0x301: {  	[spmem:s7@s6], [sflag:s19] =	dma.strided [hbm:s23@s6], $0xE00, s4, $0x10   }
0x302: {  	_ =	swait.ge [sflag:s12], $0xE00  }
0x303: {  	[sflag:s12] =	ssyncset.done $0x0  }
0x304: {  	[sflag:s12] =	ssyncadd.s32 $0xFFFFF200  }
0x305: {  	_ =	swait.ge [sflag:s12], $0xE00  }
0x306: {  	[sflag:s12] =	ssyncset.done $0x0  }
0x307: {  	s24 =	rddreg [dreg:$0x1d];
	[sflag:s12] =	ssyncadd.s32 $0xFFFFF200  }
0x308: {  	[hbm:s24@s6], [sflag:s20] =	dma.strided [spmem:s18@s6], $0xE00, s4, $0x10   }
0x309: {  	s2 =	rddreg [dreg:$0x1e]  }
0x30a: {  	[hbm:s2@s6], [sflag:s20] =	dma.strided [spmem:s11@s6], $0xE00, s4, $0x10   }
0x30b: {  	_ =	swait.ge [sflag:s5], $0xE00  }
0x30c: {  	[sflag:s5] =	ssyncset.done $0x0  }
0x30d: {  	[sflag:s5] =	ssyncadd.s32 $0xFFFFF200  }
0x30e: {  	_ =	swait.ge [sflag:s5], $0xE00  }
0x30f: {  	s25 =	sld [smem:$0x7D5];
	_ =	sdelay $0x1  }
0x310: {  	[sflag:s5] =	ssyncset.done $0x0  }
0x311: {  	[sflag:s5] =	ssyncadd.s32 $0xFFFFF200;
	s26 =	sadd.s32 s31, s25;
	s0 =	sadd.s32 s25, s9  }
0x312: {  	[spmem:s18@s6], [sflag:s17] =	dma.strided [hbm:s26@s6], $0xE00, s4, $0x10   }
0x313: {  	[spmem:s11@s6], [sflag:s17] =	dma.strided [hbm:s0@s6], $0xE00, s4, $0x10   }
0x314: {  	_ =	swait.ge [sflag:s10], $0xE00  }
0x315: {  	[sflag:s10] =	ssyncset.done $0x0  }
0x316: {  	[sflag:s10] =	ssyncadd.s32 $0xFFFFF200  }
0x317: {  	_ =	swait.ge [sflag:s10], $0xE00  }
0x318: {  	[sflag:s10] =	ssyncset.done $0x0  }
0x319: {  	s28 =	rddreg [dreg:$0x1f];
	[sflag:s10] =	ssyncadd.s32 $0xFFFFF200  }
0x31a: {  	[hbm:s28@s6], [sflag:s21] =	dma.strided [spmem:s8@s6], $0xE00, s4, $0x10   }
0x31b: {  	s0 =	sld [smem:$0x7E9];
	_ =	sdelay $0x2  }
0x31c: {  	[hbm:s0@s6], [sflag:s21] =	dma.strided [spmem:s7@s6], $0xE00, s4, $0x10   }
0x31d: {  	_ =	swait.ge [sflag:s3], $0xE00  }
0x31e: {  	[sflag:s3] =	ssyncset.done $0x0  }
0x31f: {  	[sflag:s3] =	ssyncadd.s32 $0xFFFFF200  }
0x320: {  	_ =	swait.ge [sflag:s3], $0xE00  }
0x321: {  	s29 =	sld [smem:$0x7D6];
	_ =	sdelay $0x1  }
0x322: {  	[sflag:s3] =	ssyncset.done $0x0  }
0x323: {  	[sflag:s3] =	ssyncadd.s32 $0xFFFFF200;
	s30 =	sadd.s32 s31, s29;
	s1 =	sadd.s32 s29, s9  }
0x324: {  	[spmem:s8@s6], [sflag:s19] =	dma.strided [hbm:s30@s6], $0xE00, s4, $0x10   }
0x325: {  	[spmem:s7@s6], [sflag:s19] =	dma.strided [hbm:s1@s6], $0xE00, s4, $0x10   }
0x326: {  	_ =	swait.ge [sflag:s12], $0xE00  }
0x327: {  	[sflag:s12] =	ssyncset.done $0x0  }
0x328: {  	[sflag:s12] =	ssyncadd.s32 $0xFFFFF200  }
0x329: {  	_ =	swait.ge [sflag:s12], $0xE00  }
0x32a: {  	s1 =	sld [smem:$0x7EA]  }
0x32b: {  	[sflag:s12] =	ssyncset.done $0x0  }
0x32c: {  	[sflag:s12] =	ssyncadd.s32 $0xFFFFF200  }
0x32d: {  	[hbm:s1@s6], [sflag:s20] =	dma.strided [spmem:s18@s6], $0xE00, s4, $0x10   }
0x32e: {  	s0 =	sld [smem:$0x7EB];
	_ =	sdelay $0x2  }
0x32f: {  	[hbm:s0@s6], [sflag:s20] =	dma.strided [spmem:s11@s6], $0xE00, s4, $0x10   }
0x330: {  	_ =	swait.ge [sflag:s5], $0xE00  }
0x331: {  	[sflag:s5] =	ssyncset.done $0x0  }
0x332: {  	[sflag:s5] =	ssyncadd.s32 $0xFFFFF200  }
0x333: {  	_ =	swait.ge [sflag:s5], $0xE00  }
0x334: {  	s2 =	sld [smem:$0x7D7];
	_ =	sdelay $0x1  }
0x335: {  	[sflag:s5] =	ssyncset.done $0x0  }
0x336: {  	[sflag:s5] =	ssyncadd.s32 $0xFFFFF200;
	s13 =	sadd.s32 s31, s2;
	s1 =	sadd.s32 s2, s9  }
0x337: {  	[spmem:s18@s6], [sflag:s17] =	dma.strided [hbm:s13@s6], $0xE00, s4, $0x10   }
0x338: {  	[spmem:s11@s6], [sflag:s17] =	dma.strided [hbm:s1@s6], $0xE00, s4, $0x10   }
0x339: {  	_ =	swait.ge [sflag:s10], $0xE00  }
0x33a: {  	[sflag:s10] =	ssyncset.done $0x0  }
0x33b: {  	[sflag:s10] =	ssyncadd.s32 $0xFFFFF200  }
0x33c: {  	_ =	swait.ge [sflag:s10], $0xE00  }
0x33d: {  	s14 =	sld [smem:$0x7EC]  }
0x33e: {  	[sflag:s10] =	ssyncset.done $0x0  }
0x33f: {  	[sflag:s10] =	ssyncadd.s32 $0xFFFFF200  }
0x340: {  	[hbm:s14@s6], [sflag:s21] =	dma.strided [spmem:s8@s6], $0xE00, s4, $0x10   }
0x341: {  	s0 =	sld [smem:$0x7ED];
	_ =	sdelay $0x2  }
0x342: {  	[hbm:s0@s6], [sflag:s21] =	dma.strided [spmem:s7@s6], $0xE00, s4, $0x10   }
0x343: {  	_ =	swait.ge [sflag:s3], $0xE00  }
0x344: {  	[sflag:s3] =	ssyncset.done $0x0  }
0x345: {  	[sflag:s3] =	ssyncadd.s32 $0xFFFFF200  }
0x346: {  	_ =	swait.ge [sflag:s3], $0xE00  }
0x347: {  	s15 =	sld [smem:$0x7D8];
	_ =	sdelay $0x1  }
0x348: {  	[sflag:s3] =	ssyncset.done $0x0  }
0x349: {  	[sflag:s3] =	ssyncadd.s32 $0xFFFFF200;
	s16 =	sadd.s32 s31, s15;
	s1 =	sadd.s32 s15, s9  }
0x34a: {  	[spmem:s8@s6], [sflag:s19] =	dma.strided [hbm:s16@s6], $0xE00, s4, $0x10   }
0x34b: {  	[spmem:s7@s6], [sflag:s19] =	dma.strided [hbm:s1@s6], $0xE00, s4, $0x10   }
0x34c: {  	_ =	swait.ge [sflag:s12], $0xE00  }
0x34d: {  	[sflag:s12] =	ssyncset.done $0x0  }
0x34e: {  	[sflag:s12] =	ssyncadd.s32 $0xFFFFF200  }
0x34f: {  	_ =	swait.ge [sflag:s12], $0xE00  }
0x350: {  	s23 =	sld [smem:$0x7EE]  }
0x351: {  	[sflag:s12] =	ssyncset.done $0x0  }
0x352: {  	[sflag:s12] =	ssyncadd.s32 $0xFFFFF200  }
0x353: {  	[hbm:s23@s6], [sflag:s20] =	dma.strided [spmem:s18@s6], $0xE00, s4, $0x10   }
0x354: {  	s0 =	sld [smem:$0x7EF];
	_ =	sdelay $0x2  }
0x355: {  	[hbm:s0@s6], [sflag:s20] =	dma.strided [spmem:s11@s6], $0xE00, s4, $0x10   }
0x356: {  	_ =	swait.ge [sflag:s5], $0xE00  }
0x357: {  	[sflag:s5] =	ssyncset.done $0x0  }
0x358: {  	[sflag:s5] =	ssyncadd.s32 $0xFFFFF200  }
0x359: {  	_ =	swait.ge [sflag:s5], $0xE00  }
0x35a: {  	s24 =	sld [smem:$0x7D9];
	_ =	sdelay $0x1  }
0x35b: {  	[sflag:s5] =	ssyncset.done $0x0  }
0x35c: {  	[sflag:s5] =	ssyncadd.s32 $0xFFFFF200;
	s25 =	sadd.s32 s31, s24;
	s1 =	sadd.s32 s24, s9  }
0x35d: {  	[spmem:s18@s6], [sflag:s17] =	dma.strided [hbm:s25@s6], $0xE00, s4, $0x10   }
0x35e: {  	[spmem:s11@s6], [sflag:s17] =	dma.strided [hbm:s1@s6], $0xE00, s4, $0x10   }
0x35f: {  	_ =	swait.ge [sflag:s10], $0xE00  }
0x360: {  	[sflag:s10] =	ssyncset.done $0x0  }
0x361: {  	[sflag:s10] =	ssyncadd.s32 $0xFFFFF200  }
0x362: {  	_ =	swait.ge [sflag:s10], $0xE00  }
0x363: {  	s26 =	sld [smem:$0x7F0]  }
0x364: {  	[sflag:s10] =	ssyncset.done $0x0  }
0x365: {  	[sflag:s10] =	ssyncadd.s32 $0xFFFFF200  }
0x366: {  	[hbm:s26@s6], [sflag:s21] =	dma.strided [spmem:s8@s6], $0xE00, s4, $0x10   }
0x367: {  	s0 =	sld [smem:$0x7F1];
	_ =	sdelay $0x2  }
0x368: {  	[hbm:s0@s6], [sflag:s21] =	dma.strided [spmem:s7@s6], $0xE00, s4, $0x10   }
0x369: {  	_ =	swait.ge [sflag:s3], $0xE00  }
0x36a: {  	[sflag:s3] =	ssyncset.done $0x0  }
0x36b: {  	[sflag:s3] =	ssyncadd.s32 $0xFFFFF200  }
0x36c: {  	_ =	swait.ge [sflag:s3], $0xE00  }
0x36d: {  	s28 =	sld [smem:$0x7DA];
	_ =	sdelay $0x1  }
0x36e: {  	[sflag:s3] =	ssyncset.done $0x0  }
0x36f: {  	[sflag:s3] =	ssyncadd.s32 $0xFFFFF200;
	s29 =	sadd.s32 s31, s28;
	s1 =	sadd.s32 s28, s9  }
0x370: {  	[spmem:s8@s6], [sflag:s19] =	dma.strided [hbm:s29@s6], $0xE00, s4, $0x10   }
0x371: {  	[spmem:s7@s6], [sflag:s19] =	dma.strided [hbm:s1@s6], $0xE00, s4, $0x10   }
0x372: {  	_ =	swait.ge [sflag:s12], $0xE00  }
0x373: {  	[sflag:s12] =	ssyncset.done $0x0  }
0x374: {  	[sflag:s12] =	ssyncadd.s32 $0xFFFFF200  }
0x375: {  	_ =	swait.ge [sflag:s12], $0xE00  }
0x376: {  	s30 =	sld [smem:$0x7F2]  }
0x377: {  	[sflag:s12] =	ssyncset.done $0x0  }
0x378: {  	[sflag:s12] =	ssyncadd.s32 $0xFFFFF200  }
0x379: {  	[hbm:s30@s6], [sflag:s20] =	dma.strided [spmem:s18@s6], $0xE00, s4, $0x10   }
0x37a: {  	s0 =	sld [smem:$0x7F3];
	_ =	sdelay $0x2  }
0x37b: {  	[hbm:s0@s6], [sflag:s20] =	dma.strided [spmem:s11@s6], $0xE00, s4, $0x10   }
0x37c: {  	_ =	swait.ge [sflag:s5], $0xE00  }
0x37d: {  	[sflag:s5] =	ssyncset.done $0x0  }
0x37e: {  	[sflag:s5] =	ssyncadd.s32 $0xFFFFF200  }
0x37f: {  	_ =	swait.ge [sflag:s5], $0xE00  }
0x380: {  	s0 =	sld [smem:$0x7DB];
	_ =	sdelay $0x1  }
0x381: {  	[sflag:s5] =	ssyncset.done $0x0  }
0x382: {  	[sflag:s5] =	ssyncadd.s32 $0xFFFFF200;
	s2 =	sadd.s32 s31, s0;
	s1 =	sadd.s32 s0, s9  }
0x383: {  	[spmem:s18@s6], [sflag:s17] =	dma.strided [hbm:s2@s6], $0xE00, s4, $0x10   }
0x384: {  	[spmem:s11@s6], [sflag:s17] =	dma.strided [hbm:s1@s6], $0xE00, s4, $0x10   }
0x385: {  	_ =	swait.ge [sflag:s10], $0xE00  }
0x386: {  	[sflag:s10] =	ssyncset.done $0x0  }
0x387: {  	[sflag:s10] =	ssyncadd.s32 $0xFFFFF200  }
0x388: {  	_ =	swait.ge [sflag:s10], $0xE00  }
0x389: {  	s13 =	sld [smem:$0x7F4]  }
0x38a: {  	[sflag:s10] =	ssyncset.done $0x0  }
0x38b: {  	[sflag:s10] =	ssyncadd.s32 $0xFFFFF200  }
0x38c: {  	[hbm:s13@s6], [sflag:s21] =	dma.strided [spmem:s8@s6], $0xE00, s4, $0x10   }
0x38d: {  	s0 =	sld [smem:$0x7F5];
	_ =	sdelay $0x2  }
0x38e: {  	[hbm:s0@s6], [sflag:s21] =	dma.strided [spmem:s7@s6], $0xE00, s4, $0x10   }
0x38f: {  	_ =	swait.ge [sflag:s3], $0xE00  }
0x390: {  	[sflag:s3] =	ssyncset.done $0x0  }
0x391: {  	[sflag:s3] =	ssyncadd.s32 $0xFFFFF200  }
0x392: {  	_ =	swait.ge [sflag:s3], $0xE00  }
0x393: {  	s14 =	sld [smem:$0x7DC];
	_ =	sdelay $0x1  }
0x394: {  	[sflag:s3] =	ssyncset.done $0x0  }
0x395: {  	[sflag:s3] =	ssyncadd.s32 $0xFFFFF200;
	s15 =	sadd.s32 s31, s14;
	s1 =	sadd.s32 s14, s9  }
0x396: {  	[spmem:s8@s6], [sflag:s19] =	dma.strided [hbm:s15@s6], $0xE00, s4, $0x10   }
0x397: {  	[spmem:s7@s6], [sflag:s19] =	dma.strided [hbm:s1@s6], $0xE00, s4, $0x10   }
0x398: {  	_ =	swait.ge [sflag:s12], $0xE00  }
0x399: {  	[sflag:s12] =	ssyncset.done $0x0  }
0x39a: {  	[sflag:s12] =	ssyncadd.s32 $0xFFFFF200  }
0x39b: {  	_ =	swait.ge [sflag:s12], $0xE00  }
0x39c: {  	s16 =	sld [smem:$0x7F6]  }
0x39d: {  	[sflag:s12] =	ssyncset.done $0x0  }
0x39e: {  	[sflag:s12] =	ssyncadd.s32 $0xFFFFF200  }
0x39f: {  	[hbm:s16@s6], [sflag:s20] =	dma.strided [spmem:s18@s6], $0xE00, s4, $0x10   }
0x3a0: {  	s0 =	sld [smem:$0x7F7];
	_ =	sdelay $0x2  }
0x3a1: {  	[hbm:s0@s6], [sflag:s20] =	dma.strided [spmem:s11@s6], $0xE00, s4, $0x10   }
0x3a2: {  	_ =	swait.ge [sflag:s5], $0xE00  }
0x3a3: {  	[sflag:s5] =	ssyncset.done $0x0  }
0x3a4: {  	[sflag:s5] =	ssyncadd.s32 $0xFFFFF200  }
0x3a5: {  	_ =	swait.ge [sflag:s5], $0xE00  }
0x3a6: {  	s23 =	sld [smem:$0x7DD];
	_ =	sdelay $0x1  }
0x3a7: {  	[sflag:s5] =	ssyncset.done $0x0  }
0x3a8: {  	[sflag:s5] =	ssyncadd.s32 $0xFFFFF200;
	s24 =	sadd.s32 s31, s23;
	s1 =	sadd.s32 s23, s9  }
0x3a9: {  	[spmem:s18@s6], [sflag:s17] =	dma.strided [hbm:s24@s6], $0xE00, s4, $0x10   }
0x3aa: {  	[spmem:s11@s6], [sflag:s17] =	dma.strided [hbm:s1@s6], $0xE00, s4, $0x10   }
0x3ab: {  	_ =	swait.ge [sflag:s10], $0xE00  }
0x3ac: {  	[sflag:s10] =	ssyncset.done $0x0  }
0x3ad: {  	[sflag:s10] =	ssyncadd.s32 $0xFFFFF200  }
0x3ae: {  	_ =	swait.ge [sflag:s10], $0xE00  }
0x3af: {  	s25 =	sld [smem:$0x7F8]  }
0x3b0: {  	[sflag:s10] =	ssyncset.done $0x0  }
0x3b1: {  	[sflag:s10] =	ssyncadd.s32 $0xFFFFF200  }
0x3b2: {  	[hbm:s25@s6], [sflag:s21] =	dma.strided [spmem:s8@s6], $0xE00, s4, $0x10   }
0x3b3: {  	s0 =	sld [smem:$0x7F9];
	_ =	sdelay $0x2  }
0x3b4: {  	[hbm:s0@s6], [sflag:s21] =	dma.strided [spmem:s7@s6], $0xE00, s4, $0x10   }
0x3b5: {  	_ =	swait.ge [sflag:s3], $0xE00  }
0x3b6: {  	[sflag:s3] =	ssyncset.done $0x0  }
0x3b7: {  	[sflag:s3] =	ssyncadd.s32 $0xFFFFF200  }
0x3b8: {  	_ =	swait.ge [sflag:s3], $0xE00  }
0x3b9: {  	s26 =	sld [smem:$0x7DE];
	_ =	sdelay $0x1  }
0x3ba: {  	[sflag:s3] =	ssyncset.done $0x0  }
0x3bb: {  	[sflag:s3] =	ssyncadd.s32 $0xFFFFF200;
	s28 =	sadd.s32 s31, s26;
	s1 =	sadd.s32 s26, s9  }
0x3bc: {  	[spmem:s8@s6], [sflag:s19] =	dma.strided [hbm:s28@s6], $0xE00, s4, $0x10   }
0x3bd: {  	[spmem:s7@s6], [sflag:s19] =	dma.strided [hbm:s1@s6], $0xE00, s4, $0x10   }
0x3be: {  	_ =	swait.ge [sflag:s12], $0xE00  }
0x3bf: {  	[sflag:s12] =	ssyncset.done $0x0  }
0x3c0: {  	[sflag:s12] =	ssyncadd.s32 $0xFFFFF200  }
0x3c1: {  	_ =	swait.ge [sflag:s12], $0xE00  }
0x3c2: {  	s29 =	sld [smem:$0x7FA]  }
0x3c3: {  	[sflag:s12] =	ssyncset.done $0x0  }
0x3c4: {  	[sflag:s12] =	ssyncadd.s32 $0xFFFFF200  }
0x3c5: {  	[hbm:s29@s6], [sflag:s20] =	dma.strided [spmem:s18@s6], $0xE00, s4, $0x10   }
0x3c6: {  	s0 =	sld [smem:$0x7FB];
	_ =	sdelay $0x2  }
0x3c7: {  	[hbm:s0@s6], [sflag:s20] =	dma.strided [spmem:s11@s6], $0xE00, s4, $0x10   }
0x3c8: {  	_ =	swait.ge [sflag:s10], $0xE00  }
0x3c9: {  	[sflag:s10] =	ssyncset.done $0x0  }
0x3ca: {  	[sflag:s10] =	ssyncadd.s32 $0xFFFFF200  }
0x3cb: {  	_ =	swait.ge [sflag:s10], $0xE00  }
0x3cc: {  	s30 =	sld [smem:$0x7FC]  }
0x3cd: {  	[sflag:s10] =	ssyncset.done $0x0  }
0x3ce: {  	[sflag:s10] =	ssyncadd.s32 $0xFFFFF200  }
0x3cf: {  	[hbm:s30@s6], [sflag:s21] =	dma.strided [spmem:s8@s6], $0xE00, s4, $0x10   }
0x3d0: {  	s0 =	sld [smem:$0x7FD];
	_ =	sdelay $0x2  }
0x3d1: {  	[hbm:s0@s6], [sflag:s21] =	dma.strided [spmem:s7@s6], $0xE00, s4, $0x10   }
0x3d2: {  	_ =	swait.ge [sflag:s5], $0xE00  }
0x3d3: {  	[sflag:s5] =	ssyncset.done $0x0  }
0x3d4: {  	p1 =	sne.s32 s22, $0x1;
	[sflag:s5] =	ssyncadd.s32 $0xFFFFF200  }
.Ltmp2:
0x3d5: {  	_ =	swait.ge [sflag:s5], $0xE00;
	(pc) =	sbr.rel @p1 .LBB2_3-.Ltmp2, $4  }
0x3d6: {  	[sflag:s5] =	ssyncset.done $0x0  }
0x3d7: {  	[sflag:s5] =	ssyncadd.s32 $0xFFFFF200  }
0x3d8: {  	_ =	swait.ge [sflag:s3], $0xE00  }
0x3d9: {  	s22 =	sadd.s32 $0xFFFFFFFF, s22;
	[sflag:s3] =	ssyncset.done $0x0  }
0x3da: {  	s25 =	sld [smem:$0x7E0]  }
0x3db: {  	s14 =	simm.s32 $0x0;
	s15 =	sld [smem:$0x7DF];
	s1 =	simm.s32 $0x5  }
.LBB2_5:
0x3dc: {  	[sflag:s3] =	ssyncadd.s32 @p0 $0xFFFFF200  }
0x3dd: {  	_ =	swait.ge @p0 [sflag:s3], $0xE00  }
0x3de: {  	[sflag:s3] =	ssyncset.done @p0 $0x0  }
0x3df: {  	s0 =	rddreg [dreg:$0x5];
	[sflag:s3] =	ssyncadd.s32 @p0 $0xFFFFF200  }
0x3e0: {  	[tilespmem:s14], [sflag:$0x5] =	stream.linear.gather [hbm4b:s0+s14], $0x80, $0x38;
	[tilespmem:$0x18880] =	vst v63  }
0x3e1: {  	_ =	swait.ge [sflag:s1], $0x80  }
0x3e2: {  	[sflag:s1] =	ssyncset.done $0x0  }
0x3e3: {  	[sflag:s1] =	ssyncadd.s32 $0xFFFFFF80  }
0x3e4: {  	v0 =	vld [tilespmem:$0x0];
	_ =	sdelay $0x4  }
0x3e5: {  	v0 =	vmul.u32 $0xE000, v0;
	_ =	sdelay $0x1  }
0x3e6: {  	v0 =	vshrl.u32 v0, $0x3  }
0x3e7: {  	(v2sf) =	vpush v0, $0x0  }
0x3e8: {  	(v2sf) =	vpush v0, $0x1;
	_ =	sdelay $0x1  }
0x3e9: {  	(v2sf) =	vpush v0, $0x2;
	_ =	sdelay $0x4  }
0x3ea: {  	(v2sf) =	vpush v0, $0x3  }
0x3eb: {  	(v2sf) =	vpush v0, $0x4  }
0x3ec: {  	(v2sf) =	vpush v0, $0x5  }
0x3ed: {  	(v2sf) =	vpush v0, $0x6  }
0x3ee: {  	(v2sf) =	vpush v0, $0x7  }
0x3ef: {  	(v2sf) =	vpush v0, $0x8  }
0x3f0: {  	s16 =	stileid.u32;
	(v2sf) =	vpush v0, $0x9  }
0x3f1: {  	s13 =	sshll.u32 s16, $0x6;
	s16 =	sshrl.u32 s15, $0x3;
	s17 =	spop (v2sf);
	(v2sf) =	vpush v0, $0xA  }
0x3f2: {  	s14 =	sor.u32 $0x1C01, s13;
	s2 =	sadd.s32 s31, s17;
	s18 =	spop (v2sf);
	(v2sf) =	vpush v0, $0xB  }
0x3f3: {  	v1 =	vld [tilespmem:$0x10];
	[spmem:s16@s6], [sflag:s14] =	dma.strided [hbm:s2@s6], $0xE00, s4, $0x10   }
0x3f4: {  	s1 =	sadd.s32 s17, s9;
	s17 =	spop (v2sf);
	(v2sf) =	vpush v0, $0xC  }
0x3f5: {  	[spmem:s11@s6], [sflag:s14] =	dma.strided [hbm:s1@s6], $0xE00, s4, $0x10   }
0x3f6: {  	s19 =	sadd.s32 s31, s18;
	s1 =	sor.u32 $0x1C02, s13;
	(v2sf) =	vpush v0, $0xD  }
0x3f7: {  	[spmem:s8@s6], [sflag:s1] =	dma.strided [hbm:s19@s6], $0xE00, s4, $0x10   }
0x3f8: {  	s20 =	sadd.s32 s18, s9;
	(v2sf) =	vpush v0, $0xE  }
0x3f9: {  	[spmem:s7@s6], [sflag:s1] =	dma.strided [hbm:s20@s6], $0xE00, s4, $0x10   }
0x3fa: {  	v1 =	vmul.u32 $0xE000, v1;
	(v2sf) =	vpush v0, $0xF  }
0x3fb: {  	_ =	swait.ge [sflag:s12], $0xE00  }
0x3fc: {  	v63 =	vshrl.u32 v1, $0x3;
	s2 =	spop (v2sf)  }
0x3fd: {  	(v2sf) =	vpush v63, $0x0;
	[sflag:s12] =	ssyncset.done $0x0;
	s18 =	spop (v2sf)  }
0x3fe: {  	(v2sf) =	vpush v63, $0x1;
	[sflag:s12] =	ssyncadd.s32 $0xFFFFF200;
	s19 =	spop (v2sf)  }
0x3ff: {  	_ =	swait.ge [sflag:s12], $0xE00  }
0x400: {  	s20 =	spop (v2sf)  }
0x401: {  	[sflag:s12] =	ssyncset.done $0x0;
	(v2sf) =	vpush v63, $0x2;
	s22 =	spop (v2sf)  }
0x402: {  	s15 =	sor.u32 $0x1C03, s13;
	[sflag:s12] =	ssyncadd.s32 $0xFFFFF200;
	(v2sf) =	vpush v63, $0x3;
	s23 =	spop (v2sf)  }
0x403: {  	[hbm:s25@s6], [sflag:s15] =	dma.strided [spmem:s16@s6], $0xE00, s4, $0x10   }
0x404: {  	(v2sf) =	vpush v63, $0x4  }
0x405: {  	s30 =	spop (v2sf);
	(v2sf) =	vpush v63, $0x5  }
0x406: {  	s29 =	spop (v2sf);
	(v2sf) =	vpush v63, $0x6  }
0x407: {  	s21 =	rddreg [dreg:$0x6];
	s28 =	spop (v2sf);
	(v2sf) =	vpush v63, $0x7  }
0x408: {  	[hbm:s21@s6], [sflag:s15] =	dma.strided [spmem:s11@s6], $0xE00, s4, $0x10   }
0x409: {  	_ =	swait.ge [sflag:s5], $0xE00  }
0x40a: {  	s26 =	spop (v2sf)  }
0x40b: {  	[sflag:s5] =	ssyncset.done $0x0;
	s25 =	spop (v2sf)  }
0x40c: {  	[sflag:s5] =	ssyncadd.s32 $0xFFFFF200;
	s24 =	spop (v2sf)  }
0x40d: {  	_ =	swait.ge [sflag:s5], $0xE00  }
0x40e: {  	s21 =	spop (v2sf)  }
0x40f: {  	s0 =	sadd.s32 s31, s17;
	[smem:$0x7CD] =	sst s21;
	s21 =	spop (v2sf)  }
0x410: {  	[sflag:s5] =	ssyncset.done $0x0;
	[smem:$0x7CE] =	sst s21;
	s21 =	spop (v2sf)  }
0x411: {  	s17 =	sadd.s32 s17, s9;
	[sflag:s5] =	ssyncadd.s32 $0xFFFFF200;
	[smem:$0x7CF] =	sst s21  }
0x412: {  	[spmem:s16@s6], [sflag:s14] =	dma.strided [hbm:s0@s6], $0xE00, s4, $0x10   }
0x413: {  	[spmem:s11@s6], [sflag:s14] =	dma.strided [hbm:s17@s6], $0xE00, s4, $0x10   }
0x414: {  	_ =	swait.ge [sflag:s10], $0xE00  }
0x415: {  	s21 =	spop (v2sf)  }
0x416: {  	[smem:$0x7D0] =	sst s21;
	s17 =	spop (v2sf)  }
0x417: {  	[sflag:s10] =	ssyncset.done $0x0;
	[smem:$0x7D1] =	sst s17;
	s21 =	spop (v2sf)  }
0x418: {  	[sflag:s10] =	ssyncadd.s32 $0xFFFFF200;
	[smem:$0x7D2] =	sst s21  }
0x419: {  	_ =	swait.ge [sflag:s10], $0xE00  }
0x41a: {  	s13 =	sor.u32 $0x1C04, s13;
	s17 =	spop (v2sf);
	s0 =	rddreg [dreg:$0x7]  }
0x41b: {  	[sflag:s10] =	ssyncset.done $0x0;
	[smem:$0x7D3] =	sst s17;
	s21 =	spop (v2sf)  }
0x41c: {  	[sflag:s10] =	ssyncadd.s32 $0xFFFFF200;
	[smem:$0x7D4] =	sst s21;
	s17 =	spop (v2sf)  }
0x41d: {  	[hbm:s0@s6], [sflag:s13] =	dma.strided [spmem:s8@s6], $0xE00, s4, $0x10   }
0x41e: {  	s0 =	rddreg [dreg:$0x8]  }
0x41f: {  	[hbm:s0@s6], [sflag:s13] =	dma.strided [spmem:s7@s6], $0xE00, s4, $0x10   }
0x420: {  	_ =	swait.ge [sflag:s3], $0xE00  }
0x421: {  	[sflag:s3] =	ssyncset.done $0x0  }
0x422: {  	[sflag:s3] =	ssyncadd.s32 $0xFFFFF200  }
0x423: {  	_ =	swait.ge [sflag:s3], $0xE00  }
0x424: {  	[sflag:s3] =	ssyncset.done $0x0  }
0x425: {  	s21 =	sadd.s32 s31, s2;
	s2 =	sadd.s32 s2, s9;
	[sflag:s3] =	ssyncadd.s32 $0xFFFFF200  }
0x426: {  	[spmem:s8@s6], [sflag:s1] =	dma.strided [hbm:s21@s6], $0xE00, s4, $0x10   }
0x427: {  	[spmem:s7@s6], [sflag:s1] =	dma.strided [hbm:s2@s6], $0xE00, s4, $0x10   }
0x428: {  	_ =	swait.ge [sflag:s12], $0xE00  }
0x429: {  	[sflag:s12] =	ssyncset.done $0x0  }
0x42a: {  	[sflag:s12] =	ssyncadd.s32 $0xFFFFF200  }
0x42b: {  	_ =	swait.ge [sflag:s12], $0xE00  }
0x42c: {  	[sflag:s12] =	ssyncset.done $0x0  }
0x42d: {  	s21 =	rddreg [dreg:$0x9];
	[sflag:s12] =	ssyncadd.s32 $0xFFFFF200  }
0x42e: {  	[hbm:s21@s6], [sflag:s15] =	dma.strided [spmem:s16@s6], $0xE00, s4, $0x10   }
0x42f: {  	s0 =	rddreg [dreg:$0xa]  }
0x430: {  	[hbm:s0@s6], [sflag:s15] =	dma.strided [spmem:s11@s6], $0xE00, s4, $0x10   }
0x431: {  	_ =	swait.ge [sflag:s5], $0xE00  }
0x432: {  	[sflag:s5] =	ssyncset.done $0x0  }
0x433: {  	[sflag:s5] =	ssyncadd.s32 $0xFFFFF200  }
0x434: {  	_ =	swait.ge [sflag:s5], $0xE00  }
0x435: {  	[sflag:s5] =	ssyncset.done $0x0  }
0x436: {  	s2 =	sadd.s32 s31, s18;
	s21 =	sadd.s32 s18, s9;
	[sflag:s5] =	ssyncadd.s32 $0xFFFFF200  }
0x437: {  	[spmem:s16@s6], [sflag:s14] =	dma.strided [hbm:s2@s6], $0xE00, s4, $0x10   }
0x438: {  	[spmem:s11@s6], [sflag:s14] =	dma.strided [hbm:s21@s6], $0xE00, s4, $0x10   }
0x439: {  	_ =	swait.ge [sflag:s10], $0xE00  }
0x43a: {  	[sflag:s10] =	ssyncset.done $0x0  }
0x43b: {  	[sflag:s10] =	ssyncadd.s32 $0xFFFFF200  }
0x43c: {  	_ =	swait.ge [sflag:s10], $0xE00  }
0x43d: {  	[sflag:s10] =	ssyncset.done $0x0  }
0x43e: {  	s2 =	rddreg [dreg:$0xb];
	[sflag:s10] =	ssyncadd.s32 $0xFFFFF200  }
0x43f: {  	[hbm:s2@s6], [sflag:s13] =	dma.strided [spmem:s8@s6], $0xE00, s4, $0x10   }
0x440: {  	s0 =	rddreg [dreg:$0xc]  }
0x441: {  	[hbm:s0@s6], [sflag:s13] =	dma.strided [spmem:s7@s6], $0xE00, s4, $0x10   }
0x442: {  	_ =	swait.ge [sflag:s3], $0xE00  }
0x443: {  	[sflag:s3] =	ssyncset.done $0x0  }
0x444: {  	[sflag:s3] =	ssyncadd.s32 $0xFFFFF200  }
0x445: {  	_ =	swait.ge [sflag:s3], $0xE00  }
0x446: {  	[sflag:s3] =	ssyncset.done $0x0  }
0x447: {  	s18 =	sadd.s32 s31, s19;
	s21 =	sadd.s32 s19, s9;
	[sflag:s3] =	ssyncadd.s32 $0xFFFFF200  }
0x448: {  	[spmem:s8@s6], [sflag:s1] =	dma.strided [hbm:s18@s6], $0xE00, s4, $0x10   }
0x449: {  	[spmem:s7@s6], [sflag:s1] =	dma.strided [hbm:s21@s6], $0xE00, s4, $0x10   }
0x44a: {  	_ =	swait.ge [sflag:s12], $0xE00  }
0x44b: {  	[sflag:s12] =	ssyncset.done $0x0  }
0x44c: {  	[sflag:s12] =	ssyncadd.s32 $0xFFFFF200  }
0x44d: {  	_ =	swait.ge [sflag:s12], $0xE00  }
0x44e: {  	[sflag:s12] =	ssyncset.done $0x0  }
0x44f: {  	s2 =	rddreg [dreg:$0xd];
	[sflag:s12] =	ssyncadd.s32 $0xFFFFF200  }
0x450: {  	[hbm:s2@s6], [sflag:s15] =	dma.strided [spmem:s16@s6], $0xE00, s4, $0x10   }
0x451: {  	s0 =	rddreg [dreg:$0xe]  }
0x452: {  	[hbm:s0@s6], [sflag:s15] =	dma.strided [spmem:s11@s6], $0xE00, s4, $0x10   }
0x453: {  	_ =	swait.ge [sflag:s5], $0xE00  }
0x454: {  	[sflag:s5] =	ssyncset.done $0x0  }
0x455: {  	[sflag:s5] =	ssyncadd.s32 $0xFFFFF200  }
0x456: {  	_ =	swait.ge [sflag:s5], $0xE00  }
0x457: {  	[sflag:s5] =	ssyncset.done $0x0  }
0x458: {  	s19 =	sadd.s32 s20, s9;
	s18 =	sadd.s32 s31, s20;
	[sflag:s5] =	ssyncadd.s32 $0xFFFFF200  }
0x459: {  	[spmem:s16@s6], [sflag:s14] =	dma.strided [hbm:s18@s6], $0xE00, s4, $0x10   }
0x45a: {  	[spmem:s11@s6], [sflag:s14] =	dma.strided [hbm:s19@s6], $0xE00, s4, $0x10   }
0x45b: {  	_ =	swait.ge [sflag:s10], $0xE00  }
0x45c: {  	[sflag:s10] =	ssyncset.done $0x0  }
0x45d: {  	[sflag:s10] =	ssyncadd.s32 $0xFFFFF200  }
0x45e: {  	_ =	swait.ge [sflag:s10], $0xE00  }
0x45f: {  	[sflag:s10] =	ssyncset.done $0x0  }
0x460: {  	s20 =	rddreg [dreg:$0xf];
	[sflag:s10] =	ssyncadd.s32 $0xFFFFF200  }
0x461: {  	[hbm:s20@s6], [sflag:s13] =	dma.strided [spmem:s8@s6], $0xE00, s4, $0x10   }
0x462: {  	s0 =	rddreg [dreg:$0x10]  }
0x463: {  	[hbm:s0@s6], [sflag:s13] =	dma.strided [spmem:s7@s6], $0xE00, s4, $0x10   }
0x464: {  	_ =	swait.ge [sflag:s3], $0xE00  }
0x465: {  	[sflag:s3] =	ssyncset.done $0x0  }
0x466: {  	[sflag:s3] =	ssyncadd.s32 $0xFFFFF200  }
0x467: {  	_ =	swait.ge [sflag:s3], $0xE00  }
0x468: {  	[sflag:s3] =	ssyncset.done $0x0  }
0x469: {  	s21 =	sadd.s32 s31, s22;
	s22 =	sadd.s32 s22, s9;
	[sflag:s3] =	ssyncadd.s32 $0xFFFFF200  }
0x46a: {  	[spmem:s8@s6], [sflag:s1] =	dma.strided [hbm:s21@s6], $0xE00, s4, $0x10   }
0x46b: {  	[spmem:s7@s6], [sflag:s1] =	dma.strided [hbm:s22@s6], $0xE00, s4, $0x10   }
0x46c: {  	_ =	swait.ge [sflag:s12], $0xE00  }
0x46d: {  	[sflag:s12] =	ssyncset.done $0x0  }
0x46e: {  	[sflag:s12] =	ssyncadd.s32 $0xFFFFF200  }
0x46f: {  	_ =	swait.ge [sflag:s12], $0xE00  }
0x470: {  	[sflag:s12] =	ssyncset.done $0x0  }
0x471: {  	s2 =	rddreg [dreg:$0x11];
	[sflag:s12] =	ssyncadd.s32 $0xFFFFF200  }
0x472: {  	[hbm:s2@s6], [sflag:s15] =	dma.strided [spmem:s16@s6], $0xE00, s4, $0x10   }
0x473: {  	s0 =	rddreg [dreg:$0x12]  }
0x474: {  	[hbm:s0@s6], [sflag:s15] =	dma.strided [spmem:s11@s6], $0xE00, s4, $0x10   }
0x475: {  	_ =	swait.ge [sflag:s5], $0xE00  }
0x476: {  	[sflag:s5] =	ssyncset.done $0x0  }
0x477: {  	[sflag:s5] =	ssyncadd.s32 $0xFFFFF200  }
0x478: {  	_ =	swait.ge [sflag:s5], $0xE00  }
0x479: {  	[sflag:s5] =	ssyncset.done $0x0  }
0x47a: {  	s18 =	sadd.s32 s31, s23;
	s19 =	sadd.s32 s23, s9;
	[sflag:s5] =	ssyncadd.s32 $0xFFFFF200  }
0x47b: {  	[spmem:s16@s6], [sflag:s14] =	dma.strided [hbm:s18@s6], $0xE00, s4, $0x10   }
0x47c: {  	[spmem:s11@s6], [sflag:s14] =	dma.strided [hbm:s19@s6], $0xE00, s4, $0x10   }
0x47d: {  	_ =	swait.ge [sflag:s10], $0xE00  }
0x47e: {  	[sflag:s10] =	ssyncset.done $0x0  }
0x47f: {  	[sflag:s10] =	ssyncadd.s32 $0xFFFFF200  }
0x480: {  	_ =	swait.ge [sflag:s10], $0xE00  }
0x481: {  	[sflag:s10] =	ssyncset.done $0x0  }
0x482: {  	s20 =	rddreg [dreg:$0x13];
	[sflag:s10] =	ssyncadd.s32 $0xFFFFF200  }
0x483: {  	[hbm:s20@s6], [sflag:s13] =	dma.strided [spmem:s8@s6], $0xE00, s4, $0x10   }
0x484: {  	s0 =	rddreg [dreg:$0x14]  }
0x485: {  	[hbm:s0@s6], [sflag:s13] =	dma.strided [spmem:s7@s6], $0xE00, s4, $0x10   }
0x486: {  	_ =	swait.ge [sflag:s3], $0xE00  }
0x487: {  	[sflag:s3] =	ssyncset.done $0x0  }
0x488: {  	[sflag:s3] =	ssyncadd.s32 $0xFFFFF200  }
0x489: {  	_ =	swait.ge [sflag:s3], $0xE00  }
0x48a: {  	[sflag:s3] =	ssyncset.done $0x0  }
0x48b: {  	s21 =	sadd.s32 s31, s30;
	s22 =	sadd.s32 s30, s9;
	[sflag:s3] =	ssyncadd.s32 $0xFFFFF200  }
0x48c: {  	[spmem:s8@s6], [sflag:s1] =	dma.strided [hbm:s21@s6], $0xE00, s4, $0x10   }
0x48d: {  	[spmem:s7@s6], [sflag:s1] =	dma.strided [hbm:s22@s6], $0xE00, s4, $0x10   }
0x48e: {  	_ =	swait.ge [sflag:s12], $0xE00  }
0x48f: {  	[sflag:s12] =	ssyncset.done $0x0  }
0x490: {  	[sflag:s12] =	ssyncadd.s32 $0xFFFFF200  }
0x491: {  	_ =	swait.ge [sflag:s12], $0xE00  }
0x492: {  	[sflag:s12] =	ssyncset.done $0x0  }
0x493: {  	s23 =	rddreg [dreg:$0x15];
	[sflag:s12] =	ssyncadd.s32 $0xFFFFF200  }
0x494: {  	[hbm:s23@s6], [sflag:s15] =	dma.strided [spmem:s16@s6], $0xE00, s4, $0x10   }
0x495: {  	s0 =	rddreg [dreg:$0x16]  }
0x496: {  	[hbm:s0@s6], [sflag:s15] =	dma.strided [spmem:s11@s6], $0xE00, s4, $0x10   }
0x497: {  	_ =	swait.ge [sflag:s5], $0xE00  }
0x498: {  	[sflag:s5] =	ssyncset.done $0x0  }
0x499: {  	[sflag:s5] =	ssyncadd.s32 $0xFFFFF200  }
0x49a: {  	_ =	swait.ge [sflag:s5], $0xE00  }
0x49b: {  	[sflag:s5] =	ssyncset.done $0x0  }
0x49c: {  	s30 =	sadd.s32 s31, s29;
	s2 =	sadd.s32 s29, s9;
	[sflag:s5] =	ssyncadd.s32 $0xFFFFF200  }
0x49d: {  	[spmem:s16@s6], [sflag:s14] =	dma.strided [hbm:s30@s6], $0xE00, s4, $0x10   }
0x49e: {  	[spmem:s11@s6], [sflag:s14] =	dma.strided [hbm:s2@s6], $0xE00, s4, $0x10   }
0x49f: {  	_ =	swait.ge [sflag:s10], $0xE00  }
0x4a0: {  	[sflag:s10] =	ssyncset.done $0x0  }
0x4a1: {  	[sflag:s10] =	ssyncadd.s32 $0xFFFFF200  }
0x4a2: {  	_ =	swait.ge [sflag:s10], $0xE00  }
0x4a3: {  	[sflag:s10] =	ssyncset.done $0x0  }
0x4a4: {  	s18 =	rddreg [dreg:$0x17];
	[sflag:s10] =	ssyncadd.s32 $0xFFFFF200  }
0x4a5: {  	[hbm:s18@s6], [sflag:s13] =	dma.strided [spmem:s8@s6], $0xE00, s4, $0x10   }
0x4a6: {  	s0 =	rddreg [dreg:$0x18]  }
0x4a7: {  	[hbm:s0@s6], [sflag:s13] =	dma.strided [spmem:s7@s6], $0xE00, s4, $0x10   }
0x4a8: {  	_ =	swait.ge [sflag:s3], $0xE00  }
0x4a9: {  	[sflag:s3] =	ssyncset.done $0x0  }
0x4aa: {  	[sflag:s3] =	ssyncadd.s32 $0xFFFFF200  }
0x4ab: {  	_ =	swait.ge [sflag:s3], $0xE00  }
0x4ac: {  	[sflag:s3] =	ssyncset.done $0x0  }
0x4ad: {  	s19 =	sadd.s32 s31, s28;
	s20 =	sadd.s32 s28, s9;
	[sflag:s3] =	ssyncadd.s32 $0xFFFFF200  }
0x4ae: {  	[spmem:s8@s6], [sflag:s1] =	dma.strided [hbm:s19@s6], $0xE00, s4, $0x10   }
0x4af: {  	[spmem:s7@s6], [sflag:s1] =	dma.strided [hbm:s20@s6], $0xE00, s4, $0x10   }
0x4b0: {  	_ =	swait.ge [sflag:s12], $0xE00  }
0x4b1: {  	[sflag:s12] =	ssyncset.done $0x0  }
0x4b2: {  	[sflag:s12] =	ssyncadd.s32 $0xFFFFF200  }
0x4b3: {  	_ =	swait.ge [sflag:s12], $0xE00  }
0x4b4: {  	[sflag:s12] =	ssyncset.done $0x0  }
0x4b5: {  	s21 =	rddreg [dreg:$0x19];
	[sflag:s12] =	ssyncadd.s32 $0xFFFFF200  }
0x4b6: {  	[hbm:s21@s6], [sflag:s15] =	dma.strided [spmem:s16@s6], $0xE00, s4, $0x10   }
0x4b7: {  	s0 =	rddreg [dreg:$0x1a]  }
0x4b8: {  	[hbm:s0@s6], [sflag:s15] =	dma.strided [spmem:s11@s6], $0xE00, s4, $0x10   }
0x4b9: {  	_ =	swait.ge [sflag:s5], $0xE00  }
0x4ba: {  	[sflag:s5] =	ssyncset.done $0x0  }
0x4bb: {  	[sflag:s5] =	ssyncadd.s32 $0xFFFFF200  }
0x4bc: {  	_ =	swait.ge [sflag:s5], $0xE00  }
0x4bd: {  	[sflag:s5] =	ssyncset.done $0x0  }
0x4be: {  	s22 =	sadd.s32 s31, s26;
	s23 =	sadd.s32 s26, s9;
	[sflag:s5] =	ssyncadd.s32 $0xFFFFF200  }
0x4bf: {  	[spmem:s16@s6], [sflag:s14] =	dma.strided [hbm:s22@s6], $0xE00, s4, $0x10   }
0x4c0: {  	[spmem:s11@s6], [sflag:s14] =	dma.strided [hbm:s23@s6], $0xE00, s4, $0x10   }
0x4c1: {  	_ =	swait.ge [sflag:s10], $0xE00  }
0x4c2: {  	[sflag:s10] =	ssyncset.done $0x0  }
0x4c3: {  	[sflag:s10] =	ssyncadd.s32 $0xFFFFF200  }
0x4c4: {  	_ =	swait.ge [sflag:s10], $0xE00  }
0x4c5: {  	[sflag:s10] =	ssyncset.done $0x0  }
0x4c6: {  	s26 =	rddreg [dreg:$0x1b];
	[sflag:s10] =	ssyncadd.s32 $0xFFFFF200  }
0x4c7: {  	[hbm:s26@s6], [sflag:s13] =	dma.strided [spmem:s8@s6], $0xE00, s4, $0x10   }
0x4c8: {  	s0 =	rddreg [dreg:$0x1c]  }
0x4c9: {  	[hbm:s0@s6], [sflag:s13] =	dma.strided [spmem:s7@s6], $0xE00, s4, $0x10   }
0x4ca: {  	_ =	swait.ge [sflag:s3], $0xE00  }
0x4cb: {  	[sflag:s3] =	ssyncset.done $0x0  }
0x4cc: {  	[sflag:s3] =	ssyncadd.s32 $0xFFFFF200  }
0x4cd: {  	_ =	swait.ge [sflag:s3], $0xE00  }
0x4ce: {  	[sflag:s3] =	ssyncset.done $0x0  }
0x4cf: {  	s29 =	sadd.s32 s25, s9;
	s28 =	sadd.s32 s31, s25;
	[sflag:s3] =	ssyncadd.s32 $0xFFFFF200  }
0x4d0: {  	[spmem:s8@s6], [sflag:s1] =	dma.strided [hbm:s28@s6], $0xE00, s4, $0x10   }
0x4d1: {  	[spmem:s7@s6], [sflag:s1] =	dma.strided [hbm:s29@s6], $0xE00, s4, $0x10   }
0x4d2: {  	_ =	swait.ge [sflag:s12], $0xE00  }
0x4d3: {  	[sflag:s12] =	ssyncset.done $0x0  }
0x4d4: {  	[sflag:s12] =	ssyncadd.s32 $0xFFFFF200  }
0x4d5: {  	_ =	swait.ge [sflag:s12], $0xE00  }
0x4d6: {  	[sflag:s12] =	ssyncset.done $0x0  }
0x4d7: {  	s30 =	rddreg [dreg:$0x1d];
	[sflag:s12] =	ssyncadd.s32 $0xFFFFF200  }
0x4d8: {  	[hbm:s30@s6], [sflag:s15] =	dma.strided [spmem:s16@s6], $0xE00, s4, $0x10   }
0x4d9: {  	s0 =	rddreg [dreg:$0x1e]  }
0x4da: {  	[hbm:s0@s6], [sflag:s15] =	dma.strided [spmem:s11@s6], $0xE00, s4, $0x10   }
0x4db: {  	_ =	swait.ge [sflag:s5], $0xE00  }
0x4dc: {  	[sflag:s5] =	ssyncset.done $0x0  }
0x4dd: {  	[sflag:s5] =	ssyncadd.s32 $0xFFFFF200  }
0x4de: {  	_ =	swait.ge [sflag:s5], $0xE00  }
0x4df: {  	[sflag:s5] =	ssyncset.done $0x0  }
0x4e0: {  	s2 =	sadd.s32 s31, s24;
	s18 =	sadd.s32 s24, s9;
	[sflag:s5] =	ssyncadd.s32 $0xFFFFF200  }
0x4e1: {  	[spmem:s16@s6], [sflag:s14] =	dma.strided [hbm:s2@s6], $0xE00, s4, $0x10   }
0x4e2: {  	[spmem:s11@s6], [sflag:s14] =	dma.strided [hbm:s18@s6], $0xE00, s4, $0x10   }
0x4e3: {  	_ =	swait.ge [sflag:s10], $0xE00  }
0x4e4: {  	[sflag:s10] =	ssyncset.done $0x0  }
0x4e5: {  	[sflag:s10] =	ssyncadd.s32 $0xFFFFF200  }
0x4e6: {  	_ =	swait.ge [sflag:s10], $0xE00  }
0x4e7: {  	[sflag:s10] =	ssyncset.done $0x0  }
0x4e8: {  	s19 =	rddreg [dreg:$0x1f];
	[sflag:s10] =	ssyncadd.s32 $0xFFFFF200  }
0x4e9: {  	[hbm:s19@s6], [sflag:s13] =	dma.strided [spmem:s8@s6], $0xE00, s4, $0x10   }
0x4ea: {  	s0 =	sld [smem:$0x7E9];
	_ =	sdelay $0x2  }
0x4eb: {  	[hbm:s0@s6], [sflag:s13] =	dma.strided [spmem:s7@s6], $0xE00, s4, $0x10   }
0x4ec: {  	_ =	swait.ge [sflag:s3], $0xE00  }
0x4ed: {  	[sflag:s3] =	ssyncset.done $0x0  }
0x4ee: {  	[sflag:s3] =	ssyncadd.s32 $0xFFFFF200  }
0x4ef: {  	_ =	swait.ge [sflag:s3], $0xE00  }
0x4f0: {  	s20 =	sld [smem:$0x7CD];
	_ =	sdelay $0x1  }
0x4f1: {  	[sflag:s3] =	ssyncset.done $0x0  }
0x4f2: {  	[sflag:s3] =	ssyncadd.s32 $0xFFFFF200;
	s21 =	sadd.s32 s31, s20;
	s22 =	sadd.s32 s20, s9  }
0x4f3: {  	[spmem:s8@s6], [sflag:s1] =	dma.strided [hbm:s21@s6], $0xE00, s4, $0x10   }
0x4f4: {  	[spmem:s7@s6], [sflag:s1] =	dma.strided [hbm:s22@s6], $0xE00, s4, $0x10   }
0x4f5: {  	_ =	swait.ge [sflag:s12], $0xE00  }
0x4f6: {  	[sflag:s12] =	ssyncset.done $0x0  }
0x4f7: {  	[sflag:s12] =	ssyncadd.s32 $0xFFFFF200  }
0x4f8: {  	_ =	swait.ge [sflag:s12], $0xE00  }
0x4f9: {  	s23 =	sld [smem:$0x7EA]  }
0x4fa: {  	[sflag:s12] =	ssyncset.done $0x0  }
0x4fb: {  	[sflag:s12] =	ssyncadd.s32 $0xFFFFF200  }
0x4fc: {  	[hbm:s23@s6], [sflag:s15] =	dma.strided [spmem:s16@s6], $0xE00, s4, $0x10   }
0x4fd: {  	s0 =	sld [smem:$0x7EB];
	_ =	sdelay $0x2  }
0x4fe: {  	[hbm:s0@s6], [sflag:s15] =	dma.strided [spmem:s11@s6], $0xE00, s4, $0x10   }
0x4ff: {  	_ =	swait.ge [sflag:s5], $0xE00  }
0x500: {  	[sflag:s5] =	ssyncset.done $0x0  }
0x501: {  	[sflag:s5] =	ssyncadd.s32 $0xFFFFF200  }
0x502: {  	_ =	swait.ge [sflag:s5], $0xE00  }
0x503: {  	s24 =	sld [smem:$0x7CE];
	_ =	sdelay $0x1  }
0x504: {  	[sflag:s5] =	ssyncset.done $0x0  }
0x505: {  	[sflag:s5] =	ssyncadd.s32 $0xFFFFF200;
	s25 =	sadd.s32 s31, s24;
	s26 =	sadd.s32 s24, s9  }
0x506: {  	[spmem:s16@s6], [sflag:s14] =	dma.strided [hbm:s25@s6], $0xE00, s4, $0x10   }
0x507: {  	[spmem:s11@s6], [sflag:s14] =	dma.strided [hbm:s26@s6], $0xE00, s4, $0x10   }
0x508: {  	_ =	swait.ge [sflag:s10], $0xE00  }
0x509: {  	[sflag:s10] =	ssyncset.done $0x0  }
0x50a: {  	[sflag:s10] =	ssyncadd.s32 $0xFFFFF200  }
0x50b: {  	_ =	swait.ge [sflag:s10], $0xE00  }
0x50c: {  	s28 =	sld [smem:$0x7EC]  }
0x50d: {  	[sflag:s10] =	ssyncset.done $0x0  }
0x50e: {  	[sflag:s10] =	ssyncadd.s32 $0xFFFFF200  }
0x50f: {  	[hbm:s28@s6], [sflag:s13] =	dma.strided [spmem:s8@s6], $0xE00, s4, $0x10   }
0x510: {  	s0 =	sld [smem:$0x7ED];
	_ =	sdelay $0x2  }
0x511: {  	[hbm:s0@s6], [sflag:s13] =	dma.strided [spmem:s7@s6], $0xE00, s4, $0x10   }
0x512: {  	_ =	swait.ge [sflag:s3], $0xE00  }
0x513: {  	[sflag:s3] =	ssyncset.done $0x0  }
0x514: {  	[sflag:s3] =	ssyncadd.s32 $0xFFFFF200  }
0x515: {  	_ =	swait.ge [sflag:s3], $0xE00  }
0x516: {  	s29 =	sld [smem:$0x7CF];
	_ =	sdelay $0x1  }
0x517: {  	[sflag:s3] =	ssyncset.done $0x0  }
0x518: {  	[sflag:s3] =	ssyncadd.s32 $0xFFFFF200;
	s30 =	sadd.s32 s31, s29;
	s2 =	sadd.s32 s29, s9  }
0x519: {  	[spmem:s8@s6], [sflag:s1] =	dma.strided [hbm:s30@s6], $0xE00, s4, $0x10   }
0x51a: {  	[spmem:s7@s6], [sflag:s1] =	dma.strided [hbm:s2@s6], $0xE00, s4, $0x10   }
0x51b: {  	_ =	swait.ge [sflag:s12], $0xE00  }
0x51c: {  	[sflag:s12] =	ssyncset.done $0x0  }
0x51d: {  	[sflag:s12] =	ssyncadd.s32 $0xFFFFF200  }
0x51e: {  	_ =	swait.ge [sflag:s12], $0xE00  }
0x51f: {  	s18 =	sld [smem:$0x7EE]  }
0x520: {  	[sflag:s12] =	ssyncset.done $0x0  }
0x521: {  	[sflag:s12] =	ssyncadd.s32 $0xFFFFF200  }
0x522: {  	[hbm:s18@s6], [sflag:s15] =	dma.strided [spmem:s16@s6], $0xE00, s4, $0x10   }
0x523: {  	s0 =	sld [smem:$0x7EF];
	_ =	sdelay $0x2  }
0x524: {  	[hbm:s0@s6], [sflag:s15] =	dma.strided [spmem:s11@s6], $0xE00, s4, $0x10   }
0x525: {  	_ =	swait.ge [sflag:s5], $0xE00  }
0x526: {  	[sflag:s5] =	ssyncset.done $0x0  }
0x527: {  	[sflag:s5] =	ssyncadd.s32 $0xFFFFF200  }
0x528: {  	_ =	swait.ge [sflag:s5], $0xE00  }
0x529: {  	s19 =	sld [smem:$0x7D0];
	_ =	sdelay $0x1  }
0x52a: {  	[sflag:s5] =	ssyncset.done $0x0  }
0x52b: {  	[sflag:s5] =	ssyncadd.s32 $0xFFFFF200;
	s20 =	sadd.s32 s31, s19;
	s21 =	sadd.s32 s19, s9  }
0x52c: {  	[spmem:s16@s6], [sflag:s14] =	dma.strided [hbm:s20@s6], $0xE00, s4, $0x10   }
0x52d: {  	[spmem:s11@s6], [sflag:s14] =	dma.strided [hbm:s21@s6], $0xE00, s4, $0x10   }
0x52e: {  	_ =	swait.ge [sflag:s10], $0xE00  }
0x52f: {  	[sflag:s10] =	ssyncset.done $0x0  }
0x530: {  	[sflag:s10] =	ssyncadd.s32 $0xFFFFF200  }
0x531: {  	_ =	swait.ge [sflag:s10], $0xE00  }
0x532: {  	s22 =	sld [smem:$0x7F0]  }
0x533: {  	[sflag:s10] =	ssyncset.done $0x0  }
0x534: {  	[sflag:s10] =	ssyncadd.s32 $0xFFFFF200  }
0x535: {  	[hbm:s22@s6], [sflag:s13] =	dma.strided [spmem:s8@s6], $0xE00, s4, $0x10   }
0x536: {  	s0 =	sld [smem:$0x7F1];
	_ =	sdelay $0x2  }
0x537: {  	[hbm:s0@s6], [sflag:s13] =	dma.strided [spmem:s7@s6], $0xE00, s4, $0x10   }
0x538: {  	_ =	swait.ge [sflag:s3], $0xE00  }
0x539: {  	[sflag:s3] =	ssyncset.done $0x0  }
0x53a: {  	[sflag:s3] =	ssyncadd.s32 $0xFFFFF200  }
0x53b: {  	_ =	swait.ge [sflag:s3], $0xE00  }
0x53c: {  	s23 =	sld [smem:$0x7D1];
	_ =	sdelay $0x1  }
0x53d: {  	[sflag:s3] =	ssyncset.done $0x0  }
0x53e: {  	[sflag:s3] =	ssyncadd.s32 $0xFFFFF200;
	s24 =	sadd.s32 s31, s23;
	s25 =	sadd.s32 s23, s9  }
0x53f: {  	[spmem:s8@s6], [sflag:s1] =	dma.strided [hbm:s24@s6], $0xE00, s4, $0x10   }
0x540: {  	[spmem:s7@s6], [sflag:s1] =	dma.strided [hbm:s25@s6], $0xE00, s4, $0x10   }
0x541: {  	_ =	swait.ge [sflag:s12], $0xE00  }
0x542: {  	[sflag:s12] =	ssyncset.done $0x0  }
0x543: {  	[sflag:s12] =	ssyncadd.s32 $0xFFFFF200  }
0x544: {  	_ =	swait.ge [sflag:s12], $0xE00  }
0x545: {  	s26 =	sld [smem:$0x7F2]  }
0x546: {  	[sflag:s12] =	ssyncset.done $0x0  }
0x547: {  	[sflag:s12] =	ssyncadd.s32 $0xFFFFF200  }
0x548: {  	[hbm:s26@s6], [sflag:s15] =	dma.strided [spmem:s16@s6], $0xE00, s4, $0x10   }
0x549: {  	s0 =	sld [smem:$0x7F3];
	_ =	sdelay $0x2  }
0x54a: {  	[hbm:s0@s6], [sflag:s15] =	dma.strided [spmem:s11@s6], $0xE00, s4, $0x10   }
0x54b: {  	_ =	swait.ge [sflag:s5], $0xE00  }
0x54c: {  	[sflag:s5] =	ssyncset.done $0x0  }
0x54d: {  	[sflag:s5] =	ssyncadd.s32 $0xFFFFF200  }
0x54e: {  	_ =	swait.ge [sflag:s5], $0xE00  }
0x54f: {  	s28 =	sld [smem:$0x7D2];
	_ =	sdelay $0x1  }
0x550: {  	[sflag:s5] =	ssyncset.done $0x0  }
0x551: {  	[sflag:s5] =	ssyncadd.s32 $0xFFFFF200;
	s29 =	sadd.s32 s31, s28;
	s30 =	sadd.s32 s28, s9  }
0x552: {  	[spmem:s16@s6], [sflag:s14] =	dma.strided [hbm:s29@s6], $0xE00, s4, $0x10   }
0x553: {  	[spmem:s11@s6], [sflag:s14] =	dma.strided [hbm:s30@s6], $0xE00, s4, $0x10   }
0x554: {  	_ =	swait.ge [sflag:s10], $0xE00  }
0x555: {  	[sflag:s10] =	ssyncset.done $0x0  }
0x556: {  	[sflag:s10] =	ssyncadd.s32 $0xFFFFF200  }
0x557: {  	_ =	swait.ge [sflag:s10], $0xE00  }
0x558: {  	s2 =	sld [smem:$0x7F4]  }
0x559: {  	[sflag:s10] =	ssyncset.done $0x0  }
0x55a: {  	[sflag:s10] =	ssyncadd.s32 $0xFFFFF200  }
0x55b: {  	[hbm:s2@s6], [sflag:s13] =	dma.strided [spmem:s8@s6], $0xE00, s4, $0x10   }
0x55c: {  	s0 =	sld [smem:$0x7F5];
	_ =	sdelay $0x2  }
0x55d: {  	[hbm:s0@s6], [sflag:s13] =	dma.strided [spmem:s7@s6], $0xE00, s4, $0x10   }
0x55e: {  	_ =	swait.ge [sflag:s3], $0xE00  }
0x55f: {  	[sflag:s3] =	ssyncset.done $0x0  }
0x560: {  	[sflag:s3] =	ssyncadd.s32 $0xFFFFF200  }
0x561: {  	_ =	swait.ge [sflag:s3], $0xE00  }
0x562: {  	s18 =	sld [smem:$0x7D3];
	_ =	sdelay $0x1  }
0x563: {  	[sflag:s3] =	ssyncset.done $0x0  }
0x564: {  	[sflag:s3] =	ssyncadd.s32 $0xFFFFF200;
	s19 =	sadd.s32 s31, s18;
	s20 =	sadd.s32 s18, s9  }
0x565: {  	[spmem:s8@s6], [sflag:s1] =	dma.strided [hbm:s19@s6], $0xE00, s4, $0x10   }
0x566: {  	[spmem:s7@s6], [sflag:s1] =	dma.strided [hbm:s20@s6], $0xE00, s4, $0x10   }
0x567: {  	_ =	swait.ge [sflag:s12], $0xE00  }
0x568: {  	[sflag:s12] =	ssyncset.done $0x0  }
0x569: {  	[sflag:s12] =	ssyncadd.s32 $0xFFFFF200  }
0x56a: {  	_ =	swait.ge [sflag:s12], $0xE00  }
0x56b: {  	s21 =	sld [smem:$0x7F6]  }
0x56c: {  	[sflag:s12] =	ssyncset.done $0x0  }
0x56d: {  	[sflag:s12] =	ssyncadd.s32 $0xFFFFF200  }
0x56e: {  	[hbm:s21@s6], [sflag:s15] =	dma.strided [spmem:s16@s6], $0xE00, s4, $0x10   }
0x56f: {  	s0 =	sld [smem:$0x7F7];
	_ =	sdelay $0x2  }
0x570: {  	[hbm:s0@s6], [sflag:s15] =	dma.strided [spmem:s11@s6], $0xE00, s4, $0x10   }
0x571: {  	_ =	swait.ge [sflag:s5], $0xE00  }
0x572: {  	[sflag:s5] =	ssyncset.done $0x0  }
0x573: {  	[sflag:s5] =	ssyncadd.s32 $0xFFFFF200  }
0x574: {  	_ =	swait.ge [sflag:s5], $0xE00  }
0x575: {  	s22 =	sld [smem:$0x7D4];
	_ =	sdelay $0x1  }
0x576: {  	[sflag:s5] =	ssyncset.done $0x0  }
0x577: {  	[sflag:s5] =	ssyncadd.s32 $0xFFFFF200;
	s23 =	sadd.s32 s31, s22;
	s24 =	sadd.s32 s22, s9  }
0x578: {  	[spmem:s16@s6], [sflag:s14] =	dma.strided [hbm:s23@s6], $0xE00, s4, $0x10   }
0x579: {  	[spmem:s11@s6], [sflag:s14] =	dma.strided [hbm:s24@s6], $0xE00, s4, $0x10   }
0x57a: {  	_ =	swait.ge [sflag:s10], $0xE00  }
0x57b: {  	[sflag:s10] =	ssyncset.done $0x0  }
0x57c: {  	[sflag:s10] =	ssyncadd.s32 $0xFFFFF200  }
0x57d: {  	_ =	swait.ge [sflag:s10], $0xE00  }
0x57e: {  	s25 =	sld [smem:$0x7F8]  }
0x57f: {  	[sflag:s10] =	ssyncset.done $0x0  }
0x580: {  	[sflag:s10] =	ssyncadd.s32 $0xFFFFF200  }
0x581: {  	[hbm:s25@s6], [sflag:s13] =	dma.strided [spmem:s8@s6], $0xE00, s4, $0x10   }
0x582: {  	s0 =	sld [smem:$0x7F9];
	_ =	sdelay $0x2  }
0x583: {  	[hbm:s0@s6], [sflag:s13] =	dma.strided [spmem:s7@s6], $0xE00, s4, $0x10   }
0x584: {  	_ =	swait.ge [sflag:s3], $0xE00  }
0x585: {  	[sflag:s3] =	ssyncset.done $0x0  }
0x586: {  	[sflag:s3] =	ssyncadd.s32 $0xFFFFF200  }
0x587: {  	_ =	swait.ge [sflag:s3], $0xE00  }
0x588: {  	[sflag:s3] =	ssyncset.done $0x0  }
0x589: {  	s26 =	sadd.s32 s31, s17;
	s28 =	sadd.s32 s17, s9;
	[sflag:s3] =	ssyncadd.s32 $0xFFFFF200  }
0x58a: {  	[spmem:s8@s6], [sflag:s1] =	dma.strided [hbm:s26@s6], $0xE00, s4, $0x10   }
0x58b: {  	[spmem:s7@s6], [sflag:s1] =	dma.strided [hbm:s28@s6], $0xE00, s4, $0x10   }
0x58c: {  	_ =	swait.ge [sflag:s12], $0xE00  }
0x58d: {  	[sflag:s12] =	ssyncset.done $0x0  }
0x58e: {  	[sflag:s12] =	ssyncadd.s32 $0xFFFFF200  }
0x58f: {  	_ =	swait.ge [sflag:s12], $0xE00  }
0x590: {  	s29 =	sld [smem:$0x7FA]  }
0x591: {  	[sflag:s12] =	ssyncset.done $0x0  }
0x592: {  	[sflag:s12] =	ssyncadd.s32 $0xFFFFF200  }
0x593: {  	[hbm:s29@s6], [sflag:s15] =	dma.strided [spmem:s16@s6], $0xE00, s4, $0x10   }
0x594: {  	s0 =	sld [smem:$0x7FB];
	_ =	sdelay $0x2  }
0x595: {  	[hbm:s0@s6], [sflag:s15] =	dma.strided [spmem:s11@s6], $0xE00, s4, $0x10   }
0x596: {  	_ =	swait.ge [sflag:s10], $0xE00  }
0x597: {  	[sflag:s10] =	ssyncset.done $0x0  }
0x598: {  	[sflag:s10] =	ssyncadd.s32 $0xFFFFF200  }
0x599: {  	_ =	swait.ge [sflag:s10], $0xE00  }
0x59a: {  	s30 =	sld [smem:$0x7FC]  }
0x59b: {  	[sflag:s10] =	ssyncset.done $0x0  }
0x59c: {  	[sflag:s10] =	ssyncadd.s32 $0xFFFFF200  }
0x59d: {  	[hbm:s30@s6], [sflag:s13] =	dma.strided [spmem:s8@s6], $0xE00, s4, $0x10   }
0x59e: {  	s0 =	sld [smem:$0x7FD];
	_ =	sdelay $0x2  }
0x59f: {  	[hbm:s0@s6], [sflag:s13] =	dma.strided [spmem:s7@s6], $0xE00, s4, $0x10   }
0x5a0: {  	_ =	swait.ge [sflag:s5], $0xE00  }
0x5a1: {  	[sflag:s5] =	ssyncset.done $0x0  }
0x5a2: {  	[sflag:s5] =	ssyncadd.s32 $0xFFFFF200  }
0x5a3: {  	_ =	swait.ge [sflag:s5], $0xE00  }
0x5a4: {  	[sflag:s5] =	ssyncset.done $0x0  }
0x5a5: {  	[sflag:s5] =	ssyncadd.s32 $0xFFFFF200  }
0x5a6: {  	_ =	swait.ge [sflag:s3], $0xE00  }
0x5a7: {  	[sflag:s3] =	ssyncset.done $0x0  }
0x5a8: {  	[sflag:s3] =	ssyncadd.s32 $0xFFFFF200  }
0x5a9: {  	_ =	swait.ge [sflag:s3], $0xE00  }
0x5aa: {  	[sflag:s3] =	ssyncset.done $0x0  }
0x5ab: {  	[sflag:s3] =	ssyncadd.s32 $0xFFFFF200  }
0x5ac: {  	_ =	sfence.sel $0x180000  }
0x5ad: {  	[bflag:$0x0] =	sbarrier.arrive $0xFFFF  }
0x5ae: {  	_ =	strace $0x90000047  }
0x5af: {  	s31 =	stileid.u32;
	[bflag:$0x2] =	sbarrier.arrive $0xFFFF  }
0x5b0: {  	p0 =	sne.s32 s31, $0x0;
	s0 =	rddreg [dreg:$0x4]  }
0x5b1: {  	s0 =	sadd.s32 @!p0 $0x100000, s0  }
0x5b2: {  	[sflag:s0] =	ssyncadd.tile.s32 @!p0 $0x1;
	_ =	shalt  }
.LBB2_2:
.Ltmp3:
0x5b3: {  	(pc) =	sbr.rel .LBB2_5-.Ltmp3, $3  }
0x5b4: {  	_ =	sdelay $0x1  }
0x5b5: {  	s25 =	sld [smem:$0x7E0]  }
0x5b6: {  	s14 =	simm.s32 $0x0;
	s15 =	sld [smem:$0x7DF];
	s1 =	simm.s32 $0x5  }
.Lfunc_end2:
_tile_overlayer_lowered:
.L_overlay_start_2:
0x5b7: {  	(tag) =	ssettag $0x2  }
0x5b8: {  	s0 =	rddreg [dreg:$0x0];
	s2 =	stileid.u32  }
0x5b9: {  	s1 =	rddreg [dreg:$0x1];
	p0 =	sne.s32 s2, $0x0  }
0x5ba: {  	s3 =	rddreg [dreg:$0x2];
	[bflag:$0x3] =	sbarrier.arrive $0xFFFF;
	s2 =	simm.s32 @!p0 $0x1C05  }
0x5bb: {  	[timem:s3], [sflag:s2] =	dma.local @!p0 [hbm:s0], s1  }
0x5bc: {  	s0 =	simm.s32 @!p0 $0x5  }
0x5bd: {  	_ =	swait.ge @!p0 [sflag:s0], s1  }
0x5be: {  	s1 =	ssub.s32 @!p0 $0x0, s1;
	[sflag:s0] =	ssyncset.done @!p0 $0x0  }
0x5bf: {  	[sflag:s0] =	ssyncadd.s32 @!p0 s1  }
0x5c0: {  	[bflag:$0x3] =	sbarrier.arrive $0xFFFF  }
0x5c1: {  	_ =	shalt  }

</sc_bundles>
